<compile_context>
chip_gen: v7x
topology: tpu7x:2x2x1
jax: 0.10.2.dev20260603
libtpu: 0.0.44.dev20260713+nightly
codegen_flags: <defaults>
</compile_context>

<pallas_src>
import dataclasses
import functools

import jax
import jax.numpy as jnp
from jax import lax
from jax.experimental import pallas as pl
from jax.experimental.pallas import tpu as pltpu
from jax.experimental.pallas import tpu_sc as plsc

N_NODES = 10000
N_EDGES = 160000
IN_FEAT = 256
OUT_FEAT = 256
NUM_RELS = 8

NC = 2
NS = 16
LANES = 16
NWK = NC * NS

BR = 320
ACC_R = BR + 1
CAP = 8192
CHUNK = 128
ABLK = 4000
F_V = OUT_FEAT // LANES


def _sc_compiler_params():
    cp = pltpu.CompilerParams()
    if "needs_layout_passes" in pltpu.CompilerParams.__dataclass_fields__:
        cp = dataclasses.replace(cp, needs_layout_passes=False)
    return cp



def _xw_body(x_ref, w_ref, o_ref):
    xb = jnp.dot(x_ref[...].astype(jnp.bfloat16),
                 w_ref[0].astype(jnp.bfloat16),
                 preferred_element_type=jnp.float32).astype(jnp.bfloat16)
    lo = lax.bitcast_convert_type(xb[:, :128], jnp.uint16).astype(jnp.int32)
    hi = lax.bitcast_convert_type(xb[:, 128:], jnp.uint16).astype(jnp.int32)
    o_ref[0] = (hi << 16) | lo


def _compute_xw(x, weight):
    BN = 400
    return pl.pallas_call(
        _xw_body,
        grid=(N_NODES // BN, NUM_RELS),
        in_specs=[
            pl.BlockSpec((BN, IN_FEAT), lambda n, r: (n, 0)),
            pl.BlockSpec((1, IN_FEAT, OUT_FEAT), lambda n, r: (r, 0, 0)),
        ],
        out_specs=pl.BlockSpec((1, BN, 128), lambda n, r: (r, n, 0)),
        out_shape=jax.ShapeDtypeStruct((NUM_RELS, N_NODES, 128), jnp.int32),
    )(x, weight)



def _sc_partition(src, etypes, dst, norm1d):
    mesh = plsc.VectorSubcoreMesh(core_axis_name="c", subcore_axis_name="s")

    @functools.partial(
        pl.kernel,
        out_type=(
            jax.ShapeDtypeStruct((NWK * CAP,), jnp.int32),
            jax.ShapeDtypeStruct((NWK * CAP,), jnp.int32),
            jax.ShapeDtypeStruct((NWK * CAP,), jnp.int32),
            jax.ShapeDtypeStruct((NWK * LANES,), jnp.int32),
        ),
        mesh=mesh,
        scratch_types=[
            pltpu.VMEM((ABLK,), jnp.int32),
            pltpu.VMEM((ABLK,), jnp.int32),
            pltpu.VMEM((ABLK,), jnp.int32),
            pltpu.VMEM((ABLK,), jnp.float32),
            pltpu.VMEM((ABLK,), jnp.int32),
            pltpu.VMEM((ABLK,), jnp.int32),
            pltpu.VMEM((ABLK,), jnp.int32),
            pltpu.VMEM((ABLK,), jnp.float32),
            pltpu.VMEM((CAP,), jnp.int32),
            pltpu.VMEM((CAP,), jnp.int32),
            pltpu.VMEM((CAP,), jnp.int32),
            pltpu.VMEM((LANES,), jnp.int32),
            pltpu.SemaphoreType.DMA,
            pltpu.SemaphoreType.DMA,
        ],
        compiler_params=_sc_compiler_params(),
    )
    def a_kernel(src_hbm, et_hbm, dst_hbm, norm_hbm,
                 ridx_out, norm_out, ldst_out, cnt_out,
                 src_a, et_a, dst_a, nrm_a, src_b, et_b, dst_b, nrm_b,
                 ridx_l, norm_l, ldst_l, cnt_v, sem_a, sem_b):
        c = lax.axis_index("c")
        s = lax.axis_index("s")
        w = s * NC + c
        d0 = w * BR
        NB = N_EDGES // ABLK

        def issue(b, bufs, sem):
            e0 = b * ABLK
            sv, ev, dv, nv = bufs
            pltpu.async_copy(src_hbm.at[pl.ds(e0, ABLK)], sv, sem)
            pltpu.async_copy(et_hbm.at[pl.ds(e0, ABLK)], ev, sem)
            pltpu.async_copy(dst_hbm.at[pl.ds(e0, ABLK)], dv, sem)
            pltpu.async_copy(norm_hbm.at[pl.ds(e0, ABLK)], nv, sem)

        def drain(b, bufs, sem):
            e0 = b * ABLK
            sv, ev, dv, nv = bufs
            pltpu.make_async_copy(src_hbm.at[pl.ds(e0, ABLK)], sv, sem).wait()
            pltpu.make_async_copy(et_hbm.at[pl.ds(e0, ABLK)], ev, sem).wait()
            pltpu.make_async_copy(dst_hbm.at[pl.ds(e0, ABLK)], dv, sem).wait()
            pltpu.make_async_copy(norm_hbm.at[pl.ds(e0, ABLK)], nv, sem).wait()

        def scan(bufs, offv0):
            sv, ev, dv, nv = bufs

            def chunk_body(q, offv):
                sl = pl.ds(q * LANES, LANES)
                ld = dv[sl] - d0
                m = (ld >= 0) & (ld < BR)
                pos = offv + plsc.cumsum(jnp.where(m, 1, 0)) - 1
                ridx = ev[sl] * N_NODES + sv[sl]
                nb = (lax.bitcast_convert_type(nv[sl], jnp.int32)
                      + 0x8000) >> 16
                nw = (nb << 16) | nb
                plsc.store_scatter(ridx_l, [pos], ridx, mask=m)
                plsc.store_scatter(norm_l, [pos], nw, mask=m)
                plsc.store_scatter(ldst_l, [pos], ld, mask=m)
                return offv + plsc.all_reduce_population_count(m)

            return lax.fori_loop(0, ABLK // LANES, chunk_body, offv0,
                                 unroll=8)

        bufs_a = (src_a, et_a, dst_a, nrm_a)
        bufs_b = (src_b, et_b, dst_b, nrm_b)
        issue(0, bufs_a, sem_a)

        def pair_body(p, offv):
            b0 = 2 * p
            issue(b0 + 1, bufs_b, sem_b)
            drain(b0, bufs_a, sem_a)
            offv = scan(bufs_a, offv)

            @pl.when(b0 + 2 < NB)
            def _():
                issue(b0 + 2, bufs_a, sem_a)

            drain(b0 + 1, bufs_b, sem_b)
            return scan(bufs_b, offv)

        offv = lax.fori_loop(0, NB // 2, pair_body,
                             jnp.zeros((LANES,), jnp.int32))
        off = offv[0]

        pad_ridx = jnp.full((LANES,), w * 128, jnp.int32)
        pad_norm = jnp.zeros((LANES,), jnp.int32)
        pad_ldst = jnp.full((LANES,), BR, jnp.int32)
        full = pad_ldst >= 0
        for i in range(CHUNK // LANES):
            o = off + i * LANES
            plsc.store_compressed(ridx_l.at[pl.ds(o, LANES)], pad_ridx, mask=full)
            plsc.store_compressed(norm_l.at[pl.ds(o, LANES)], pad_norm, mask=full)
            plsc.store_compressed(ldst_l.at[pl.ds(o, LANES)], pad_ldst, mask=full)
        count_p = (off // CHUNK + 1) * CHUNK

        cnt_v[...] = jnp.full((LANES,), 0, jnp.int32) + count_p
        pltpu.sync_copy(cnt_v, cnt_out.at[pl.ds(w * LANES, LANES)])
        pltpu.sync_copy(ridx_l, ridx_out.at[pl.ds(w * CAP, CAP)])
        pltpu.sync_copy(norm_l, norm_out.at[pl.ds(w * CAP, CAP)])
        pltpu.sync_copy(ldst_l, ldst_out.at[pl.ds(w * CAP, CAP)])

    return a_kernel(src, etypes, dst, norm1d)



def _sc_gather_acc(xw_flat, ridx, nrm, ldst, cnts):
    mesh = plsc.VectorSubcoreMesh(core_axis_name="c", subcore_axis_name="s")

    @functools.partial(
        pl.kernel,
        out_type=jax.ShapeDtypeStruct((N_NODES, 128), jnp.int32),
        mesh=mesh,
        scratch_types=[
            pltpu.VMEM((CAP,), jnp.int32),
            pltpu.VMEM((CAP + LANES,), jnp.int32),
            pltpu.VMEM((CAP + LANES,), jnp.int32),
            pltpu.VMEM((CHUNK, 128), jnp.int32),
            pltpu.VMEM((CHUNK, 128), jnp.int32),
            pltpu.VMEM((ACC_R, 128), jnp.int32),
            pltpu.VMEM((LANES,), jnp.int32),
            pltpu.SemaphoreType.DMA,
            pltpu.SemaphoreType.DMA,
            pltpu.SemaphoreType.DMA,
        ],
        compiler_params=_sc_compiler_params(),
    )
    def b_kernel(xw_hbm, ridx_hbm, norm_hbm, ldst_hbm, cnt_hbm,
                 out_hbm, idx_l, norm_l, ldst_l, rows_a, rows_b, acc_v,
                 cnt_v, sem_l, sem_a, sem_b):
        c = lax.axis_index("c")
        s = lax.axis_index("s")
        w = s * NC + c
        base = w * CAP

        pltpu.async_copy(ridx_hbm.at[pl.ds(base, CAP)], idx_l, sem_l)
        pltpu.async_copy(norm_hbm.at[pl.ds(base, CAP)],
                         norm_l.at[pl.ds(0, CAP)], sem_l)
        pltpu.async_copy(ldst_hbm.at[pl.ds(base, CAP)],
                         ldst_l.at[pl.ds(0, CAP)], sem_l)

        zv = jnp.zeros((LANES,), jnp.int32)

        @pl.loop(0, ACC_R)
        def _(r):
            for l in range(8):
                acc_v.at[r][pl.ds(l * LANES, LANES)] = zv

        pltpu.sync_copy(cnt_hbm.at[pl.ds(w * LANES, LANES)], cnt_v)
        nc = cnt_v[...][0] // CHUNK

        pltpu.make_async_copy(ridx_hbm.at[pl.ds(base, CAP)],
                              idx_l, sem_l).wait()
        pltpu.make_async_copy(norm_hbm.at[pl.ds(base, CAP)],
                              norm_l.at[pl.ds(0, CAP)], sem_l).wait()
        pltpu.make_async_copy(ldst_hbm.at[pl.ds(base, CAP)],
                              ldst_l.at[pl.ds(0, CAP)], sem_l).wait()

        def fire(k, rows_v, sem):
            idx_s = idx_l.at[pl.ds(k * CHUNK, CHUNK)]
            pltpu.async_copy(xw_hbm.at[idx_s], rows_v, sem)

        def accumulate(k, rows_v, sem):
            idx_s = idx_l.at[pl.ds(k * CHUNK, CHUNK)]
            pltpu.make_async_copy(xw_hbm.at[idx_s], rows_v, sem).wait()
            o0 = k * CHUNK

            zero16 = jnp.zeros((LANES,), jnp.int32)

            def edge_body(j, carry):
                njw = jnp.take(norm_l[pl.ds(o0 + j, LANES)], zero16,
                               axis=0)
                njv = plsc.bitcast(njw, jnp.bfloat16)
                dj = ldst_l[pl.ds(o0 + j, LANES)][0]
                for l in range(8):
                    sl2 = pl.ds(l * LANES, LANES)
                    prod = plsc.bitcast(rows_v.at[j][sl2],
                                        jnp.bfloat16) * njv
                    cur = plsc.bitcast(acc_v.at[dj][sl2], jnp.bfloat16)
                    acc_v.at[dj][sl2] = plsc.bitcast(cur + prod, jnp.int32)
                return carry

            lax.fori_loop(0, CHUNK, edge_body, 0, unroll=4)

        fire(0, rows_a, sem_a)

        @pl.loop(0, nc, step=2)
        def _(k0):
            @pl.when(k0 + 1 < nc)
            def _():
                fire(k0 + 1, rows_b, sem_b)

            accumulate(k0, rows_a, sem_a)

            @pl.when(k0 + 1 < nc)
            def _():
                @pl.when(k0 + 2 < nc)
                def _():
                    fire(k0 + 2, rows_a, sem_a)

                accumulate(k0 + 1, rows_b, sem_b)

        @pl.when(w < NWK - 1)
        def _():
            pltpu.sync_copy(acc_v.at[pl.ds(0, BR)],
                            out_hbm.at[pl.ds(w * BR, BR)])

        @pl.when(w == NWK - 1)
        def _():
            tail = N_NODES - (NWK - 1) * BR
            pltpu.sync_copy(acc_v.at[pl.ds(0, tail)],
                            out_hbm.at[pl.ds((NWK - 1) * BR, tail)])

    return b_kernel(xw_flat, ridx, nrm, ldst, cnts)


def _bias_body(p_ref, b_ref, o_ref):
    u = p_ref[...]
    lo = lax.bitcast_convert_type((u & 0xFFFF).astype(jnp.uint16),
                                  jnp.bfloat16).astype(jnp.float32)
    hi = lax.bitcast_convert_type((u >> 16).astype(jnp.uint16),
                                  jnp.bfloat16).astype(jnp.float32)
    o_ref[:, :128] = lo + b_ref[pl.ds(0, 128)][None, :]
    o_ref[:, 128:] = hi + b_ref[pl.ds(128, 128)][None, :]


def _tc_bias(partial, h_bias):
    BN = 2000
    return pl.pallas_call(
        _bias_body,
        grid=(N_NODES // BN,),
        in_specs=[
            pl.BlockSpec((BN, 128), lambda n: (n, 0)),
            pl.BlockSpec((OUT_FEAT,), lambda n: (0,)),
        ],
        out_specs=pl.BlockSpec((BN, OUT_FEAT), lambda n: (n, 0)),
        out_shape=jax.ShapeDtypeStruct((N_NODES, OUT_FEAT), jnp.float32),
        compiler_params=pltpu.CompilerParams(
            dimension_semantics=("parallel",),
        ),
    )(partial, h_bias)


def kernel(x, edge_index, etypes, norm, weight, h_bias):
    xw = _compute_xw(x, weight)
    xw_flat = xw.reshape(NUM_RELS * N_NODES, 128)
    src = edge_index[0]
    dst = edge_index[1]
    ridx, nrm, ldst, cnts = _sc_partition(src, etypes, dst, norm.reshape(-1))
    acc = _sc_gather_acc(xw_flat, ridx, nrm, ldst, cnts)
    return _tc_bias(acc, h_bias)

# --- scband reference (transcript-rebuilt; emitter-appended) ---
"""Pipeline reference for scband-seastar-egl-rel-graph-conv-6399501271225 (READ-ONLY COPY).

The authoritative reference and input builder live on the scoring server;
editing this copy changes nothing except your own understanding.
"""

import jax, jax.numpy as jnp
import numpy as np

N_NODES = 10000
N_EDGES = 160000
IN_FEAT = 256
OUT_FEAT = 256
NUM_RELS = 8


def setup_inputs(seed: int = 0) -> dict:
    key = jax.random.key(seed)
    k1, k2, k3, k4, k5, k6 = jax.random.split(key, 6)
    x = jax.random.normal(k1, (N_NODES, IN_FEAT), dtype=jnp.float32)
    edge_index = jax.random.randint(k2, (2, N_EDGES), 0, N_NODES, dtype=jnp.int32)
    etypes = jax.random.randint(k3, (N_EDGES,), 0, NUM_RELS, dtype=jnp.int32)
    norm = jax.random.uniform(k4, (N_EDGES, 1), dtype=jnp.float32)
    # Learned params: basis regularizer with num_bases == num_rels -> weight used directly.
    # Xavier uniform with relu gain, as in the torch module.
    gain = float(np.sqrt(2.0))
    bound = gain * float(np.sqrt(6.0 / (IN_FEAT + OUT_FEAT)))
    weight = jax.random.uniform(k5, (NUM_RELS, IN_FEAT, OUT_FEAT), dtype=jnp.float32,
                                minval=-bound, maxval=bound)
    h_bias = jnp.zeros((OUT_FEAT,), dtype=jnp.float32)
    return {"x": x, "edge_index": edge_index, "etypes": etypes, "norm": norm,
            "weight": weight, "h_bias": h_bias}


def reference(x, edge_index, etypes, norm, weight, h_bias):
    # Seastar RGCN layer1 (coo): per edge e with relation r = etypes[e]:
    #   msg_e = (x[src_e] @ weight[r]) * norm[e];  out[dst] = sum_e msg_e;  out += bias
    # num_bases == num_rels so weight is used directly (no w_comp composition).
    src = edge_index[0]
    dst = edge_index[1]
    # Transform every node under every relation (dense, compute-dominant),
    # mathematically identical to per-edge x[src] @ weight[etype].
    xW = jnp.einsum('ni,rio->rno', x, weight)  # [R, N, OUT]
    msg = xW[etypes, src] * norm               # gather per edge: [E, OUT]
    node_repr = jax.ops.segment_sum(msg, dst, num_segments=N_NODES)
    node_repr = node_repr + h_bias
    # activation=None, dropout p=0.0 -> identity
    return node_repr

if __name__ == "__main__":
    import jax
    _d = setup_inputs()
    print(jax.jit(kernel)(*tuple(_d.values())))

</pallas_src>

<mosaic_0001>
#map = affine_map<(d0, d1) -> (0)>
module attributes {stable_mosaic.version = 14 : i64} {
  func.func @a_kernel(%arg0: i32, %arg1: i32, %arg2: memref<160000xi32, #tpu.memory_space<hbm>>, %arg3: memref<160000xi32, #tpu.memory_space<hbm>>, %arg4: memref<160000xi32, #tpu.memory_space<hbm>>, %arg5: memref<160000xf32, #tpu.memory_space<hbm>>, %arg6: memref<262144xi32, #tpu.memory_space<hbm>>, %arg7: memref<262144xi32, #tpu.memory_space<hbm>>, %arg8: memref<262144xi32, #tpu.memory_space<hbm>>, %arg9: memref<512xi32, #tpu.memory_space<hbm>>, %arg10: memref<4000xi32, #tpu.memory_space<vmem>>, %arg11: memref<4000xi32, #tpu.memory_space<vmem>>, %arg12: memref<4000xi32, #tpu.memory_space<vmem>>, %arg13: memref<4000xf32, #tpu.memory_space<vmem>>, %arg14: memref<4000xi32, #tpu.memory_space<vmem>>, %arg15: memref<4000xi32, #tpu.memory_space<vmem>>, %arg16: memref<4000xi32, #tpu.memory_space<vmem>>, %arg17: memref<4000xf32, #tpu.memory_space<vmem>>, %arg18: memref<8192xi32, #tpu.memory_space<vmem>>, %arg19: memref<8192xi32, #tpu.memory_space<vmem>>, %arg20: memref<8192xi32, #tpu.memory_space<vmem>>, %arg21: memref<16xi32, #tpu.memory_space<vmem>>, %arg22: memref<!tpu.dma_semaphore, #tpu.memory_space<semaphore_mem>>, %arg23: memref<!tpu.dma_semaphore, #tpu.memory_space<semaphore_mem>>) attributes {dimension_semantics = [#tpu.dimension_semantics<core_parallel>, #tpu.dimension_semantics<subcore_parallel>], iteration_bounds = array<i64: 2, 16>, scalar_prefetch = 0 : i64, scratch_operands = 14 : i64, tpu.core_type = #tpu.core_type<sc_vector_subcore>, window_params = [{transform_indices = #map}, {transform_indices = #map}, {transform_indices = #map}, {transform_indices = #map}, {transform_indices = #map}, {transform_indices = #map}, {transform_indices = #map}, {transform_indices = #map}]} {
    %mul3A = arith.constant 2 : i32
    %mul3A_0 = arith.muli %arg1, %mul3A : i32
    %add3A = arith.addi %mul3A_0, %arg0 : i32
    %mul3A_1 = arith.constant 320 : i32
    %mul3A_2 = arith.muli %add3A, %mul3A_1 : i32
    %dma_start3A = arith.constant 0 : i32
    %dma_start3A_3 = tpu.memref_slice %arg2[%dma_start3A] : memref<160000xi32, #tpu.memory_space<hbm>> -> memref<4000xi32, #tpu.memory_space<hbm>>
    %dma_start3A_4 = arith.constant 0 : i32
    %dma_start3A_5 = tpu.memref_slice %arg2[%dma_start3A_4] : memref<160000xi32, #tpu.memory_space<hbm>> -> memref<4000xi32, #tpu.memory_space<hbm>>
    tpu.enqueue_dma source(%dma_start3A_5 : memref<4000xi32, #tpu.memory_space<hbm>>) target(%arg10 : memref<4000xi32, #tpu.memory_space<vmem>>) target_semaphore(%arg22 : memref<!tpu.dma_semaphore, #tpu.memory_space<semaphore_mem>>)
    %dma_start3A_6 = arith.constant 0 : i32
    %dma_start3A_7 = tpu.memref_slice %arg3[%dma_start3A_6] : memref<160000xi32, #tpu.memory_space<hbm>> -> memref<4000xi32, #tpu.memory_space<hbm>>
    %dma_start3A_8 = arith.constant 0 : i32
    %dma_start3A_9 = tpu.memref_slice %arg3[%dma_start3A_8] : memref<160000xi32, #tpu.memory_space<hbm>> -> memref<4000xi32, #tpu.memory_space<hbm>>
    tpu.enqueue_dma source(%dma_start3A_9 : memref<4000xi32, #tpu.memory_space<hbm>>) target(%arg11 : memref<4000xi32, #tpu.memory_space<vmem>>) target_semaphore(%arg22 : memref<!tpu.dma_semaphore, #tpu.memory_space<semaphore_mem>>)
    %dma_start3A_10 = arith.constant 0 : i32
    %dma_start3A_11 = tpu.memref_slice %arg4[%dma_start3A_10] : memref<160000xi32, #tpu.memory_space<hbm>> -> memref<4000xi32, #tpu.memory_space<hbm>>
    %dma_start3A_12 = arith.constant 0 : i32
    %dma_start3A_13 = tpu.memref_slice %arg4[%dma_start3A_12] : memref<160000xi32, #tpu.memory_space<hbm>> -> memref<4000xi32, #tpu.memory_space<hbm>>
    tpu.enqueue_dma source(%dma_start3A_13 : memref<4000xi32, #tpu.memory_space<hbm>>) target(%arg12 : memref<4000xi32, #tpu.memory_space<vmem>>) target_semaphore(%arg22 : memref<!tpu.dma_semaphore, #tpu.memory_space<semaphore_mem>>)
    %dma_start3A_14 = arith.constant 0 : i32
    %dma_start3A_15 = tpu.memref_slice %arg5[%dma_start3A_14] : memref<160000xf32, #tpu.memory_space<hbm>> -> memref<4000xf32, #tpu.memory_space<hbm>>
    %dma_start3A_16 = arith.constant 0 : i32
    %dma_start3A_17 = tpu.memref_slice %arg5[%dma_start3A_16] : memref<160000xf32, #tpu.memory_space<hbm>> -> memref<4000xf32, #tpu.memory_space<hbm>>
    tpu.enqueue_dma source(%dma_start3A_17 : memref<4000xf32, #tpu.memory_space<hbm>>) target(%arg13 : memref<4000xf32, #tpu.memory_space<vmem>>) target_semaphore(%arg22 : memref<!tpu.dma_semaphore, #tpu.memory_space<semaphore_mem>>)
    %broadcast_in_dim3A = arith.constant 0 : i32
    %broadcast_in_dim3A_18 = vector.broadcast %broadcast_in_dim3A : i32 to vector<16xi32>
    %scan3A = arith.constant 0 : i32
    %scan3A_19 = arith.constant 20 : i32
    %scan3A_20 = arith.addi %scan3A, %scan3A_19 : i32
    %scan3A_21 = arith.constant 1 : i32
    %scan3A_22 = scf.for %scan3A_130 = %scan3A to %scan3A_20 step %scan3A_21 iter_args(%scan3A_131 = %broadcast_in_dim3A_18) -> (vector<16xi32>)  : i32 {
      %mul3A_132 = arith.constant 2 : i32
      %mul3A_133 = arith.muli %mul3A_132, %scan3A_130 : i32
      %add3A_134 = arith.constant 1 : i32
      %add3A_135 = arith.addi %mul3A_133, %add3A_134 : i32
      %mul3A_136 = arith.constant 4000 : i32
      %mul3A_137 = arith.muli %add3A_135, %mul3A_136 : i32
      %dma_start3A_138 = tpu.memref_slice %arg2[%mul3A_137] : memref<160000xi32, #tpu.memory_space<hbm>> -> memref<4000xi32, #tpu.memory_space<hbm>>
      %dma_start3A_139 = tpu.memref_slice %arg2[%mul3A_137] : memref<160000xi32, #tpu.memory_space<hbm>> -> memref<4000xi32, #tpu.memory_space<hbm>>
      tpu.enqueue_dma source(%dma_start3A_139 : memref<4000xi32, #tpu.memory_space<hbm>>) target(%arg14 : memref<4000xi32, #tpu.memory_space<vmem>>) target_semaphore(%arg23 : memref<!tpu.dma_semaphore, #tpu.memory_space<semaphore_mem>>)
      %dma_start3A_140 = tpu.memref_slice %arg3[%mul3A_137] : memref<160000xi32, #tpu.memory_space<hbm>> -> memref<4000xi32, #tpu.memory_space<hbm>>
      %dma_start3A_141 = tpu.memref_slice %arg3[%mul3A_137] : memref<160000xi32, #tpu.memory_space<hbm>> -> memref<4000xi32, #tpu.memory_space<hbm>>
      tpu.enqueue_dma source(%dma_start3A_141 : memref<4000xi32, #tpu.memory_space<hbm>>) target(%arg15 : memref<4000xi32, #tpu.memory_space<vmem>>) target_semaphore(%arg23 : memref<!tpu.dma_semaphore, #tpu.memory_space<semaphore_mem>>)
      %dma_start3A_142 = tpu.memref_slice %arg4[%mul3A_137] : memref<160000xi32, #tpu.memory_space<hbm>> -> memref<4000xi32, #tpu.memory_space<hbm>>
      %dma_start3A_143 = tpu.memref_slice %arg4[%mul3A_137] : memref<160000xi32, #tpu.memory_space<hbm>> -> memref<4000xi32, #tpu.memory_space<hbm>>
      tpu.enqueue_dma source(%dma_start3A_143 : memref<4000xi32, #tpu.memory_space<hbm>>) target(%arg16 : memref<4000xi32, #tpu.memory_space<vmem>>) target_semaphore(%arg23 : memref<!tpu.dma_semaphore, #tpu.memory_space<semaphore_mem>>)
      %dma_start3A_144 = tpu.memref_slice %arg5[%mul3A_137] : memref<160000xf32, #tpu.memory_space<hbm>> -> memref<4000xf32, #tpu.memory_space<hbm>>
      %dma_start3A_145 = tpu.memref_slice %arg5[%mul3A_137] : memref<160000xf32, #tpu.memory_space<hbm>> -> memref<4000xf32, #tpu.memory_space<hbm>>
      tpu.enqueue_dma source(%dma_start3A_145 : memref<4000xf32, #tpu.memory_space<hbm>>) target(%arg17 : memref<4000xf32, #tpu.memory_space<vmem>>) target_semaphore(%arg23 : memref<!tpu.dma_semaphore, #tpu.memory_space<semaphore_mem>>)
      %mul3A_146 = arith.constant 4000 : i32
      %mul3A_147 = arith.muli %mul3A_133, %mul3A_146 : i32
      %dma_wait3A = tpu.memref_slice %arg2[%mul3A_147] : memref<160000xi32, #tpu.memory_space<hbm>> -> memref<4000xi32, #tpu.memory_space<hbm>>
      %dma_wait3A_148 = tpu.memref_slice %arg2[%mul3A_147] : memref<160000xi32, #tpu.memory_space<hbm>> -> memref<4000xi32, #tpu.memory_space<hbm>>
      tpu.wait_dma2 semaphore(%arg22 : memref<!tpu.dma_semaphore, #tpu.memory_space<semaphore_mem>>) src(%dma_wait3A_148 : memref<4000xi32, #tpu.memory_space<hbm>>) dst(%arg10 : memref<4000xi32, #tpu.memory_space<vmem>>)
      %dma_wait3A_149 = tpu.memref_slice %arg3[%mul3A_147] : memref<160000xi32, #tpu.memory_space<hbm>> -> memref<4000xi32, #tpu.memory_space<hbm>>
      %dma_wait3A_150 = tpu.memref_slice %arg3[%mul3A_147] : memref<160000xi32, #tpu.memory_space<hbm>> -> memref<4000xi32, #tpu.memory_space<hbm>>
      tpu.wait_dma2 semaphore(%arg22 : memref<!tpu.dma_semaphore, #tpu.memory_space<semaphore_mem>>) src(%dma_wait3A_150 : memref<4000xi32, #tpu.memory_space<hbm>>) dst(%arg11 : memref<4000xi32, #tpu.memory_space<vmem>>)
      %dma_wait3A_151 = tpu.memref_slice %arg4[%mul3A_147] : memref<160000xi32, #tpu.memory_space<hbm>> -> memref<4000xi32, #tpu.memory_space<hbm>>
      %dma_wait3A_152 = tpu.memref_slice %arg4[%mul3A_147] : memref<160000xi32, #tpu.memory_space<hbm>> -> memref<4000xi32, #tpu.memory_space<hbm>>
      tpu.wait_dma2 semaphore(%arg22 : memref<!tpu.dma_semaphore, #tpu.memory_space<semaphore_mem>>) src(%dma_wait3A_152 : memref<4000xi32, #tpu.memory_space<hbm>>) dst(%arg12 : memref<4000xi32, #tpu.memory_space<vmem>>)
      %dma_wait3A_153 = tpu.memref_slice %arg5[%mul3A_147] : memref<160000xf32, #tpu.memory_space<hbm>> -> memref<4000xf32, #tpu.memory_space<hbm>>
      %dma_wait3A_154 = tpu.memref_slice %arg5[%mul3A_147] : memref<160000xf32, #tpu.memory_space<hbm>> -> memref<4000xf32, #tpu.memory_space<hbm>>
      tpu.wait_dma2 semaphore(%arg22 : memref<!tpu.dma_semaphore, #tpu.memory_space<semaphore_mem>>) src(%dma_wait3A_154 : memref<4000xf32, #tpu.memory_space<hbm>>) dst(%arg13 : memref<4000xf32, #tpu.memory_space<vmem>>)
      %scan3A_155 = arith.constant 0 : i32
      %scan3A_156 = arith.constant 248 : i32
      %scan3A_157 = arith.addi %scan3A_155, %scan3A_156 : i32
      %scan3A_158 = arith.constant 8 : i32
      %scan3A_159 = scf.for %scan3A_376 = %scan3A_155 to %scan3A_157 step %scan3A_158 iter_args(%scan3A_377 = %scan3A_131) -> (vector<16xi32>)  : i32 {
        %mul3A_378 = arith.constant 16 : i32
        %mul3A_379 = arith.muli %scan3A_376, %mul3A_378 : i32
        %get3A_380 = arith.index_cast %mul3A_379 : i32 to index
        %get3A_381 = tpu.vector_load %arg12[%get3A_380] {strides = array<i32>} : memref<4000xi32, #tpu.memory_space<vmem>>, vector<16xi32>,
        %sub3A_382 = vector.broadcast %mul3A_2 : i32 to vector<16xi32>
        %sub3A_383 = arith.subi %get3A_381, %sub3A_382 : vector<16xi32>
        %ge3A_384 = arith.constant 0 : i32
        %ge3A_385 = vector.broadcast %ge3A_384 : i32 to vector<16xi32>
        %ge3A_386 = arith.cmpi sge, %sub3A_383, %ge3A_385 : vector<16xi32>
        %lt3A_387 = arith.constant 320 : i32
        %lt3A_388 = vector.broadcast %lt3A_387 : i32 to vector<16xi32>
        %lt3A_389 = arith.cmpi slt, %sub3A_383, %lt3A_388 : vector<16xi32>
        %and3A_390 = arith.andi %ge3A_386, %lt3A_389 : vector<16xi1>
        %jit3A_391 = arith.constant 1 : i32
        %jit3A_392 = arith.constant 0 : i32
        %broadcast_in_dim3A_393 = vector.broadcast %jit3A_391 : i32 to vector<16xi32>
        %broadcast_in_dim3A_394 = vector.broadcast %jit3A_392 : i32 to vector<16xi32>
        %select_n3A_395 = arith.select %and3A_390, %broadcast_in_dim3A_393, %broadcast_in_dim3A_394 : vector<16xi1>, vector<16xi32>
        %broadcast_in_dim3A_396 = arith.constant true
        %broadcast_in_dim3A_397 = vector.broadcast %broadcast_in_dim3A_396 : i1 to vector<16xi1>
        %masked_cumsum3A_398 = tpu.scan <sum>, %select_n3A_395 masked %broadcast_in_dim3A_397 : vector<16xi32>, vector<16xi1> -> vector<16xi32>
        %add3A_399 = arith.addi %scan3A_377, %masked_cumsum3A_398 : vector<16xi32>
        %sub3A_400 = arith.constant 1 : i32
        %sub3A_401 = vector.broadcast %sub3A_400 : i32 to vector<16xi32>
        %sub3A_402 = arith.subi %add3A_399, %sub3A_401 : vector<16xi32>
        %get3A_403 = arith.index_cast %mul3A_379 : i32 to index
        %get3A_404 = tpu.vector_load %arg11[%get3A_403] {strides = array<i32>} : memref<4000xi32, #tpu.memory_space<vmem>>, vector<16xi32>,
        %mul3A_405 = arith.constant 10000 : i32
        %mul3A_406 = vector.broadcast %mul3A_405 : i32 to vector<16xi32>
        %mul3A_407 = arith.muli %get3A_404, %mul3A_406 : vector<16xi32>
        %get3A_408 = arith.index_cast %mul3A_379 : i32 to index
        %get3A_409 = tpu.vector_load %arg10[%get3A_408] {strides = array<i32>} : memref<4000xi32, #tpu.memory_space<vmem>>, vector<16xi32>,
        %add3A_410 = arith.addi %mul3A_407, %get3A_409 : vector<16xi32>
        %get3A_411 = arith.index_cast %mul3A_379 : i32 to index
        %get3A_412 = tpu.vector_load %arg13[%get3A_411] {strides = array<i32>} : memref<4000xf32, #tpu.memory_space<vmem>>, vector<16xf32>,
        %bitcast_convert_type3A_413 = tpu.bitcast %get3A_412 : vector<16xf32> -> vector<16xi32>
        %add3A_414 = arith.constant 32768 : i32
        %add3A_415 = vector.broadcast %add3A_414 : i32 to vector<16xi32>
        %add3A_416 = arith.addi %bitcast_convert_type3A_413, %add3A_415 : vector<16xi32>
        %shift_right_arithmetic3A_417 = arith.constant 16 : i32
        %shift_right_arithmetic3A_418 = vector.broadcast %shift_right_arithmetic3A_417 : i32 to vector<16xi32>
        %shift_right_arithmetic3A_419 = arith.shrsi %add3A_416, %shift_right_arithmetic3A_418 : vector<16xi32>
        %shift_left3A_420 = arith.constant 16 : i32
        %shift_left3A_421 = vector.broadcast %shift_left3A_420 : i32 to vector<16xi32>
        %shift_left3A_422 = arith.shli %shift_right_arithmetic3A_419, %shift_left3A_421 : vector<16xi32>
        %or3A_423 = arith.ori %shift_left3A_422, %shift_right_arithmetic3A_419 : vector<16xi32>
        tpu.vector_store_idx %arg18[%sub3A_402], %add3A_410 masked %and3A_390 : memref<8192xi32, #tpu.memory_space<vmem>>[vector<16xi32>], vector<16xi32>, vector<16xi1>
        tpu.vector_store_idx %arg19[%sub3A_402], %or3A_423 masked %and3A_390 : memref<8192xi32, #tpu.memory_space<vmem>>[vector<16xi32>], vector<16xi32>, vector<16xi1>
        tpu.vector_store_idx %arg20[%sub3A_402], %sub3A_383 masked %and3A_390 : memref<8192xi32, #tpu.memory_space<vmem>>[vector<16xi32>], vector<16xi32>, vector<16xi1>
        %all_reduce_population_count3A_424 = tpu.all_reduce %and3A_390 {dim = 0 : i64, kind = #tpu.reduction_kind<sum>} : vector<16xi1> -> vector<16xi32>
        %add3A_425 = arith.addi %scan3A_377, %all_reduce_population_count3A_424 : vector<16xi32>
        %scan3A_426 = arith.constant 1 : i32
        %scan3A_427 = arith.addi %scan3A_376, %scan3A_426 : i32
        %mul3A_428 = arith.constant 16 : i32
        %mul3A_429 = arith.muli %scan3A_427, %mul3A_428 : i32
        %get3A_430 = arith.index_cast %mul3A_429 : i32 to index
        %get3A_431 = tpu.vector_load %arg12[%get3A_430] {strides = array<i32>} : memref<4000xi32, #tpu.memory_space<vmem>>, vector<16xi32>,
        %sub3A_432 = vector.broadcast %mul3A_2 : i32 to vector<16xi32>
        %sub3A_433 = arith.subi %get3A_431, %sub3A_432 : vector<16xi32>
        %ge3A_434 = arith.constant 0 : i32
        %ge3A_435 = vector.broadcast %ge3A_434 : i32 to vector<16xi32>
        %ge3A_436 = arith.cmpi sge, %sub3A_433, %ge3A_435 : vector<16xi32>
        %lt3A_437 = arith.constant 320 : i32
        %lt3A_438 = vector.broadcast %lt3A_437 : i32 to vector<16xi32>
        %lt3A_439 = arith.cmpi slt, %sub3A_433, %lt3A_438 : vector<16xi32>
        %and3A_440 = arith.andi %ge3A_436, %lt3A_439 : vector<16xi1>
        %jit3A_441 = arith.constant 1 : i32
        %jit3A_442 = arith.constant 0 : i32
        %broadcast_in_dim3A_443 = vector.broadcast %jit3A_441 : i32 to vector<16xi32>
        %broadcast_in_dim3A_444 = vector.broadcast %jit3A_442 : i32 to vector<16xi32>
        %select_n3A_445 = arith.select %and3A_440, %broadcast_in_dim3A_443, %broadcast_in_dim3A_444 : vector<16xi1>, vector<16xi32>
        %broadcast_in_dim3A_446 = arith.constant true
        %broadcast_in_dim3A_447 = vector.broadcast %broadcast_in_dim3A_446 : i1 to vector<16xi1>
        %masked_cumsum3A_448 = tpu.scan <sum>, %select_n3A_445 masked %broadcast_in_dim3A_447 : vector<16xi32>, vector<16xi1> -> vector<16xi32>
        %add3A_449 = arith.addi %add3A_425, %masked_cumsum3A_448 : vector<16xi32>
        %sub3A_450 = arith.constant 1 : i32
        %sub3A_451 = vector.broadcast %sub3A_450 : i32 to vector<16xi32>
        %sub3A_452 = arith.subi %add3A_449, %sub3A_451 : vector<16xi32>
        %get3A_453 = arith.index_cast %mul3A_429 : i32 to index
        %get3A_454 = tpu.vector_load %arg11[%get3A_453] {strides = array<i32>} : memref<4000xi32, #tpu.memory_space<vmem>>, vector<16xi32>,
        %mul3A_455 = arith.constant 10000 : i32
        %mul3A_456 = vector.broadcast %mul3A_455 : i32 to vector<16xi32>
        %mul3A_457 = arith.muli %get3A_454, %mul3A_456 : vector<16xi32>
        %get3A_458 = arith.index_cast %mul3A_429 : i32 to index
        %get3A_459 = tpu.vector_load %arg10[%get3A_458] {strides = array<i32>} : memref<4000xi32, #tpu.memory_space<vmem>>, vector<16xi32>,
        %add3A_460 = arith.addi %mul3A_457, %get3A_459 : vector<16xi32>
        %get3A_461 = arith.index_cast %mul3A_429 : i32 to index
        %get3A_462 = tpu.vector_load %arg13[%get3A_461] {strides = array<i32>} : memref<4000xf32, #tpu.memory_space<vmem>>, vector<16xf32>,
        %bitcast_convert_type3A_463 = tpu.bitcast %get3A_462 : vector<16xf32> -> vector<16xi32>
        %add3A_464 = arith.constant 32768 : i32
        %add3A_465 = vector.broadcast %add3A_464 : i32 to vector<16xi32>
        %add3A_466 = arith.addi %bitcast_convert_type3A_463, %add3A_465 : vector<16xi32>
        %shift_right_arithmetic3A_467 = arith.constant 16 : i32
        %shift_right_arithmetic3A_468 = vector.broadcast %shift_right_arithmetic3A_467 : i32 to vector<16xi32>
        %shift_right_arithmetic3A_469 = arith.shrsi %add3A_466, %shift_right_arithmetic3A_468 : vector<16xi32>
        %shift_left3A_470 = arith.constant 16 : i32
        %shift_left3A_471 = vector.broadcast %shift_left3A_470 : i32 to vector<16xi32>
        %shift_left3A_472 = arith.shli %shift_right_arithmetic3A_469, %shift_left3A_471 : vector<16xi32>
        %or3A_473 = arith.ori %shift_left3A_472, %shift_right_arithmetic3A_469 : vector<16xi32>
        tpu.vector_store_idx %arg18[%sub3A_452], %add3A_460 masked %and3A_440 : memref<8192xi32, #tpu.memory_space<vmem>>[vector<16xi32>], vector<16xi32>, vector<16xi1>
        tpu.vector_store_idx %arg19[%sub3A_452], %or3A_473 masked %and3A_440 : memref<8192xi32, #tpu.memory_space<vmem>>[vector<16xi32>], vector<16xi32>, vector<16xi1>
        tpu.vector_store_idx %arg20[%sub3A_452], %sub3A_433 masked %and3A_440 : memref<8192xi32, #tpu.memory_space<vmem>>[vector<16xi32>], vector<16xi32>, vector<16xi1>
        %all_reduce_population_count3A_474 = tpu.all_reduce %and3A_440 {dim = 0 : i64, kind = #tpu.reduction_kind<sum>} : vector<16xi1> -> vector<16xi32>
        %add3A_475 = arith.addi %add3A_425, %all_reduce_population_count3A_474 : vector<16xi32>
        %scan3A_476 = arith.constant 2 : i32
        %scan3A_477 = arith.addi %scan3A_376, %scan3A_476 : i32
        %mul3A_478 = arith.constant 16 : i32
        %mul3A_479 = arith.muli %scan3A_477, %mul3A_478 : i32
        %get3A_480 = arith.index_cast %mul3A_479 : i32 to index
        %get3A_481 = tpu.vector_load %arg12[%get3A_480] {strides = array<i32>} : memref<4000xi32, #tpu.memory_space<vmem>>, vector<16xi32>,
        %sub3A_482 = vector.broadcast %mul3A_2 : i32 to vector<16xi32>
        %sub3A_483 = arith.subi %get3A_481, %sub3A_482 : vector<16xi32>
        %ge3A_484 = arith.constant 0 : i32
        %ge3A_485 = vector.broadcast %ge3A_484 : i32 to vector<16xi32>
        %ge3A_486 = arith.cmpi sge, %sub3A_483, %ge3A_485 : vector<16xi32>
        %lt3A_487 = arith.constant 320 : i32
        %lt3A_488 = vector.broadcast %lt3A_487 : i32 to vector<16xi32>
        %lt3A_489 = arith.cmpi slt, %sub3A_483, %lt3A_488 : vector<16xi32>
        %and3A_490 = arith.andi %ge3A_486, %lt3A_489 : vector<16xi1>
        %jit3A_491 = arith.constant 1 : i32
        %jit3A_492 = arith.constant 0 : i32
        %broadcast_in_dim3A_493 = vector.broadcast %jit3A_491 : i32 to vector<16xi32>
        %broadcast_in_dim3A_494 = vector.broadcast %jit3A_492 : i32 to vector<16xi32>
        %select_n3A_495 = arith.select %and3A_490, %broadcast_in_dim3A_493, %broadcast_in_dim3A_494 : vector<16xi1>, vector<16xi32>
        %broadcast_in_dim3A_496 = arith.constant true
        %broadcast_in_dim3A_497 = vector.broadcast %broadcast_in_dim3A_496 : i1 to vector<16xi1>
        %masked_cumsum3A_498 = tpu.scan <sum>, %select_n3A_495 masked %broadcast_in_dim3A_497 : vector<16xi32>, vector<16xi1> -> vector<16xi32>
        %add3A_499 = arith.addi %add3A_475, %masked_cumsum3A_498 : vector<16xi32>
        %sub3A_500 = arith.constant 1 : i32
        %sub3A_501 = vector.broadcast %sub3A_500 : i32 to vector<16xi32>
        %sub3A_502 = arith.subi %add3A_499, %sub3A_501 : vector<16xi32>
        %get3A_503 = arith.index_cast %mul3A_479 : i32 to index
        %get3A_504 = tpu.vector_load %arg11[%get3A_503] {strides = array<i32>} : memref<4000xi32, #tpu.memory_space<vmem>>, vector<16xi32>,
        %mul3A_505 = arith.constant 10000 : i32
        %mul3A_506 = vector.broadcast %mul3A_505 : i32 to vector<16xi32>
        %mul3A_507 = arith.muli %get3A_504, %mul3A_506 : vector<16xi32>
        %get3A_508 = arith.index_cast %mul3A_479 : i32 to index
        %get3A_509 = tpu.vector_load %arg10[%get3A_508] {strides = array<i32>} : memref<4000xi32, #tpu.memory_space<vmem>>, vector<16xi32>,
        %add3A_510 = arith.addi %mul3A_507, %get3A_509 : vector<16xi32>
        %get3A_511 = arith.index_cast %mul3A_479 : i32 to index
        %get3A_512 = tpu.vector_load %arg13[%get3A_511] {strides = array<i32>} : memref<4000xf32, #tpu.memory_space<vmem>>, vector<16xf32>,
        %bitcast_convert_type3A_513 = tpu.bitcast %get3A_512 : vector<16xf32> -> vector<16xi32>
        %add3A_514 = arith.constant 32768 : i32
        %add3A_515 = vector.broadcast %add3A_514 : i32 to vector<16xi32>
        %add3A_516 = arith.addi %bitcast_convert_type3A_513, %add3A_515 : vector<16xi32>
        %shift_right_arithmetic3A_517 = arith.constant 16 : i32
        %shift_right_arithmetic3A_518 = vector.broadcast %shift_right_arithmetic3A_517 : i32 to vector<16xi32>
        %shift_right_arithmetic3A_519 = arith.shrsi %add3A_516, %shift_right_arithmetic3A_518 : vector<16xi32>
        %shift_left3A_520 = arith.constant 16 : i32
        %shift_left3A_521 = vector.broadcast %shift_left3A_520 : i32 to vector<16xi32>
        %shift_left3A_522 = arith.shli %shift_right_arithmetic3A_519, %shift_left3A_521 : vector<16xi32>
        %or3A_523 = arith.ori %shift_left3A_522, %shift_right_arithmetic3A_519 : vector<16xi32>
        tpu.vector_store_idx %arg18[%sub3A_502], %add3A_510 masked %and3A_490 : memref<8192xi32, #tpu.memory_space<vmem>>[vector<16xi32>], vector<16xi32>, vector<16xi1>
        tpu.vector_store_idx %arg19[%sub3A_502], %or3A_523 masked %and3A_490 : memref<8192xi32, #tpu.memory_space<vmem>>[vector<16xi32>], vector<16xi32>, vector<16xi1>
        tpu.vector_store_idx %arg20[%sub3A_502], %sub3A_483 masked %and3A_490 : memref<8192xi32, #tpu.memory_space<vmem>>[vector<16xi32>], vector<16xi32>, vector<16xi1>
        %all_reduce_population_count3A_524 = tpu.all_reduce %and3A_490 {dim = 0 : i64, kind = #tpu.reduction_kind<sum>} : vector<16xi1> -> vector<16xi32>
        %add3A_525 = arith.addi %add3A_475, %all_reduce_population_count3A_524 : vector<16xi32>
        %scan3A_526 = arith.constant 3 : i32
        %scan3A_527 = arith.addi %scan3A_376, %scan3A_526 : i32
        %mul3A_528 = arith.constant 16 : i32
        %mul3A_529 = arith.muli %scan3A_527, %mul3A_528 : i32
        %get3A_530 = arith.index_cast %mul3A_529 : i32 to index
        %get3A_531 = tpu.vector_load %arg12[%get3A_530] {strides = array<i32>} : memref<4000xi32, #tpu.memory_space<vmem>>, vector<16xi32>,
        %sub3A_532 = vector.broadcast %mul3A_2 : i32 to vector<16xi32>
        %sub3A_533 = arith.subi %get3A_531, %sub3A_532 : vector<16xi32>
        %ge3A_534 = arith.constant 0 : i32
        %ge3A_535 = vector.broadcast %ge3A_534 : i32 to vector<16xi32>
        %ge3A_536 = arith.cmpi sge, %sub3A_533, %ge3A_535 : vector<16xi32>
        %lt3A_537 = arith.constant 320 : i32
        %lt3A_538 = vector.broadcast %lt3A_537 : i32 to vector<16xi32>
        %lt3A_539 = arith.cmpi slt, %sub3A_533, %lt3A_538 : vector<16xi32>
        %and3A_540 = arith.andi %ge3A_536, %lt3A_539 : vector<16xi1>
        %jit3A_541 = arith.constant 1 : i32
        %jit3A_542 = arith.constant 0 : i32
        %broadcast_in_dim3A_543 = vector.broadcast %jit3A_541 : i32 to vector<16xi32>
        %broadcast_in_dim3A_544 = vector.broadcast %jit3A_542 : i32 to vector<16xi32>
        %select_n3A_545 = arith.select %and3A_540, %broadcast_in_dim3A_543, %broadcast_in_dim3A_544 : vector<16xi1>, vector<16xi32>
        %broadcast_in_dim3A_546 = arith.constant true
        %broadcast_in_dim3A_547 = vector.broadcast %broadcast_in_dim3A_546 : i1 to vector<16xi1>
        %masked_cumsum3A_548 = tpu.scan <sum>, %select_n3A_545 masked %broadcast_in_dim3A_547 : vector<16xi32>, vector<16xi1> -> vector<16xi32>
        %add3A_549 = arith.addi %add3A_525, %masked_cumsum3A_548 : vector<16xi32>
        %sub3A_550 = arith.constant 1 : i32
        %sub3A_551 = vector.broadcast %sub3A_550 : i32 to vector<16xi32>
        %sub3A_552 = arith.subi %add3A_549, %sub3A_551 : vector<16xi32>
        %get3A_553 = arith.index_cast %mul3A_529 : i32 to index
        %get3A_554 = tpu.vector_load %arg11[%get3A_553] {strides = array<i32>} : memref<4000xi32, #tpu.memory_space<vmem>>, vector<16xi32>,
        %mul3A_555 = arith.constant 10000 : i32
        %mul3A_556 = vector.broadcast %mul3A_555 : i32 to vector<16xi32>
        %mul3A_557 = arith.muli %get3A_554, %mul3A_556 : vector<16xi32>
        %get3A_558 = arith.index_cast %mul3A_529 : i32 to index
        %get3A_559 = tpu.vector_load %arg10[%get3A_558] {strides = array<i32>} : memref<4000xi32, #tpu.memory_space<vmem>>, vector<16xi32>,
        %add3A_560 = arith.addi %mul3A_557, %get3A_559 : vector<16xi32>
        %get3A_561 = arith.index_cast %mul3A_529 : i32 to index
        %get3A_562 = tpu.vector_load %arg13[%get3A_561] {strides = array<i32>} : memref<4000xf32, #tpu.memory_space<vmem>>, vector<16xf32>,
        %bitcast_convert_type3A_563 = tpu.bitcast %get3A_562 : vector<16xf32> -> vector<16xi32>
        %add3A_564 = arith.constant 32768 : i32
        %add3A_565 = vector.broadcast %add3A_564 : i32 to vector<16xi32>
        %add3A_566 = arith.addi %bitcast_convert_type3A_563, %add3A_565 : vector<16xi32>
        %shift_right_arithmetic3A_567 = arith.constant 16 : i32
        %shift_right_arithmetic3A_568 = vector.broadcast %shift_right_arithmetic3A_567 : i32 to vector<16xi32>
        %shift_right_arithmetic3A_569 = arith.shrsi %add3A_566, %shift_right_arithmetic3A_568 : vector<16xi32>
        %shift_left3A_570 = arith.constant 16 : i32
        %shift_left3A_571 = vector.broadcast %shift_left3A_570 : i32 to vector<16xi32>
        %shift_left3A_572 = arith.shli %shift_right_arithmetic3A_569, %shift_left3A_571 : vector<16xi32>
        %or3A_573 = arith.ori %shift_left3A_572, %shift_right_arithmetic3A_569 : vector<16xi32>
        tpu.vector_store_idx %arg18[%sub3A_552], %add3A_560 masked %and3A_540 : memref<8192xi32, #tpu.memory_space<vmem>>[vector<16xi32>], vector<16xi32>, vector<16xi1>
        tpu.vector_store_idx %arg19[%sub3A_552], %or3A_573 masked %and3A_540 : memref<8192xi32, #tpu.memory_space<vmem>>[vector<16xi32>], vector<16xi32>, vector<16xi1>
        tpu.vector_store_idx %arg20[%sub3A_552], %sub3A_533 masked %and3A_540 : memref<8192xi32, #tpu.memory_space<vmem>>[vector<16xi32>], vector<16xi32>, vector<16xi1>
        %all_reduce_population_count3A_574 = tpu.all_reduce %and3A_540 {dim = 0 : i64, kind = #tpu.reduction_kind<sum>} : vector<16xi1> -> vector<16xi32>
        %add3A_575 = arith.addi %add3A_525, %all_reduce_population_count3A_574 : vector<16xi32>
        %scan3A_576 = arith.constant 4 : i32
        %scan3A_577 = arith.addi %scan3A_376, %scan3A_576 : i32
        %mul3A_578 = arith.constant 16 : i32
        %mul3A_579 = arith.muli %scan3A_577, %mul3A_578 : i32
        %get3A_580 = arith.index_cast %mul3A_579 : i32 to index
        %get3A_581 = tpu.vector_load %arg12[%get3A_580] {strides = array<i32>} : memref<4000xi32, #tpu.memory_space<vmem>>, vector<16xi32>,
        %sub3A_582 = vector.broadcast %mul3A_2 : i32 to vector<16xi32>
        %sub3A_583 = arith.subi %get3A_581, %sub3A_582 : vector<16xi32>
        %ge3A_584 = arith.constant 0 : i32
        %ge3A_585 = vector.broadcast %ge3A_584 : i32 to vector<16xi32>
        %ge3A_586 = arith.cmpi sge, %sub3A_583, %ge3A_585 : vector<16xi32>
        %lt3A_587 = arith.constant 320 : i32
        %lt3A_588 = vector.broadcast %lt3A_587 : i32 to vector<16xi32>
        %lt3A_589 = arith.cmpi slt, %sub3A_583, %lt3A_588 : vector<16xi32>
        %and3A_590 = arith.andi %ge3A_586, %lt3A_589 : vector<16xi1>
        %jit3A_591 = arith.constant 1 : i32
        %jit3A_592 = arith.constant 0 : i32
        %broadcast_in_dim3A_593 = vector.broadcast %jit3A_591 : i32 to vector<16xi32>
        %broadcast_in_dim3A_594 = vector.broadcast %jit3A_592 : i32 to vector<16xi32>
        %select_n3A_595 = arith.select %and3A_590, %broadcast_in_dim3A_593, %broadcast_in_dim3A_594 : vector<16xi1>, vector<16xi32>
        %broadcast_in_dim3A_596 = arith.constant true
        %broadcast_in_dim3A_597 = vector.broadcast %broadcast_in_dim3A_596 : i1 to vector<16xi1>
        %masked_cumsum3A_598 = tpu.scan <sum>, %select_n3A_595 masked %broadcast_in_dim3A_597 : vector<16xi32>, vector<16xi1> -> vector<16xi32>
        %add3A_599 = arith.addi %add3A_575, %masked_cumsum3A_598 : vector<16xi32>
        %sub3A_600 = arith.constant 1 : i32
        %sub3A_601 = vector.broadcast %sub3A_600 : i32 to vector<16xi32>
        %sub3A_602 = arith.subi %add3A_599, %sub3A_601 : vector<16xi32>
        %get3A_603 = arith.index_cast %mul3A_579 : i32 to index
        %get3A_604 = tpu.vector_load %arg11[%get3A_603] {strides = array<i32>} : memref<4000xi32, #tpu.memory_space<vmem>>, vector<16xi32>,
        %mul3A_605 = arith.constant 10000 : i32
        %mul3A_606 = vector.broadcast %mul3A_605 : i32 to vector<16xi32>
        %mul3A_607 = arith.muli %get3A_604, %mul3A_606 : vector<16xi32>
        %get3A_608 = arith.index_cast %mul3A_579 : i32 to index
        %get3A_609 = tpu.vector_load %arg10[%get3A_608] {strides = array<i32>} : memref<4000xi32, #tpu.memory_space<vmem>>, vector<16xi32>,
        %add3A_610 = arith.addi %mul3A_607, %get3A_609 : vector<16xi32>
        %get3A_611 = arith.index_cast %mul3A_579 : i32 to index
        %get3A_612 = tpu.vector_load %arg13[%get3A_611] {strides = array<i32>} : memref<4000xf32, #tpu.memory_space<vmem>>, vector<16xf32>,
        %bitcast_convert_type3A_613 = tpu.bitcast %get3A_612 : vector<16xf32> -> vector<16xi32>
        %add3A_614 = arith.constant 32768 : i32
        %add3A_615 = vector.broadcast %add3A_614 : i32 to vector<16xi32>
        %add3A_616 = arith.addi %bitcast_convert_type3A_613, %add3A_615 : vector<16xi32>
        %shift_right_arithmetic3A_617 = arith.constant 16 : i32
        %shift_right_arithmetic3A_618 = vector.broadcast %shift_right_arithmetic3A_617 : i32 to vector<16xi32>
        %shift_right_arithmetic3A_619 = arith.shrsi %add3A_616, %shift_right_arithmetic3A_618 : vector<16xi32>
        %shift_left3A_620 = arith.constant 16 : i32
        %shift_left3A_621 = vector.broadcast %shift_left3A_620 : i32 to vector<16xi32>
        %shift_left3A_622 = arith.shli %shift_right_arithmetic3A_619, %shift_left3A_621 : vector<16xi32>
        %or3A_623 = arith.ori %shift_left3A_622, %shift_right_arithmetic3A_619 : vector<16xi32>
        tpu.vector_store_idx %arg18[%sub3A_602], %add3A_610 masked %and3A_590 : memref<8192xi32, #tpu.memory_space<vmem>>[vector<16xi32>], vector<16xi32>, vector<16xi1>
        tpu.vector_store_idx %arg19[%sub3A_602], %or3A_623 masked %and3A_590 : memref<8192xi32, #tpu.memory_space<vmem>>[vector<16xi32>], vector<16xi32>, vector<16xi1>
        tpu.vector_store_idx %arg20[%sub3A_602], %sub3A_583 masked %and3A_590 : memref<8192xi32, #tpu.memory_space<vmem>>[vector<16xi32>], vector<16xi32>, vector<16xi1>
        %all_reduce_population_count3A_624 = tpu.all_reduce %and3A_590 {dim = 0 : i64, kind = #tpu.reduction_kind<sum>} : vector<16xi1> -> vector<16xi32>
        %add3A_625 = arith.addi %add3A_575, %all_reduce_population_count3A_624 : vector<16xi32>
        %scan3A_626 = arith.constant 5 : i32
        %scan3A_627 = arith.addi %scan3A_376, %scan3A_626 : i32
        %mul3A_628 = arith.constant 16 : i32
        %mul3A_629 = arith.muli %scan3A_627, %mul3A_628 : i32
        %get3A_630 = arith.index_cast %mul3A_629 : i32 to index
        %get3A_631 = tpu.vector_load %arg12[%get3A_630] {strides = array<i32>} : memref<4000xi32, #tpu.memory_space<vmem>>, vector<16xi32>,
        %sub3A_632 = vector.broadcast %mul3A_2 : i32 to vector<16xi32>
        %sub3A_633 = arith.subi %get3A_631, %sub3A_632 : vector<16xi32>
        %ge3A_634 = arith.constant 0 : i32
        %ge3A_635 = vector.broadcast %ge3A_634 : i32 to vector<16xi32>
        %ge3A_636 = arith.cmpi sge, %sub3A_633, %ge3A_635 : vector<16xi32>
        %lt3A_637 = arith.constant 320 : i32
        %lt3A_638 = vector.broadcast %lt3A_637 : i32 to vector<16xi32>
        %lt3A_639 = arith.cmpi slt, %sub3A_633, %lt3A_638 : vector<16xi32>
        %and3A_640 = arith.andi %ge3A_636, %lt3A_639 : vector<16xi1>
        %jit3A_641 = arith.constant 1 : i32
        %jit3A_642 = arith.constant 0 : i32
        %broadcast_in_dim3A_643 = vector.broadcast %jit3A_641 : i32 to vector<16xi32>
        %broadcast_in_dim3A_644 = vector.broadcast %jit3A_642 : i32 to vector<16xi32>
        %select_n3A_645 = arith.select %and3A_640, %broadcast_in_dim3A_643, %broadcast_in_dim3A_644 : vector<16xi1>, vector<16xi32>
        %broadcast_in_dim3A_646 = arith.constant true
        %broadcast_in_dim3A_647 = vector.broadcast %broadcast_in_dim3A_646 : i1 to vector<16xi1>
        %masked_cumsum3A_648 = tpu.scan <sum>, %select_n3A_645 masked %broadcast_in_dim3A_647 : vector<16xi32>, vector<16xi1> -> vector<16xi32>
        %add3A_649 = arith.addi %add3A_625, %masked_cumsum3A_648 : vector<16xi32>
        %sub3A_650 = arith.constant 1 : i32
        %sub3A_651 = vector.broadcast %sub3A_650 : i32 to vector<16xi32>
        %sub3A_652 = arith.subi %add3A_649, %sub3A_651 : vector<16xi32>
        %get3A_653 = arith.index_cast %mul3A_629 : i32 to index
        %get3A_654 = tpu.vector_load %arg11[%get3A_653] {strides = array<i32>} : memref<4000xi32, #tpu.memory_space<vmem>>, vector<16xi32>,
        %mul3A_655 = arith.constant 10000 : i32
        %mul3A_656 = vector.broadcast %mul3A_655 : i32 to vector<16xi32>
        %mul3A_657 = arith.muli %get3A_654, %mul3A_656 : vector<16xi32>
        %get3A_658 = arith.index_cast %mul3A_629 : i32 to index
        %get3A_659 = tpu.vector_load %arg10[%get3A_658] {strides = array<i32>} : memref<4000xi32, #tpu.memory_space<vmem>>, vector<16xi32>,
        %add3A_660 = arith.addi %mul3A_657, %get3A_659 : vector<16xi32>
        %get3A_661 = arith.index_cast %mul3A_629 : i32 to index
        %get3A_662 = tpu.vector_load %arg13[%get3A_661] {strides = array<i32>} : memref<4000xf32, #tpu.memory_space<vmem>>, vector<16xf32>,
        %bitcast_convert_type3A_663 = tpu.bitcast %get3A_662 : vector<16xf32> -> vector<16xi32>
        %add3A_664 = arith.constant 32768 : i32
        %add3A_665 = vector.broadcast %add3A_664 : i32 to vector<16xi32>
        %add3A_666 = arith.addi %bitcast_convert_type3A_663, %add3A_665 : vector<16xi32>
        %shift_right_arithmetic3A_667 = arith.constant 16 : i32
        %shift_right_arithmetic3A_668 = vector.broadcast %shift_right_arithmetic3A_667 : i32 to vector<16xi32>
        %shift_right_arithmetic3A_669 = arith.shrsi %add3A_666, %shift_right_arithmetic3A_668 : vector<16xi32>
        %shift_left3A_670 = arith.constant 16 : i32
        %shift_left3A_671 = vector.broadcast %shift_left3A_670 : i32 to vector<16xi32>
        %shift_left3A_672 = arith.shli %shift_right_arithmetic3A_669, %shift_left3A_671 : vector<16xi32>
        %or3A_673 = arith.ori %shift_left3A_672, %shift_right_arithmetic3A_669 : vector<16xi32>
        tpu.vector_store_idx %arg18[%sub3A_652], %add3A_660 masked %and3A_640 : memref<8192xi32, #tpu.memory_space<vmem>>[vector<16xi32>], vector<16xi32>, vector<16xi1>
        tpu.vector_store_idx %arg19[%sub3A_652], %or3A_673 masked %and3A_640 : memref<8192xi32, #tpu.memory_space<vmem>>[vector<16xi32>], vector<16xi32>, vector<16xi1>
        tpu.vector_store_idx %arg20[%sub3A_652], %sub3A_633 masked %and3A_640 : memref<8192xi32, #tpu.memory_space<vmem>>[vector<16xi32>], vector<16xi32>, vector<16xi1>
        %all_reduce_population_count3A_674 = tpu.all_reduce %and3A_640 {dim = 0 : i64, kind = #tpu.reduction_kind<sum>} : vector<16xi1> -> vector<16xi32>
        %add3A_675 = arith.addi %add3A_625, %all_reduce_population_count3A_674 : vector<16xi32>
        %scan3A_676 = arith.constant 6 : i32
        %scan3A_677 = arith.addi %scan3A_376, %scan3A_676 : i32
        %mul3A_678 = arith.constant 16 : i32
        %mul3A_679 = arith.muli %scan3A_677, %mul3A_678 : i32
        %get3A_680 = arith.index_cast %mul3A_679 : i32 to index
        %get3A_681 = tpu.vector_load %arg12[%get3A_680] {strides = array<i32>} : memref<4000xi32, #tpu.memory_space<vmem>>, vector<16xi32>,
        %sub3A_682 = vector.broadcast %mul3A_2 : i32 to vector<16xi32>
        %sub3A_683 = arith.subi %get3A_681, %sub3A_682 : vector<16xi32>
        %ge3A_684 = arith.constant 0 : i32
        %ge3A_685 = vector.broadcast %ge3A_684 : i32 to vector<16xi32>
        %ge3A_686 = arith.cmpi sge, %sub3A_683, %ge3A_685 : vector<16xi32>
        %lt3A_687 = arith.constant 320 : i32
        %lt3A_688 = vector.broadcast %lt3A_687 : i32 to vector<16xi32>
        %lt3A_689 = arith.cmpi slt, %sub3A_683, %lt3A_688 : vector<16xi32>
        %and3A_690 = arith.andi %ge3A_686, %lt3A_689 : vector<16xi1>
        %jit3A_691 = arith.constant 1 : i32
        %jit3A_692 = arith.constant 0 : i32
        %broadcast_in_dim3A_693 = vector.broadcast %jit3A_691 : i32 to vector<16xi32>
        %broadcast_in_dim3A_694 = vector.broadcast %jit3A_692 : i32 to vector<16xi32>
        %select_n3A_695 = arith.select %and3A_690, %broadcast_in_dim3A_693, %broadcast_in_dim3A_694 : vector<16xi1>, vector<16xi32>
        %broadcast_in_dim3A_696 = arith.constant true
        %broadcast_in_dim3A_697 = vector.broadcast %broadcast_in_dim3A_696 : i1 to vector<16xi1>
        %masked_cumsum3A_698 = tpu.scan <sum>, %select_n3A_695 masked %broadcast_in_dim3A_697 : vector<16xi32>, vector<16xi1> -> vector<16xi32>
        %add3A_699 = arith.addi %add3A_675, %masked_cumsum3A_698 : vector<16xi32>
        %sub3A_700 = arith.constant 1 : i32
        %sub3A_701 = vector.broadcast %sub3A_700 : i32 to vector<16xi32>
        %sub3A_702 = arith.subi %add3A_699, %sub3A_701 : vector<16xi32>
        %get3A_703 = arith.index_cast %mul3A_679 : i32 to index
        %get3A_704 = tpu.vector_load %arg11[%get3A_703] {strides = array<i32>} : memref<4000xi32, #tpu.memory_space<vmem>>, vector<16xi32>,
        %mul3A_705 = arith.constant 10000 : i32
        %mul3A_706 = vector.broadcast %mul3A_705 : i32 to vector<16xi32>
        %mul3A_707 = arith.muli %get3A_704, %mul3A_706 : vector<16xi32>
        %get3A_708 = arith.index_cast %mul3A_679 : i32 to index
        %get3A_709 = tpu.vector_load %arg10[%get3A_708] {strides = array<i32>} : memref<4000xi32, #tpu.memory_space<vmem>>, vector<16xi32>,
        %add3A_710 = arith.addi %mul3A_707, %get3A_709 : vector<16xi32>
        %get3A_711 = arith.index_cast %mul3A_679 : i32 to index
        %get3A_712 = tpu.vector_load %arg13[%get3A_711] {strides = array<i32>} : memref<4000xf32, #tpu.memory_space<vmem>>, vector<16xf32>,
        %bitcast_convert_type3A_713 = tpu.bitcast %get3A_712 : vector<16xf32> -> vector<16xi32>
        %add3A_714 = arith.constant 32768 : i32
        %add3A_715 = vector.broadcast %add3A_714 : i32 to vector<16xi32>
        %add3A_716 = arith.addi %bitcast_convert_type3A_713, %add3A_715 : vector<16xi32>
        %shift_right_arithmetic3A_717 = arith.constant 16 : i32
        %shift_right_arithmetic3A_718 = vector.broadcast %shift_right_arithmetic3A_717 : i32 to vector<16xi32>
        %shift_right_arithmetic3A_719 = arith.shrsi %add3A_716, %shift_right_arithmetic3A_718 : vector<16xi32>
        %shift_left3A_720 = arith.constant 16 : i32
        %shift_left3A_721 = vector.broadcast %shift_left3A_720 : i32 to vector<16xi32>
        %shift_left3A_722 = arith.shli %shift_right_arithmetic3A_719, %shift_left3A_721 : vector<16xi32>
        %or3A_723 = arith.ori %shift_left3A_722, %shift_right_arithmetic3A_719 : vector<16xi32>
        tpu.vector_store_idx %arg18[%sub3A_702], %add3A_710 masked %and3A_690 : memref<8192xi32, #tpu.memory_space<vmem>>[vector<16xi32>], vector<16xi32>, vector<16xi1>
        tpu.vector_store_idx %arg19[%sub3A_702], %or3A_723 masked %and3A_690 : memref<8192xi32, #tpu.memory_space<vmem>>[vector<16xi32>], vector<16xi32>, vector<16xi1>
        tpu.vector_store_idx %arg20[%sub3A_702], %sub3A_683 masked %and3A_690 : memref<8192xi32, #tpu.memory_space<vmem>>[vector<16xi32>], vector<16xi32>, vector<16xi1>
        %all_reduce_population_count3A_724 = tpu.all_reduce %and3A_690 {dim = 0 : i64, kind = #tpu.reduction_kind<sum>} : vector<16xi1> -> vector<16xi32>
        %add3A_725 = arith.addi %add3A_675, %all_reduce_population_count3A_724 : vector<16xi32>
        %scan3A_726 = arith.constant 7 : i32
        %scan3A_727 = arith.addi %scan3A_376, %scan3A_726 : i32
        %mul3A_728 = arith.constant 16 : i32
        %mul3A_729 = arith.muli %scan3A_727, %mul3A_728 : i32
        %get3A_730 = arith.index_cast %mul3A_729 : i32 to index
        %get3A_731 = tpu.vector_load %arg12[%get3A_730] {strides = array<i32>} : memref<4000xi32, #tpu.memory_space<vmem>>, vector<16xi32>,
        %sub3A_732 = vector.broadcast %mul3A_2 : i32 to vector<16xi32>
        %sub3A_733 = arith.subi %get3A_731, %sub3A_732 : vector<16xi32>
        %ge3A_734 = arith.constant 0 : i32
        %ge3A_735 = vector.broadcast %ge3A_734 : i32 to vector<16xi32>
        %ge3A_736 = arith.cmpi sge, %sub3A_733, %ge3A_735 : vector<16xi32>
        %lt3A_737 = arith.constant 320 : i32
        %lt3A_738 = vector.broadcast %lt3A_737 : i32 to vector<16xi32>
        %lt3A_739 = arith.cmpi slt, %sub3A_733, %lt3A_738 : vector<16xi32>
        %and3A_740 = arith.andi %ge3A_736, %lt3A_739 : vector<16xi1>
        %jit3A_741 = arith.constant 1 : i32
        %jit3A_742 = arith.constant 0 : i32
        %broadcast_in_dim3A_743 = vector.broadcast %jit3A_741 : i32 to vector<16xi32>
        %broadcast_in_dim3A_744 = vector.broadcast %jit3A_742 : i32 to vector<16xi32>
        %select_n3A_745 = arith.select %and3A_740, %broadcast_in_dim3A_743, %broadcast_in_dim3A_744 : vector<16xi1>, vector<16xi32>
        %broadcast_in_dim3A_746 = arith.constant true
        %broadcast_in_dim3A_747 = vector.broadcast %broadcast_in_dim3A_746 : i1 to vector<16xi1>
        %masked_cumsum3A_748 = tpu.scan <sum>, %select_n3A_745 masked %broadcast_in_dim3A_747 : vector<16xi32>, vector<16xi1> -> vector<16xi32>
        %add3A_749 = arith.addi %add3A_725, %masked_cumsum3A_748 : vector<16xi32>
        %sub3A_750 = arith.constant 1 : i32
        %sub3A_751 = vector.broadcast %sub3A_750 : i32 to vector<16xi32>
        %sub3A_752 = arith.subi %add3A_749, %sub3A_751 : vector<16xi32>
        %get3A_753 = arith.index_cast %mul3A_729 : i32 to index
        %get3A_754 = tpu.vector_load %arg11[%get3A_753] {strides = array<i32>} : memref<4000xi32, #tpu.memory_space<vmem>>, vector<16xi32>,
        %mul3A_755 = arith.constant 10000 : i32
        %mul3A_756 = vector.broadcast %mul3A_755 : i32 to vector<16xi32>
        %mul3A_757 = arith.muli %get3A_754, %mul3A_756 : vector<16xi32>
        %get3A_758 = arith.index_cast %mul3A_729 : i32 to index
        %get3A_759 = tpu.vector_load %arg10[%get3A_758] {strides = array<i32>} : memref<4000xi32, #tpu.memory_space<vmem>>, vector<16xi32>,
        %add3A_760 = arith.addi %mul3A_757, %get3A_759 : vector<16xi32>
        %get3A_761 = arith.index_cast %mul3A_729 : i32 to index
        %get3A_762 = tpu.vector_load %arg13[%get3A_761] {strides = array<i32>} : memref<4000xf32, #tpu.memory_space<vmem>>, vector<16xf32>,
        %bitcast_convert_type3A_763 = tpu.bitcast %get3A_762 : vector<16xf32> -> vector<16xi32>
        %add3A_764 = arith.constant 32768 : i32
        %add3A_765 = vector.broadcast %add3A_764 : i32 to vector<16xi32>
        %add3A_766 = arith.addi %bitcast_convert_type3A_763, %add3A_765 : vector<16xi32>
        %shift_right_arithmetic3A_767 = arith.constant 16 : i32
        %shift_right_arithmetic3A_768 = vector.broadcast %shift_right_arithmetic3A_767 : i32 to vector<16xi32>
        %shift_right_arithmetic3A_769 = arith.shrsi %add3A_766, %shift_right_arithmetic3A_768 : vector<16xi32>
        %shift_left3A_770 = arith.constant 16 : i32
        %shift_left3A_771 = vector.broadcast %shift_left3A_770 : i32 to vector<16xi32>
        %shift_left3A_772 = arith.shli %shift_right_arithmetic3A_769, %shift_left3A_771 : vector<16xi32>
        %or3A_773 = arith.ori %shift_left3A_772, %shift_right_arithmetic3A_769 : vector<16xi32>
        tpu.vector_store_idx %arg18[%sub3A_752], %add3A_760 masked %and3A_740 : memref<8192xi32, #tpu.memory_space<vmem>>[vector<16xi32>], vector<16xi32>, vector<16xi1>
        tpu.vector_store_idx %arg19[%sub3A_752], %or3A_773 masked %and3A_740 : memref<8192xi32, #tpu.memory_space<vmem>>[vector<16xi32>], vector<16xi32>, vector<16xi1>
        tpu.vector_store_idx %arg20[%sub3A_752], %sub3A_733 masked %and3A_740 : memref<8192xi32, #tpu.memory_space<vmem>>[vector<16xi32>], vector<16xi32>, vector<16xi1>
        %all_reduce_population_count3A_774 = tpu.all_reduce %and3A_740 {dim = 0 : i64, kind = #tpu.reduction_kind<sum>} : vector<16xi1> -> vector<16xi32>
        %add3A_775 = arith.addi %add3A_725, %all_reduce_population_count3A_774 : vector<16xi32>
        scf.yield %add3A_775 : vector<16xi32>
      }
      %scan3A_160 = arith.constant 248 : i32
      %scan3A_161 = arith.addi %scan3A_155, %scan3A_160 : i32
      %mul3A_162 = arith.constant 16 : i32
      %mul3A_163 = arith.muli %scan3A_161, %mul3A_162 : i32
      %get3A = arith.index_cast %mul3A_163 : i32 to index
      %get3A_164 = tpu.vector_load %arg12[%get3A] {strides = array<i32>} : memref<4000xi32, #tpu.memory_space<vmem>>, vector<16xi32>,
      %sub3A_165 = vector.broadcast %mul3A_2 : i32 to vector<16xi32>
      %sub3A_166 = arith.subi %get3A_164, %sub3A_165 : vector<16xi32>
      %ge3A_167 = arith.constant 0 : i32
      %ge3A_168 = vector.broadcast %ge3A_167 : i32 to vector<16xi32>
      %ge3A_169 = arith.cmpi sge, %sub3A_166, %ge3A_168 : vector<16xi32>
      %lt3A = arith.constant 320 : i32
      %lt3A_170 = vector.broadcast %lt3A : i32 to vector<16xi32>
      %lt3A_171 = arith.cmpi slt, %sub3A_166, %lt3A_170 : vector<16xi32>
      %and3A_172 = arith.andi %ge3A_169, %lt3A_171 : vector<16xi1>
      %jit3A_173 = arith.constant 1 : i32
      %jit3A_174 = arith.constant 0 : i32
      %broadcast_in_dim3A_175 = vector.broadcast %jit3A_173 : i32 to vector<16xi32>
      %broadcast_in_dim3A_176 = vector.broadcast %jit3A_174 : i32 to vector<16xi32>
      %select_n3A_177 = arith.select %and3A_172, %broadcast_in_dim3A_175, %broadcast_in_dim3A_176 : vector<16xi1>, vector<16xi32>
      %broadcast_in_dim3A_178 = arith.constant true
      %broadcast_in_dim3A_179 = vector.broadcast %broadcast_in_dim3A_178 : i1 to vector<16xi1>
      %masked_cumsum3A = tpu.scan <sum>, %select_n3A_177 masked %broadcast_in_dim3A_179 : vector<16xi32>, vector<16xi1> -> vector<16xi32>
      %add3A_180 = arith.addi %scan3A_159, %masked_cumsum3A : vector<16xi32>
      %sub3A_181 = arith.constant 1 : i32
      %sub3A_182 = vector.broadcast %sub3A_181 : i32 to vector<16xi32>
      %sub3A_183 = arith.subi %add3A_180, %sub3A_182 : vector<16xi32>
      %get3A_184 = arith.index_cast %mul3A_163 : i32 to index
      %get3A_185 = tpu.vector_load %arg11[%get3A_184] {strides = array<i32>} : memref<4000xi32, #tpu.memory_space<vmem>>, vector<16xi32>,
      %mul3A_186 = arith.constant 10000 : i32
      %mul3A_187 = vector.broadcast %mul3A_186 : i32 to vector<16xi32>
      %mul3A_188 = arith.muli %get3A_185, %mul3A_187 : vector<16xi32>
      %get3A_189 = arith.index_cast %mul3A_163 : i32 to index
      %get3A_190 = tpu.vector_load %arg10[%get3A_189] {strides = array<i32>} : memref<4000xi32, #tpu.memory_space<vmem>>, vector<16xi32>,
      %add3A_191 = arith.addi %mul3A_188, %get3A_190 : vector<16xi32>
      %get3A_192 = arith.index_cast %mul3A_163 : i32 to index
      %get3A_193 = tpu.vector_load %arg13[%get3A_192] {strides = array<i32>} : memref<4000xf32, #tpu.memory_space<vmem>>, vector<16xf32>,
      %bitcast_convert_type3A = tpu.bitcast %get3A_193 : vector<16xf32> -> vector<16xi32>
      %add3A_194 = arith.constant 32768 : i32
      %add3A_195 = vector.broadcast %add3A_194 : i32 to vector<16xi32>
      %add3A_196 = arith.addi %bitcast_convert_type3A, %add3A_195 : vector<16xi32>
      %shift_right_arithmetic3A = arith.constant 16 : i32
      %shift_right_arithmetic3A_197 = vector.broadcast %shift_right_arithmetic3A : i32 to vector<16xi32>
      %shift_right_arithmetic3A_198 = arith.shrsi %add3A_196, %shift_right_arithmetic3A_197 : vector<16xi32>
      %shift_left3A = arith.constant 16 : i32
      %shift_left3A_199 = vector.broadcast %shift_left3A : i32 to vector<16xi32>
      %shift_left3A_200 = arith.shli %shift_right_arithmetic3A_198, %shift_left3A_199 : vector<16xi32>
      %or3A = arith.ori %shift_left3A_200, %shift_right_arithmetic3A_198 : vector<16xi32>
      tpu.vector_store_idx %arg18[%sub3A_183], %add3A_191 masked %and3A_172 : memref<8192xi32, #tpu.memory_space<vmem>>[vector<16xi32>], vector<16xi32>, vector<16xi1>
      tpu.vector_store_idx %arg19[%sub3A_183], %or3A masked %and3A_172 : memref<8192xi32, #tpu.memory_space<vmem>>[vector<16xi32>], vector<16xi32>, vector<16xi1>
      tpu.vector_store_idx %arg20[%sub3A_183], %sub3A_166 masked %and3A_172 : memref<8192xi32, #tpu.memory_space<vmem>>[vector<16xi32>], vector<16xi32>, vector<16xi1>
      %all_reduce_population_count3A = tpu.all_reduce %and3A_172 {dim = 0 : i64, kind = #tpu.reduction_kind<sum>} : vector<16xi1> -> vector<16xi32>
      %add3A_201 = arith.addi %scan3A_159, %all_reduce_population_count3A : vector<16xi32>
      %scan3A_202 = arith.constant 249 : i32
      %scan3A_203 = arith.addi %scan3A_155, %scan3A_202 : i32
      %mul3A_204 = arith.constant 16 : i32
      %mul3A_205 = arith.muli %scan3A_203, %mul3A_204 : i32
      %get3A_206 = arith.index_cast %mul3A_205 : i32 to index
      %get3A_207 = tpu.vector_load %arg12[%get3A_206] {strides = array<i32>} : memref<4000xi32, #tpu.memory_space<vmem>>, vector<16xi32>,
      %sub3A_208 = vector.broadcast %mul3A_2 : i32 to vector<16xi32>
      %sub3A_209 = arith.subi %get3A_207, %sub3A_208 : vector<16xi32>
      %ge3A_210 = arith.constant 0 : i32
      %ge3A_211 = vector.broadcast %ge3A_210 : i32 to vector<16xi32>
      %ge3A_212 = arith.cmpi sge, %sub3A_209, %ge3A_211 : vector<16xi32>
      %lt3A_213 = arith.constant 320 : i32
      %lt3A_214 = vector.broadcast %lt3A_213 : i32 to vector<16xi32>
      %lt3A_215 = arith.cmpi slt, %sub3A_209, %lt3A_214 : vector<16xi32>
      %and3A_216 = arith.andi %ge3A_212, %lt3A_215 : vector<16xi1>
      %jit3A_217 = arith.constant 1 : i32
      %jit3A_218 = arith.constant 0 : i32
      %broadcast_in_dim3A_219 = vector.broadcast %jit3A_217 : i32 to vector<16xi32>
      %broadcast_in_dim3A_220 = vector.broadcast %jit3A_218 : i32 to vector<16xi32>
      %select_n3A_221 = arith.select %and3A_216, %broadcast_in_dim3A_219, %broadcast_in_dim3A_220 : vector<16xi1>, vector<16xi32>
      %broadcast_in_dim3A_222 = arith.constant true
      %broadcast_in_dim3A_223 = vector.broadcast %broadcast_in_dim3A_222 : i1 to vector<16xi1>
      %masked_cumsum3A_224 = tpu.scan <sum>, %select_n3A_221 masked %broadcast_in_dim3A_223 : vector<16xi32>, vector<16xi1> -> vector<16xi32>
      %add3A_225 = arith.addi %add3A_201, %masked_cumsum3A_224 : vector<16xi32>
      %sub3A_226 = arith.constant 1 : i32
      %sub3A_227 = vector.broadcast %sub3A_226 : i32 to vector<16xi32>
      %sub3A_228 = arith.subi %add3A_225, %sub3A_227 : vector<16xi32>
      %get3A_229 = arith.index_cast %mul3A_205 : i32 to index
      %get3A_230 = tpu.vector_load %arg11[%get3A_229] {strides = array<i32>} : memref<4000xi32, #tpu.memory_space<vmem>>, vector<16xi32>,
      %mul3A_231 = arith.constant 10000 : i32
      %mul3A_232 = vector.broadcast %mul3A_231 : i32 to vector<16xi32>
      %mul3A_233 = arith.muli %get3A_230, %mul3A_232 : vector<16xi32>
      %get3A_234 = arith.index_cast %mul3A_205 : i32 to index
      %get3A_235 = tpu.vector_load %arg10[%get3A_234] {strides = array<i32>} : memref<4000xi32, #tpu.memory_space<vmem>>, vector<16xi32>,
      %add3A_236 = arith.addi %mul3A_233, %get3A_235 : vector<16xi32>
      %get3A_237 = arith.index_cast %mul3A_205 : i32 to index
      %get3A_238 = tpu.vector_load %arg13[%get3A_237] {strides = array<i32>} : memref<4000xf32, #tpu.memory_space<vmem>>, vector<16xf32>,
      %bitcast_convert_type3A_239 = tpu.bitcast %get3A_238 : vector<16xf32> -> vector<16xi32>
      %add3A_240 = arith.constant 32768 : i32
      %add3A_241 = vector.broadcast %add3A_240 : i32 to vector<16xi32>
      %add3A_242 = arith.addi %bitcast_convert_type3A_239, %add3A_241 : vector<16xi32>
      %shift_right_arithmetic3A_243 = arith.constant 16 : i32
      %shift_right_arithmetic3A_244 = vector.broadcast %shift_right_arithmetic3A_243 : i32 to vector<16xi32>
      %shift_right_arithmetic3A_245 = arith.shrsi %add3A_242, %shift_right_arithmetic3A_244 : vector<16xi32>
      %shift_left3A_246 = arith.constant 16 : i32
      %shift_left3A_247 = vector.broadcast %shift_left3A_246 : i32 to vector<16xi32>
      %shift_left3A_248 = arith.shli %shift_right_arithmetic3A_245, %shift_left3A_247 : vector<16xi32>
      %or3A_249 = arith.ori %shift_left3A_248, %shift_right_arithmetic3A_245 : vector<16xi32>
      tpu.vector_store_idx %arg18[%sub3A_228], %add3A_236 masked %and3A_216 : memref<8192xi32, #tpu.memory_space<vmem>>[vector<16xi32>], vector<16xi32>, vector<16xi1>
      tpu.vector_store_idx %arg19[%sub3A_228], %or3A_249 masked %and3A_216 : memref<8192xi32, #tpu.memory_space<vmem>>[vector<16xi32>], vector<16xi32>, vector<16xi1>
      tpu.vector_store_idx %arg20[%sub3A_228], %sub3A_209 masked %and3A_216 : memref<8192xi32, #tpu.memory_space<vmem>>[vector<16xi32>], vector<16xi32>, vector<16xi1>
      %all_reduce_population_count3A_250 = tpu.all_reduce %and3A_216 {dim = 0 : i64, kind = #tpu.reduction_kind<sum>} : vector<16xi1> -> vector<16xi32>
      %add3A_251 = arith.addi %add3A_201, %all_reduce_population_count3A_250 : vector<16xi32>
      %scan3A_252 = arith.constant 250 : i32
      %add3A_253 = arith.constant 2 : i32
      %add3A_254 = arith.addi %mul3A_133, %add3A_253 : i32
      %lt3A_255 = arith.constant 40 : i32
      %lt3A_256 = arith.cmpi slt, %add3A_254, %lt3A_255 : i32
      %convert_element_type3A = arith.extui %lt3A_256 : i1 to i32
      %cond3A = arith.constant 0 : i32
      %cond3A_257 = arith.cmpi ne, %convert_element_type3A, %cond3A : i32
      scf.if %cond3A_257 {
        %add3A_376 = arith.constant 2 : i32
        %add3A_377 = arith.addi %mul3A_133, %add3A_376 : i32
        %mul3A_378 = arith.constant 4000 : i32
        %mul3A_379 = arith.muli %add3A_377, %mul3A_378 : i32
        %dma_start3A_380 = tpu.memref_slice %arg2[%mul3A_379] : memref<160000xi32, #tpu.memory_space<hbm>> -> memref<4000xi32, #tpu.memory_space<hbm>>
        %dma_start3A_381 = tpu.memref_slice %arg2[%mul3A_379] : memref<160000xi32, #tpu.memory_space<hbm>> -> memref<4000xi32, #tpu.memory_space<hbm>>
        tpu.enqueue_dma source(%dma_start3A_381 : memref<4000xi32, #tpu.memory_space<hbm>>) target(%arg10 : memref<4000xi32, #tpu.memory_space<vmem>>) target_semaphore(%arg22 : memref<!tpu.dma_semaphore, #tpu.memory_space<semaphore_mem>>)
        %dma_start3A_382 = tpu.memref_slice %arg3[%mul3A_379] : memref<160000xi32, #tpu.memory_space<hbm>> -> memref<4000xi32, #tpu.memory_space<hbm>>
        %dma_start3A_383 = tpu.memref_slice %arg3[%mul3A_379] : memref<160000xi32, #tpu.memory_space<hbm>> -> memref<4000xi32, #tpu.memory_space<hbm>>
        tpu.enqueue_dma source(%dma_start3A_383 : memref<4000xi32, #tpu.memory_space<hbm>>) target(%arg11 : memref<4000xi32, #tpu.memory_space<vmem>>) target_semaphore(%arg22 : memref<!tpu.dma_semaphore, #tpu.memory_space<semaphore_mem>>)
        %dma_start3A_384 = tpu.memref_slice %arg4[%mul3A_379] : memref<160000xi32, #tpu.memory_space<hbm>> -> memref<4000xi32, #tpu.memory_space<hbm>>
        %dma_start3A_385 = tpu.memref_slice %arg4[%mul3A_379] : memref<160000xi32, #tpu.memory_space<hbm>> -> memref<4000xi32, #tpu.memory_space<hbm>>
        tpu.enqueue_dma source(%dma_start3A_385 : memref<4000xi32, #tpu.memory_space<hbm>>) target(%arg12 : memref<4000xi32, #tpu.memory_space<vmem>>) target_semaphore(%arg22 : memref<!tpu.dma_semaphore, #tpu.memory_space<semaphore_mem>>)
        %dma_start3A_386 = tpu.memref_slice %arg5[%mul3A_379] : memref<160000xf32, #tpu.memory_space<hbm>> -> memref<4000xf32, #tpu.memory_space<hbm>>
        %dma_start3A_387 = tpu.memref_slice %arg5[%mul3A_379] : memref<160000xf32, #tpu.memory_space<hbm>> -> memref<4000xf32, #tpu.memory_space<hbm>>
        tpu.enqueue_dma source(%dma_start3A_387 : memref<4000xf32, #tpu.memory_space<hbm>>) target(%arg13 : memref<4000xf32, #tpu.memory_space<vmem>>) target_semaphore(%arg22 : memref<!tpu.dma_semaphore, #tpu.memory_space<semaphore_mem>>)
      } else {
      }
      %add3A_258 = arith.constant 1 : i32
      %add3A_259 = arith.addi %mul3A_133, %add3A_258 : i32
      %mul3A_260 = arith.constant 4000 : i32
      %mul3A_261 = arith.muli %add3A_259, %mul3A_260 : i32
      %dma_wait3A_262 = tpu.memref_slice %arg2[%mul3A_261] : memref<160000xi32, #tpu.memory_space<hbm>> -> memref<4000xi32, #tpu.memory_space<hbm>>
      %dma_wait3A_263 = tpu.memref_slice %arg2[%mul3A_261] : memref<160000xi32, #tpu.memory_space<hbm>> -> memref<4000xi32, #tpu.memory_space<hbm>>
      tpu.wait_dma2 semaphore(%arg23 : memref<!tpu.dma_semaphore, #tpu.memory_space<semaphore_mem>>) src(%dma_wait3A_263 : memref<4000xi32, #tpu.memory_space<hbm>>) dst(%arg14 : memref<4000xi32, #tpu.memory_space<vmem>>)
      %dma_wait3A_264 = tpu.memref_slice %arg3[%mul3A_261] : memref<160000xi32, #tpu.memory_space<hbm>> -> memref<4000xi32, #tpu.memory_space<hbm>>
      %dma_wait3A_265 = tpu.memref_slice %arg3[%mul3A_261] : memref<160000xi32, #tpu.memory_space<hbm>> -> memref<4000xi32, #tpu.memory_space<hbm>>
      tpu.wait_dma2 semaphore(%arg23 : memref<!tpu.dma_semaphore, #tpu.memory_space<semaphore_mem>>) src(%dma_wait3A_265 : memref<4000xi32, #tpu.memory_space<hbm>>) dst(%arg15 : memref<4000xi32, #tpu.memory_space<vmem>>)
      %dma_wait3A_266 = tpu.memref_slice %arg4[%mul3A_261] : memref<160000xi32, #tpu.memory_space<hbm>> -> memref<4000xi32, #tpu.memory_space<hbm>>
      %dma_wait3A_267 = tpu.memref_slice %arg4[%mul3A_261] : memref<160000xi32, #tpu.memory_space<hbm>> -> memref<4000xi32, #tpu.memory_space<hbm>>
      tpu.wait_dma2 semaphore(%arg23 : memref<!tpu.dma_semaphore, #tpu.memory_space<semaphore_mem>>) src(%dma_wait3A_267 : memref<4000xi32, #tpu.memory_space<hbm>>) dst(%arg16 : memref<4000xi32, #tpu.memory_space<vmem>>)
      %dma_wait3A_268 = tpu.memref_slice %arg5[%mul3A_261] : memref<160000xf32, #tpu.memory_space<hbm>> -> memref<4000xf32, #tpu.memory_space<hbm>>
      %dma_wait3A_269 = tpu.memref_slice %arg5[%mul3A_261] : memref<160000xf32, #tpu.memory_space<hbm>> -> memref<4000xf32, #tpu.memory_space<hbm>>
      tpu.wait_dma2 semaphore(%arg23 : memref<!tpu.dma_semaphore, #tpu.memory_space<semaphore_mem>>) src(%dma_wait3A_269 : memref<4000xf32, #tpu.memory_space<hbm>>) dst(%arg17 : memref<4000xf32, #tpu.memory_space<vmem>>)
      %scan3A_270 = arith.constant 0 : i32
      %scan3A_271 = arith.constant 248 : i32
      %scan3A_272 = arith.addi %scan3A_270, %scan3A_271 : i32
      %scan3A_273 = arith.constant 8 : i32
      %scan3A_274 = scf.for %scan3A_376 = %scan3A_270 to %scan3A_272 step %scan3A_273 iter_args(%scan3A_377 = %add3A_251) -> (vector<16xi32>)  : i32 {
        %mul3A_378 = arith.constant 16 : i32
        %mul3A_379 = arith.muli %scan3A_376, %mul3A_378 : i32
        %get3A_380 = arith.index_cast %mul3A_379 : i32 to index
        %get3A_381 = tpu.vector_load %arg16[%get3A_380] {strides = array<i32>} : memref<4000xi32, #tpu.memory_space<vmem>>, vector<16xi32>,
        %sub3A_382 = vector.broadcast %mul3A_2 : i32 to vector<16xi32>
        %sub3A_383 = arith.subi %get3A_381, %sub3A_382 : vector<16xi32>
        %ge3A_384 = arith.constant 0 : i32
        %ge3A_385 = vector.broadcast %ge3A_384 : i32 to vector<16xi32>
        %ge3A_386 = arith.cmpi sge, %sub3A_383, %ge3A_385 : vector<16xi32>
        %lt3A_387 = arith.constant 320 : i32
        %lt3A_388 = vector.broadcast %lt3A_387 : i32 to vector<16xi32>
        %lt3A_389 = arith.cmpi slt, %sub3A_383, %lt3A_388 : vector<16xi32>
        %and3A_390 = arith.andi %ge3A_386, %lt3A_389 : vector<16xi1>
        %jit3A_391 = arith.constant 1 : i32
        %jit3A_392 = arith.constant 0 : i32
        %broadcast_in_dim3A_393 = vector.broadcast %jit3A_391 : i32 to vector<16xi32>
        %broadcast_in_dim3A_394 = vector.broadcast %jit3A_392 : i32 to vector<16xi32>
        %select_n3A_395 = arith.select %and3A_390, %broadcast_in_dim3A_393, %broadcast_in_dim3A_394 : vector<16xi1>, vector<16xi32>
        %broadcast_in_dim3A_396 = arith.constant true
        %broadcast_in_dim3A_397 = vector.broadcast %broadcast_in_dim3A_396 : i1 to vector<16xi1>
        %masked_cumsum3A_398 = tpu.scan <sum>, %select_n3A_395 masked %broadcast_in_dim3A_397 : vector<16xi32>, vector<16xi1> -> vector<16xi32>
        %add3A_399 = arith.addi %scan3A_377, %masked_cumsum3A_398 : vector<16xi32>
        %sub3A_400 = arith.constant 1 : i32
        %sub3A_401 = vector.broadcast %sub3A_400 : i32 to vector<16xi32>
        %sub3A_402 = arith.subi %add3A_399, %sub3A_401 : vector<16xi32>
        %get3A_403 = arith.index_cast %mul3A_379 : i32 to index
        %get3A_404 = tpu.vector_load %arg15[%get3A_403] {strides = array<i32>} : memref<4000xi32, #tpu.memory_space<vmem>>, vector<16xi32>,
        %mul3A_405 = arith.constant 10000 : i32
        %mul3A_406 = vector.broadcast %mul3A_405 : i32 to vector<16xi32>
        %mul3A_407 = arith.muli %get3A_404, %mul3A_406 : vector<16xi32>
        %get3A_408 = arith.index_cast %mul3A_379 : i32 to index
        %get3A_409 = tpu.vector_load %arg14[%get3A_408] {strides = array<i32>} : memref<4000xi32, #tpu.memory_space<vmem>>, vector<16xi32>,
        %add3A_410 = arith.addi %mul3A_407, %get3A_409 : vector<16xi32>
        %get3A_411 = arith.index_cast %mul3A_379 : i32 to index
        %get3A_412 = tpu.vector_load %arg17[%get3A_411] {strides = array<i32>} : memref<4000xf32, #tpu.memory_space<vmem>>, vector<16xf32>,
        %bitcast_convert_type3A_413 = tpu.bitcast %get3A_412 : vector<16xf32> -> vector<16xi32>
        %add3A_414 = arith.constant 32768 : i32
        %add3A_415 = vector.broadcast %add3A_414 : i32 to vector<16xi32>
        %add3A_416 = arith.addi %bitcast_convert_type3A_413, %add3A_415 : vector<16xi32>
        %shift_right_arithmetic3A_417 = arith.constant 16 : i32
        %shift_right_arithmetic3A_418 = vector.broadcast %shift_right_arithmetic3A_417 : i32 to vector<16xi32>
        %shift_right_arithmetic3A_419 = arith.shrsi %add3A_416, %shift_right_arithmetic3A_418 : vector<16xi32>
        %shift_left3A_420 = arith.constant 16 : i32
        %shift_left3A_421 = vector.broadcast %shift_left3A_420 : i32 to vector<16xi32>
        %shift_left3A_422 = arith.shli %shift_right_arithmetic3A_419, %shift_left3A_421 : vector<16xi32>
        %or3A_423 = arith.ori %shift_left3A_422, %shift_right_arithmetic3A_419 : vector<16xi32>
        tpu.vector_store_idx %arg18[%sub3A_402], %add3A_410 masked %and3A_390 : memref<8192xi32, #tpu.memory_space<vmem>>[vector<16xi32>], vector<16xi32>, vector<16xi1>
        tpu.vector_store_idx %arg19[%sub3A_402], %or3A_423 masked %and3A_390 : memref<8192xi32, #tpu.memory_space<vmem>>[vector<16xi32>], vector<16xi32>, vector<16xi1>
        tpu.vector_store_idx %arg20[%sub3A_402], %sub3A_383 masked %and3A_390 : memref<8192xi32, #tpu.memory_space<vmem>>[vector<16xi32>], vector<16xi32>, vector<16xi1>
        %all_reduce_population_count3A_424 = tpu.all_reduce %and3A_390 {dim = 0 : i64, kind = #tpu.reduction_kind<sum>} : vector<16xi1> -> vector<16xi32>
        %add3A_425 = arith.addi %scan3A_377, %all_reduce_population_count3A_424 : vector<16xi32>
        %scan3A_426 = arith.constant 1 : i32
        %scan3A_427 = arith.addi %scan3A_376, %scan3A_426 : i32
        %mul3A_428 = arith.constant 16 : i32
        %mul3A_429 = arith.muli %scan3A_427, %mul3A_428 : i32
        %get3A_430 = arith.index_cast %mul3A_429 : i32 to index
        %get3A_431 = tpu.vector_load %arg16[%get3A_430] {strides = array<i32>} : memref<4000xi32, #tpu.memory_space<vmem>>, vector<16xi32>,
        %sub3A_432 = vector.broadcast %mul3A_2 : i32 to vector<16xi32>
        %sub3A_433 = arith.subi %get3A_431, %sub3A_432 : vector<16xi32>
        %ge3A_434 = arith.constant 0 : i32
        %ge3A_435 = vector.broadcast %ge3A_434 : i32 to vector<16xi32>
        %ge3A_436 = arith.cmpi sge, %sub3A_433, %ge3A_435 : vector<16xi32>
        %lt3A_437 = arith.constant 320 : i32
        %lt3A_438 = vector.broadcast %lt3A_437 : i32 to vector<16xi32>
        %lt3A_439 = arith.cmpi slt, %sub3A_433, %lt3A_438 : vector<16xi32>
        %and3A_440 = arith.andi %ge3A_436, %lt3A_439 : vector<16xi1>
        %jit3A_441 = arith.constant 1 : i32
        %jit3A_442 = arith.constant 0 : i32
        %broadcast_in_dim3A_443 = vector.broadcast %jit3A_441 : i32 to vector<16xi32>
        %broadcast_in_dim3A_444 = vector.broadcast %jit3A_442 : i32 to vector<16xi32>
        %select_n3A_445 = arith.select %and3A_440, %broadcast_in_dim3A_443, %broadcast_in_dim3A_444 : vector<16xi1>, vector<16xi32>
        %broadcast_in_dim3A_446 = arith.constant true
        %broadcast_in_dim3A_447 = vector.broadcast %broadcast_in_dim3A_446 : i1 to vector<16xi1>
        %masked_cumsum3A_448 = tpu.scan <sum>, %select_n3A_445 masked %broadcast_in_dim3A_447 : vector<16xi32>, vector<16xi1> -> vector<16xi32>
        %add3A_449 = arith.addi %add3A_425, %masked_cumsum3A_448 : vector<16xi32>
        %sub3A_450 = arith.constant 1 : i32
        %sub3A_451 = vector.broadcast %sub3A_450 : i32 to vector<16xi32>
        %sub3A_452 = arith.subi %add3A_449, %sub3A_451 : vector<16xi32>
        %get3A_453 = arith.index_cast %mul3A_429 : i32 to index
        %get3A_454 = tpu.vector_load %arg15[%get3A_453] {strides = array<i32>} : memref<4000xi32, #tpu.memory_space<vmem>>, vector<16xi32>,
        %mul3A_455 = arith.constant 10000 : i32
        %mul3A_456 = vector.broadcast %mul3A_455 : i32 to vector<16xi32>
        %mul3A_457 = arith.muli %get3A_454, %mul3A_456 : vector<16xi32>
        %get3A_458 = arith.index_cast %mul3A_429 : i32 to index
        %get3A_459 = tpu.vector_load %arg14[%get3A_458] {strides = array<i32>} : memref<4000xi32, #tpu.memory_space<vmem>>, vector<16xi32>,
        %add3A_460 = arith.addi %mul3A_457, %get3A_459 : vector<16xi32>
        %get3A_461 = arith.index_cast %mul3A_429 : i32 to index
        %get3A_462 = tpu.vector_load %arg17[%get3A_461] {strides = array<i32>} : memref<4000xf32, #tpu.memory_space<vmem>>, vector<16xf32>,
        %bitcast_convert_type3A_463 = tpu.bitcast %get3A_462 : vector<16xf32> -> vector<16xi32>
        %add3A_464 = arith.constant 32768 : i32
        %add3A_465 = vector.broadcast %add3A_464 : i32 to vector<16xi32>
        %add3A_466 = arith.addi %bitcast_convert_type3A_463, %add3A_465 : vector<16xi32>
        %shift_right_arithmetic3A_467 = arith.constant 16 : i32
        %shift_right_arithmetic3A_468 = vector.broadcast %shift_right_arithmetic3A_467 : i32 to vector<16xi32>
        %shift_right_arithmetic3A_469 = arith.shrsi %add3A_466, %shift_right_arithmetic3A_468 : vector<16xi32>
        %shift_left3A_470 = arith.constant 16 : i32
        %shift_left3A_471 = vector.broadcast %shift_left3A_470 : i32 to vector<16xi32>
        %shift_left3A_472 = arith.shli %shift_right_arithmetic3A_469, %shift_left3A_471 : vector<16xi32>
        %or3A_473 = arith.ori %shift_left3A_472, %shift_right_arithmetic3A_469 : vector<16xi32>
        tpu.vector_store_idx %arg18[%sub3A_452], %add3A_460 masked %and3A_440 : memref<8192xi32, #tpu.memory_space<vmem>>[vector<16xi32>], vector<16xi32>, vector<16xi1>
        tpu.vector_store_idx %arg19[%sub3A_452], %or3A_473 masked %and3A_440 : memref<8192xi32, #tpu.memory_space<vmem>>[vector<16xi32>], vector<16xi32>, vector<16xi1>
        tpu.vector_store_idx %arg20[%sub3A_452], %sub3A_433 masked %and3A_440 : memref<8192xi32, #tpu.memory_space<vmem>>[vector<16xi32>], vector<16xi32>, vector<16xi1>
        %all_reduce_population_count3A_474 = tpu.all_reduce %and3A_440 {dim = 0 : i64, kind = #tpu.reduction_kind<sum>} : vector<16xi1> -> vector<16xi32>
        %add3A_475 = arith.addi %add3A_425, %all_reduce_population_count3A_474 : vector<16xi32>
        %scan3A_476 = arith.constant 2 : i32
        %scan3A_477 = arith.addi %scan3A_376, %scan3A_476 : i32
        %mul3A_478 = arith.constant 16 : i32
        %mul3A_479 = arith.muli %scan3A_477, %mul3A_478 : i32
        %get3A_480 = arith.index_cast %mul3A_479 : i32 to index
        %get3A_481 = tpu.vector_load %arg16[%get3A_480] {strides = array<i32>} : memref<4000xi32, #tpu.memory_space<vmem>>, vector<16xi32>,
        %sub3A_482 = vector.broadcast %mul3A_2 : i32 to vector<16xi32>
        %sub3A_483 = arith.subi %get3A_481, %sub3A_482 : vector<16xi32>
        %ge3A_484 = arith.constant 0 : i32
        %ge3A_485 = vector.broadcast %ge3A_484 : i32 to vector<16xi32>
        %ge3A_486 = arith.cmpi sge, %sub3A_483, %ge3A_485 : vector<16xi32>
        %lt3A_487 = arith.constant 320 : i32
        %lt3A_488 = vector.broadcast %lt3A_487 : i32 to vector<16xi32>
        %lt3A_489 = arith.cmpi slt, %sub3A_483, %lt3A_488 : vector<16xi32>
        %and3A_490 = arith.andi %ge3A_486, %lt3A_489 : vector<16xi1>
        %jit3A_491 = arith.constant 1 : i32
        %jit3A_492 = arith.constant 0 : i32
        %broadcast_in_dim3A_493 = vector.broadcast %jit3A_491 : i32 to vector<16xi32>
        %broadcast_in_dim3A_494 = vector.broadcast %jit3A_492 : i32 to vector<16xi32>
        %select_n3A_495 = arith.select %and3A_490, %broadcast_in_dim3A_493, %broadcast_in_dim3A_494 : vector<16xi1>, vector<16xi32>
        %broadcast_in_dim3A_496 = arith.constant true
        %broadcast_in_dim3A_497 = vector.broadcast %broadcast_in_dim3A_496 : i1 to vector<16xi1>
        %masked_cumsum3A_498 = tpu.scan <sum>, %select_n3A_495 masked %broadcast_in_dim3A_497 : vector<16xi32>, vector<16xi1> -> vector<16xi32>
        %add3A_499 = arith.addi %add3A_475, %masked_cumsum3A_498 : vector<16xi32>
        %sub3A_500 = arith.constant 1 : i32
        %sub3A_501 = vector.broadcast %sub3A_500 : i32 to vector<16xi32>
        %sub3A_502 = arith.subi %add3A_499, %sub3A_501 : vector<16xi32>
        %get3A_503 = arith.index_cast %mul3A_479 : i32 to index
        %get3A_504 = tpu.vector_load %arg15[%get3A_503] {strides = array<i32>} : memref<4000xi32, #tpu.memory_space<vmem>>, vector<16xi32>,
        %mul3A_505 = arith.constant 10000 : i32
        %mul3A_506 = vector.broadcast %mul3A_505 : i32 to vector<16xi32>
        %mul3A_507 = arith.muli %get3A_504, %mul3A_506 : vector<16xi32>
        %get3A_508 = arith.index_cast %mul3A_479 : i32 to index
        %get3A_509 = tpu.vector_load %arg14[%get3A_508] {strides = array<i32>} : memref<4000xi32, #tpu.memory_space<vmem>>, vector<16xi32>,
        %add3A_510 = arith.addi %mul3A_507, %get3A_509 : vector<16xi32>
        %get3A_511 = arith.index_cast %mul3A_479 : i32 to index
        %get3A_512 = tpu.vector_load %arg17[%get3A_511] {strides = array<i32>} : memref<4000xf32, #tpu.memory_space<vmem>>, vector<16xf32>,
        %bitcast_convert_type3A_513 = tpu.bitcast %get3A_512 : vector<16xf32> -> vector<16xi32>
        %add3A_514 = arith.constant 32768 : i32
        %add3A_515 = vector.broadcast %add3A_514 : i32 to vector<16xi32>
        %add3A_516 = arith.addi %bitcast_convert_type3A_513, %add3A_515 : vector<16xi32>
        %shift_right_arithmetic3A_517 = arith.constant 16 : i32
        %shift_right_arithmetic3A_518 = vector.broadcast %shift_right_arithmetic3A_517 : i32 to vector<16xi32>
        %shift_right_arithmetic3A_519 = arith.shrsi %add3A_516, %shift_right_arithmetic3A_518 : vector<16xi32>
        %shift_left3A_520 = arith.constant 16 : i32
        %shift_left3A_521 = vector.broadcast %shift_left3A_520 : i32 to vector<16xi32>
        %shift_left3A_522 = arith.shli %shift_right_arithmetic3A_519, %shift_left3A_521 : vector<16xi32>
        %or3A_523 = arith.ori %shift_left3A_522, %shift_right_arithmetic3A_519 : vector<16xi32>
        tpu.vector_store_idx %arg18[%sub3A_502], %add3A_510 masked %and3A_490 : memref<8192xi32, #tpu.memory_space<vmem>>[vector<16xi32>], vector<16xi32>, vector<16xi1>
        tpu.vector_store_idx %arg19[%sub3A_502], %or3A_523 masked %and3A_490 : memref<8192xi32, #tpu.memory_space<vmem>>[vector<16xi32>], vector<16xi32>, vector<16xi1>
        tpu.vector_store_idx %arg20[%sub3A_502], %sub3A_483 masked %and3A_490 : memref<8192xi32, #tpu.memory_space<vmem>>[vector<16xi32>], vector<16xi32>, vector<16xi1>
        %all_reduce_population_count3A_524 = tpu.all_reduce %and3A_490 {dim = 0 : i64, kind = #tpu.reduction_kind<sum>} : vector<16xi1> -> vector<16xi32>
        %add3A_525 = arith.addi %add3A_475, %all_reduce_population_count3A_524 : vector<16xi32>
        %scan3A_526 = arith.constant 3 : i32
        %scan3A_527 = arith.addi %scan3A_376, %scan3A_526 : i32
        %mul3A_528 = arith.constant 16 : i32
        %mul3A_529 = arith.muli %scan3A_527, %mul3A_528 : i32
        %get3A_530 = arith.index_cast %mul3A_529 : i32 to index
        %get3A_531 = tpu.vector_load %arg16[%get3A_530] {strides = array<i32>} : memref<4000xi32, #tpu.memory_space<vmem>>, vector<16xi32>,
        %sub3A_532 = vector.broadcast %mul3A_2 : i32 to vector<16xi32>
        %sub3A_533 = arith.subi %get3A_531, %sub3A_532 : vector<16xi32>
        %ge3A_534 = arith.constant 0 : i32
        %ge3A_535 = vector.broadcast %ge3A_534 : i32 to vector<16xi32>
        %ge3A_536 = arith.cmpi sge, %sub3A_533, %ge3A_535 : vector<16xi32>
        %lt3A_537 = arith.constant 320 : i32
        %lt3A_538 = vector.broadcast %lt3A_537 : i32 to vector<16xi32>
        %lt3A_539 = arith.cmpi slt, %sub3A_533, %lt3A_538 : vector<16xi32>
        %and3A_540 = arith.andi %ge3A_536, %lt3A_539 : vector<16xi1>
        %jit3A_541 = arith.constant 1 : i32
        %jit3A_542 = arith.constant 0 : i32
        %broadcast_in_dim3A_543 = vector.broadcast %jit3A_541 : i32 to vector<16xi32>
        %broadcast_in_dim3A_544 = vector.broadcast %jit3A_542 : i32 to vector<16xi32>
        %select_n3A_545 = arith.select %and3A_540, %broadcast_in_dim3A_543, %broadcast_in_dim3A_544 : vector<16xi1>, vector<16xi32>
        %broadcast_in_dim3A_546 = arith.constant true
        %broadcast_in_dim3A_547 = vector.broadcast %broadcast_in_dim3A_546 : i1 to vector<16xi1>
        %masked_cumsum3A_548 = tpu.scan <sum>, %select_n3A_545 masked %broadcast_in_dim3A_547 : vector<16xi32>, vector<16xi1> -> vector<16xi32>
        %add3A_549 = arith.addi %add3A_525, %masked_cumsum3A_548 : vector<16xi32>
        %sub3A_550 = arith.constant 1 : i32
        %sub3A_551 = vector.broadcast %sub3A_550 : i32 to vector<16xi32>
        %sub3A_552 = arith.subi %add3A_549, %sub3A_551 : vector<16xi32>
        %get3A_553 = arith.index_cast %mul3A_529 : i32 to index
        %get3A_554 = tpu.vector_load %arg15[%get3A_553] {strides = array<i32>} : memref<4000xi32, #tpu.memory_space<vmem>>, vector<16xi32>,
        %mul3A_555 = arith.constant 10000 : i32
        %mul3A_556 = vector.broadcast %mul3A_555 : i32 to vector<16xi32>
        %mul3A_557 = arith.muli %get3A_554, %mul3A_556 : vector<16xi32>
        %get3A_558 = arith.index_cast %mul3A_529 : i32 to index
        %get3A_559 = tpu.vector_load %arg14[%get3A_558] {strides = array<i32>} : memref<4000xi32, #tpu.memory_space<vmem>>, vector<16xi32>,
        %add3A_560 = arith.addi %mul3A_557, %get3A_559 : vector<16xi32>
        %get3A_561 = arith.index_cast %mul3A_529 : i32 to index
        %get3A_562 = tpu.vector_load %arg17[%get3A_561] {strides = array<i32>} : memref<4000xf32, #tpu.memory_space<vmem>>, vector<16xf32>,
        %bitcast_convert_type3A_563 = tpu.bitcast %get3A_562 : vector<16xf32> -> vector<16xi32>
        %add3A_564 = arith.constant 32768 : i32
        %add3A_565 = vector.broadcast %add3A_564 : i32 to vector<16xi32>
        %add3A_566 = arith.addi %bitcast_convert_type3A_563, %add3A_565 : vector<16xi32>
        %shift_right_arithmetic3A_567 = arith.constant 16 : i32
        %shift_right_arithmetic3A_568 = vector.broadcast %shift_right_arithmetic3A_567 : i32 to vector<16xi32>
        %shift_right_arithmetic3A_569 = arith.shrsi %add3A_566, %shift_right_arithmetic3A_568 : vector<16xi32>
        %shift_left3A_570 = arith.constant 16 : i32
        %shift_left3A_571 = vector.broadcast %shift_left3A_570 : i32 to vector<16xi32>
        %shift_left3A_572 = arith.shli %shift_right_arithmetic3A_569, %shift_left3A_571 : vector<16xi32>
        %or3A_573 = arith.ori %shift_left3A_572, %shift_right_arithmetic3A_569 : vector<16xi32>
        tpu.vector_store_idx %arg18[%sub3A_552], %add3A_560 masked %and3A_540 : memref<8192xi32, #tpu.memory_space<vmem>>[vector<16xi32>], vector<16xi32>, vector<16xi1>
        tpu.vector_store_idx %arg19[%sub3A_552], %or3A_573 masked %and3A_540 : memref<8192xi32, #tpu.memory_space<vmem>>[vector<16xi32>], vector<16xi32>, vector<16xi1>
        tpu.vector_store_idx %arg20[%sub3A_552], %sub3A_533 masked %and3A_540 : memref<8192xi32, #tpu.memory_space<vmem>>[vector<16xi32>], vector<16xi32>, vector<16xi1>
        %all_reduce_population_count3A_574 = tpu.all_reduce %and3A_540 {dim = 0 : i64, kind = #tpu.reduction_kind<sum>} : vector<16xi1> -> vector<16xi32>
        %add3A_575 = arith.addi %add3A_525, %all_reduce_population_count3A_574 : vector<16xi32>
        %scan3A_576 = arith.constant 4 : i32
        %scan3A_577 = arith.addi %scan3A_376, %scan3A_576 : i32
        %mul3A_578 = arith.constant 16 : i32
        %mul3A_579 = arith.muli %scan3A_577, %mul3A_578 : i32
        %get3A_580 = arith.index_cast %mul3A_579 : i32 to index
        %get3A_581 = tpu.vector_load %arg16[%get3A_580] {strides = array<i32>} : memref<4000xi32, #tpu.memory_space<vmem>>, vector<16xi32>,
        %sub3A_582 = vector.broadcast %mul3A_2 : i32 to vector<16xi32>
        %sub3A_583 = arith.subi %get3A_581, %sub3A_582 : vector<16xi32>
        %ge3A_584 = arith.constant 0 : i32
        %ge3A_585 = vector.broadcast %ge3A_584 : i32 to vector<16xi32>
        %ge3A_586 = arith.cmpi sge, %sub3A_583, %ge3A_585 : vector<16xi32>
        %lt3A_587 = arith.constant 320 : i32
        %lt3A_588 = vector.broadcast %lt3A_587 : i32 to vector<16xi32>
        %lt3A_589 = arith.cmpi slt, %sub3A_583, %lt3A_588 : vector<16xi32>
        %and3A_590 = arith.andi %ge3A_586, %lt3A_589 : vector<16xi1>
        %jit3A_591 = arith.constant 1 : i32
        %jit3A_592 = arith.constant 0 : i32
        %broadcast_in_dim3A_593 = vector.broadcast %jit3A_591 : i32 to vector<16xi32>
        %broadcast_in_dim3A_594 = vector.broadcast %jit3A_592 : i32 to vector<16xi32>
        %select_n3A_595 = arith.select %and3A_590, %broadcast_in_dim3A_593, %broadcast_in_dim3A_594 : vector<16xi1>, vector<16xi32>
        %broadcast_in_dim3A_596 = arith.constant true
        %broadcast_in_dim3A_597 = vector.broadcast %broadcast_in_dim3A_596 : i1 to vector<16xi1>
        %masked_cumsum3A_598 = tpu.scan <sum>, %select_n3A_595 masked %broadcast_in_dim3A_597 : vector<16xi32>, vector<16xi1> -> vector<16xi32>
        %add3A_599 = arith.addi %add3A_575, %masked_cumsum3A_598 : vector<16xi32>
        %sub3A_600 = arith.constant 1 : i32
        %sub3A_601 = vector.broadcast %sub3A_600 : i32 to vector<16xi32>
        %sub3A_602 = arith.subi %add3A_599, %sub3A_601 : vector<16xi32>
        %get3A_603 = arith.index_cast %mul3A_579 : i32 to index
        %get3A_604 = tpu.vector_load %arg15[%get3A_603] {strides = array<i32>} : memref<4000xi32, #tpu.memory_space<vmem>>, vector<16xi32>,
        %mul3A_605 = arith.constant 10000 : i32
        %mul3A_606 = vector.broadcast %mul3A_605 : i32 to vector<16xi32>
        %mul3A_607 = arith.muli %get3A_604, %mul3A_606 : vector<16xi32>
        %get3A_608 = arith.index_cast %mul3A_579 : i32 to index
        %get3A_609 = tpu.vector_load %arg14[%get3A_608] {strides = array<i32>} : memref<4000xi32, #tpu.memory_space<vmem>>, vector<16xi32>,
        %add3A_610 = arith.addi %mul3A_607, %get3A_609 : vector<16xi32>
        %get3A_611 = arith.index_cast %mul3A_579 : i32 to index
        %get3A_612 = tpu.vector_load %arg17[%get3A_611] {strides = array<i32>} : memref<4000xf32, #tpu.memory_space<vmem>>, vector<16xf32>,
        %bitcast_convert_type3A_613 = tpu.bitcast %get3A_612 : vector<16xf32> -> vector<16xi32>
        %add3A_614 = arith.constant 32768 : i32
        %add3A_615 = vector.broadcast %add3A_614 : i32 to vector<16xi32>
        %add3A_616 = arith.addi %bitcast_convert_type3A_613, %add3A_615 : vector<16xi32>
        %shift_right_arithmetic3A_617 = arith.constant 16 : i32
        %shift_right_arithmetic3A_618 = vector.broadcast %shift_right_arithmetic3A_617 : i32 to vector<16xi32>
        %shift_right_arithmetic3A_619 = arith.shrsi %add3A_616, %shift_right_arithmetic3A_618 : vector<16xi32>
        %shift_left3A_620 = arith.constant 16 : i32
        %shift_left3A_621 = vector.broadcast %shift_left3A_620 : i32 to vector<16xi32>
        %shift_left3A_622 = arith.shli %shift_right_arithmetic3A_619, %shift_left3A_621 : vector<16xi32>
        %or3A_623 = arith.ori %shift_left3A_622, %shift_right_arithmetic3A_619 : vector<16xi32>
        tpu.vector_store_idx %arg18[%sub3A_602], %add3A_610 masked %and3A_590 : memref<8192xi32, #tpu.memory_space<vmem>>[vector<16xi32>], vector<16xi32>, vector<16xi1>
        tpu.vector_store_idx %arg19[%sub3A_602], %or3A_623 masked %and3A_590 : memref<8192xi32, #tpu.memory_space<vmem>>[vector<16xi32>], vector<16xi32>, vector<16xi1>
        tpu.vector_store_idx %arg20[%sub3A_602], %sub3A_583 masked %and3A_590 : memref<8192xi32, #tpu.memory_space<vmem>>[vector<16xi32>], vector<16xi32>, vector<16xi1>
        %all_reduce_population_count3A_624 = tpu.all_reduce %and3A_590 {dim = 0 : i64, kind = #tpu.reduction_kind<sum>} : vector<16xi1> -> vector<16xi32>
        %add3A_625 = arith.addi %add3A_575, %all_reduce_population_count3A_624 : vector<16xi32>
        %scan3A_626 = arith.constant 5 : i32
        %scan3A_627 = arith.addi %scan3A_376, %scan3A_626 : i32
        %mul3A_628 = arith.constant 16 : i32
        %mul3A_629 = arith.muli %scan3A_627, %mul3A_628 : i32
        %get3A_630 = arith.index_cast %mul3A_629 : i32 to index
        %get3A_631 = tpu.vector_load %arg16[%get3A_630] {strides = array<i32>} : memref<4000xi32, #tpu.memory_space<vmem>>, vector<16xi32>,
        %sub3A_632 = vector.broadcast %mul3A_2 : i32 to vector<16xi32>
        %sub3A_633 = arith.subi %get3A_631, %sub3A_632 : vector<16xi32>
        %ge3A_634 = arith.constant 0 : i32
        %ge3A_635 = vector.broadcast %ge3A_634 : i32 to vector<16xi32>
        %ge3A_636 = arith.cmpi sge, %sub3A_633, %ge3A_635 : vector<16xi32>
        %lt3A_637 = arith.constant 320 : i32
        %lt3A_638 = vector.broadcast %lt3A_637 : i32 to vector<16xi32>
        %lt3A_639 = arith.cmpi slt, %sub3A_633, %lt3A_638 : vector<16xi32>
        %and3A_640 = arith.andi %ge3A_636, %lt3A_639 : vector<16xi1>
        %jit3A_641 = arith.constant 1 : i32
        %jit3A_642 = arith.constant 0 : i32
        %broadcast_in_dim3A_643 = vector.broadcast %jit3A_641 : i32 to vector<16xi32>
        %broadcast_in_dim3A_644 = vector.broadcast %jit3A_642 : i32 to vector<16xi32>
        %select_n3A_645 = arith.select %and3A_640, %broadcast_in_dim3A_643, %broadcast_in_dim3A_644 : vector<16xi1>, vector<16xi32>
        %broadcast_in_dim3A_646 = arith.constant true
        %broadcast_in_dim3A_647 = vector.broadcast %broadcast_in_dim3A_646 : i1 to vector<16xi1>
        %masked_cumsum3A_648 = tpu.scan <sum>, %select_n3A_645 masked %broadcast_in_dim3A_647 : vector<16xi32>, vector<16xi1> -> vector<16xi32>
        %add3A_649 = arith.addi %add3A_625, %masked_cumsum3A_648 : vector<16xi32>
        %sub3A_650 = arith.constant 1 : i32
        %sub3A_651 = vector.broadcast %sub3A_650 : i32 to vector<16xi32>
        %sub3A_652 = arith.subi %add3A_649, %sub3A_651 : vector<16xi32>
        %get3A_653 = arith.index_cast %mul3A_629 : i32 to index
        %get3A_654 = tpu.vector_load %arg15[%get3A_653] {strides = array<i32>} : memref<4000xi32, #tpu.memory_space<vmem>>, vector<16xi32>,
        %mul3A_655 = arith.constant 10000 : i32
        %mul3A_656 = vector.broadcast %mul3A_655 : i32 to vector<16xi32>
        %mul3A_657 = arith.muli %get3A_654, %mul3A_656 : vector<16xi32>
        %get3A_658 = arith.index_cast %mul3A_629 : i32 to index
        %get3A_659 = tpu.vector_load %arg14[%get3A_658] {strides = array<i32>} : memref<4000xi32, #tpu.memory_space<vmem>>, vector<16xi32>,
        %add3A_660 = arith.addi %mul3A_657, %get3A_659 : vector<16xi32>
        %get3A_661 = arith.index_cast %mul3A_629 : i32 to index
        %get3A_662 = tpu.vector_load %arg17[%get3A_661] {strides = array<i32>} : memref<4000xf32, #tpu.memory_space<vmem>>, vector<16xf32>,
        %bitcast_convert_type3A_663 = tpu.bitcast %get3A_662 : vector<16xf32> -> vector<16xi32>
        %add3A_664 = arith.constant 32768 : i32
        %add3A_665 = vector.broadcast %add3A_664 : i32 to vector<16xi32>
        %add3A_666 = arith.addi %bitcast_convert_type3A_663, %add3A_665 : vector<16xi32>
        %shift_right_arithmetic3A_667 = arith.constant 16 : i32
        %shift_right_arithmetic3A_668 = vector.broadcast %shift_right_arithmetic3A_667 : i32 to vector<16xi32>
        %shift_right_arithmetic3A_669 = arith.shrsi %add3A_666, %shift_right_arithmetic3A_668 : vector<16xi32>
        %shift_left3A_670 = arith.constant 16 : i32
        %shift_left3A_671 = vector.broadcast %shift_left3A_670 : i32 to vector<16xi32>
        %shift_left3A_672 = arith.shli %shift_right_arithmetic3A_669, %shift_left3A_671 : vector<16xi32>
        %or3A_673 = arith.ori %shift_left3A_672, %shift_right_arithmetic3A_669 : vector<16xi32>
        tpu.vector_store_idx %arg18[%sub3A_652], %add3A_660 masked %and3A_640 : memref<8192xi32, #tpu.memory_space<vmem>>[vector<16xi32>], vector<16xi32>, vector<16xi1>
        tpu.vector_store_idx %arg19[%sub3A_652], %or3A_673 masked %and3A_640 : memref<8192xi32, #tpu.memory_space<vmem>>[vector<16xi32>], vector<16xi32>, vector<16xi1>
        tpu.vector_store_idx %arg20[%sub3A_652], %sub3A_633 masked %and3A_640 : memref<8192xi32, #tpu.memory_space<vmem>>[vector<16xi32>], vector<16xi32>, vector<16xi1>
        %all_reduce_population_count3A_674 = tpu.all_reduce %and3A_640 {dim = 0 : i64, kind = #tpu.reduction_kind<sum>} : vector<16xi1> -> vector<16xi32>
        %add3A_675 = arith.addi %add3A_625, %all_reduce_population_count3A_674 : vector<16xi32>
        %scan3A_676 = arith.constant 6 : i32
        %scan3A_677 = arith.addi %scan3A_376, %scan3A_676 : i32
        %mul3A_678 = arith.constant 16 : i32
        %mul3A_679 = arith.muli %scan3A_677, %mul3A_678 : i32
        %get3A_680 = arith.index_cast %mul3A_679 : i32 to index
        %get3A_681 = tpu.vector_load %arg16[%get3A_680] {strides = array<i32>} : memref<4000xi32, #tpu.memory_space<vmem>>, vector<16xi32>,
        %sub3A_682 = vector.broadcast %mul3A_2 : i32 to vector<16xi32>
        %sub3A_683 = arith.subi %get3A_681, %sub3A_682 : vector<16xi32>
        %ge3A_684 = arith.constant 0 : i32
        %ge3A_685 = vector.broadcast %ge3A_684 : i32 to vector<16xi32>
        %ge3A_686 = arith.cmpi sge, %sub3A_683, %ge3A_685 : vector<16xi32>
        %lt3A_687 = arith.constant 320 : i32
        %lt3A_688 = vector.broadcast %lt3A_687 : i32 to vector<16xi32>
        %lt3A_689 = arith.cmpi slt, %sub3A_683, %lt3A_688 : vector<16xi32>
        %and3A_690 = arith.andi %ge3A_686, %lt3A_689 : vector<16xi1>
        %jit3A_691 = arith.constant 1 : i32
        %jit3A_692 = arith.constant 0 : i32
        %broadcast_in_dim3A_693 = vector.broadcast %jit3A_691 : i32 to vector<16xi32>
        %broadcast_in_dim3A_694 = vector.broadcast %jit3A_692 : i32 to vector<16xi32>
        %select_n3A_695 = arith.select %and3A_690, %broadcast_in_dim3A_693, %broadcast_in_dim3A_694 : vector<16xi1>, vector<16xi32>
        %broadcast_in_dim3A_696 = arith.constant true
        %broadcast_in_dim3A_697 = vector.broadcast %broadcast_in_dim3A_696 : i1 to vector<16xi1>
        %masked_cumsum3A_698 = tpu.scan <sum>, %select_n3A_695 masked %broadcast_in_dim3A_697 : vector<16xi32>, vector<16xi1> -> vector<16xi32>
        %add3A_699 = arith.addi %add3A_675, %masked_cumsum3A_698 : vector<16xi32>
        %sub3A_700 = arith.constant 1 : i32
        %sub3A_701 = vector.broadcast %sub3A_700 : i32 to vector<16xi32>
        %sub3A_702 = arith.subi %add3A_699, %sub3A_701 : vector<16xi32>
        %get3A_703 = arith.index_cast %mul3A_679 : i32 to index
        %get3A_704 = tpu.vector_load %arg15[%get3A_703] {strides = array<i32>} : memref<4000xi32, #tpu.memory_space<vmem>>, vector<16xi32>,
        %mul3A_705 = arith.constant 10000 : i32
        %mul3A_706 = vector.broadcast %mul3A_705 : i32 to vector<16xi32>
        %mul3A_707 = arith.muli %get3A_704, %mul3A_706 : vector<16xi32>
        %get3A_708 = arith.index_cast %mul3A_679 : i32 to index
        %get3A_709 = tpu.vector_load %arg14[%get3A_708] {strides = array<i32>} : memref<4000xi32, #tpu.memory_space<vmem>>, vector<16xi32>,
        %add3A_710 = arith.addi %mul3A_707, %get3A_709 : vector<16xi32>
        %get3A_711 = arith.index_cast %mul3A_679 : i32 to index
        %get3A_712 = tpu.vector_load %arg17[%get3A_711] {strides = array<i32>} : memref<4000xf32, #tpu.memory_space<vmem>>, vector<16xf32>,
        %bitcast_convert_type3A_713 = tpu.bitcast %get3A_712 : vector<16xf32> -> vector<16xi32>
        %add3A_714 = arith.constant 32768 : i32
        %add3A_715 = vector.broadcast %add3A_714 : i32 to vector<16xi32>
        %add3A_716 = arith.addi %bitcast_convert_type3A_713, %add3A_715 : vector<16xi32>
        %shift_right_arithmetic3A_717 = arith.constant 16 : i32
        %shift_right_arithmetic3A_718 = vector.broadcast %shift_right_arithmetic3A_717 : i32 to vector<16xi32>
        %shift_right_arithmetic3A_719 = arith.shrsi %add3A_716, %shift_right_arithmetic3A_718 : vector<16xi32>
        %shift_left3A_720 = arith.constant 16 : i32
        %shift_left3A_721 = vector.broadcast %shift_left3A_720 : i32 to vector<16xi32>
        %shift_left3A_722 = arith.shli %shift_right_arithmetic3A_719, %shift_left3A_721 : vector<16xi32>
        %or3A_723 = arith.ori %shift_left3A_722, %shift_right_arithmetic3A_719 : vector<16xi32>
        tpu.vector_store_idx %arg18[%sub3A_702], %add3A_710 masked %and3A_690 : memref<8192xi32, #tpu.memory_space<vmem>>[vector<16xi32>], vector<16xi32>, vector<16xi1>
        tpu.vector_store_idx %arg19[%sub3A_702], %or3A_723 masked %and3A_690 : memref<8192xi32, #tpu.memory_space<vmem>>[vector<16xi32>], vector<16xi32>, vector<16xi1>
        tpu.vector_store_idx %arg20[%sub3A_702], %sub3A_683 masked %and3A_690 : memref<8192xi32, #tpu.memory_space<vmem>>[vector<16xi32>], vector<16xi32>, vector<16xi1>
        %all_reduce_population_count3A_724 = tpu.all_reduce %and3A_690 {dim = 0 : i64, kind = #tpu.reduction_kind<sum>} : vector<16xi1> -> vector<16xi32>
        %add3A_725 = arith.addi %add3A_675, %all_reduce_population_count3A_724 : vector<16xi32>
        %scan3A_726 = arith.constant 7 : i32
        %scan3A_727 = arith.addi %scan3A_376, %scan3A_726 : i32
        %mul3A_728 = arith.constant 16 : i32
        %mul3A_729 = arith.muli %scan3A_727, %mul3A_728 : i32
        %get3A_730 = arith.index_cast %mul3A_729 : i32 to index
        %get3A_731 = tpu.vector_load %arg16[%get3A_730] {strides = array<i32>} : memref<4000xi32, #tpu.memory_space<vmem>>, vector<16xi32>,
        %sub3A_732 = vector.broadcast %mul3A_2 : i32 to vector<16xi32>
        %sub3A_733 = arith.subi %get3A_731, %sub3A_732 : vector<16xi32>
        %ge3A_734 = arith.constant 0 : i32
        %ge3A_735 = vector.broadcast %ge3A_734 : i32 to vector<16xi32>
        %ge3A_736 = arith.cmpi sge, %sub3A_733, %ge3A_735 : vector<16xi32>
        %lt3A_737 = arith.constant 320 : i32
        %lt3A_738 = vector.broadcast %lt3A_737 : i32 to vector<16xi32>
        %lt3A_739 = arith.cmpi slt, %sub3A_733, %lt3A_738 : vector<16xi32>
        %and3A_740 = arith.andi %ge3A_736, %lt3A_739 : vector<16xi1>
        %jit3A_741 = arith.constant 1 : i32
        %jit3A_742 = arith.constant 0 : i32
        %broadcast_in_dim3A_743 = vector.broadcast %jit3A_741 : i32 to vector<16xi32>
        %broadcast_in_dim3A_744 = vector.broadcast %jit3A_742 : i32 to vector<16xi32>
        %select_n3A_745 = arith.select %and3A_740, %broadcast_in_dim3A_743, %broadcast_in_dim3A_744 : vector<16xi1>, vector<16xi32>
        %broadcast_in_dim3A_746 = arith.constant true
        %broadcast_in_dim3A_747 = vector.broadcast %broadcast_in_dim3A_746 : i1 to vector<16xi1>
        %masked_cumsum3A_748 = tpu.scan <sum>, %select_n3A_745 masked %broadcast_in_dim3A_747 : vector<16xi32>, vector<16xi1> -> vector<16xi32>
        %add3A_749 = arith.addi %add3A_725, %masked_cumsum3A_748 : vector<16xi32>
        %sub3A_750 = arith.constant 1 : i32
        %sub3A_751 = vector.broadcast %sub3A_750 : i32 to vector<16xi32>
        %sub3A_752 = arith.subi %add3A_749, %sub3A_751 : vector<16xi32>
        %get3A_753 = arith.index_cast %mul3A_729 : i32 to index
        %get3A_754 = tpu.vector_load %arg15[%get3A_753] {strides = array<i32>} : memref<4000xi32, #tpu.memory_space<vmem>>, vector<16xi32>,
        %mul3A_755 = arith.constant 10000 : i32
        %mul3A_756 = vector.broadcast %mul3A_755 : i32 to vector<16xi32>
        %mul3A_757 = arith.muli %get3A_754, %mul3A_756 : vector<16xi32>
        %get3A_758 = arith.index_cast %mul3A_729 : i32 to index
        %get3A_759 = tpu.vector_load %arg14[%get3A_758] {strides = array<i32>} : memref<4000xi32, #tpu.memory_space<vmem>>, vector<16xi32>,
        %add3A_760 = arith.addi %mul3A_757, %get3A_759 : vector<16xi32>
        %get3A_761 = arith.index_cast %mul3A_729 : i32 to index
        %get3A_762 = tpu.vector_load %arg17[%get3A_761] {strides = array<i32>} : memref<4000xf32, #tpu.memory_space<vmem>>, vector<16xf32>,
        %bitcast_convert_type3A_763 = tpu.bitcast %get3A_762 : vector<16xf32> -> vector<16xi32>
        %add3A_764 = arith.constant 32768 : i32
        %add3A_765 = vector.broadcast %add3A_764 : i32 to vector<16xi32>
        %add3A_766 = arith.addi %bitcast_convert_type3A_763, %add3A_765 : vector<16xi32>
        %shift_right_arithmetic3A_767 = arith.constant 16 : i32
        %shift_right_arithmetic3A_768 = vector.broadcast %shift_right_arithmetic3A_767 : i32 to vector<16xi32>
        %shift_right_arithmetic3A_769 = arith.shrsi %add3A_766, %shift_right_arithmetic3A_768 : vector<16xi32>
        %shift_left3A_770 = arith.constant 16 : i32
        %shift_left3A_771 = vector.broadcast %shift_left3A_770 : i32 to vector<16xi32>
        %shift_left3A_772 = arith.shli %shift_right_arithmetic3A_769, %shift_left3A_771 : vector<16xi32>
        %or3A_773 = arith.ori %shift_left3A_772, %shift_right_arithmetic3A_769 : vector<16xi32>
        tpu.vector_store_idx %arg18[%sub3A_752], %add3A_760 masked %and3A_740 : memref<8192xi32, #tpu.memory_space<vmem>>[vector<16xi32>], vector<16xi32>, vector<16xi1>
        tpu.vector_store_idx %arg19[%sub3A_752], %or3A_773 masked %and3A_740 : memref<8192xi32, #tpu.memory_space<vmem>>[vector<16xi32>], vector<16xi32>, vector<16xi1>
        tpu.vector_store_idx %arg20[%sub3A_752], %sub3A_733 masked %and3A_740 : memref<8192xi32, #tpu.memory_space<vmem>>[vector<16xi32>], vector<16xi32>, vector<16xi1>
        %all_reduce_population_count3A_774 = tpu.all_reduce %and3A_740 {dim = 0 : i64, kind = #tpu.reduction_kind<sum>} : vector<16xi1> -> vector<16xi32>
        %add3A_775 = arith.addi %add3A_725, %all_reduce_population_count3A_774 : vector<16xi32>
        scf.yield %add3A_775 : vector<16xi32>
      }
      %scan3A_275 = arith.constant 248 : i32
      %scan3A_276 = arith.addi %scan3A_270, %scan3A_275 : i32
      %mul3A_277 = arith.constant 16 : i32
      %mul3A_278 = arith.muli %scan3A_276, %mul3A_277 : i32
      %get3A_279 = arith.index_cast %mul3A_278 : i32 to index
      %get3A_280 = tpu.vector_load %arg16[%get3A_279] {strides = array<i32>} : memref<4000xi32, #tpu.memory_space<vmem>>, vector<16xi32>,
      %sub3A_281 = vector.broadcast %mul3A_2 : i32 to vector<16xi32>
      %sub3A_282 = arith.subi %get3A_280, %sub3A_281 : vector<16xi32>
      %ge3A_283 = arith.constant 0 : i32
      %ge3A_284 = vector.broadcast %ge3A_283 : i32 to vector<16xi32>
      %ge3A_285 = arith.cmpi sge, %sub3A_282, %ge3A_284 : vector<16xi32>
      %lt3A_286 = arith.constant 320 : i32
      %lt3A_287 = vector.broadcast %lt3A_286 : i32 to vector<16xi32>
      %lt3A_288 = arith.cmpi slt, %sub3A_282, %lt3A_287 : vector<16xi32>
      %and3A_289 = arith.andi %ge3A_285, %lt3A_288 : vector<16xi1>
      %jit3A_290 = arith.constant 1 : i32
      %jit3A_291 = arith.constant 0 : i32
      %broadcast_in_dim3A_292 = vector.broadcast %jit3A_290 : i32 to vector<16xi32>
      %broadcast_in_dim3A_293 = vector.broadcast %jit3A_291 : i32 to vector<16xi32>
      %select_n3A_294 = arith.select %and3A_289, %broadcast_in_dim3A_292, %broadcast_in_dim3A_293 : vector<16xi1>, vector<16xi32>
      %broadcast_in_dim3A_295 = arith.constant true
      %broadcast_in_dim3A_296 = vector.broadcast %broadcast_in_dim3A_295 : i1 to vector<16xi1>
      %masked_cumsum3A_297 = tpu.scan <sum>, %select_n3A_294 masked %broadcast_in_dim3A_296 : vector<16xi32>, vector<16xi1> -> vector<16xi32>
      %add3A_298 = arith.addi %scan3A_274, %masked_cumsum3A_297 : vector<16xi32>
      %sub3A_299 = arith.constant 1 : i32
      %sub3A_300 = vector.broadcast %sub3A_299 : i32 to vector<16xi32>
      %sub3A_301 = arith.subi %add3A_298, %sub3A_300 : vector<16xi32>
      %get3A_302 = arith.index_cast %mul3A_278 : i32 to index
      %get3A_303 = tpu.vector_load %arg15[%get3A_302] {strides = array<i32>} : memref<4000xi32, #tpu.memory_space<vmem>>, vector<16xi32>,
      %mul3A_304 = arith.constant 10000 : i32
      %mul3A_305 = vector.broadcast %mul3A_304 : i32 to vector<16xi32>
      %mul3A_306 = arith.muli %get3A_303, %mul3A_305 : vector<16xi32>
      %get3A_307 = arith.index_cast %mul3A_278 : i32 to index
      %get3A_308 = tpu.vector_load %arg14[%get3A_307] {strides = array<i32>} : memref<4000xi32, #tpu.memory_space<vmem>>, vector<16xi32>,
      %add3A_309 = arith.addi %mul3A_306, %get3A_308 : vector<16xi32>
      %get3A_310 = arith.index_cast %mul3A_278 : i32 to index
      %get3A_311 = tpu.vector_load %arg17[%get3A_310] {strides = array<i32>} : memref<4000xf32, #tpu.memory_space<vmem>>, vector<16xf32>,
      %bitcast_convert_type3A_312 = tpu.bitcast %get3A_311 : vector<16xf32> -> vector<16xi32>
      %add3A_313 = arith.constant 32768 : i32
      %add3A_314 = vector.broadcast %add3A_313 : i32 to vector<16xi32>
      %add3A_315 = arith.addi %bitcast_convert_type3A_312, %add3A_314 : vector<16xi32>
      %shift_right_arithmetic3A_316 = arith.constant 16 : i32
      %shift_right_arithmetic3A_317 = vector.broadcast %shift_right_arithmetic3A_316 : i32 to vector<16xi32>
      %shift_right_arithmetic3A_318 = arith.shrsi %add3A_315, %shift_right_arithmetic3A_317 : vector<16xi32>
      %shift_left3A_319 = arith.constant 16 : i32
      %shift_left3A_320 = vector.broadcast %shift_left3A_319 : i32 to vector<16xi32>
      %shift_left3A_321 = arith.shli %shift_right_arithmetic3A_318, %shift_left3A_320 : vector<16xi32>
      %or3A_322 = arith.ori %shift_left3A_321, %shift_right_arithmetic3A_318 : vector<16xi32>
      tpu.vector_store_idx %arg18[%sub3A_301], %add3A_309 masked %and3A_289 : memref<8192xi32, #tpu.memory_space<vmem>>[vector<16xi32>], vector<16xi32>, vector<16xi1>
      tpu.vector_store_idx %arg19[%sub3A_301], %or3A_322 masked %and3A_289 : memref<8192xi32, #tpu.memory_space<vmem>>[vector<16xi32>], vector<16xi32>, vector<16xi1>
      tpu.vector_store_idx %arg20[%sub3A_301], %sub3A_282 masked %and3A_289 : memref<8192xi32, #tpu.memory_space<vmem>>[vector<16xi32>], vector<16xi32>, vector<16xi1>
      %all_reduce_population_count3A_323 = tpu.all_reduce %and3A_289 {dim = 0 : i64, kind = #tpu.reduction_kind<sum>} : vector<16xi1> -> vector<16xi32>
      %add3A_324 = arith.addi %scan3A_274, %all_reduce_population_count3A_323 : vector<16xi32>
      %scan3A_325 = arith.constant 249 : i32
      %scan3A_326 = arith.addi %scan3A_270, %scan3A_325 : i32
      %mul3A_327 = arith.constant 16 : i32
      %mul3A_328 = arith.muli %scan3A_326, %mul3A_327 : i32
      %get3A_329 = arith.index_cast %mul3A_328 : i32 to index
      %get3A_330 = tpu.vector_load %arg16[%get3A_329] {strides = array<i32>} : memref<4000xi32, #tpu.memory_space<vmem>>, vector<16xi32>,
      %sub3A_331 = vector.broadcast %mul3A_2 : i32 to vector<16xi32>
      %sub3A_332 = arith.subi %get3A_330, %sub3A_331 : vector<16xi32>
      %ge3A_333 = arith.constant 0 : i32
      %ge3A_334 = vector.broadcast %ge3A_333 : i32 to vector<16xi32>
      %ge3A_335 = arith.cmpi sge, %sub3A_332, %ge3A_334 : vector<16xi32>
      %lt3A_336 = arith.constant 320 : i32
      %lt3A_337 = vector.broadcast %lt3A_336 : i32 to vector<16xi32>
      %lt3A_338 = arith.cmpi slt, %sub3A_332, %lt3A_337 : vector<16xi32>
      %and3A_339 = arith.andi %ge3A_335, %lt3A_338 : vector<16xi1>
      %jit3A_340 = arith.constant 1 : i32
      %jit3A_341 = arith.constant 0 : i32
      %broadcast_in_dim3A_342 = vector.broadcast %jit3A_340 : i32 to vector<16xi32>
      %broadcast_in_dim3A_343 = vector.broadcast %jit3A_341 : i32 to vector<16xi32>
      %select_n3A_344 = arith.select %and3A_339, %broadcast_in_dim3A_342, %broadcast_in_dim3A_343 : vector<16xi1>, vector<16xi32>
      %broadcast_in_dim3A_345 = arith.constant true
      %broadcast_in_dim3A_346 = vector.broadcast %broadcast_in_dim3A_345 : i1 to vector<16xi1>
      %masked_cumsum3A_347 = tpu.scan <sum>, %select_n3A_344 masked %broadcast_in_dim3A_346 : vector<16xi32>, vector<16xi1> -> vector<16xi32>
      %add3A_348 = arith.addi %add3A_324, %masked_cumsum3A_347 : vector<16xi32>
      %sub3A_349 = arith.constant 1 : i32
      %sub3A_350 = vector.broadcast %sub3A_349 : i32 to vector<16xi32>
      %sub3A_351 = arith.subi %add3A_348, %sub3A_350 : vector<16xi32>
      %get3A_352 = arith.index_cast %mul3A_328 : i32 to index
      %get3A_353 = tpu.vector_load %arg15[%get3A_352] {strides = array<i32>} : memref<4000xi32, #tpu.memory_space<vmem>>, vector<16xi32>,
      %mul3A_354 = arith.constant 10000 : i32
      %mul3A_355 = vector.broadcast %mul3A_354 : i32 to vector<16xi32>
      %mul3A_356 = arith.muli %get3A_353, %mul3A_355 : vector<16xi32>
      %get3A_357 = arith.index_cast %mul3A_328 : i32 to index
      %get3A_358 = tpu.vector_load %arg14[%get3A_357] {strides = array<i32>} : memref<4000xi32, #tpu.memory_space<vmem>>, vector<16xi32>,
      %add3A_359 = arith.addi %mul3A_356, %get3A_358 : vector<16xi32>
      %get3A_360 = arith.index_cast %mul3A_328 : i32 to index
      %get3A_361 = tpu.vector_load %arg17[%get3A_360] {strides = array<i32>} : memref<4000xf32, #tpu.memory_space<vmem>>, vector<16xf32>,
      %bitcast_convert_type3A_362 = tpu.bitcast %get3A_361 : vector<16xf32> -> vector<16xi32>
      %add3A_363 = arith.constant 32768 : i32
      %add3A_364 = vector.broadcast %add3A_363 : i32 to vector<16xi32>
      %add3A_365 = arith.addi %bitcast_convert_type3A_362, %add3A_364 : vector<16xi32>
      %shift_right_arithmetic3A_366 = arith.constant 16 : i32
      %shift_right_arithmetic3A_367 = vector.broadcast %shift_right_arithmetic3A_366 : i32 to vector<16xi32>
      %shift_right_arithmetic3A_368 = arith.shrsi %add3A_365, %shift_right_arithmetic3A_367 : vector<16xi32>
      %shift_left3A_369 = arith.constant 16 : i32
      %shift_left3A_370 = vector.broadcast %shift_left3A_369 : i32 to vector<16xi32>
      %shift_left3A_371 = arith.shli %shift_right_arithmetic3A_368, %shift_left3A_370 : vector<16xi32>
      %or3A_372 = arith.ori %shift_left3A_371, %shift_right_arithmetic3A_368 : vector<16xi32>
      tpu.vector_store_idx %arg18[%sub3A_351], %add3A_359 masked %and3A_339 : memref<8192xi32, #tpu.memory_space<vmem>>[vector<16xi32>], vector<16xi32>, vector<16xi1>
      tpu.vector_store_idx %arg19[%sub3A_351], %or3A_372 masked %and3A_339 : memref<8192xi32, #tpu.memory_space<vmem>>[vector<16xi32>], vector<16xi32>, vector<16xi1>
      tpu.vector_store_idx %arg20[%sub3A_351], %sub3A_332 masked %and3A_339 : memref<8192xi32, #tpu.memory_space<vmem>>[vector<16xi32>], vector<16xi32>, vector<16xi1>
      %all_reduce_population_count3A_373 = tpu.all_reduce %and3A_339 {dim = 0 : i64, kind = #tpu.reduction_kind<sum>} : vector<16xi1> -> vector<16xi32>
      %add3A_374 = arith.addi %add3A_324, %all_reduce_population_count3A_373 : vector<16xi32>
      %scan3A_375 = arith.constant 250 : i32
      scf.yield %add3A_374 : vector<16xi32>
    }
    %scan3A_23 = arith.constant 20 : i32
    %slice3A = vector.extract_strided_slice %scan3A_22 {offsets = [0], sizes = [1], strides = [1]} : vector<16xi32> to vector<1xi32>
    %squeeze3A = vector.extract %slice3A[0] : i32 from vector<1xi32>
    %mul3A_24 = arith.constant 128 : i32
    %mul3A_25 = arith.muli %add3A, %mul3A_24 : i32
    %broadcast_in_dim3A_26 = vector.broadcast %mul3A_25 : i32 to vector<16xi32>
    %broadcast_in_dim3A_27 = arith.constant 0 : i32
    %broadcast_in_dim3A_28 = vector.broadcast %broadcast_in_dim3A_27 : i32 to vector<16xi32>
    %broadcast_in_dim3A_29 = arith.constant 320 : i32
    %broadcast_in_dim3A_30 = vector.broadcast %broadcast_in_dim3A_29 : i32 to vector<16xi32>
    %ge3A = arith.constant 0 : i32
    %ge3A_31 = vector.broadcast %ge3A : i32 to vector<16xi32>
    %ge3A_32 = arith.cmpi sge, %broadcast_in_dim3A_30, %ge3A_31 : vector<16xi32>
    %add3A_33 = arith.constant 0 : i32
    %add3A_34 = arith.addi %squeeze3A, %add3A_33 : i32
    %swap3A = arith.index_cast %add3A_34 : i32 to index
    %swap3A_35 = tpu.vector_load %arg18[%swap3A] masked %ge3A_32 {strides = array<i32>} : memref<8192xi32, #tpu.memory_space<vmem>>, vector<16xi32>, vector<16xi1>
    tpu.vector_store %arg18[%swap3A], %broadcast_in_dim3A_26 masked %ge3A_32 {strides = array<i32>} : memref<8192xi32, #tpu.memory_space<vmem>>, vector<16xi32>, vector<16xi1>
    %swap3A_36 = arith.index_cast %add3A_34 : i32 to index
    %swap3A_37 = tpu.vector_load %arg19[%swap3A_36] masked %ge3A_32 {strides = array<i32>} : memref<8192xi32, #tpu.memory_space<vmem>>, vector<16xi32>, vector<16xi1>
    tpu.vector_store %arg19[%swap3A_36], %broadcast_in_dim3A_28 masked %ge3A_32 {strides = array<i32>} : memref<8192xi32, #tpu.memory_space<vmem>>, vector<16xi32>, vector<16xi1>
    %swap3A_38 = arith.index_cast %add3A_34 : i32 to index
    %swap3A_39 = tpu.vector_load %arg20[%swap3A_38] masked %ge3A_32 {strides = array<i32>} : memref<8192xi32, #tpu.memory_space<vmem>>, vector<16xi32>, vector<16xi1>
    tpu.vector_store %arg20[%swap3A_38], %broadcast_in_dim3A_30 masked %ge3A_32 {strides = array<i32>} : memref<8192xi32, #tpu.memory_space<vmem>>, vector<16xi32>, vector<16xi1>
    %add3A_40 = arith.constant 16 : i32
    %add3A_41 = arith.addi %squeeze3A, %add3A_40 : i32
    %swap3A_42 = arith.index_cast %add3A_41 : i32 to index
    %swap3A_43 = tpu.vector_load %arg18[%swap3A_42] masked %ge3A_32 {strides = array<i32>} : memref<8192xi32, #tpu.memory_space<vmem>>, vector<16xi32>, vector<16xi1>
    tpu.vector_store %arg18[%swap3A_42], %broadcast_in_dim3A_26 masked %ge3A_32 {strides = array<i32>} : memref<8192xi32, #tpu.memory_space<vmem>>, vector<16xi32>, vector<16xi1>
    %swap3A_44 = arith.index_cast %add3A_41 : i32 to index
    %swap3A_45 = tpu.vector_load %arg19[%swap3A_44] masked %ge3A_32 {strides = array<i32>} : memref<8192xi32, #tpu.memory_space<vmem>>, vector<16xi32>, vector<16xi1>
    tpu.vector_store %arg19[%swap3A_44], %broadcast_in_dim3A_28 masked %ge3A_32 {strides = array<i32>} : memref<8192xi32, #tpu.memory_space<vmem>>, vector<16xi32>, vector<16xi1>
    %swap3A_46 = arith.index_cast %add3A_41 : i32 to index
    %swap3A_47 = tpu.vector_load %arg20[%swap3A_46] masked %ge3A_32 {strides = array<i32>} : memref<8192xi32, #tpu.memory_space<vmem>>, vector<16xi32>, vector<16xi1>
    tpu.vector_store %arg20[%swap3A_46], %broadcast_in_dim3A_30 masked %ge3A_32 {strides = array<i32>} : memref<8192xi32, #tpu.memory_space<vmem>>, vector<16xi32>, vector<16xi1>
    %add3A_48 = arith.constant 32 : i32
    %add3A_49 = arith.addi %squeeze3A, %add3A_48 : i32
    %swap3A_50 = arith.index_cast %add3A_49 : i32 to index
    %swap3A_51 = tpu.vector_load %arg18[%swap3A_50] masked %ge3A_32 {strides = array<i32>} : memref<8192xi32, #tpu.memory_space<vmem>>, vector<16xi32>, vector<16xi1>
    tpu.vector_store %arg18[%swap3A_50], %broadcast_in_dim3A_26 masked %ge3A_32 {strides = array<i32>} : memref<8192xi32, #tpu.memory_space<vmem>>, vector<16xi32>, vector<16xi1>
    %swap3A_52 = arith.index_cast %add3A_49 : i32 to index
    %swap3A_53 = tpu.vector_load %arg19[%swap3A_52] masked %ge3A_32 {strides = array<i32>} : memref<8192xi32, #tpu.memory_space<vmem>>, vector<16xi32>, vector<16xi1>
    tpu.vector_store %arg19[%swap3A_52], %broadcast_in_dim3A_28 masked %ge3A_32 {strides = array<i32>} : memref<8192xi32, #tpu.memory_space<vmem>>, vector<16xi32>, vector<16xi1>
    %swap3A_54 = arith.index_cast %add3A_49 : i32 to index
    %swap3A_55 = tpu.vector_load %arg20[%swap3A_54] masked %ge3A_32 {strides = array<i32>} : memref<8192xi32, #tpu.memory_space<vmem>>, vector<16xi32>, vector<16xi1>
    tpu.vector_store %arg20[%swap3A_54], %broadcast_in_dim3A_30 masked %ge3A_32 {strides = array<i32>} : memref<8192xi32, #tpu.memory_space<vmem>>, vector<16xi32>, vector<16xi1>
    %add3A_56 = arith.constant 48 : i32
    %add3A_57 = arith.addi %squeeze3A, %add3A_56 : i32
    %swap3A_58 = arith.index_cast %add3A_57 : i32 to index
    %swap3A_59 = tpu.vector_load %arg18[%swap3A_58] masked %ge3A_32 {strides = array<i32>} : memref<8192xi32, #tpu.memory_space<vmem>>, vector<16xi32>, vector<16xi1>
    tpu.vector_store %arg18[%swap3A_58], %broadcast_in_dim3A_26 masked %ge3A_32 {strides = array<i32>} : memref<8192xi32, #tpu.memory_space<vmem>>, vector<16xi32>, vector<16xi1>
    %swap3A_60 = arith.index_cast %add3A_57 : i32 to index
    %swap3A_61 = tpu.vector_load %arg19[%swap3A_60] masked %ge3A_32 {strides = array<i32>} : memref<8192xi32, #tpu.memory_space<vmem>>, vector<16xi32>, vector<16xi1>
    tpu.vector_store %arg19[%swap3A_60], %broadcast_in_dim3A_28 masked %ge3A_32 {strides = array<i32>} : memref<8192xi32, #tpu.memory_space<vmem>>, vector<16xi32>, vector<16xi1>
    %swap3A_62 = arith.index_cast %add3A_57 : i32 to index
    %swap3A_63 = tpu.vector_load %arg20[%swap3A_62] masked %ge3A_32 {strides = array<i32>} : memref<8192xi32, #tpu.memory_space<vmem>>, vector<16xi32>, vector<16xi1>
    tpu.vector_store %arg20[%swap3A_62], %broadcast_in_dim3A_30 masked %ge3A_32 {strides = array<i32>} : memref<8192xi32, #tpu.memory_space<vmem>>, vector<16xi32>, vector<16xi1>
    %add3A_64 = arith.constant 64 : i32
    %add3A_65 = arith.addi %squeeze3A, %add3A_64 : i32
    %swap3A_66 = arith.index_cast %add3A_65 : i32 to index
    %swap3A_67 = tpu.vector_load %arg18[%swap3A_66] masked %ge3A_32 {strides = array<i32>} : memref<8192xi32, #tpu.memory_space<vmem>>, vector<16xi32>, vector<16xi1>
    tpu.vector_store %arg18[%swap3A_66], %broadcast_in_dim3A_26 masked %ge3A_32 {strides = array<i32>} : memref<8192xi32, #tpu.memory_space<vmem>>, vector<16xi32>, vector<16xi1>
    %swap3A_68 = arith.index_cast %add3A_65 : i32 to index
    %swap3A_69 = tpu.vector_load %arg19[%swap3A_68] masked %ge3A_32 {strides = array<i32>} : memref<8192xi32, #tpu.memory_space<vmem>>, vector<16xi32>, vector<16xi1>
    tpu.vector_store %arg19[%swap3A_68], %broadcast_in_dim3A_28 masked %ge3A_32 {strides = array<i32>} : memref<8192xi32, #tpu.memory_space<vmem>>, vector<16xi32>, vector<16xi1>
    %swap3A_70 = arith.index_cast %add3A_65 : i32 to index
    %swap3A_71 = tpu.vector_load %arg20[%swap3A_70] masked %ge3A_32 {strides = array<i32>} : memref<8192xi32, #tpu.memory_space<vmem>>, vector<16xi32>, vector<16xi1>
    tpu.vector_store %arg20[%swap3A_70], %broadcast_in_dim3A_30 masked %ge3A_32 {strides = array<i32>} : memref<8192xi32, #tpu.memory_space<vmem>>, vector<16xi32>, vector<16xi1>
    %add3A_72 = arith.constant 80 : i32
    %add3A_73 = arith.addi %squeeze3A, %add3A_72 : i32
    %swap3A_74 = arith.index_cast %add3A_73 : i32 to index
    %swap3A_75 = tpu.vector_load %arg18[%swap3A_74] masked %ge3A_32 {strides = array<i32>} : memref<8192xi32, #tpu.memory_space<vmem>>, vector<16xi32>, vector<16xi1>
    tpu.vector_store %arg18[%swap3A_74], %broadcast_in_dim3A_26 masked %ge3A_32 {strides = array<i32>} : memref<8192xi32, #tpu.memory_space<vmem>>, vector<16xi32>, vector<16xi1>
    %swap3A_76 = arith.index_cast %add3A_73 : i32 to index
    %swap3A_77 = tpu.vector_load %arg19[%swap3A_76] masked %ge3A_32 {strides = array<i32>} : memref<8192xi32, #tpu.memory_space<vmem>>, vector<16xi32>, vector<16xi1>
    tpu.vector_store %arg19[%swap3A_76], %broadcast_in_dim3A_28 masked %ge3A_32 {strides = array<i32>} : memref<8192xi32, #tpu.memory_space<vmem>>, vector<16xi32>, vector<16xi1>
    %swap3A_78 = arith.index_cast %add3A_73 : i32 to index
    %swap3A_79 = tpu.vector_load %arg20[%swap3A_78] masked %ge3A_32 {strides = array<i32>} : memref<8192xi32, #tpu.memory_space<vmem>>, vector<16xi32>, vector<16xi1>
    tpu.vector_store %arg20[%swap3A_78], %broadcast_in_dim3A_30 masked %ge3A_32 {strides = array<i32>} : memref<8192xi32, #tpu.memory_space<vmem>>, vector<16xi32>, vector<16xi1>
    %add3A_80 = arith.constant 96 : i32
    %add3A_81 = arith.addi %squeeze3A, %add3A_80 : i32
    %swap3A_82 = arith.index_cast %add3A_81 : i32 to index
    %swap3A_83 = tpu.vector_load %arg18[%swap3A_82] masked %ge3A_32 {strides = array<i32>} : memref<8192xi32, #tpu.memory_space<vmem>>, vector<16xi32>, vector<16xi1>
    tpu.vector_store %arg18[%swap3A_82], %broadcast_in_dim3A_26 masked %ge3A_32 {strides = array<i32>} : memref<8192xi32, #tpu.memory_space<vmem>>, vector<16xi32>, vector<16xi1>
    %swap3A_84 = arith.index_cast %add3A_81 : i32 to index
    %swap3A_85 = tpu.vector_load %arg19[%swap3A_84] masked %ge3A_32 {strides = array<i32>} : memref<8192xi32, #tpu.memory_space<vmem>>, vector<16xi32>, vector<16xi1>
    tpu.vector_store %arg19[%swap3A_84], %broadcast_in_dim3A_28 masked %ge3A_32 {strides = array<i32>} : memref<8192xi32, #tpu.memory_space<vmem>>, vector<16xi32>, vector<16xi1>
    %swap3A_86 = arith.index_cast %add3A_81 : i32 to index
    %swap3A_87 = tpu.vector_load %arg20[%swap3A_86] masked %ge3A_32 {strides = array<i32>} : memref<8192xi32, #tpu.memory_space<vmem>>, vector<16xi32>, vector<16xi1>
    tpu.vector_store %arg20[%swap3A_86], %broadcast_in_dim3A_30 masked %ge3A_32 {strides = array<i32>} : memref<8192xi32, #tpu.memory_space<vmem>>, vector<16xi32>, vector<16xi1>
    %add3A_88 = arith.constant 112 : i32
    %add3A_89 = arith.addi %squeeze3A, %add3A_88 : i32
    %swap3A_90 = arith.index_cast %add3A_89 : i32 to index
    %swap3A_91 = tpu.vector_load %arg18[%swap3A_90] masked %ge3A_32 {strides = array<i32>} : memref<8192xi32, #tpu.memory_space<vmem>>, vector<16xi32>, vector<16xi1>
    tpu.vector_store %arg18[%swap3A_90], %broadcast_in_dim3A_26 masked %ge3A_32 {strides = array<i32>} : memref<8192xi32, #tpu.memory_space<vmem>>, vector<16xi32>, vector<16xi1>
    %swap3A_92 = arith.index_cast %add3A_89 : i32 to index
    %swap3A_93 = tpu.vector_load %arg19[%swap3A_92] masked %ge3A_32 {strides = array<i32>} : memref<8192xi32, #tpu.memory_space<vmem>>, vector<16xi32>, vector<16xi1>
    tpu.vector_store %arg19[%swap3A_92], %broadcast_in_dim3A_28 masked %ge3A_32 {strides = array<i32>} : memref<8192xi32, #tpu.memory_space<vmem>>, vector<16xi32>, vector<16xi1>
    %swap3A_94 = arith.index_cast %add3A_89 : i32 to index
    %swap3A_95 = tpu.vector_load %arg20[%swap3A_94] masked %ge3A_32 {strides = array<i32>} : memref<8192xi32, #tpu.memory_space<vmem>>, vector<16xi32>, vector<16xi1>
    tpu.vector_store %arg20[%swap3A_94], %broadcast_in_dim3A_30 masked %ge3A_32 {strides = array<i32>} : memref<8192xi32, #tpu.memory_space<vmem>>, vector<16xi32>, vector<16xi1>
    %jit3A = arith.constant 128 : i32
    %div3A = arith.divsi %squeeze3A, %jit3A : i32
    %sign3A = arith.constant 0 : i32
    %sign3A_96 = arith.cmpi sgt, %squeeze3A, %sign3A : i32
    %sign3A_97 = arith.extui %sign3A_96 : i1 to i32
    %sign3A_98 = arith.constant 0 : i32
    %sign3A_99 = arith.cmpi slt, %squeeze3A, %sign3A_98 : i32
    %sign3A_100 = arith.extui %sign3A_99 : i1 to i32
    %sign3A_101 = arith.subi %sign3A_97, %sign3A_100 : i32
    %sign3A_102 = arith.constant 0 : i32
    %sign3A_103 = arith.cmpi sgt, %jit3A, %sign3A_102 : i32
    %sign3A_104 = arith.extui %sign3A_103 : i1 to i32
    %sign3A_105 = arith.constant 0 : i32
    %sign3A_106 = arith.cmpi slt, %jit3A, %sign3A_105 : i32
    %sign3A_107 = arith.extui %sign3A_106 : i1 to i32
    %sign3A_108 = arith.subi %sign3A_104, %sign3A_107 : i32
    %ne3A = arith.cmpi ne, %sign3A_101, %sign3A_108 : i32
    %rem3A = arith.remsi %squeeze3A, %jit3A : i32
    %ne3A_109 = arith.constant 0 : i32
    %ne3A_110 = arith.cmpi ne, %rem3A, %ne3A_109 : i32
    %and3A = arith.andi %ne3A, %ne3A_110 : i1
    %sub3A = arith.constant 1 : i32
    %sub3A_111 = arith.subi %div3A, %sub3A : i32
    %select_n3A = arith.select %and3A, %sub3A_111, %div3A : i32
    %add3A_112 = arith.constant 1 : i32
    %add3A_113 = arith.addi %select_n3A, %add3A_112 : i32
    %mul3A_114 = arith.constant 128 : i32
    %mul3A_115 = arith.muli %add3A_113, %mul3A_114 : i32
    %broadcast_in_dim3A_116 = arith.constant 0 : i32
    %broadcast_in_dim3A_117 = vector.broadcast %broadcast_in_dim3A_116 : i32 to vector<16xi32>
    %add3A_118 = vector.broadcast %mul3A_115 : i32 to vector<16xi32>
    %add3A_119 = arith.addi %broadcast_in_dim3A_117, %add3A_118 : vector<16xi32>
    %swap3A_120 = arith.constant 0 : index
    %swap3A_121 = tpu.vector_load %arg21[%swap3A_120] {strides = array<i32>} : memref<16xi32, #tpu.memory_space<vmem>>, vector<16xi32>,
    tpu.vector_store %arg21[%swap3A_120], %add3A_119 {strides = array<i32>} : memref<16xi32, #tpu.memory_space<vmem>>, vector<16xi32>,
    %mul3A_122 = arith.constant 16 : i32
    %mul3A_123 = arith.muli %add3A, %mul3A_122 : i32
    "tpu.region"() ({
      %run_scoped3A = tpu.sem_alloc : memref<!tpu.dma_semaphore, #tpu.memory_space<semaphore_mem>>
      %dma_start3A_130 = tpu.memref_slice %arg9[%mul3A_123] : memref<512xi32, #tpu.memory_space<hbm>> -> memref<16xi32, #tpu.memory_space<hbm>>
      %dma_start3A_131 = tpu.memref_slice %arg9[%mul3A_123] : memref<512xi32, #tpu.memory_space<hbm>> -> memref<16xi32, #tpu.memory_space<hbm>>
      tpu.enqueue_dma source(%arg21 : memref<16xi32, #tpu.memory_space<vmem>>) target(%dma_start3A_131 : memref<16xi32, #tpu.memory_space<hbm>>) target_semaphore(%run_scoped3A : memref<!tpu.dma_semaphore, #tpu.memory_space<semaphore_mem>>)
      %dma_wait3A = tpu.memref_slice %arg9[%mul3A_123] : memref<512xi32, #tpu.memory_space<hbm>> -> memref<16xi32, #tpu.memory_space<hbm>>
      %dma_wait3A_132 = tpu.memref_slice %arg9[%mul3A_123] : memref<512xi32, #tpu.memory_space<hbm>> -> memref<16xi32, #tpu.memory_space<hbm>>
      tpu.wait_dma2 semaphore(%run_scoped3A : memref<!tpu.dma_semaphore, #tpu.memory_space<semaphore_mem>>) src(%arg21 : memref<16xi32, #tpu.memory_space<vmem>>) dst(%dma_wait3A_132 : memref<16xi32, #tpu.memory_space<hbm>>)
      tpu.yield
    }) : () -> ()
    %mul3A_124 = arith.constant 8192 : i32
    %mul3A_125 = arith.muli %add3A, %mul3A_124 : i32
    "tpu.region"() ({
      %run_scoped3A = tpu.sem_alloc : memref<!tpu.dma_semaphore, #tpu.memory_space<semaphore_mem>>
      %dma_start3A_130 = tpu.memref_slice %arg6[%mul3A_125] : memref<262144xi32, #tpu.memory_space<hbm>> -> memref<8192xi32, #tpu.memory_space<hbm>>
      %dma_start3A_131 = tpu.memref_slice %arg6[%mul3A_125] : memref<262144xi32, #tpu.memory_space<hbm>> -> memref<8192xi32, #tpu.memory_space<hbm>>
      tpu.enqueue_dma source(%arg18 : memref<8192xi32, #tpu.memory_space<vmem>>) target(%dma_start3A_131 : memref<8192xi32, #tpu.memory_space<hbm>>) target_semaphore(%run_scoped3A : memref<!tpu.dma_semaphore, #tpu.memory_space<semaphore_mem>>)
      %dma_wait3A = tpu.memref_slice %arg6[%mul3A_125] : memref<262144xi32, #tpu.memory_space<hbm>> -> memref<8192xi32, #tpu.memory_space<hbm>>
      %dma_wait3A_132 = tpu.memref_slice %arg6[%mul3A_125] : memref<262144xi32, #tpu.memory_space<hbm>> -> memref<8192xi32, #tpu.memory_space<hbm>>
      tpu.wait_dma2 semaphore(%run_scoped3A : memref<!tpu.dma_semaphore, #tpu.memory_space<semaphore_mem>>) src(%arg18 : memref<8192xi32, #tpu.memory_space<vmem>>) dst(%dma_wait3A_132 : memref<8192xi32, #tpu.memory_space<hbm>>)
      tpu.yield
    }) : () -> ()
    %mul3A_126 = arith.constant 8192 : i32
    %mul3A_127 = arith.muli %add3A, %mul3A_126 : i32
    "tpu.region"() ({
      %run_scoped3A = tpu.sem_alloc : memref<!tpu.dma_semaphore, #tpu.memory_space<semaphore_mem>>
      %dma_start3A_130 = tpu.memref_slice %arg7[%mul3A_127] : memref<262144xi32, #tpu.memory_space<hbm>> -> memref<8192xi32, #tpu.memory_space<hbm>>
      %dma_start3A_131 = tpu.memref_slice %arg7[%mul3A_127] : memref<262144xi32, #tpu.memory_space<hbm>> -> memref<8192xi32, #tpu.memory_space<hbm>>
      tpu.enqueue_dma source(%arg19 : memref<8192xi32, #tpu.memory_space<vmem>>) target(%dma_start3A_131 : memref<8192xi32, #tpu.memory_space<hbm>>) target_semaphore(%run_scoped3A : memref<!tpu.dma_semaphore, #tpu.memory_space<semaphore_mem>>)
      %dma_wait3A = tpu.memref_slice %arg7[%mul3A_127] : memref<262144xi32, #tpu.memory_space<hbm>> -> memref<8192xi32, #tpu.memory_space<hbm>>
      %dma_wait3A_132 = tpu.memref_slice %arg7[%mul3A_127] : memref<262144xi32, #tpu.memory_space<hbm>> -> memref<8192xi32, #tpu.memory_space<hbm>>
      tpu.wait_dma2 semaphore(%run_scoped3A : memref<!tpu.dma_semaphore, #tpu.memory_space<semaphore_mem>>) src(%arg19 : memref<8192xi32, #tpu.memory_space<vmem>>) dst(%dma_wait3A_132 : memref<8192xi32, #tpu.memory_space<hbm>>)
      tpu.yield
    }) : () -> ()
    %mul3A_128 = arith.constant 8192 : i32
    %mul3A_129 = arith.muli %add3A, %mul3A_128 : i32
    "tpu.region"() ({
      %run_scoped3A = tpu.sem_alloc : memref<!tpu.dma_semaphore, #tpu.memory_space<semaphore_mem>>
      %dma_start3A_130 = tpu.memref_slice %arg8[%mul3A_129] : memref<262144xi32, #tpu.memory_space<hbm>> -> memref<8192xi32, #tpu.memory_space<hbm>>
      %dma_start3A_131 = tpu.memref_slice %arg8[%mul3A_129] : memref<262144xi32, #tpu.memory_space<hbm>> -> memref<8192xi32, #tpu.memory_space<hbm>>
      tpu.enqueue_dma source(%arg20 : memref<8192xi32, #tpu.memory_space<vmem>>) target(%dma_start3A_131 : memref<8192xi32, #tpu.memory_space<hbm>>) target_semaphore(%run_scoped3A : memref<!tpu.dma_semaphore, #tpu.memory_space<semaphore_mem>>)
      %dma_wait3A = tpu.memref_slice %arg8[%mul3A_129] : memref<262144xi32, #tpu.memory_space<hbm>> -> memref<8192xi32, #tpu.memory_space<hbm>>
      %dma_wait3A_132 = tpu.memref_slice %arg8[%mul3A_129] : memref<262144xi32, #tpu.memory_space<hbm>> -> memref<8192xi32, #tpu.memory_space<hbm>>
      tpu.wait_dma2 semaphore(%run_scoped3A : memref<!tpu.dma_semaphore, #tpu.memory_space<semaphore_mem>>) src(%arg20 : memref<8192xi32, #tpu.memory_space<vmem>>) dst(%dma_wait3A_132 : memref<8192xi32, #tpu.memory_space<hbm>>)
      tpu.yield
    }) : () -> ()
    return
  }
}

#map = affine_map<(d0, d1) -> (0, 0)>
#map1 = affine_map<(d0, d1) -> (0)>
module attributes {stable_mosaic.version = 14 : i64} {
  func.func @b_kernel(%arg0: i32, %arg1: i32, %arg2: memref<80000x128xi32, #tpu.memory_space<hbm>>, %arg3: memref<262144xi32, #tpu.memory_space<hbm>>, %arg4: memref<262144xi32, #tpu.memory_space<hbm>>, %arg5: memref<262144xi32, #tpu.memory_space<hbm>>, %arg6: memref<512xi32, #tpu.memory_space<hbm>>, %arg7: memref<10000x128xi32, #tpu.memory_space<hbm>>, %arg8: memref<8192xi32, #tpu.memory_space<vmem>>, %arg9: memref<8208xi32, #tpu.memory_space<vmem>>, %arg10: memref<8208xi32, #tpu.memory_space<vmem>>, %arg11: memref<128x128xi32, #tpu.memory_space<vmem>>, %arg12: memref<128x128xi32, #tpu.memory_space<vmem>>, %arg13: memref<321x128xi32, #tpu.memory_space<vmem>>, %arg14: memref<16xi32, #tpu.memory_space<vmem>>, %arg15: memref<!tpu.dma_semaphore, #tpu.memory_space<semaphore_mem>>, %arg16: memref<!tpu.dma_semaphore, #tpu.memory_space<semaphore_mem>>, %arg17: memref<!tpu.dma_semaphore, #tpu.memory_space<semaphore_mem>>) attributes {dimension_semantics = [#tpu.dimension_semantics<core_parallel>, #tpu.dimension_semantics<subcore_parallel>], iteration_bounds = array<i64: 2, 16>, scalar_prefetch = 0 : i64, scratch_operands = 10 : i64, tpu.core_type = #tpu.core_type<sc_vector_subcore>, window_params = [{transform_indices = #map}, {transform_indices = #map1}, {transform_indices = #map1}, {transform_indices = #map1}, {transform_indices = #map1}, {transform_indices = #map}]} {
    %mul3A = arith.constant 2 : i32
    %mul3A_0 = arith.muli %arg1, %mul3A : i32
    %add3A = arith.addi %mul3A_0, %arg0 : i32
    %mul3A_1 = arith.constant 8192 : i32
    %mul3A_2 = arith.muli %add3A, %mul3A_1 : i32
    %dma_start3A = tpu.memref_slice %arg3[%mul3A_2] : memref<262144xi32, #tpu.memory_space<hbm>> -> memref<8192xi32, #tpu.memory_space<hbm>>
    %dma_start3A_3 = tpu.memref_slice %arg3[%mul3A_2] : memref<262144xi32, #tpu.memory_space<hbm>> -> memref<8192xi32, #tpu.memory_space<hbm>>
    tpu.enqueue_dma source(%dma_start3A_3 : memref<8192xi32, #tpu.memory_space<hbm>>) target(%arg8 : memref<8192xi32, #tpu.memory_space<vmem>>) target_semaphore(%arg15 : memref<!tpu.dma_semaphore, #tpu.memory_space<semaphore_mem>>)
    %dma_start3A_4 = arith.constant 0 : i32
    %dma_start3A_5 = tpu.memref_slice %arg9[%dma_start3A_4] : memref<8208xi32, #tpu.memory_space<vmem>> -> memref<8192xi32, #tpu.memory_space<vmem>>
    %dma_start3A_6 = tpu.memref_slice %arg4[%mul3A_2] : memref<262144xi32, #tpu.memory_space<hbm>> -> memref<8192xi32, #tpu.memory_space<hbm>>
    %dma_start3A_7 = arith.constant 0 : i32
    %dma_start3A_8 = tpu.memref_slice %arg9[%dma_start3A_7] : memref<8208xi32, #tpu.memory_space<vmem>> -> memref<8192xi32, #tpu.memory_space<vmem>>
    %dma_start3A_9 = tpu.memref_slice %arg4[%mul3A_2] : memref<262144xi32, #tpu.memory_space<hbm>> -> memref<8192xi32, #tpu.memory_space<hbm>>
    tpu.enqueue_dma source(%dma_start3A_9 : memref<8192xi32, #tpu.memory_space<hbm>>) target(%dma_start3A_8 : memref<8192xi32, #tpu.memory_space<vmem>>) target_semaphore(%arg15 : memref<!tpu.dma_semaphore, #tpu.memory_space<semaphore_mem>>)
    %dma_start3A_10 = arith.constant 0 : i32
    %dma_start3A_11 = tpu.memref_slice %arg10[%dma_start3A_10] : memref<8208xi32, #tpu.memory_space<vmem>> -> memref<8192xi32, #tpu.memory_space<vmem>>
    %dma_start3A_12 = tpu.memref_slice %arg5[%mul3A_2] : memref<262144xi32, #tpu.memory_space<hbm>> -> memref<8192xi32, #tpu.memory_space<hbm>>
    %dma_start3A_13 = arith.constant 0 : i32
    %dma_start3A_14 = tpu.memref_slice %arg10[%dma_start3A_13] : memref<8208xi32, #tpu.memory_space<vmem>> -> memref<8192xi32, #tpu.memory_space<vmem>>
    %dma_start3A_15 = tpu.memref_slice %arg5[%mul3A_2] : memref<262144xi32, #tpu.memory_space<hbm>> -> memref<8192xi32, #tpu.memory_space<hbm>>
    tpu.enqueue_dma source(%dma_start3A_15 : memref<8192xi32, #tpu.memory_space<hbm>>) target(%dma_start3A_14 : memref<8192xi32, #tpu.memory_space<vmem>>) target_semaphore(%arg15 : memref<!tpu.dma_semaphore, #tpu.memory_space<semaphore_mem>>)
    %broadcast_in_dim3A = arith.constant 0 : i32
    %broadcast_in_dim3A_16 = vector.broadcast %broadcast_in_dim3A : i32 to vector<16xi32>
    %scan3A = arith.constant 0 : i32
    %scan3A_17 = arith.constant 321 : i32
    %scan3A_18 = arith.addi %scan3A, %scan3A_17 : i32
    %scan3A_19 = arith.constant 1 : i32
    scf.for %scan3A_82 = %scan3A to %scan3A_18 step %scan3A_19  : i32 {
      %mul3A_83 = arith.constant 1 : i32
      %mul3A_84 = arith.muli %scan3A_82, %mul3A_83 : i32
      %add3A_85 = arith.constant 0 : i32
      %add3A_86 = arith.addi %add3A_85, %mul3A_84 : i32
      %swap3A = arith.constant 0 : i32
      %swap3A_87 = tpu.memref_slice %arg13[%add3A_86, %swap3A] : memref<321x128xi32, #tpu.memory_space<vmem>> -> memref<1x128xi32, #tpu.memory_space<vmem>>
      %swap3A_88 = tpu.memref_squeeze %swap3A_87 : memref<1x128xi32, #tpu.memory_space<vmem>> -> memref<128xi32, #tpu.memory_space<vmem>>
      %swap3A_89 = arith.constant 0 : index
      %swap3A_90 = tpu.vector_load %swap3A_88[%swap3A_89] {strides = array<i32>} : memref<128xi32, #tpu.memory_space<vmem>>, vector<16xi32>,
      tpu.vector_store %swap3A_88[%swap3A_89], %broadcast_in_dim3A_16 {strides = array<i32>} : memref<128xi32, #tpu.memory_space<vmem>>, vector<16xi32>,
      %swap3A_91 = arith.constant 0 : i32
      %swap3A_92 = tpu.memref_slice %arg13[%add3A_86, %swap3A_91] : memref<321x128xi32, #tpu.memory_space<vmem>> -> memref<1x128xi32, #tpu.memory_space<vmem>>
      %swap3A_93 = tpu.memref_squeeze %swap3A_92 : memref<1x128xi32, #tpu.memory_space<vmem>> -> memref<128xi32, #tpu.memory_space<vmem>>
      %swap3A_94 = arith.constant 16 : index
      %swap3A_95 = tpu.vector_load %swap3A_93[%swap3A_94] {strides = array<i32>} : memref<128xi32, #tpu.memory_space<vmem>>, vector<16xi32>,
      tpu.vector_store %swap3A_93[%swap3A_94], %broadcast_in_dim3A_16 {strides = array<i32>} : memref<128xi32, #tpu.memory_space<vmem>>, vector<16xi32>,
      %swap3A_96 = arith.constant 0 : i32
      %swap3A_97 = tpu.memref_slice %arg13[%add3A_86, %swap3A_96] : memref<321x128xi32, #tpu.memory_space<vmem>> -> memref<1x128xi32, #tpu.memory_space<vmem>>
      %swap3A_98 = tpu.memref_squeeze %swap3A_97 : memref<1x128xi32, #tpu.memory_space<vmem>> -> memref<128xi32, #tpu.memory_space<vmem>>
      %swap3A_99 = arith.constant 32 : index
      %swap3A_100 = tpu.vector_load %swap3A_98[%swap3A_99] {strides = array<i32>} : memref<128xi32, #tpu.memory_space<vmem>>, vector<16xi32>,
      tpu.vector_store %swap3A_98[%swap3A_99], %broadcast_in_dim3A_16 {strides = array<i32>} : memref<128xi32, #tpu.memory_space<vmem>>, vector<16xi32>,
      %swap3A_101 = arith.constant 0 : i32
      %swap3A_102 = tpu.memref_slice %arg13[%add3A_86, %swap3A_101] : memref<321x128xi32, #tpu.memory_space<vmem>> -> memref<1x128xi32, #tpu.memory_space<vmem>>
      %swap3A_103 = tpu.memref_squeeze %swap3A_102 : memref<1x128xi32, #tpu.memory_space<vmem>> -> memref<128xi32, #tpu.memory_space<vmem>>
      %swap3A_104 = arith.constant 48 : index
      %swap3A_105 = tpu.vector_load %swap3A_103[%swap3A_104] {strides = array<i32>} : memref<128xi32, #tpu.memory_space<vmem>>, vector<16xi32>,
      tpu.vector_store %swap3A_103[%swap3A_104], %broadcast_in_dim3A_16 {strides = array<i32>} : memref<128xi32, #tpu.memory_space<vmem>>, vector<16xi32>,
      %swap3A_106 = arith.constant 0 : i32
      %swap3A_107 = tpu.memref_slice %arg13[%add3A_86, %swap3A_106] : memref<321x128xi32, #tpu.memory_space<vmem>> -> memref<1x128xi32, #tpu.memory_space<vmem>>
      %swap3A_108 = tpu.memref_squeeze %swap3A_107 : memref<1x128xi32, #tpu.memory_space<vmem>> -> memref<128xi32, #tpu.memory_space<vmem>>
      %swap3A_109 = arith.constant 64 : index
      %swap3A_110 = tpu.vector_load %swap3A_108[%swap3A_109] {strides = array<i32>} : memref<128xi32, #tpu.memory_space<vmem>>, vector<16xi32>,
      tpu.vector_store %swap3A_108[%swap3A_109], %broadcast_in_dim3A_16 {strides = array<i32>} : memref<128xi32, #tpu.memory_space<vmem>>, vector<16xi32>,
      %swap3A_111 = arith.constant 0 : i32
      %swap3A_112 = tpu.memref_slice %arg13[%add3A_86, %swap3A_111] : memref<321x128xi32, #tpu.memory_space<vmem>> -> memref<1x128xi32, #tpu.memory_space<vmem>>
      %swap3A_113 = tpu.memref_squeeze %swap3A_112 : memref<1x128xi32, #tpu.memory_space<vmem>> -> memref<128xi32, #tpu.memory_space<vmem>>
      %swap3A_114 = arith.constant 80 : index
      %swap3A_115 = tpu.vector_load %swap3A_113[%swap3A_114] {strides = array<i32>} : memref<128xi32, #tpu.memory_space<vmem>>, vector<16xi32>,
      tpu.vector_store %swap3A_113[%swap3A_114], %broadcast_in_dim3A_16 {strides = array<i32>} : memref<128xi32, #tpu.memory_space<vmem>>, vector<16xi32>,
      %swap3A_116 = arith.constant 0 : i32
      %swap3A_117 = tpu.memref_slice %arg13[%add3A_86, %swap3A_116] : memref<321x128xi32, #tpu.memory_space<vmem>> -> memref<1x128xi32, #tpu.memory_space<vmem>>
      %swap3A_118 = tpu.memref_squeeze %swap3A_117 : memref<1x128xi32, #tpu.memory_space<vmem>> -> memref<128xi32, #tpu.memory_space<vmem>>
      %swap3A_119 = arith.constant 96 : index
      %swap3A_120 = tpu.vector_load %swap3A_118[%swap3A_119] {strides = array<i32>} : memref<128xi32, #tpu.memory_space<vmem>>, vector<16xi32>,
      tpu.vector_store %swap3A_118[%swap3A_119], %broadcast_in_dim3A_16 {strides = array<i32>} : memref<128xi32, #tpu.memory_space<vmem>>, vector<16xi32>,
      %swap3A_121 = arith.constant 0 : i32
      %swap3A_122 = tpu.memref_slice %arg13[%add3A_86, %swap3A_121] : memref<321x128xi32, #tpu.memory_space<vmem>> -> memref<1x128xi32, #tpu.memory_space<vmem>>
      %swap3A_123 = tpu.memref_squeeze %swap3A_122 : memref<1x128xi32, #tpu.memory_space<vmem>> -> memref<128xi32, #tpu.memory_space<vmem>>
      %swap3A_124 = arith.constant 112 : index
      %swap3A_125 = tpu.vector_load %swap3A_123[%swap3A_124] {strides = array<i32>} : memref<128xi32, #tpu.memory_space<vmem>>, vector<16xi32>,
      tpu.vector_store %swap3A_123[%swap3A_124], %broadcast_in_dim3A_16 {strides = array<i32>} : memref<128xi32, #tpu.memory_space<vmem>>, vector<16xi32>,
    }
    %scan3A_20 = arith.constant 321 : i32
    %mul3A_21 = arith.constant 16 : i32
    %mul3A_22 = arith.muli %add3A, %mul3A_21 : i32
    "tpu.region"() ({
      %run_scoped3A = tpu.sem_alloc : memref<!tpu.dma_semaphore, #tpu.memory_space<semaphore_mem>>
      %dma_start3A_82 = tpu.memref_slice %arg6[%mul3A_22] : memref<512xi32, #tpu.memory_space<hbm>> -> memref<16xi32, #tpu.memory_space<hbm>>
      %dma_start3A_83 = tpu.memref_slice %arg6[%mul3A_22] : memref<512xi32, #tpu.memory_space<hbm>> -> memref<16xi32, #tpu.memory_space<hbm>>
      tpu.enqueue_dma source(%dma_start3A_83 : memref<16xi32, #tpu.memory_space<hbm>>) target(%arg14 : memref<16xi32, #tpu.memory_space<vmem>>) target_semaphore(%run_scoped3A : memref<!tpu.dma_semaphore, #tpu.memory_space<semaphore_mem>>)
      %dma_wait3A_84 = tpu.memref_slice %arg6[%mul3A_22] : memref<512xi32, #tpu.memory_space<hbm>> -> memref<16xi32, #tpu.memory_space<hbm>>
      %dma_wait3A_85 = tpu.memref_slice %arg6[%mul3A_22] : memref<512xi32, #tpu.memory_space<hbm>> -> memref<16xi32, #tpu.memory_space<hbm>>
      tpu.wait_dma2 semaphore(%run_scoped3A : memref<!tpu.dma_semaphore, #tpu.memory_space<semaphore_mem>>) src(%dma_wait3A_85 : memref<16xi32, #tpu.memory_space<hbm>>) dst(%arg14 : memref<16xi32, #tpu.memory_space<vmem>>)
      tpu.yield
    }) : () -> ()
    %get3A = arith.constant 0 : index
    %get3A_23 = tpu.vector_load %arg14[%get3A] {strides = array<i32>} : memref<16xi32, #tpu.memory_space<vmem>>, vector<16xi32>,
    %slice3A = vector.extract_strided_slice %get3A_23 {offsets = [0], sizes = [1], strides = [1]} : vector<16xi32> to vector<1xi32>
    %squeeze3A = vector.extract %slice3A[0] : i32 from vector<1xi32>
    %jit3A = arith.constant 128 : i32
    %div3A = arith.divsi %squeeze3A, %jit3A : i32
    %sign3A = arith.constant 0 : i32
    %sign3A_24 = arith.cmpi sgt, %squeeze3A, %sign3A : i32
    %sign3A_25 = arith.extui %sign3A_24 : i1 to i32
    %sign3A_26 = arith.constant 0 : i32
    %sign3A_27 = arith.cmpi slt, %squeeze3A, %sign3A_26 : i32
    %sign3A_28 = arith.extui %sign3A_27 : i1 to i32
    %sign3A_29 = arith.subi %sign3A_25, %sign3A_28 : i32
    %sign3A_30 = arith.constant 0 : i32
    %sign3A_31 = arith.cmpi sgt, %jit3A, %sign3A_30 : i32
    %sign3A_32 = arith.extui %sign3A_31 : i1 to i32
    %sign3A_33 = arith.constant 0 : i32
    %sign3A_34 = arith.cmpi slt, %jit3A, %sign3A_33 : i32
    %sign3A_35 = arith.extui %sign3A_34 : i1 to i32
    %sign3A_36 = arith.subi %sign3A_32, %sign3A_35 : i32
    %ne3A = arith.cmpi ne, %sign3A_29, %sign3A_36 : i32
    %rem3A = arith.remsi %squeeze3A, %jit3A : i32
    %ne3A_37 = arith.constant 0 : i32
    %ne3A_38 = arith.cmpi ne, %rem3A, %ne3A_37 : i32
    %and3A = arith.andi %ne3A, %ne3A_38 : i1
    %sub3A = arith.constant 1 : i32
    %sub3A_39 = arith.subi %div3A, %sub3A : i32
    %select_n3A = arith.select %and3A, %sub3A_39, %div3A : i32
    %dma_wait3A = tpu.memref_slice %arg3[%mul3A_2] : memref<262144xi32, #tpu.memory_space<hbm>> -> memref<8192xi32, #tpu.memory_space<hbm>>
    %dma_wait3A_40 = tpu.memref_slice %arg3[%mul3A_2] : memref<262144xi32, #tpu.memory_space<hbm>> -> memref<8192xi32, #tpu.memory_space<hbm>>
    tpu.wait_dma2 semaphore(%arg15 : memref<!tpu.dma_semaphore, #tpu.memory_space<semaphore_mem>>) src(%dma_wait3A_40 : memref<8192xi32, #tpu.memory_space<hbm>>) dst(%arg8 : memref<8192xi32, #tpu.memory_space<vmem>>)
    %dma_wait3A_41 = arith.constant 0 : i32
    %dma_wait3A_42 = tpu.memref_slice %arg9[%dma_wait3A_41] : memref<8208xi32, #tpu.memory_space<vmem>> -> memref<8192xi32, #tpu.memory_space<vmem>>
    %dma_wait3A_43 = tpu.memref_slice %arg4[%mul3A_2] : memref<262144xi32, #tpu.memory_space<hbm>> -> memref<8192xi32, #tpu.memory_space<hbm>>
    %dma_wait3A_44 = arith.constant 0 : i32
    %dma_wait3A_45 = tpu.memref_slice %arg9[%dma_wait3A_44] : memref<8208xi32, #tpu.memory_space<vmem>> -> memref<8192xi32, #tpu.memory_space<vmem>>
    %dma_wait3A_46 = tpu.memref_slice %arg4[%mul3A_2] : memref<262144xi32, #tpu.memory_space<hbm>> -> memref<8192xi32, #tpu.memory_space<hbm>>
    tpu.wait_dma2 semaphore(%arg15 : memref<!tpu.dma_semaphore, #tpu.memory_space<semaphore_mem>>) src(%dma_wait3A_46 : memref<8192xi32, #tpu.memory_space<hbm>>) dst(%dma_wait3A_45 : memref<8192xi32, #tpu.memory_space<vmem>>)
    %dma_wait3A_47 = arith.constant 0 : i32
    %dma_wait3A_48 = tpu.memref_slice %arg10[%dma_wait3A_47] : memref<8208xi32, #tpu.memory_space<vmem>> -> memref<8192xi32, #tpu.memory_space<vmem>>
    %dma_wait3A_49 = tpu.memref_slice %arg5[%mul3A_2] : memref<262144xi32, #tpu.memory_space<hbm>> -> memref<8192xi32, #tpu.memory_space<hbm>>
    %dma_wait3A_50 = arith.constant 0 : i32
    %dma_wait3A_51 = tpu.memref_slice %arg10[%dma_wait3A_50] : memref<8208xi32, #tpu.memory_space<vmem>> -> memref<8192xi32, #tpu.memory_space<vmem>>
    %dma_wait3A_52 = tpu.memref_slice %arg5[%mul3A_2] : memref<262144xi32, #tpu.memory_space<hbm>> -> memref<8192xi32, #tpu.memory_space<hbm>>
    tpu.wait_dma2 semaphore(%arg15 : memref<!tpu.dma_semaphore, #tpu.memory_space<semaphore_mem>>) src(%dma_wait3A_52 : memref<8192xi32, #tpu.memory_space<hbm>>) dst(%dma_wait3A_51 : memref<8192xi32, #tpu.memory_space<vmem>>)
    %dma_start3A_53 = arith.constant 0 : i32
    %dma_start3A_54 = tpu.memref_slice %arg8[%dma_start3A_53] : memref<8192xi32, #tpu.memory_space<vmem>> -> memref<128xi32, #tpu.memory_space<vmem>>
    %dma_start3A_55 = arith.constant 0 : i32
    %dma_start3A_56 = arith.constant 0 : i32
    %dma_start3A_57 = tpu.memref_slice %arg2[%dma_start3A_55, %dma_start3A_56] : memref<80000x128xi32, #tpu.memory_space<hbm>> -> memref<80000x128xi32, #tpu.memory_space<hbm>>
    tpu.enqueue_indirect_dma source(%dma_start3A_57 : memref<80000x128xi32, #tpu.memory_space<hbm>>) target(%arg11 : memref<128x128xi32, #tpu.memory_space<vmem>>) offsets(%dma_start3A_54 : memref<128xi32, #tpu.memory_space<vmem>>) semaphore(%arg16 : memref<!tpu.dma_semaphore, #tpu.memory_space<semaphore_mem>>)
    %sub3A_58 = arith.constant 0 : i32
    %sub3A_59 = arith.subi %select_n3A, %sub3A_58 : i32
    %sub3A_60 = arith.constant 2 : i32
    %sub3A_61 = arith.constant 1 : i32
    %sub3A_62 = arith.subi %sub3A_60, %sub3A_61 : i32
    %add3A_63 = arith.addi %sub3A_59, %sub3A_62 : i32
    %div3A_64 = arith.constant 2 : i32
    %div3A_65 = arith.divsi %add3A_63, %div3A_64 : i32
    %while3A = arith.constant 2 : i32
    %while3A_66 = arith.constant 0 : i32
    %while3A_67 = arith.constant 0 : i32
    %while3A_68 = arith.subi %div3A_65, %while3A_67 : i32
    %while3A_69 = arith.addi %while3A_67, %while3A_68 : i32
    %while3A_70 = arith.constant 1 : i32
    %while3A_71 = arith.divsi %while3A_68, %while3A_70 : i32
    %while3A_72 = arith.muli %while3A_71, %while3A_70 : i32
    %while3A_73 = arith.addi %while3A_67, %while3A_72 : i32
    %while3A_74 = arith.constant 1 : i32
    scf.for %while3A_82 = %while3A_67 to %while3A_73 step %while3A_74  : i32 {
      %mul3A_83 = arith.muli %while3A_82, %while3A : i32
      %add3A_84 = arith.addi %while3A_66, %mul3A_83 : i32
      %add3A_85 = arith.constant 1 : i32
      %add3A_86 = arith.addi %add3A_84, %add3A_85 : i32
      %lt3A_87 = arith.cmpi slt, %add3A_86, %select_n3A : i32
      %convert_element_type3A_88 = arith.extui %lt3A_87 : i1 to i32
      %cond3A_89 = arith.constant 0 : i32
      %cond3A_90 = arith.cmpi ne, %convert_element_type3A_88, %cond3A_89 : i32
      scf.if %cond3A_90 {
        %add3A_113 = arith.constant 1 : i32
        %add3A_114 = arith.addi %add3A_84, %add3A_113 : i32
        %mul3A_115 = arith.constant 128 : i32
        %mul3A_116 = arith.muli %add3A_114, %mul3A_115 : i32
        %dma_start3A_117 = tpu.memref_slice %arg8[%mul3A_116] : memref<8192xi32, #tpu.memory_space<vmem>> -> memref<128xi32, #tpu.memory_space<vmem>>
        %dma_start3A_118 = arith.constant 0 : i32
        %dma_start3A_119 = arith.constant 0 : i32
        %dma_start3A_120 = tpu.memref_slice %arg2[%dma_start3A_118, %dma_start3A_119] : memref<80000x128xi32, #tpu.memory_space<hbm>> -> memref<80000x128xi32, #tpu.memory_space<hbm>>
        tpu.enqueue_indirect_dma source(%dma_start3A_120 : memref<80000x128xi32, #tpu.memory_space<hbm>>) target(%arg12 : memref<128x128xi32, #tpu.memory_space<vmem>>) offsets(%dma_start3A_117 : memref<128xi32, #tpu.memory_space<vmem>>) semaphore(%arg17 : memref<!tpu.dma_semaphore, #tpu.memory_space<semaphore_mem>>)
      } else {
      }
      %mul3A_91 = arith.constant 128 : i32
      %mul3A_92 = arith.muli %add3A_84, %mul3A_91 : i32
      %dma_wait3A_93 = tpu.memref_slice %arg8[%mul3A_92] : memref<8192xi32, #tpu.memory_space<vmem>> -> memref<128xi32, #tpu.memory_space<vmem>>
      %dma_wait3A_94 = arith.constant 0 : i32
      %dma_wait3A_95 = arith.constant 0 : i32
      %dma_wait3A_96 = tpu.memref_slice %arg2[%dma_wait3A_94, %dma_wait3A_95] : memref<80000x128xi32, #tpu.memory_space<hbm>> -> memref<80000x128xi32, #tpu.memory_space<hbm>>
      tpu.wait_indirect_dma semaphore(%arg16 : memref<!tpu.dma_semaphore, #tpu.memory_space<semaphore_mem>>) src(%dma_wait3A_96 : memref<80000x128xi32, #tpu.memory_space<hbm>>) dst(%arg11 : memref<128x128xi32, #tpu.memory_space<vmem>>)
      %mul3A_97 = arith.constant 128 : i32
      %mul3A_98 = arith.muli %add3A_84, %mul3A_97 : i32
      %broadcast_in_dim3A_99 = arith.constant 0 : i32
      %broadcast_in_dim3A_100 = vector.broadcast %broadcast_in_dim3A_99 : i32 to vector<16xi32>
      %scan3A_101 = arith.constant 0 : i32
      %scan3A_102 = arith.constant 0 : i32
      %scan3A_103 = arith.constant 128 : i32
      %scan3A_104 = arith.addi %scan3A_102, %scan3A_103 : i32
      %scan3A_105 = arith.constant 4 : i32
      scf.for %scan3A_113 = %scan3A_102 to %scan3A_104 step %scan3A_105  : i32 {
        %add3A_114 = arith.addi %mul3A_98, %scan3A_113 : i32
        %get3A_115 = arith.index_cast %add3A_114 : i32 to index
        %get3A_116 = tpu.vector_load %arg9[%get3A_115] {strides = array<i32>} : memref<8208xi32, #tpu.memory_space<vmem>>, vector<16xi32>,
        %lt3A_117 = arith.constant 0 : i32
        %lt3A_118 = vector.broadcast %lt3A_117 : i32 to vector<16xi32>
        %lt3A_119 = arith.cmpi slt, %broadcast_in_dim3A_100, %lt3A_118 : vector<16xi32>
        %add3A_120 = arith.constant 16 : i32
        %add3A_121 = vector.broadcast %add3A_120 : i32 to vector<16xi32>
        %add3A_122 = arith.addi %broadcast_in_dim3A_100, %add3A_121 : vector<16xi32>
        %select_n3A_123 = arith.select %lt3A_119, %add3A_122, %broadcast_in_dim3A_100 : vector<16xi1>, vector<16xi32>
        %broadcast_in_dim3A_124 = vector.shape_cast %select_n3A_123 : vector<16xi32> to vector<16x1xi32>
        %gather3A = vector.shape_cast %broadcast_in_dim3A_124 : vector<16x1xi32> to vector<16xi32>
        %gather3A_125 = tpu.dynamic_gather %get3A_116[%gather3A] in [0] : vector<16xi32>, vector<16xi32> -> vector<16xi32>
        %bitcast3A = vector.bitcast %gather3A_125 : vector<16xi32> to vector<32xbf16>
        %add3A_126 = arith.addi %mul3A_98, %scan3A_113 : i32
        %get3A_127 = arith.index_cast %add3A_126 : i32 to index
        %get3A_128 = tpu.vector_load %arg10[%get3A_127] {strides = array<i32>} : memref<8208xi32, #tpu.memory_space<vmem>>, vector<16xi32>,
        %slice3A_129 = vector.extract_strided_slice %get3A_128 {offsets = [0], sizes = [1], strides = [1]} : vector<16xi32> to vector<1xi32>
        %squeeze3A_130 = vector.extract %slice3A_129[0] : i32 from vector<1xi32>
        %get3A_131 = arith.constant 0 : i32
        %get3A_132 = tpu.memref_slice %arg11[%scan3A_113, %get3A_131] : memref<128x128xi32, #tpu.memory_space<vmem>> -> memref<1x128xi32, #tpu.memory_space<vmem>>
        %get3A_133 = tpu.memref_squeeze %get3A_132 : memref<1x128xi32, #tpu.memory_space<vmem>> -> memref<128xi32, #tpu.memory_space<vmem>>
        %get3A_134 = arith.constant 0 : index
        %get3A_135 = tpu.vector_load %get3A_133[%get3A_134] {strides = array<i32>} : memref<128xi32, #tpu.memory_space<vmem>>, vector<16xi32>,
        %bitcast3A_136 = vector.bitcast %get3A_135 : vector<16xi32> to vector<32xbf16>
        %mul3A_137 = arith.mulf %bitcast3A_136, %bitcast3A : vector<32xbf16>
        %get3A_138 = arith.constant 0 : i32
        %get3A_139 = tpu.memref_slice %arg13[%squeeze3A_130, %get3A_138] : memref<321x128xi32, #tpu.memory_space<vmem>> -> memref<1x128xi32, #tpu.memory_space<vmem>>
        %get3A_140 = tpu.memref_squeeze %get3A_139 : memref<1x128xi32, #tpu.memory_space<vmem>> -> memref<128xi32, #tpu.memory_space<vmem>>
        %get3A_141 = arith.constant 0 : index
        %get3A_142 = tpu.vector_load %get3A_140[%get3A_141] {strides = array<i32>} : memref<128xi32, #tpu.memory_space<vmem>>, vector<16xi32>,
        %bitcast3A_143 = vector.bitcast %get3A_142 : vector<16xi32> to vector<32xbf16>
        %add3A_144 = arith.addf %bitcast3A_143, %mul3A_137 : vector<32xbf16>
        %bitcast3A_145 = vector.bitcast %add3A_144 : vector<32xbf16> to vector<16xi32>
        %swap3A = arith.constant 0 : i32
        %swap3A_146 = tpu.memref_slice %arg13[%squeeze3A_130, %swap3A] : memref<321x128xi32, #tpu.memory_space<vmem>> -> memref<1x128xi32, #tpu.memory_space<vmem>>
        %swap3A_147 = tpu.memref_squeeze %swap3A_146 : memref<1x128xi32, #tpu.memory_space<vmem>> -> memref<128xi32, #tpu.memory_space<vmem>>
        %swap3A_148 = arith.constant 0 : index
        %swap3A_149 = tpu.vector_load %swap3A_147[%swap3A_148] {strides = array<i32>} : memref<128xi32, #tpu.memory_space<vmem>>, vector<16xi32>,
        tpu.vector_store %swap3A_147[%swap3A_148], %bitcast3A_145 {strides = array<i32>} : memref<128xi32, #tpu.memory_space<vmem>>, vector<16xi32>,
        %get3A_150 = arith.constant 0 : i32
        %get3A_151 = tpu.memref_slice %arg11[%scan3A_113, %get3A_150] : memref<128x128xi32, #tpu.memory_space<vmem>> -> memref<1x128xi32, #tpu.memory_space<vmem>>
        %get3A_152 = tpu.memref_squeeze %get3A_151 : memref<1x128xi32, #tpu.memory_space<vmem>> -> memref<128xi32, #tpu.memory_space<vmem>>
        %get3A_153 = arith.constant 16 : index
        %get3A_154 = tpu.vector_load %get3A_152[%get3A_153] {strides = array<i32>} : memref<128xi32, #tpu.memory_space<vmem>>, vector<16xi32>,
        %bitcast3A_155 = vector.bitcast %get3A_154 : vector<16xi32> to vector<32xbf16>
        %mul3A_156 = arith.mulf %bitcast3A_155, %bitcast3A : vector<32xbf16>
        %get3A_157 = arith.constant 0 : i32
        %get3A_158 = tpu.memref_slice %arg13[%squeeze3A_130, %get3A_157] : memref<321x128xi32, #tpu.memory_space<vmem>> -> memref<1x128xi32, #tpu.memory_space<vmem>>
        %get3A_159 = tpu.memref_squeeze %get3A_158 : memref<1x128xi32, #tpu.memory_space<vmem>> -> memref<128xi32, #tpu.memory_space<vmem>>
        %get3A_160 = arith.constant 16 : index
        %get3A_161 = tpu.vector_load %get3A_159[%get3A_160] {strides = array<i32>} : memref<128xi32, #tpu.memory_space<vmem>>, vector<16xi32>,
        %bitcast3A_162 = vector.bitcast %get3A_161 : vector<16xi32> to vector<32xbf16>
        %add3A_163 = arith.addf %bitcast3A_162, %mul3A_156 : vector<32xbf16>
        %bitcast3A_164 = vector.bitcast %add3A_163 : vector<32xbf16> to vector<16xi32>
        %swap3A_165 = arith.constant 0 : i32
        %swap3A_166 = tpu.memref_slice %arg13[%squeeze3A_130, %swap3A_165] : memref<321x128xi32, #tpu.memory_space<vmem>> -> memref<1x128xi32, #tpu.memory_space<vmem>>
        %swap3A_167 = tpu.memref_squeeze %swap3A_166 : memref<1x128xi32, #tpu.memory_space<vmem>> -> memref<128xi32, #tpu.memory_space<vmem>>
        %swap3A_168 = arith.constant 16 : index
        %swap3A_169 = tpu.vector_load %swap3A_167[%swap3A_168] {strides = array<i32>} : memref<128xi32, #tpu.memory_space<vmem>>, vector<16xi32>,
        tpu.vector_store %swap3A_167[%swap3A_168], %bitcast3A_164 {strides = array<i32>} : memref<128xi32, #tpu.memory_space<vmem>>, vector<16xi32>,
        %get3A_170 = arith.constant 0 : i32
        %get3A_171 = tpu.memref_slice %arg11[%scan3A_113, %get3A_170] : memref<128x128xi32, #tpu.memory_space<vmem>> -> memref<1x128xi32, #tpu.memory_space<vmem>>
        %get3A_172 = tpu.memref_squeeze %get3A_171 : memref<1x128xi32, #tpu.memory_space<vmem>> -> memref<128xi32, #tpu.memory_space<vmem>>
        %get3A_173 = arith.constant 32 : index
        %get3A_174 = tpu.vector_load %get3A_172[%get3A_173] {strides = array<i32>} : memref<128xi32, #tpu.memory_space<vmem>>, vector<16xi32>,
        %bitcast3A_175 = vector.bitcast %get3A_174 : vector<16xi32> to vector<32xbf16>
        %mul3A_176 = arith.mulf %bitcast3A_175, %bitcast3A : vector<32xbf16>
        %get3A_177 = arith.constant 0 : i32
        %get3A_178 = tpu.memref_slice %arg13[%squeeze3A_130, %get3A_177] : memref<321x128xi32, #tpu.memory_space<vmem>> -> memref<1x128xi32, #tpu.memory_space<vmem>>
        %get3A_179 = tpu.memref_squeeze %get3A_178 : memref<1x128xi32, #tpu.memory_space<vmem>> -> memref<128xi32, #tpu.memory_space<vmem>>
        %get3A_180 = arith.constant 32 : index
        %get3A_181 = tpu.vector_load %get3A_179[%get3A_180] {strides = array<i32>} : memref<128xi32, #tpu.memory_space<vmem>>, vector<16xi32>,
        %bitcast3A_182 = vector.bitcast %get3A_181 : vector<16xi32> to vector<32xbf16>
        %add3A_183 = arith.addf %bitcast3A_182, %mul3A_176 : vector<32xbf16>
        %bitcast3A_184 = vector.bitcast %add3A_183 : vector<32xbf16> to vector<16xi32>
        %swap3A_185 = arith.constant 0 : i32
        %swap3A_186 = tpu.memref_slice %arg13[%squeeze3A_130, %swap3A_185] : memref<321x128xi32, #tpu.memory_space<vmem>> -> memref<1x128xi32, #tpu.memory_space<vmem>>
        %swap3A_187 = tpu.memref_squeeze %swap3A_186 : memref<1x128xi32, #tpu.memory_space<vmem>> -> memref<128xi32, #tpu.memory_space<vmem>>
        %swap3A_188 = arith.constant 32 : index
        %swap3A_189 = tpu.vector_load %swap3A_187[%swap3A_188] {strides = array<i32>} : memref<128xi32, #tpu.memory_space<vmem>>, vector<16xi32>,
        tpu.vector_store %swap3A_187[%swap3A_188], %bitcast3A_184 {strides = array<i32>} : memref<128xi32, #tpu.memory_space<vmem>>, vector<16xi32>,
        %get3A_190 = arith.constant 0 : i32
        %get3A_191 = tpu.memref_slice %arg11[%scan3A_113, %get3A_190] : memref<128x128xi32, #tpu.memory_space<vmem>> -> memref<1x128xi32, #tpu.memory_space<vmem>>
        %get3A_192 = tpu.memref_squeeze %get3A_191 : memref<1x128xi32, #tpu.memory_space<vmem>> -> memref<128xi32, #tpu.memory_space<vmem>>
        %get3A_193 = arith.constant 48 : index
        %get3A_194 = tpu.vector_load %get3A_192[%get3A_193] {strides = array<i32>} : memref<128xi32, #tpu.memory_space<vmem>>, vector<16xi32>,
        %bitcast3A_195 = vector.bitcast %get3A_194 : vector<16xi32> to vector<32xbf16>
        %mul3A_196 = arith.mulf %bitcast3A_195, %bitcast3A : vector<32xbf16>
        %get3A_197 = arith.constant 0 : i32
        %get3A_198 = tpu.memref_slice %arg13[%squeeze3A_130, %get3A_197] : memref<321x128xi32, #tpu.memory_space<vmem>> -> memref<1x128xi32, #tpu.memory_space<vmem>>
        %get3A_199 = tpu.memref_squeeze %get3A_198 : memref<1x128xi32, #tpu.memory_space<vmem>> -> memref<128xi32, #tpu.memory_space<vmem>>
        %get3A_200 = arith.constant 48 : index
        %get3A_201 = tpu.vector_load %get3A_199[%get3A_200] {strides = array<i32>} : memref<128xi32, #tpu.memory_space<vmem>>, vector<16xi32>,
        %bitcast3A_202 = vector.bitcast %get3A_201 : vector<16xi32> to vector<32xbf16>
        %add3A_203 = arith.addf %bitcast3A_202, %mul3A_196 : vector<32xbf16>
        %bitcast3A_204 = vector.bitcast %add3A_203 : vector<32xbf16> to vector<16xi32>
        %swap3A_205 = arith.constant 0 : i32
        %swap3A_206 = tpu.memref_slice %arg13[%squeeze3A_130, %swap3A_205] : memref<321x128xi32, #tpu.memory_space<vmem>> -> memref<1x128xi32, #tpu.memory_space<vmem>>
        %swap3A_207 = tpu.memref_squeeze %swap3A_206 : memref<1x128xi32, #tpu.memory_space<vmem>> -> memref<128xi32, #tpu.memory_space<vmem>>
        %swap3A_208 = arith.constant 48 : index
        %swap3A_209 = tpu.vector_load %swap3A_207[%swap3A_208] {strides = array<i32>} : memref<128xi32, #tpu.memory_space<vmem>>, vector<16xi32>,
        tpu.vector_store %swap3A_207[%swap3A_208], %bitcast3A_204 {strides = array<i32>} : memref<128xi32, #tpu.memory_space<vmem>>, vector<16xi32>,
        %get3A_210 = arith.constant 0 : i32
        %get3A_211 = tpu.memref_slice %arg11[%scan3A_113, %get3A_210] : memref<128x128xi32, #tpu.memory_space<vmem>> -> memref<1x128xi32, #tpu.memory_space<vmem>>
        %get3A_212 = tpu.memref_squeeze %get3A_211 : memref<1x128xi32, #tpu.memory_space<vmem>> -> memref<128xi32, #tpu.memory_space<vmem>>
        %get3A_213 = arith.constant 64 : index
        %get3A_214 = tpu.vector_load %get3A_212[%get3A_213] {strides = array<i32>} : memref<128xi32, #tpu.memory_space<vmem>>, vector<16xi32>,
        %bitcast3A_215 = vector.bitcast %get3A_214 : vector<16xi32> to vector<32xbf16>
        %mul3A_216 = arith.mulf %bitcast3A_215, %bitcast3A : vector<32xbf16>
        %get3A_217 = arith.constant 0 : i32
        %get3A_218 = tpu.memref_slice %arg13[%squeeze3A_130, %get3A_217] : memref<321x128xi32, #tpu.memory_space<vmem>> -> memref<1x128xi32, #tpu.memory_space<vmem>>
        %get3A_219 = tpu.memref_squeeze %get3A_218 : memref<1x128xi32, #tpu.memory_space<vmem>> -> memref<128xi32, #tpu.memory_space<vmem>>
        %get3A_220 = arith.constant 64 : index
        %get3A_221 = tpu.vector_load %get3A_219[%get3A_220] {strides = array<i32>} : memref<128xi32, #tpu.memory_space<vmem>>, vector<16xi32>,
        %bitcast3A_222 = vector.bitcast %get3A_221 : vector<16xi32> to vector<32xbf16>
        %add3A_223 = arith.addf %bitcast3A_222, %mul3A_216 : vector<32xbf16>
        %bitcast3A_224 = vector.bitcast %add3A_223 : vector<32xbf16> to vector<16xi32>
        %swap3A_225 = arith.constant 0 : i32
        %swap3A_226 = tpu.memref_slice %arg13[%squeeze3A_130, %swap3A_225] : memref<321x128xi32, #tpu.memory_space<vmem>> -> memref<1x128xi32, #tpu.memory_space<vmem>>
        %swap3A_227 = tpu.memref_squeeze %swap3A_226 : memref<1x128xi32, #tpu.memory_space<vmem>> -> memref<128xi32, #tpu.memory_space<vmem>>
        %swap3A_228 = arith.constant 64 : index
        %swap3A_229 = tpu.vector_load %swap3A_227[%swap3A_228] {strides = array<i32>} : memref<128xi32, #tpu.memory_space<vmem>>, vector<16xi32>,
        tpu.vector_store %swap3A_227[%swap3A_228], %bitcast3A_224 {strides = array<i32>} : memref<128xi32, #tpu.memory_space<vmem>>, vector<16xi32>,
        %get3A_230 = arith.constant 0 : i32
        %get3A_231 = tpu.memref_slice %arg11[%scan3A_113, %get3A_230] : memref<128x128xi32, #tpu.memory_space<vmem>> -> memref<1x128xi32, #tpu.memory_space<vmem>>
        %get3A_232 = tpu.memref_squeeze %get3A_231 : memref<1x128xi32, #tpu.memory_space<vmem>> -> memref<128xi32, #tpu.memory_space<vmem>>
        %get3A_233 = arith.constant 80 : index
        %get3A_234 = tpu.vector_load %get3A_232[%get3A_233] {strides = array<i32>} : memref<128xi32, #tpu.memory_space<vmem>>, vector<16xi32>,
        %bitcast3A_235 = vector.bitcast %get3A_234 : vector<16xi32> to vector<32xbf16>
        %mul3A_236 = arith.mulf %bitcast3A_235, %bitcast3A : vector<32xbf16>
        %get3A_237 = arith.constant 0 : i32
        %get3A_238 = tpu.memref_slice %arg13[%squeeze3A_130, %get3A_237] : memref<321x128xi32, #tpu.memory_space<vmem>> -> memref<1x128xi32, #tpu.memory_space<vmem>>
        %get3A_239 = tpu.memref_squeeze %get3A_238 : memref<1x128xi32, #tpu.memory_space<vmem>> -> memref<128xi32, #tpu.memory_space<vmem>>
        %get3A_240 = arith.constant 80 : index
        %get3A_241 = tpu.vector_load %get3A_239[%get3A_240] {strides = array<i32>} : memref<128xi32, #tpu.memory_space<vmem>>, vector<16xi32>,
        %bitcast3A_242 = vector.bitcast %get3A_241 : vector<16xi32> to vector<32xbf16>
        %add3A_243 = arith.addf %bitcast3A_242, %mul3A_236 : vector<32xbf16>
        %bitcast3A_244 = vector.bitcast %add3A_243 : vector<32xbf16> to vector<16xi32>
        %swap3A_245 = arith.constant 0 : i32
        %swap3A_246 = tpu.memref_slice %arg13[%squeeze3A_130, %swap3A_245] : memref<321x128xi32, #tpu.memory_space<vmem>> -> memref<1x128xi32, #tpu.memory_space<vmem>>
        %swap3A_247 = tpu.memref_squeeze %swap3A_246 : memref<1x128xi32, #tpu.memory_space<vmem>> -> memref<128xi32, #tpu.memory_space<vmem>>
        %swap3A_248 = arith.constant 80 : index
        %swap3A_249 = tpu.vector_load %swap3A_247[%swap3A_248] {strides = array<i32>} : memref<128xi32, #tpu.memory_space<vmem>>, vector<16xi32>,
        tpu.vector_store %swap3A_247[%swap3A_248], %bitcast3A_244 {strides = array<i32>} : memref<128xi32, #tpu.memory_space<vmem>>, vector<16xi32>,
        %get3A_250 = arith.constant 0 : i32
        %get3A_251 = tpu.memref_slice %arg11[%scan3A_113, %get3A_250] : memref<128x128xi32, #tpu.memory_space<vmem>> -> memref<1x128xi32, #tpu.memory_space<vmem>>
        %get3A_252 = tpu.memref_squeeze %get3A_251 : memref<1x128xi32, #tpu.memory_space<vmem>> -> memref<128xi32, #tpu.memory_space<vmem>>
        %get3A_253 = arith.constant 96 : index
        %get3A_254 = tpu.vector_load %get3A_252[%get3A_253] {strides = array<i32>} : memref<128xi32, #tpu.memory_space<vmem>>, vector<16xi32>,
        %bitcast3A_255 = vector.bitcast %get3A_254 : vector<16xi32> to vector<32xbf16>
        %mul3A_256 = arith.mulf %bitcast3A_255, %bitcast3A : vector<32xbf16>
        %get3A_257 = arith.constant 0 : i32
        %get3A_258 = tpu.memref_slice %arg13[%squeeze3A_130, %get3A_257] : memref<321x128xi32, #tpu.memory_space<vmem>> -> memref<1x128xi32, #tpu.memory_space<vmem>>
        %get3A_259 = tpu.memref_squeeze %get3A_258 : memref<1x128xi32, #tpu.memory_space<vmem>> -> memref<128xi32, #tpu.memory_space<vmem>>
        %get3A_260 = arith.constant 96 : index
        %get3A_261 = tpu.vector_load %get3A_259[%get3A_260] {strides = array<i32>} : memref<128xi32, #tpu.memory_space<vmem>>, vector<16xi32>,
        %bitcast3A_262 = vector.bitcast %get3A_261 : vector<16xi32> to vector<32xbf16>
        %add3A_263 = arith.addf %bitcast3A_262, %mul3A_256 : vector<32xbf16>
        %bitcast3A_264 = vector.bitcast %add3A_263 : vector<32xbf16> to vector<16xi32>
        %swap3A_265 = arith.constant 0 : i32
        %swap3A_266 = tpu.memref_slice %arg13[%squeeze3A_130, %swap3A_265] : memref<321x128xi32, #tpu.memory_space<vmem>> -> memref<1x128xi32, #tpu.memory_space<vmem>>
        %swap3A_267 = tpu.memref_squeeze %swap3A_266 : memref<1x128xi32, #tpu.memory_space<vmem>> -> memref<128xi32, #tpu.memory_space<vmem>>
        %swap3A_268 = arith.constant 96 : index
        %swap3A_269 = tpu.vector_load %swap3A_267[%swap3A_268] {strides = array<i32>} : memref<128xi32, #tpu.memory_space<vmem>>, vector<16xi32>,
        tpu.vector_store %swap3A_267[%swap3A_268], %bitcast3A_264 {strides = array<i32>} : memref<128xi32, #tpu.memory_space<vmem>>, vector<16xi32>,
        %get3A_270 = arith.constant 0 : i32
        %get3A_271 = tpu.memref_slice %arg11[%scan3A_113, %get3A_270] : memref<128x128xi32, #tpu.memory_space<vmem>> -> memref<1x128xi32, #tpu.memory_space<vmem>>
        %get3A_272 = tpu.memref_squeeze %get3A_271 : memref<1x128xi32, #tpu.memory_space<vmem>> -> memref<128xi32, #tpu.memory_space<vmem>>
        %get3A_273 = arith.constant 112 : index
        %get3A_274 = tpu.vector_load %get3A_272[%get3A_273] {strides = array<i32>} : memref<128xi32, #tpu.memory_space<vmem>>, vector<16xi32>,
        %bitcast3A_275 = vector.bitcast %get3A_274 : vector<16xi32> to vector<32xbf16>
        %mul3A_276 = arith.mulf %bitcast3A_275, %bitcast3A : vector<32xbf16>
        %get3A_277 = arith.constant 0 : i32
        %get3A_278 = tpu.memref_slice %arg13[%squeeze3A_130, %get3A_277] : memref<321x128xi32, #tpu.memory_space<vmem>> -> memref<1x128xi32, #tpu.memory_space<vmem>>
        %get3A_279 = tpu.memref_squeeze %get3A_278 : memref<1x128xi32, #tpu.memory_space<vmem>> -> memref<128xi32, #tpu.memory_space<vmem>>
        %get3A_280 = arith.constant 112 : index
        %get3A_281 = tpu.vector_load %get3A_279[%get3A_280] {strides = array<i32>} : memref<128xi32, #tpu.memory_space<vmem>>, vector<16xi32>,
        %bitcast3A_282 = vector.bitcast %get3A_281 : vector<16xi32> to vector<32xbf16>
        %add3A_283 = arith.addf %bitcast3A_282, %mul3A_276 : vector<32xbf16>
        %bitcast3A_284 = vector.bitcast %add3A_283 : vector<32xbf16> to vector<16xi32>
        %swap3A_285 = arith.constant 0 : i32
        %swap3A_286 = tpu.memref_slice %arg13[%squeeze3A_130, %swap3A_285] : memref<321x128xi32, #tpu.memory_space<vmem>> -> memref<1x128xi32, #tpu.memory_space<vmem>>
        %swap3A_287 = tpu.memref_squeeze %swap3A_286 : memref<1x128xi32, #tpu.memory_space<vmem>> -> memref<128xi32, #tpu.memory_space<vmem>>
        %swap3A_288 = arith.constant 112 : index
        %swap3A_289 = tpu.vector_load %swap3A_287[%swap3A_288] {strides = array<i32>} : memref<128xi32, #tpu.memory_space<vmem>>, vector<16xi32>,
        tpu.vector_store %swap3A_287[%swap3A_288], %bitcast3A_284 {strides = array<i32>} : memref<128xi32, #tpu.memory_space<vmem>>, vector<16xi32>,
        %scan3A_290 = arith.constant 1 : i32
        %scan3A_291 = arith.addi %scan3A_113, %scan3A_290 : i32
        %add3A_292 = arith.addi %mul3A_98, %scan3A_291 : i32
        %get3A_293 = arith.index_cast %add3A_292 : i32 to index
        %get3A_294 = tpu.vector_load %arg9[%get3A_293] {strides = array<i32>} : memref<8208xi32, #tpu.memory_space<vmem>>, vector<16xi32>,
        %lt3A_295 = arith.constant 0 : i32
        %lt3A_296 = vector.broadcast %lt3A_295 : i32 to vector<16xi32>
        %lt3A_297 = arith.cmpi slt, %broadcast_in_dim3A_100, %lt3A_296 : vector<16xi32>
        %add3A_298 = arith.constant 16 : i32
        %add3A_299 = vector.broadcast %add3A_298 : i32 to vector<16xi32>
        %add3A_300 = arith.addi %broadcast_in_dim3A_100, %add3A_299 : vector<16xi32>
        %select_n3A_301 = arith.select %lt3A_297, %add3A_300, %broadcast_in_dim3A_100 : vector<16xi1>, vector<16xi32>
        %broadcast_in_dim3A_302 = vector.shape_cast %select_n3A_301 : vector<16xi32> to vector<16x1xi32>
        %gather3A_303 = vector.shape_cast %broadcast_in_dim3A_302 : vector<16x1xi32> to vector<16xi32>
        %gather3A_304 = tpu.dynamic_gather %get3A_294[%gather3A_303] in [0] : vector<16xi32>, vector<16xi32> -> vector<16xi32>
        %bitcast3A_305 = vector.bitcast %gather3A_304 : vector<16xi32> to vector<32xbf16>
        %add3A_306 = arith.addi %mul3A_98, %scan3A_291 : i32
        %get3A_307 = arith.index_cast %add3A_306 : i32 to index
        %get3A_308 = tpu.vector_load %arg10[%get3A_307] {strides = array<i32>} : memref<8208xi32, #tpu.memory_space<vmem>>, vector<16xi32>,
        %slice3A_309 = vector.extract_strided_slice %get3A_308 {offsets = [0], sizes = [1], strides = [1]} : vector<16xi32> to vector<1xi32>
        %squeeze3A_310 = vector.extract %slice3A_309[0] : i32 from vector<1xi32>
        %get3A_311 = arith.constant 0 : i32
        %get3A_312 = tpu.memref_slice %arg11[%scan3A_291, %get3A_311] : memref<128x128xi32, #tpu.memory_space<vmem>> -> memref<1x128xi32, #tpu.memory_space<vmem>>
        %get3A_313 = tpu.memref_squeeze %get3A_312 : memref<1x128xi32, #tpu.memory_space<vmem>> -> memref<128xi32, #tpu.memory_space<vmem>>
        %get3A_314 = arith.constant 0 : index
        %get3A_315 = tpu.vector_load %get3A_313[%get3A_314] {strides = array<i32>} : memref<128xi32, #tpu.memory_space<vmem>>, vector<16xi32>,
        %bitcast3A_316 = vector.bitcast %get3A_315 : vector<16xi32> to vector<32xbf16>
        %mul3A_317 = arith.mulf %bitcast3A_316, %bitcast3A_305 : vector<32xbf16>
        %get3A_318 = arith.constant 0 : i32
        %get3A_319 = tpu.memref_slice %arg13[%squeeze3A_310, %get3A_318] : memref<321x128xi32, #tpu.memory_space<vmem>> -> memref<1x128xi32, #tpu.memory_space<vmem>>
        %get3A_320 = tpu.memref_squeeze %get3A_319 : memref<1x128xi32, #tpu.memory_space<vmem>> -> memref<128xi32, #tpu.memory_space<vmem>>
        %get3A_321 = arith.constant 0 : index
        %get3A_322 = tpu.vector_load %get3A_320[%get3A_321] {strides = array<i32>} : memref<128xi32, #tpu.memory_space<vmem>>, vector<16xi32>,
        %bitcast3A_323 = vector.bitcast %get3A_322 : vector<16xi32> to vector<32xbf16>
        %add3A_324 = arith.addf %bitcast3A_323, %mul3A_317 : vector<32xbf16>
        %bitcast3A_325 = vector.bitcast %add3A_324 : vector<32xbf16> to vector<16xi32>
        %swap3A_326 = arith.constant 0 : i32
        %swap3A_327 = tpu.memref_slice %arg13[%squeeze3A_310, %swap3A_326] : memref<321x128xi32, #tpu.memory_space<vmem>> -> memref<1x128xi32, #tpu.memory_space<vmem>>
        %swap3A_328 = tpu.memref_squeeze %swap3A_327 : memref<1x128xi32, #tpu.memory_space<vmem>> -> memref<128xi32, #tpu.memory_space<vmem>>
        %swap3A_329 = arith.constant 0 : index
        %swap3A_330 = tpu.vector_load %swap3A_328[%swap3A_329] {strides = array<i32>} : memref<128xi32, #tpu.memory_space<vmem>>, vector<16xi32>,
        tpu.vector_store %swap3A_328[%swap3A_329], %bitcast3A_325 {strides = array<i32>} : memref<128xi32, #tpu.memory_space<vmem>>, vector<16xi32>,
        %get3A_331 = arith.constant 0 : i32
        %get3A_332 = tpu.memref_slice %arg11[%scan3A_291, %get3A_331] : memref<128x128xi32, #tpu.memory_space<vmem>> -> memref<1x128xi32, #tpu.memory_space<vmem>>
        %get3A_333 = tpu.memref_squeeze %get3A_332 : memref<1x128xi32, #tpu.memory_space<vmem>> -> memref<128xi32, #tpu.memory_space<vmem>>
        %get3A_334 = arith.constant 16 : index
        %get3A_335 = tpu.vector_load %get3A_333[%get3A_334] {strides = array<i32>} : memref<128xi32, #tpu.memory_space<vmem>>, vector<16xi32>,
        %bitcast3A_336 = vector.bitcast %get3A_335 : vector<16xi32> to vector<32xbf16>
        %mul3A_337 = arith.mulf %bitcast3A_336, %bitcast3A_305 : vector<32xbf16>
        %get3A_338 = arith.constant 0 : i32
        %get3A_339 = tpu.memref_slice %arg13[%squeeze3A_310, %get3A_338] : memref<321x128xi32, #tpu.memory_space<vmem>> -> memref<1x128xi32, #tpu.memory_space<vmem>>
        %get3A_340 = tpu.memref_squeeze %get3A_339 : memref<1x128xi32, #tpu.memory_space<vmem>> -> memref<128xi32, #tpu.memory_space<vmem>>
        %get3A_341 = arith.constant 16 : index
        %get3A_342 = tpu.vector_load %get3A_340[%get3A_341] {strides = array<i32>} : memref<128xi32, #tpu.memory_space<vmem>>, vector<16xi32>,
        %bitcast3A_343 = vector.bitcast %get3A_342 : vector<16xi32> to vector<32xbf16>
        %add3A_344 = arith.addf %bitcast3A_343, %mul3A_337 : vector<32xbf16>
        %bitcast3A_345 = vector.bitcast %add3A_344 : vector<32xbf16> to vector<16xi32>
        %swap3A_346 = arith.constant 0 : i32
        %swap3A_347 = tpu.memref_slice %arg13[%squeeze3A_310, %swap3A_346] : memref<321x128xi32, #tpu.memory_space<vmem>> -> memref<1x128xi32, #tpu.memory_space<vmem>>
        %swap3A_348 = tpu.memref_squeeze %swap3A_347 : memref<1x128xi32, #tpu.memory_space<vmem>> -> memref<128xi32, #tpu.memory_space<vmem>>
        %swap3A_349 = arith.constant 16 : index
        %swap3A_350 = tpu.vector_load %swap3A_348[%swap3A_349] {strides = array<i32>} : memref<128xi32, #tpu.memory_space<vmem>>, vector<16xi32>,
        tpu.vector_store %swap3A_348[%swap3A_349], %bitcast3A_345 {strides = array<i32>} : memref<128xi32, #tpu.memory_space<vmem>>, vector<16xi32>,
        %get3A_351 = arith.constant 0 : i32
        %get3A_352 = tpu.memref_slice %arg11[%scan3A_291, %get3A_351] : memref<128x128xi32, #tpu.memory_space<vmem>> -> memref<1x128xi32, #tpu.memory_space<vmem>>
        %get3A_353 = tpu.memref_squeeze %get3A_352 : memref<1x128xi32, #tpu.memory_space<vmem>> -> memref<128xi32, #tpu.memory_space<vmem>>
        %get3A_354 = arith.constant 32 : index
        %get3A_355 = tpu.vector_load %get3A_353[%get3A_354] {strides = array<i32>} : memref<128xi32, #tpu.memory_space<vmem>>, vector<16xi32>,
        %bitcast3A_356 = vector.bitcast %get3A_355 : vector<16xi32> to vector<32xbf16>
        %mul3A_357 = arith.mulf %bitcast3A_356, %bitcast3A_305 : vector<32xbf16>
        %get3A_358 = arith.constant 0 : i32
        %get3A_359 = tpu.memref_slice %arg13[%squeeze3A_310, %get3A_358] : memref<321x128xi32, #tpu.memory_space<vmem>> -> memref<1x128xi32, #tpu.memory_space<vmem>>
        %get3A_360 = tpu.memref_squeeze %get3A_359 : memref<1x128xi32, #tpu.memory_space<vmem>> -> memref<128xi32, #tpu.memory_space<vmem>>
        %get3A_361 = arith.constant 32 : index
        %get3A_362 = tpu.vector_load %get3A_360[%get3A_361] {strides = array<i32>} : memref<128xi32, #tpu.memory_space<vmem>>, vector<16xi32>,
        %bitcast3A_363 = vector.bitcast %get3A_362 : vector<16xi32> to vector<32xbf16>
        %add3A_364 = arith.addf %bitcast3A_363, %mul3A_357 : vector<32xbf16>
        %bitcast3A_365 = vector.bitcast %add3A_364 : vector<32xbf16> to vector<16xi32>
        %swap3A_366 = arith.constant 0 : i32
        %swap3A_367 = tpu.memref_slice %arg13[%squeeze3A_310, %swap3A_366] : memref<321x128xi32, #tpu.memory_space<vmem>> -> memref<1x128xi32, #tpu.memory_space<vmem>>
        %swap3A_368 = tpu.memref_squeeze %swap3A_367 : memref<1x128xi32, #tpu.memory_space<vmem>> -> memref<128xi32, #tpu.memory_space<vmem>>
        %swap3A_369 = arith.constant 32 : index
        %swap3A_370 = tpu.vector_load %swap3A_368[%swap3A_369] {strides = array<i32>} : memref<128xi32, #tpu.memory_space<vmem>>, vector<16xi32>,
        tpu.vector_store %swap3A_368[%swap3A_369], %bitcast3A_365 {strides = array<i32>} : memref<128xi32, #tpu.memory_space<vmem>>, vector<16xi32>,
        %get3A_371 = arith.constant 0 : i32
        %get3A_372 = tpu.memref_slice %arg11[%scan3A_291, %get3A_371] : memref<128x128xi32, #tpu.memory_space<vmem>> -> memref<1x128xi32, #tpu.memory_space<vmem>>
        %get3A_373 = tpu.memref_squeeze %get3A_372 : memref<1x128xi32, #tpu.memory_space<vmem>> -> memref<128xi32, #tpu.memory_space<vmem>>
        %get3A_374 = arith.constant 48 : index
        %get3A_375 = tpu.vector_load %get3A_373[%get3A_374] {strides = array<i32>} : memref<128xi32, #tpu.memory_space<vmem>>, vector<16xi32>,
        %bitcast3A_376 = vector.bitcast %get3A_375 : vector<16xi32> to vector<32xbf16>
        %mul3A_377 = arith.mulf %bitcast3A_376, %bitcast3A_305 : vector<32xbf16>
        %get3A_378 = arith.constant 0 : i32
        %get3A_379 = tpu.memref_slice %arg13[%squeeze3A_310, %get3A_378] : memref<321x128xi32, #tpu.memory_space<vmem>> -> memref<1x128xi32, #tpu.memory_space<vmem>>
        %get3A_380 = tpu.memref_squeeze %get3A_379 : memref<1x128xi32, #tpu.memory_space<vmem>> -> memref<128xi32, #tpu.memory_space<vmem>>
        %get3A_381 = arith.constant 48 : index
        %get3A_382 = tpu.vector_load %get3A_380[%get3A_381] {strides = array<i32>} : memref<128xi32, #tpu.memory_space<vmem>>, vector<16xi32>,
        %bitcast3A_383 = vector.bitcast %get3A_382 : vector<16xi32> to vector<32xbf16>
        %add3A_384 = arith.addf %bitcast3A_383, %mul3A_377 : vector<32xbf16>
        %bitcast3A_385 = vector.bitcast %add3A_384 : vector<32xbf16> to vector<16xi32>
        %swap3A_386 = arith.constant 0 : i32
        %swap3A_387 = tpu.memref_slice %arg13[%squeeze3A_310, %swap3A_386] : memref<321x128xi32, #tpu.memory_space<vmem>> -> memref<1x128xi32, #tpu.memory_space<vmem>>
        %swap3A_388 = tpu.memref_squeeze %swap3A_387 : memref<1x128xi32, #tpu.memory_space<vmem>> -> memref<128xi32, #tpu.memory_space<vmem>>
        %swap3A_389 = arith.constant 48 : index
        %swap3A_390 = tpu.vector_load %swap3A_388[%swap3A_389] {strides = array<i32>} : memref<128xi32, #tpu.memory_space<vmem>>, vector<16xi32>,
        tpu.vector_store %swap3A_388[%swap3A_389], %bitcast3A_385 {strides = array<i32>} : memref<128xi32, #tpu.memory_space<vmem>>, vector<16xi32>,
        %get3A_391 = arith.constant 0 : i32
        %get3A_392 = tpu.memref_slice %arg11[%scan3A_291, %get3A_391] : memref<128x128xi32, #tpu.memory_space<vmem>> -> memref<1x128xi32, #tpu.memory_space<vmem>>
        %get3A_393 = tpu.memref_squeeze %get3A_392 : memref<1x128xi32, #tpu.memory_space<vmem>> -> memref<128xi32, #tpu.memory_space<vmem>>
        %get3A_394 = arith.constant 64 : index
        %get3A_395 = tpu.vector_load %get3A_393[%get3A_394] {strides = array<i32>} : memref<128xi32, #tpu.memory_space<vmem>>, vector<16xi32>,
        %bitcast3A_396 = vector.bitcast %get3A_395 : vector<16xi32> to vector<32xbf16>
        %mul3A_397 = arith.mulf %bitcast3A_396, %bitcast3A_305 : vector<32xbf16>
        %get3A_398 = arith.constant 0 : i32
        %get3A_399 = tpu.memref_slice %arg13[%squeeze3A_310, %get3A_398] : memref<321x128xi32, #tpu.memory_space<vmem>> -> memref<1x128xi32, #tpu.memory_space<vmem>>
        %get3A_400 = tpu.memref_squeeze %get3A_399 : memref<1x128xi32, #tpu.memory_space<vmem>> -> memref<128xi32, #tpu.memory_space<vmem>>
        %get3A_401 = arith.constant 64 : index
        %get3A_402 = tpu.vector_load %get3A_400[%get3A_401] {strides = array<i32>} : memref<128xi32, #tpu.memory_space<vmem>>, vector<16xi32>,
        %bitcast3A_403 = vector.bitcast %get3A_402 : vector<16xi32> to vector<32xbf16>
        %add3A_404 = arith.addf %bitcast3A_403, %mul3A_397 : vector<32xbf16>
        %bitcast3A_405 = vector.bitcast %add3A_404 : vector<32xbf16> to vector<16xi32>
        %swap3A_406 = arith.constant 0 : i32
        %swap3A_407 = tpu.memref_slice %arg13[%squeeze3A_310, %swap3A_406] : memref<321x128xi32, #tpu.memory_space<vmem>> -> memref<1x128xi32, #tpu.memory_space<vmem>>
        %swap3A_408 = tpu.memref_squeeze %swap3A_407 : memref<1x128xi32, #tpu.memory_space<vmem>> -> memref<128xi32, #tpu.memory_space<vmem>>
        %swap3A_409 = arith.constant 64 : index
        %swap3A_410 = tpu.vector_load %swap3A_408[%swap3A_409] {strides = array<i32>} : memref<128xi32, #tpu.memory_space<vmem>>, vector<16xi32>,
        tpu.vector_store %swap3A_408[%swap3A_409], %bitcast3A_405 {strides = array<i32>} : memref<128xi32, #tpu.memory_space<vmem>>, vector<16xi32>,
        %get3A_411 = arith.constant 0 : i32
        %get3A_412 = tpu.memref_slice %arg11[%scan3A_291, %get3A_411] : memref<128x128xi32, #tpu.memory_space<vmem>> -> memref<1x128xi32, #tpu.memory_space<vmem>>
        %get3A_413 = tpu.memref_squeeze %get3A_412 : memref<1x128xi32, #tpu.memory_space<vmem>> -> memref<128xi32, #tpu.memory_space<vmem>>
        %get3A_414 = arith.constant 80 : index
        %get3A_415 = tpu.vector_load %get3A_413[%get3A_414] {strides = array<i32>} : memref<128xi32, #tpu.memory_space<vmem>>, vector<16xi32>,
        %bitcast3A_416 = vector.bitcast %get3A_415 : vector<16xi32> to vector<32xbf16>
        %mul3A_417 = arith.mulf %bitcast3A_416, %bitcast3A_305 : vector<32xbf16>
        %get3A_418 = arith.constant 0 : i32
        %get3A_419 = tpu.memref_slice %arg13[%squeeze3A_310, %get3A_418] : memref<321x128xi32, #tpu.memory_space<vmem>> -> memref<1x128xi32, #tpu.memory_space<vmem>>
        %get3A_420 = tpu.memref_squeeze %get3A_419 : memref<1x128xi32, #tpu.memory_space<vmem>> -> memref<128xi32, #tpu.memory_space<vmem>>
        %get3A_421 = arith.constant 80 : index
        %get3A_422 = tpu.vector_load %get3A_420[%get3A_421] {strides = array<i32>} : memref<128xi32, #tpu.memory_space<vmem>>, vector<16xi32>,
        %bitcast3A_423 = vector.bitcast %get3A_422 : vector<16xi32> to vector<32xbf16>
        %add3A_424 = arith.addf %bitcast3A_423, %mul3A_417 : vector<32xbf16>
        %bitcast3A_425 = vector.bitcast %add3A_424 : vector<32xbf16> to vector<16xi32>
        %swap3A_426 = arith.constant 0 : i32
        %swap3A_427 = tpu.memref_slice %arg13[%squeeze3A_310, %swap3A_426] : memref<321x128xi32, #tpu.memory_space<vmem>> -> memref<1x128xi32, #tpu.memory_space<vmem>>
        %swap3A_428 = tpu.memref_squeeze %swap3A_427 : memref<1x128xi32, #tpu.memory_space<vmem>> -> memref<128xi32, #tpu.memory_space<vmem>>
        %swap3A_429 = arith.constant 80 : index
        %swap3A_430 = tpu.vector_load %swap3A_428[%swap3A_429] {strides = array<i32>} : memref<128xi32, #tpu.memory_space<vmem>>, vector<16xi32>,
        tpu.vector_store %swap3A_428[%swap3A_429], %bitcast3A_425 {strides = array<i32>} : memref<128xi32, #tpu.memory_space<vmem>>, vector<16xi32>,
        %get3A_431 = arith.constant 0 : i32
        %get3A_432 = tpu.memref_slice %arg11[%scan3A_291, %get3A_431] : memref<128x128xi32, #tpu.memory_space<vmem>> -> memref<1x128xi32, #tpu.memory_space<vmem>>
        %get3A_433 = tpu.memref_squeeze %get3A_432 : memref<1x128xi32, #tpu.memory_space<vmem>> -> memref<128xi32, #tpu.memory_space<vmem>>
        %get3A_434 = arith.constant 96 : index
        %get3A_435 = tpu.vector_load %get3A_433[%get3A_434] {strides = array<i32>} : memref<128xi32, #tpu.memory_space<vmem>>, vector<16xi32>,
        %bitcast3A_436 = vector.bitcast %get3A_435 : vector<16xi32> to vector<32xbf16>
        %mul3A_437 = arith.mulf %bitcast3A_436, %bitcast3A_305 : vector<32xbf16>
        %get3A_438 = arith.constant 0 : i32
        %get3A_439 = tpu.memref_slice %arg13[%squeeze3A_310, %get3A_438] : memref<321x128xi32, #tpu.memory_space<vmem>> -> memref<1x128xi32, #tpu.memory_space<vmem>>
        %get3A_440 = tpu.memref_squeeze %get3A_439 : memref<1x128xi32, #tpu.memory_space<vmem>> -> memref<128xi32, #tpu.memory_space<vmem>>
        %get3A_441 = arith.constant 96 : index
        %get3A_442 = tpu.vector_load %get3A_440[%get3A_441] {strides = array<i32>} : memref<128xi32, #tpu.memory_space<vmem>>, vector<16xi32>,
        %bitcast3A_443 = vector.bitcast %get3A_442 : vector<16xi32> to vector<32xbf16>
        %add3A_444 = arith.addf %bitcast3A_443, %mul3A_437 : vector<32xbf16>
        %bitcast3A_445 = vector.bitcast %add3A_444 : vector<32xbf16> to vector<16xi32>
        %swap3A_446 = arith.constant 0 : i32
        %swap3A_447 = tpu.memref_slice %arg13[%squeeze3A_310, %swap3A_446] : memref<321x128xi32, #tpu.memory_space<vmem>> -> memref<1x128xi32, #tpu.memory_space<vmem>>
        %swap3A_448 = tpu.memref_squeeze %swap3A_447 : memref<1x128xi32, #tpu.memory_space<vmem>> -> memref<128xi32, #tpu.memory_space<vmem>>
        %swap3A_449 = arith.constant 96 : index
        %swap3A_450 = tpu.vector_load %swap3A_448[%swap3A_449] {strides = array<i32>} : memref<128xi32, #tpu.memory_space<vmem>>, vector<16xi32>,
        tpu.vector_store %swap3A_448[%swap3A_449], %bitcast3A_445 {strides = array<i32>} : memref<128xi32, #tpu.memory_space<vmem>>, vector<16xi32>,
        %get3A_451 = arith.constant 0 : i32
        %get3A_452 = tpu.memref_slice %arg11[%scan3A_291, %get3A_451] : memref<128x128xi32, #tpu.memory_space<vmem>> -> memref<1x128xi32, #tpu.memory_space<vmem>>
        %get3A_453 = tpu.memref_squeeze %get3A_452 : memref<1x128xi32, #tpu.memory_space<vmem>> -> memref<128xi32, #tpu.memory_space<vmem>>
        %get3A_454 = arith.constant 112 : index
        %get3A_455 = tpu.vector_load %get3A_453[%get3A_454] {strides = array<i32>} : memref<128xi32, #tpu.memory_space<vmem>>, vector<16xi32>,
        %bitcast3A_456 = vector.bitcast %get3A_455 : vector<16xi32> to vector<32xbf16>
        %mul3A_457 = arith.mulf %bitcast3A_456, %bitcast3A_305 : vector<32xbf16>
        %get3A_458 = arith.constant 0 : i32
        %get3A_459 = tpu.memref_slice %arg13[%squeeze3A_310, %get3A_458] : memref<321x128xi32, #tpu.memory_space<vmem>> -> memref<1x128xi32, #tpu.memory_space<vmem>>
        %get3A_460 = tpu.memref_squeeze %get3A_459 : memref<1x128xi32, #tpu.memory_space<vmem>> -> memref<128xi32, #tpu.memory_space<vmem>>
        %get3A_461 = arith.constant 112 : index
        %get3A_462 = tpu.vector_load %get3A_460[%get3A_461] {strides = array<i32>} : memref<128xi32, #tpu.memory_space<vmem>>, vector<16xi32>,
        %bitcast3A_463 = vector.bitcast %get3A_462 : vector<16xi32> to vector<32xbf16>
        %add3A_464 = arith.addf %bitcast3A_463, %mul3A_457 : vector<32xbf16>
        %bitcast3A_465 = vector.bitcast %add3A_464 : vector<32xbf16> to vector<16xi32>
        %swap3A_466 = arith.constant 0 : i32
        %swap3A_467 = tpu.memref_slice %arg13[%squeeze3A_310, %swap3A_466] : memref<321x128xi32, #tpu.memory_space<vmem>> -> memref<1x128xi32, #tpu.memory_space<vmem>>
        %swap3A_468 = tpu.memref_squeeze %swap3A_467 : memref<1x128xi32, #tpu.memory_space<vmem>> -> memref<128xi32, #tpu.memory_space<vmem>>
        %swap3A_469 = arith.constant 112 : index
        %swap3A_470 = tpu.vector_load %swap3A_468[%swap3A_469] {strides = array<i32>} : memref<128xi32, #tpu.memory_space<vmem>>, vector<16xi32>,
        tpu.vector_store %swap3A_468[%swap3A_469], %bitcast3A_465 {strides = array<i32>} : memref<128xi32, #tpu.memory_space<vmem>>, vector<16xi32>,
        %scan3A_471 = arith.constant 2 : i32
        %scan3A_472 = arith.addi %scan3A_113, %scan3A_471 : i32
        %add3A_473 = arith.addi %mul3A_98, %scan3A_472 : i32
        %get3A_474 = arith.index_cast %add3A_473 : i32 to index
        %get3A_475 = tpu.vector_load %arg9[%get3A_474] {strides = array<i32>} : memref<8208xi32, #tpu.memory_space<vmem>>, vector<16xi32>,
        %lt3A_476 = arith.constant 0 : i32
        %lt3A_477 = vector.broadcast %lt3A_476 : i32 to vector<16xi32>
        %lt3A_478 = arith.cmpi slt, %broadcast_in_dim3A_100, %lt3A_477 : vector<16xi32>
        %add3A_479 = arith.constant 16 : i32
        %add3A_480 = vector.broadcast %add3A_479 : i32 to vector<16xi32>
        %add3A_481 = arith.addi %broadcast_in_dim3A_100, %add3A_480 : vector<16xi32>
        %select_n3A_482 = arith.select %lt3A_478, %add3A_481, %broadcast_in_dim3A_100 : vector<16xi1>, vector<16xi32>
        %broadcast_in_dim3A_483 = vector.shape_cast %select_n3A_482 : vector<16xi32> to vector<16x1xi32>
        %gather3A_484 = vector.shape_cast %broadcast_in_dim3A_483 : vector<16x1xi32> to vector<16xi32>
        %gather3A_485 = tpu.dynamic_gather %get3A_475[%gather3A_484] in [0] : vector<16xi32>, vector<16xi32> -> vector<16xi32>
        %bitcast3A_486 = vector.bitcast %gather3A_485 : vector<16xi32> to vector<32xbf16>
        %add3A_487 = arith.addi %mul3A_98, %scan3A_472 : i32
        %get3A_488 = arith.index_cast %add3A_487 : i32 to index
        %get3A_489 = tpu.vector_load %arg10[%get3A_488] {strides = array<i32>} : memref<8208xi32, #tpu.memory_space<vmem>>, vector<16xi32>,
        %slice3A_490 = vector.extract_strided_slice %get3A_489 {offsets = [0], sizes = [1], strides = [1]} : vector<16xi32> to vector<1xi32>
        %squeeze3A_491 = vector.extract %slice3A_490[0] : i32 from vector<1xi32>
        %get3A_492 = arith.constant 0 : i32
        %get3A_493 = tpu.memref_slice %arg11[%scan3A_472, %get3A_492] : memref<128x128xi32, #tpu.memory_space<vmem>> -> memref<1x128xi32, #tpu.memory_space<vmem>>
        %get3A_494 = tpu.memref_squeeze %get3A_493 : memref<1x128xi32, #tpu.memory_space<vmem>> -> memref<128xi32, #tpu.memory_space<vmem>>
        %get3A_495 = arith.constant 0 : index
        %get3A_496 = tpu.vector_load %get3A_494[%get3A_495] {strides = array<i32>} : memref<128xi32, #tpu.memory_space<vmem>>, vector<16xi32>,
        %bitcast3A_497 = vector.bitcast %get3A_496 : vector<16xi32> to vector<32xbf16>
        %mul3A_498 = arith.mulf %bitcast3A_497, %bitcast3A_486 : vector<32xbf16>
        %get3A_499 = arith.constant 0 : i32
        %get3A_500 = tpu.memref_slice %arg13[%squeeze3A_491, %get3A_499] : memref<321x128xi32, #tpu.memory_space<vmem>> -> memref<1x128xi32, #tpu.memory_space<vmem>>
        %get3A_501 = tpu.memref_squeeze %get3A_500 : memref<1x128xi32, #tpu.memory_space<vmem>> -> memref<128xi32, #tpu.memory_space<vmem>>
        %get3A_502 = arith.constant 0 : index
        %get3A_503 = tpu.vector_load %get3A_501[%get3A_502] {strides = array<i32>} : memref<128xi32, #tpu.memory_space<vmem>>, vector<16xi32>,
        %bitcast3A_504 = vector.bitcast %get3A_503 : vector<16xi32> to vector<32xbf16>
        %add3A_505 = arith.addf %bitcast3A_504, %mul3A_498 : vector<32xbf16>
        %bitcast3A_506 = vector.bitcast %add3A_505 : vector<32xbf16> to vector<16xi32>
        %swap3A_507 = arith.constant 0 : i32
        %swap3A_508 = tpu.memref_slice %arg13[%squeeze3A_491, %swap3A_507] : memref<321x128xi32, #tpu.memory_space<vmem>> -> memref<1x128xi32, #tpu.memory_space<vmem>>
        %swap3A_509 = tpu.memref_squeeze %swap3A_508 : memref<1x128xi32, #tpu.memory_space<vmem>> -> memref<128xi32, #tpu.memory_space<vmem>>
        %swap3A_510 = arith.constant 0 : index
        %swap3A_511 = tpu.vector_load %swap3A_509[%swap3A_510] {strides = array<i32>} : memref<128xi32, #tpu.memory_space<vmem>>, vector<16xi32>,
        tpu.vector_store %swap3A_509[%swap3A_510], %bitcast3A_506 {strides = array<i32>} : memref<128xi32, #tpu.memory_space<vmem>>, vector<16xi32>,
        %get3A_512 = arith.constant 0 : i32
        %get3A_513 = tpu.memref_slice %arg11[%scan3A_472, %get3A_512] : memref<128x128xi32, #tpu.memory_space<vmem>> -> memref<1x128xi32, #tpu.memory_space<vmem>>
        %get3A_514 = tpu.memref_squeeze %get3A_513 : memref<1x128xi32, #tpu.memory_space<vmem>> -> memref<128xi32, #tpu.memory_space<vmem>>
        %get3A_515 = arith.constant 16 : index
        %get3A_516 = tpu.vector_load %get3A_514[%get3A_515] {strides = array<i32>} : memref<128xi32, #tpu.memory_space<vmem>>, vector<16xi32>,
        %bitcast3A_517 = vector.bitcast %get3A_516 : vector<16xi32> to vector<32xbf16>
        %mul3A_518 = arith.mulf %bitcast3A_517, %bitcast3A_486 : vector<32xbf16>
        %get3A_519 = arith.constant 0 : i32
        %get3A_520 = tpu.memref_slice %arg13[%squeeze3A_491, %get3A_519] : memref<321x128xi32, #tpu.memory_space<vmem>> -> memref<1x128xi32, #tpu.memory_space<vmem>>
        %get3A_521 = tpu.memref_squeeze %get3A_520 : memref<1x128xi32, #tpu.memory_space<vmem>> -> memref<128xi32, #tpu.memory_space<vmem>>
        %get3A_522 = arith.constant 16 : index
        %get3A_523 = tpu.vector_load %get3A_521[%get3A_522] {strides = array<i32>} : memref<128xi32, #tpu.memory_space<vmem>>, vector<16xi32>,
        %bitcast3A_524 = vector.bitcast %get3A_523 : vector<16xi32> to vector<32xbf16>
        %add3A_525 = arith.addf %bitcast3A_524, %mul3A_518 : vector<32xbf16>
        %bitcast3A_526 = vector.bitcast %add3A_525 : vector<32xbf16> to vector<16xi32>
        %swap3A_527 = arith.constant 0 : i32
        %swap3A_528 = tpu.memref_slice %arg13[%squeeze3A_491, %swap3A_527] : memref<321x128xi32, #tpu.memory_space<vmem>> -> memref<1x128xi32, #tpu.memory_space<vmem>>
        %swap3A_529 = tpu.memref_squeeze %swap3A_528 : memref<1x128xi32, #tpu.memory_space<vmem>> -> memref<128xi32, #tpu.memory_space<vmem>>
        %swap3A_530 = arith.constant 16 : index
        %swap3A_531 = tpu.vector_load %swap3A_529[%swap3A_530] {strides = array<i32>} : memref<128xi32, #tpu.memory_space<vmem>>, vector<16xi32>,
        tpu.vector_store %swap3A_529[%swap3A_530], %bitcast3A_526 {strides = array<i32>} : memref<128xi32, #tpu.memory_space<vmem>>, vector<16xi32>,
        %get3A_532 = arith.constant 0 : i32
        %get3A_533 = tpu.memref_slice %arg11[%scan3A_472, %get3A_532] : memref<128x128xi32, #tpu.memory_space<vmem>> -> memref<1x128xi32, #tpu.memory_space<vmem>>
        %get3A_534 = tpu.memref_squeeze %get3A_533 : memref<1x128xi32, #tpu.memory_space<vmem>> -> memref<128xi32, #tpu.memory_space<vmem>>
        %get3A_535 = arith.constant 32 : index
        %get3A_536 = tpu.vector_load %get3A_534[%get3A_535] {strides = array<i32>} : memref<128xi32, #tpu.memory_space<vmem>>, vector<16xi32>,
        %bitcast3A_537 = vector.bitcast %get3A_536 : vector<16xi32> to vector<32xbf16>
        %mul3A_538 = arith.mulf %bitcast3A_537, %bitcast3A_486 : vector<32xbf16>
        %get3A_539 = arith.constant 0 : i32
        %get3A_540 = tpu.memref_slice %arg13[%squeeze3A_491, %get3A_539] : memref<321x128xi32, #tpu.memory_space<vmem>> -> memref<1x128xi32, #tpu.memory_space<vmem>>
        %get3A_541 = tpu.memref_squeeze %get3A_540 : memref<1x128xi32, #tpu.memory_space<vmem>> -> memref<128xi32, #tpu.memory_space<vmem>>
        %get3A_542 = arith.constant 32 : index
        %get3A_543 = tpu.vector_load %get3A_541[%get3A_542] {strides = array<i32>} : memref<128xi32, #tpu.memory_space<vmem>>, vector<16xi32>,
        %bitcast3A_544 = vector.bitcast %get3A_543 : vector<16xi32> to vector<32xbf16>
        %add3A_545 = arith.addf %bitcast3A_544, %mul3A_538 : vector<32xbf16>
        %bitcast3A_546 = vector.bitcast %add3A_545 : vector<32xbf16> to vector<16xi32>
        %swap3A_547 = arith.constant 0 : i32
        %swap3A_548 = tpu.memref_slice %arg13[%squeeze3A_491, %swap3A_547] : memref<321x128xi32, #tpu.memory_space<vmem>> -> memref<1x128xi32, #tpu.memory_space<vmem>>
        %swap3A_549 = tpu.memref_squeeze %swap3A_548 : memref<1x128xi32, #tpu.memory_space<vmem>> -> memref<128xi32, #tpu.memory_space<vmem>>
        %swap3A_550 = arith.constant 32 : index
        %swap3A_551 = tpu.vector_load %swap3A_549[%swap3A_550] {strides = array<i32>} : memref<128xi32, #tpu.memory_space<vmem>>, vector<16xi32>,
        tpu.vector_store %swap3A_549[%swap3A_550], %bitcast3A_546 {strides = array<i32>} : memref<128xi32, #tpu.memory_space<vmem>>, vector<16xi32>,
        %get3A_552 = arith.constant 0 : i32
        %get3A_553 = tpu.memref_slice %arg11[%scan3A_472, %get3A_552] : memref<128x128xi32, #tpu.memory_space<vmem>> -> memref<1x128xi32, #tpu.memory_space<vmem>>
        %get3A_554 = tpu.memref_squeeze %get3A_553 : memref<1x128xi32, #tpu.memory_space<vmem>> -> memref<128xi32, #tpu.memory_space<vmem>>
        %get3A_555 = arith.constant 48 : index
        %get3A_556 = tpu.vector_load %get3A_554[%get3A_555] {strides = array<i32>} : memref<128xi32, #tpu.memory_space<vmem>>, vector<16xi32>,
        %bitcast3A_557 = vector.bitcast %get3A_556 : vector<16xi32> to vector<32xbf16>
        %mul3A_558 = arith.mulf %bitcast3A_557, %bitcast3A_486 : vector<32xbf16>
        %get3A_559 = arith.constant 0 : i32
        %get3A_560 = tpu.memref_slice %arg13[%squeeze3A_491, %get3A_559] : memref<321x128xi32, #tpu.memory_space<vmem>> -> memref<1x128xi32, #tpu.memory_space<vmem>>
        %get3A_561 = tpu.memref_squeeze %get3A_560 : memref<1x128xi32, #tpu.memory_space<vmem>> -> memref<128xi32, #tpu.memory_space<vmem>>
        %get3A_562 = arith.constant 48 : index
        %get3A_563 = tpu.vector_load %get3A_561[%get3A_562] {strides = array<i32>} : memref<128xi32, #tpu.memory_space<vmem>>, vector<16xi32>,
        %bitcast3A_564 = vector.bitcast %get3A_563 : vector<16xi32> to vector<32xbf16>
        %add3A_565 = arith.addf %bitcast3A_564, %mul3A_558 : vector<32xbf16>
        %bitcast3A_566 = vector.bitcast %add3A_565 : vector<32xbf16> to vector<16xi32>
        %swap3A_567 = arith.constant 0 : i32
        %swap3A_568 = tpu.memref_slice %arg13[%squeeze3A_491, %swap3A_567] : memref<321x128xi32, #tpu.memory_space<vmem>> -> memref<1x128xi32, #tpu.memory_space<vmem>>
        %swap3A_569 = tpu.memref_squeeze %swap3A_568 : memref<1x128xi32, #tpu.memory_space<vmem>> -> memref<128xi32, #tpu.memory_space<vmem>>
        %swap3A_570 = arith.constant 48 : index
        %swap3A_571 = tpu.vector_load %swap3A_569[%swap3A_570] {strides = array<i32>} : memref<128xi32, #tpu.memory_space<vmem>>, vector<16xi32>,
        tpu.vector_store %swap3A_569[%swap3A_570], %bitcast3A_566 {strides = array<i32>} : memref<128xi32, #tpu.memory_space<vmem>>, vector<16xi32>,
        %get3A_572 = arith.constant 0 : i32
        %get3A_573 = tpu.memref_slice %arg11[%scan3A_472, %get3A_572] : memref<128x128xi32, #tpu.memory_space<vmem>> -> memref<1x128xi32, #tpu.memory_space<vmem>>
        %get3A_574 = tpu.memref_squeeze %get3A_573 : memref<1x128xi32, #tpu.memory_space<vmem>> -> memref<128xi32, #tpu.memory_space<vmem>>
        %get3A_575 = arith.constant 64 : index
        %get3A_576 = tpu.vector_load %get3A_574[%get3A_575] {strides = array<i32>} : memref<128xi32, #tpu.memory_space<vmem>>, vector<16xi32>,
        %bitcast3A_577 = vector.bitcast %get3A_576 : vector<16xi32> to vector<32xbf16>
        %mul3A_578 = arith.mulf %bitcast3A_577, %bitcast3A_486 : vector<32xbf16>
        %get3A_579 = arith.constant 0 : i32
        %get3A_580 = tpu.memref_slice %arg13[%squeeze3A_491, %get3A_579] : memref<321x128xi32, #tpu.memory_space<vmem>> -> memref<1x128xi32, #tpu.memory_space<vmem>>
        %get3A_581 = tpu.memref_squeeze %get3A_580 : memref<1x128xi32, #tpu.memory_space<vmem>> -> memref<128xi32, #tpu.memory_space<vmem>>
        %get3A_582 = arith.constant 64 : index
        %get3A_583 = tpu.vector_load %get3A_581[%get3A_582] {strides = array<i32>} : memref<128xi32, #tpu.memory_space<vmem>>, vector<16xi32>,
        %bitcast3A_584 = vector.bitcast %get3A_583 : vector<16xi32> to vector<32xbf16>
        %add3A_585 = arith.addf %bitcast3A_584, %mul3A_578 : vector<32xbf16>
        %bitcast3A_586 = vector.bitcast %add3A_585 : vector<32xbf16> to vector<16xi32>
        %swap3A_587 = arith.constant 0 : i32
        %swap3A_588 = tpu.memref_slice %arg13[%squeeze3A_491, %swap3A_587] : memref<321x128xi32, #tpu.memory_space<vmem>> -> memref<1x128xi32, #tpu.memory_space<vmem>>
        %swap3A_589 = tpu.memref_squeeze %swap3A_588 : memref<1x128xi32, #tpu.memory_space<vmem>> -> memref<128xi32, #tpu.memory_space<vmem>>
        %swap3A_590 = arith.constant 64 : index
        %swap3A_591 = tpu.vector_load %swap3A_589[%swap3A_590] {strides = array<i32>} : memref<128xi32, #tpu.memory_space<vmem>>, vector<16xi32>,
        tpu.vector_store %swap3A_589[%swap3A_590], %bitcast3A_586 {strides = array<i32>} : memref<128xi32, #tpu.memory_space<vmem>>, vector<16xi32>,
        %get3A_592 = arith.constant 0 : i32
        %get3A_593 = tpu.memref_slice %arg11[%scan3A_472, %get3A_592] : memref<128x128xi32, #tpu.memory_space<vmem>> -> memref<1x128xi32, #tpu.memory_space<vmem>>
        %get3A_594 = tpu.memref_squeeze %get3A_593 : memref<1x128xi32, #tpu.memory_space<vmem>> -> memref<128xi32, #tpu.memory_space<vmem>>
        %get3A_595 = arith.constant 80 : index
        %get3A_596 = tpu.vector_load %get3A_594[%get3A_595] {strides = array<i32>} : memref<128xi32, #tpu.memory_space<vmem>>, vector<16xi32>,
        %bitcast3A_597 = vector.bitcast %get3A_596 : vector<16xi32> to vector<32xbf16>
        %mul3A_598 = arith.mulf %bitcast3A_597, %bitcast3A_486 : vector<32xbf16>
        %get3A_599 = arith.constant 0 : i32
        %get3A_600 = tpu.memref_slice %arg13[%squeeze3A_491, %get3A_599] : memref<321x128xi32, #tpu.memory_space<vmem>> -> memref<1x128xi32, #tpu.memory_space<vmem>>
        %get3A_601 = tpu.memref_squeeze %get3A_600 : memref<1x128xi32, #tpu.memory_space<vmem>> -> memref<128xi32, #tpu.memory_space<vmem>>
        %get3A_602 = arith.constant 80 : index
        %get3A_603 = tpu.vector_load %get3A_601[%get3A_602] {strides = array<i32>} : memref<128xi32, #tpu.memory_space<vmem>>, vector<16xi32>,
        %bitcast3A_604 = vector.bitcast %get3A_603 : vector<16xi32> to vector<32xbf16>
        %add3A_605 = arith.addf %bitcast3A_604, %mul3A_598 : vector<32xbf16>
        %bitcast3A_606 = vector.bitcast %add3A_605 : vector<32xbf16> to vector<16xi32>
        %swap3A_607 = arith.constant 0 : i32
        %swap3A_608 = tpu.memref_slice %arg13[%squeeze3A_491, %swap3A_607] : memref<321x128xi32, #tpu.memory_space<vmem>> -> memref<1x128xi32, #tpu.memory_space<vmem>>
        %swap3A_609 = tpu.memref_squeeze %swap3A_608 : memref<1x128xi32, #tpu.memory_space<vmem>> -> memref<128xi32, #tpu.memory_space<vmem>>
        %swap3A_610 = arith.constant 80 : index
        %swap3A_611 = tpu.vector_load %swap3A_609[%swap3A_610] {strides = array<i32>} : memref<128xi32, #tpu.memory_space<vmem>>, vector<16xi32>,
        tpu.vector_store %swap3A_609[%swap3A_610], %bitcast3A_606 {strides = array<i32>} : memref<128xi32, #tpu.memory_space<vmem>>, vector<16xi32>,
        %get3A_612 = arith.constant 0 : i32
        %get3A_613 = tpu.memref_slice %arg11[%scan3A_472, %get3A_612] : memref<128x128xi32, #tpu.memory_space<vmem>> -> memref<1x128xi32, #tpu.memory_space<vmem>>
        %get3A_614 = tpu.memref_squeeze %get3A_613 : memref<1x128xi32, #tpu.memory_space<vmem>> -> memref<128xi32, #tpu.memory_space<vmem>>
        %get3A_615 = arith.constant 96 : index
        %get3A_616 = tpu.vector_load %get3A_614[%get3A_615] {strides = array<i32>} : memref<128xi32, #tpu.memory_space<vmem>>, vector<16xi32>,
        %bitcast3A_617 = vector.bitcast %get3A_616 : vector<16xi32> to vector<32xbf16>
        %mul3A_618 = arith.mulf %bitcast3A_617, %bitcast3A_486 : vector<32xbf16>
        %get3A_619 = arith.constant 0 : i32
        %get3A_620 = tpu.memref_slice %arg13[%squeeze3A_491, %get3A_619] : memref<321x128xi32, #tpu.memory_space<vmem>> -> memref<1x128xi32, #tpu.memory_space<vmem>>
        %get3A_621 = tpu.memref_squeeze %get3A_620 : memref<1x128xi32, #tpu.memory_space<vmem>> -> memref<128xi32, #tpu.memory_space<vmem>>
        %get3A_622 = arith.constant 96 : index
        %get3A_623 = tpu.vector_load %get3A_621[%get3A_622] {strides = array<i32>} : memref<128xi32, #tpu.memory_space<vmem>>, vector<16xi32>,
        %bitcast3A_624 = vector.bitcast %get3A_623 : vector<16xi32> to vector<32xbf16>
        %add3A_625 = arith.addf %bitcast3A_624, %mul3A_618 : vector<32xbf16>
        %bitcast3A_626 = vector.bitcast %add3A_625 : vector<32xbf16> to vector<16xi32>
        %swap3A_627 = arith.constant 0 : i32
        %swap3A_628 = tpu.memref_slice %arg13[%squeeze3A_491, %swap3A_627] : memref<321x128xi32, #tpu.memory_space<vmem>> -> memref<1x128xi32, #tpu.memory_space<vmem>>
        %swap3A_629 = tpu.memref_squeeze %swap3A_628 : memref<1x128xi32, #tpu.memory_space<vmem>> -> memref<128xi32, #tpu.memory_space<vmem>>
        %swap3A_630 = arith.constant 96 : index
        %swap3A_631 = tpu.vector_load %swap3A_629[%swap3A_630] {strides = array<i32>} : memref<128xi32, #tpu.memory_space<vmem>>, vector<16xi32>,
        tpu.vector_store %swap3A_629[%swap3A_630], %bitcast3A_626 {strides = array<i32>} : memref<128xi32, #tpu.memory_space<vmem>>, vector<16xi32>,
        %get3A_632 = arith.constant 0 : i32
        %get3A_633 = tpu.memref_slice %arg11[%scan3A_472, %get3A_632] : memref<128x128xi32, #tpu.memory_space<vmem>> -> memref<1x128xi32, #tpu.memory_space<vmem>>
        %get3A_634 = tpu.memref_squeeze %get3A_633 : memref<1x128xi32, #tpu.memory_space<vmem>> -> memref<128xi32, #tpu.memory_space<vmem>>
        %get3A_635 = arith.constant 112 : index
        %get3A_636 = tpu.vector_load %get3A_634[%get3A_635] {strides = array<i32>} : memref<128xi32, #tpu.memory_space<vmem>>, vector<16xi32>,
        %bitcast3A_637 = vector.bitcast %get3A_636 : vector<16xi32> to vector<32xbf16>
        %mul3A_638 = arith.mulf %bitcast3A_637, %bitcast3A_486 : vector<32xbf16>
        %get3A_639 = arith.constant 0 : i32
        %get3A_640 = tpu.memref_slice %arg13[%squeeze3A_491, %get3A_639] : memref<321x128xi32, #tpu.memory_space<vmem>> -> memref<1x128xi32, #tpu.memory_space<vmem>>
        %get3A_641 = tpu.memref_squeeze %get3A_640 : memref<1x128xi32, #tpu.memory_space<vmem>> -> memref<128xi32, #tpu.memory_space<vmem>>
        %get3A_642 = arith.constant 112 : index
        %get3A_643 = tpu.vector_load %get3A_641[%get3A_642] {strides = array<i32>} : memref<128xi32, #tpu.memory_space<vmem>>, vector<16xi32>,
        %bitcast3A_644 = vector.bitcast %get3A_643 : vector<16xi32> to vector<32xbf16>
        %add3A_645 = arith.addf %bitcast3A_644, %mul3A_638 : vector<32xbf16>
        %bitcast3A_646 = vector.bitcast %add3A_645 : vector<32xbf16> to vector<16xi32>
        %swap3A_647 = arith.constant 0 : i32
        %swap3A_648 = tpu.memref_slice %arg13[%squeeze3A_491, %swap3A_647] : memref<321x128xi32, #tpu.memory_space<vmem>> -> memref<1x128xi32, #tpu.memory_space<vmem>>
        %swap3A_649 = tpu.memref_squeeze %swap3A_648 : memref<1x128xi32, #tpu.memory_space<vmem>> -> memref<128xi32, #tpu.memory_space<vmem>>
        %swap3A_650 = arith.constant 112 : index
        %swap3A_651 = tpu.vector_load %swap3A_649[%swap3A_650] {strides = array<i32>} : memref<128xi32, #tpu.memory_space<vmem>>, vector<16xi32>,
        tpu.vector_store %swap3A_649[%swap3A_650], %bitcast3A_646 {strides = array<i32>} : memref<128xi32, #tpu.memory_space<vmem>>, vector<16xi32>,
        %scan3A_652 = arith.constant 3 : i32
        %scan3A_653 = arith.addi %scan3A_113, %scan3A_652 : i32
        %add3A_654 = arith.addi %mul3A_98, %scan3A_653 : i32
        %get3A_655 = arith.index_cast %add3A_654 : i32 to index
        %get3A_656 = tpu.vector_load %arg9[%get3A_655] {strides = array<i32>} : memref<8208xi32, #tpu.memory_space<vmem>>, vector<16xi32>,
        %lt3A_657 = arith.constant 0 : i32
        %lt3A_658 = vector.broadcast %lt3A_657 : i32 to vector<16xi32>
        %lt3A_659 = arith.cmpi slt, %broadcast_in_dim3A_100, %lt3A_658 : vector<16xi32>
        %add3A_660 = arith.constant 16 : i32
        %add3A_661 = vector.broadcast %add3A_660 : i32 to vector<16xi32>
        %add3A_662 = arith.addi %broadcast_in_dim3A_100, %add3A_661 : vector<16xi32>
        %select_n3A_663 = arith.select %lt3A_659, %add3A_662, %broadcast_in_dim3A_100 : vector<16xi1>, vector<16xi32>
        %broadcast_in_dim3A_664 = vector.shape_cast %select_n3A_663 : vector<16xi32> to vector<16x1xi32>
        %gather3A_665 = vector.shape_cast %broadcast_in_dim3A_664 : vector<16x1xi32> to vector<16xi32>
        %gather3A_666 = tpu.dynamic_gather %get3A_656[%gather3A_665] in [0] : vector<16xi32>, vector<16xi32> -> vector<16xi32>
        %bitcast3A_667 = vector.bitcast %gather3A_666 : vector<16xi32> to vector<32xbf16>
        %add3A_668 = arith.addi %mul3A_98, %scan3A_653 : i32
        %get3A_669 = arith.index_cast %add3A_668 : i32 to index
        %get3A_670 = tpu.vector_load %arg10[%get3A_669] {strides = array<i32>} : memref<8208xi32, #tpu.memory_space<vmem>>, vector<16xi32>,
        %slice3A_671 = vector.extract_strided_slice %get3A_670 {offsets = [0], sizes = [1], strides = [1]} : vector<16xi32> to vector<1xi32>
        %squeeze3A_672 = vector.extract %slice3A_671[0] : i32 from vector<1xi32>
        %get3A_673 = arith.constant 0 : i32
        %get3A_674 = tpu.memref_slice %arg11[%scan3A_653, %get3A_673] : memref<128x128xi32, #tpu.memory_space<vmem>> -> memref<1x128xi32, #tpu.memory_space<vmem>>
        %get3A_675 = tpu.memref_squeeze %get3A_674 : memref<1x128xi32, #tpu.memory_space<vmem>> -> memref<128xi32, #tpu.memory_space<vmem>>
        %get3A_676 = arith.constant 0 : index
        %get3A_677 = tpu.vector_load %get3A_675[%get3A_676] {strides = array<i32>} : memref<128xi32, #tpu.memory_space<vmem>>, vector<16xi32>,
        %bitcast3A_678 = vector.bitcast %get3A_677 : vector<16xi32> to vector<32xbf16>
        %mul3A_679 = arith.mulf %bitcast3A_678, %bitcast3A_667 : vector<32xbf16>
        %get3A_680 = arith.constant 0 : i32
        %get3A_681 = tpu.memref_slice %arg13[%squeeze3A_672, %get3A_680] : memref<321x128xi32, #tpu.memory_space<vmem>> -> memref<1x128xi32, #tpu.memory_space<vmem>>
        %get3A_682 = tpu.memref_squeeze %get3A_681 : memref<1x128xi32, #tpu.memory_space<vmem>> -> memref<128xi32, #tpu.memory_space<vmem>>
        %get3A_683 = arith.constant 0 : index
        %get3A_684 = tpu.vector_load %get3A_682[%get3A_683] {strides = array<i32>} : memref<128xi32, #tpu.memory_space<vmem>>, vector<16xi32>,
        %bitcast3A_685 = vector.bitcast %get3A_684 : vector<16xi32> to vector<32xbf16>
        %add3A_686 = arith.addf %bitcast3A_685, %mul3A_679 : vector<32xbf16>
        %bitcast3A_687 = vector.bitcast %add3A_686 : vector<32xbf16> to vector<16xi32>
        %swap3A_688 = arith.constant 0 : i32
        %swap3A_689 = tpu.memref_slice %arg13[%squeeze3A_672, %swap3A_688] : memref<321x128xi32, #tpu.memory_space<vmem>> -> memref<1x128xi32, #tpu.memory_space<vmem>>
        %swap3A_690 = tpu.memref_squeeze %swap3A_689 : memref<1x128xi32, #tpu.memory_space<vmem>> -> memref<128xi32, #tpu.memory_space<vmem>>
        %swap3A_691 = arith.constant 0 : index
        %swap3A_692 = tpu.vector_load %swap3A_690[%swap3A_691] {strides = array<i32>} : memref<128xi32, #tpu.memory_space<vmem>>, vector<16xi32>,
        tpu.vector_store %swap3A_690[%swap3A_691], %bitcast3A_687 {strides = array<i32>} : memref<128xi32, #tpu.memory_space<vmem>>, vector<16xi32>,
        %get3A_693 = arith.constant 0 : i32
        %get3A_694 = tpu.memref_slice %arg11[%scan3A_653, %get3A_693] : memref<128x128xi32, #tpu.memory_space<vmem>> -> memref<1x128xi32, #tpu.memory_space<vmem>>
        %get3A_695 = tpu.memref_squeeze %get3A_694 : memref<1x128xi32, #tpu.memory_space<vmem>> -> memref<128xi32, #tpu.memory_space<vmem>>
        %get3A_696 = arith.constant 16 : index
        %get3A_697 = tpu.vector_load %get3A_695[%get3A_696] {strides = array<i32>} : memref<128xi32, #tpu.memory_space<vmem>>, vector<16xi32>,
        %bitcast3A_698 = vector.bitcast %get3A_697 : vector<16xi32> to vector<32xbf16>
        %mul3A_699 = arith.mulf %bitcast3A_698, %bitcast3A_667 : vector<32xbf16>
        %get3A_700 = arith.constant 0 : i32
        %get3A_701 = tpu.memref_slice %arg13[%squeeze3A_672, %get3A_700] : memref<321x128xi32, #tpu.memory_space<vmem>> -> memref<1x128xi32, #tpu.memory_space<vmem>>
        %get3A_702 = tpu.memref_squeeze %get3A_701 : memref<1x128xi32, #tpu.memory_space<vmem>> -> memref<128xi32, #tpu.memory_space<vmem>>
        %get3A_703 = arith.constant 16 : index
        %get3A_704 = tpu.vector_load %get3A_702[%get3A_703] {strides = array<i32>} : memref<128xi32, #tpu.memory_space<vmem>>, vector<16xi32>,
        %bitcast3A_705 = vector.bitcast %get3A_704 : vector<16xi32> to vector<32xbf16>
        %add3A_706 = arith.addf %bitcast3A_705, %mul3A_699 : vector<32xbf16>
        %bitcast3A_707 = vector.bitcast %add3A_706 : vector<32xbf16> to vector<16xi32>
        %swap3A_708 = arith.constant 0 : i32
        %swap3A_709 = tpu.memref_slice %arg13[%squeeze3A_672, %swap3A_708] : memref<321x128xi32, #tpu.memory_space<vmem>> -> memref<1x128xi32, #tpu.memory_space<vmem>>
        %swap3A_710 = tpu.memref_squeeze %swap3A_709 : memref<1x128xi32, #tpu.memory_space<vmem>> -> memref<128xi32, #tpu.memory_space<vmem>>
        %swap3A_711 = arith.constant 16 : index
        %swap3A_712 = tpu.vector_load %swap3A_710[%swap3A_711] {strides = array<i32>} : memref<128xi32, #tpu.memory_space<vmem>>, vector<16xi32>,
        tpu.vector_store %swap3A_710[%swap3A_711], %bitcast3A_707 {strides = array<i32>} : memref<128xi32, #tpu.memory_space<vmem>>, vector<16xi32>,
        %get3A_713 = arith.constant 0 : i32
        %get3A_714 = tpu.memref_slice %arg11[%scan3A_653, %get3A_713] : memref<128x128xi32, #tpu.memory_space<vmem>> -> memref<1x128xi32, #tpu.memory_space<vmem>>
        %get3A_715 = tpu.memref_squeeze %get3A_714 : memref<1x128xi32, #tpu.memory_space<vmem>> -> memref<128xi32, #tpu.memory_space<vmem>>
        %get3A_716 = arith.constant 32 : index
        %get3A_717 = tpu.vector_load %get3A_715[%get3A_716] {strides = array<i32>} : memref<128xi32, #tpu.memory_space<vmem>>, vector<16xi32>,
        %bitcast3A_718 = vector.bitcast %get3A_717 : vector<16xi32> to vector<32xbf16>
        %mul3A_719 = arith.mulf %bitcast3A_718, %bitcast3A_667 : vector<32xbf16>
        %get3A_720 = arith.constant 0 : i32
        %get3A_721 = tpu.memref_slice %arg13[%squeeze3A_672, %get3A_720] : memref<321x128xi32, #tpu.memory_space<vmem>> -> memref<1x128xi32, #tpu.memory_space<vmem>>
        %get3A_722 = tpu.memref_squeeze %get3A_721 : memref<1x128xi32, #tpu.memory_space<vmem>> -> memref<128xi32, #tpu.memory_space<vmem>>
        %get3A_723 = arith.constant 32 : index
        %get3A_724 = tpu.vector_load %get3A_722[%get3A_723] {strides = array<i32>} : memref<128xi32, #tpu.memory_space<vmem>>, vector<16xi32>,
        %bitcast3A_725 = vector.bitcast %get3A_724 : vector<16xi32> to vector<32xbf16>
        %add3A_726 = arith.addf %bitcast3A_725, %mul3A_719 : vector<32xbf16>
        %bitcast3A_727 = vector.bitcast %add3A_726 : vector<32xbf16> to vector<16xi32>
        %swap3A_728 = arith.constant 0 : i32
        %swap3A_729 = tpu.memref_slice %arg13[%squeeze3A_672, %swap3A_728] : memref<321x128xi32, #tpu.memory_space<vmem>> -> memref<1x128xi32, #tpu.memory_space<vmem>>
        %swap3A_730 = tpu.memref_squeeze %swap3A_729 : memref<1x128xi32, #tpu.memory_space<vmem>> -> memref<128xi32, #tpu.memory_space<vmem>>
        %swap3A_731 = arith.constant 32 : index
        %swap3A_732 = tpu.vector_load %swap3A_730[%swap3A_731] {strides = array<i32>} : memref<128xi32, #tpu.memory_space<vmem>>, vector<16xi32>,
        tpu.vector_store %swap3A_730[%swap3A_731], %bitcast3A_727 {strides = array<i32>} : memref<128xi32, #tpu.memory_space<vmem>>, vector<16xi32>,
        %get3A_733 = arith.constant 0 : i32
        %get3A_734 = tpu.memref_slice %arg11[%scan3A_653, %get3A_733] : memref<128x128xi32, #tpu.memory_space<vmem>> -> memref<1x128xi32, #tpu.memory_space<vmem>>
        %get3A_735 = tpu.memref_squeeze %get3A_734 : memref<1x128xi32, #tpu.memory_space<vmem>> -> memref<128xi32, #tpu.memory_space<vmem>>
        %get3A_736 = arith.constant 48 : index
        %get3A_737 = tpu.vector_load %get3A_735[%get3A_736] {strides = array<i32>} : memref<128xi32, #tpu.memory_space<vmem>>, vector<16xi32>,
        %bitcast3A_738 = vector.bitcast %get3A_737 : vector<16xi32> to vector<32xbf16>
        %mul3A_739 = arith.mulf %bitcast3A_738, %bitcast3A_667 : vector<32xbf16>
        %get3A_740 = arith.constant 0 : i32
        %get3A_741 = tpu.memref_slice %arg13[%squeeze3A_672, %get3A_740] : memref<321x128xi32, #tpu.memory_space<vmem>> -> memref<1x128xi32, #tpu.memory_space<vmem>>
        %get3A_742 = tpu.memref_squeeze %get3A_741 : memref<1x128xi32, #tpu.memory_space<vmem>> -> memref<128xi32, #tpu.memory_space<vmem>>
        %get3A_743 = arith.constant 48 : index
        %get3A_744 = tpu.vector_load %get3A_742[%get3A_743] {strides = array<i32>} : memref<128xi32, #tpu.memory_space<vmem>>, vector<16xi32>,
        %bitcast3A_745 = vector.bitcast %get3A_744 : vector<16xi32> to vector<32xbf16>
        %add3A_746 = arith.addf %bitcast3A_745, %mul3A_739 : vector<32xbf16>
        %bitcast3A_747 = vector.bitcast %add3A_746 : vector<32xbf16> to vector<16xi32>
        %swap3A_748 = arith.constant 0 : i32
        %swap3A_749 = tpu.memref_slice %arg13[%squeeze3A_672, %swap3A_748] : memref<321x128xi32, #tpu.memory_space<vmem>> -> memref<1x128xi32, #tpu.memory_space<vmem>>
        %swap3A_750 = tpu.memref_squeeze %swap3A_749 : memref<1x128xi32, #tpu.memory_space<vmem>> -> memref<128xi32, #tpu.memory_space<vmem>>
        %swap3A_751 = arith.constant 48 : index
        %swap3A_752 = tpu.vector_load %swap3A_750[%swap3A_751] {strides = array<i32>} : memref<128xi32, #tpu.memory_space<vmem>>, vector<16xi32>,
        tpu.vector_store %swap3A_750[%swap3A_751], %bitcast3A_747 {strides = array<i32>} : memref<128xi32, #tpu.memory_space<vmem>>, vector<16xi32>,
        %get3A_753 = arith.constant 0 : i32
        %get3A_754 = tpu.memref_slice %arg11[%scan3A_653, %get3A_753] : memref<128x128xi32, #tpu.memory_space<vmem>> -> memref<1x128xi32, #tpu.memory_space<vmem>>
        %get3A_755 = tpu.memref_squeeze %get3A_754 : memref<1x128xi32, #tpu.memory_space<vmem>> -> memref<128xi32, #tpu.memory_space<vmem>>
        %get3A_756 = arith.constant 64 : index
        %get3A_757 = tpu.vector_load %get3A_755[%get3A_756] {strides = array<i32>} : memref<128xi32, #tpu.memory_space<vmem>>, vector<16xi32>,
        %bitcast3A_758 = vector.bitcast %get3A_757 : vector<16xi32> to vector<32xbf16>
        %mul3A_759 = arith.mulf %bitcast3A_758, %bitcast3A_667 : vector<32xbf16>
        %get3A_760 = arith.constant 0 : i32
        %get3A_761 = tpu.memref_slice %arg13[%squeeze3A_672, %get3A_760] : memref<321x128xi32, #tpu.memory_space<vmem>> -> memref<1x128xi32, #tpu.memory_space<vmem>>
        %get3A_762 = tpu.memref_squeeze %get3A_761 : memref<1x128xi32, #tpu.memory_space<vmem>> -> memref<128xi32, #tpu.memory_space<vmem>>
        %get3A_763 = arith.constant 64 : index
        %get3A_764 = tpu.vector_load %get3A_762[%get3A_763] {strides = array<i32>} : memref<128xi32, #tpu.memory_space<vmem>>, vector<16xi32>,
        %bitcast3A_765 = vector.bitcast %get3A_764 : vector<16xi32> to vector<32xbf16>
        %add3A_766 = arith.addf %bitcast3A_765, %mul3A_759 : vector<32xbf16>
        %bitcast3A_767 = vector.bitcast %add3A_766 : vector<32xbf16> to vector<16xi32>
        %swap3A_768 = arith.constant 0 : i32
        %swap3A_769 = tpu.memref_slice %arg13[%squeeze3A_672, %swap3A_768] : memref<321x128xi32, #tpu.memory_space<vmem>> -> memref<1x128xi32, #tpu.memory_space<vmem>>
        %swap3A_770 = tpu.memref_squeeze %swap3A_769 : memref<1x128xi32, #tpu.memory_space<vmem>> -> memref<128xi32, #tpu.memory_space<vmem>>
        %swap3A_771 = arith.constant 64 : index
        %swap3A_772 = tpu.vector_load %swap3A_770[%swap3A_771] {strides = array<i32>} : memref<128xi32, #tpu.memory_space<vmem>>, vector<16xi32>,
        tpu.vector_store %swap3A_770[%swap3A_771], %bitcast3A_767 {strides = array<i32>} : memref<128xi32, #tpu.memory_space<vmem>>, vector<16xi32>,
        %get3A_773 = arith.constant 0 : i32
        %get3A_774 = tpu.memref_slice %arg11[%scan3A_653, %get3A_773] : memref<128x128xi32, #tpu.memory_space<vmem>> -> memref<1x128xi32, #tpu.memory_space<vmem>>
        %get3A_775 = tpu.memref_squeeze %get3A_774 : memref<1x128xi32, #tpu.memory_space<vmem>> -> memref<128xi32, #tpu.memory_space<vmem>>
        %get3A_776 = arith.constant 80 : index
        %get3A_777 = tpu.vector_load %get3A_775[%get3A_776] {strides = array<i32>} : memref<128xi32, #tpu.memory_space<vmem>>, vector<16xi32>,
        %bitcast3A_778 = vector.bitcast %get3A_777 : vector<16xi32> to vector<32xbf16>
        %mul3A_779 = arith.mulf %bitcast3A_778, %bitcast3A_667 : vector<32xbf16>
        %get3A_780 = arith.constant 0 : i32
        %get3A_781 = tpu.memref_slice %arg13[%squeeze3A_672, %get3A_780] : memref<321x128xi32, #tpu.memory_space<vmem>> -> memref<1x128xi32, #tpu.memory_space<vmem>>
        %get3A_782 = tpu.memref_squeeze %get3A_781 : memref<1x128xi32, #tpu.memory_space<vmem>> -> memref<128xi32, #tpu.memory_space<vmem>>
        %get3A_783 = arith.constant 80 : index
        %get3A_784 = tpu.vector_load %get3A_782[%get3A_783] {strides = array<i32>} : memref<128xi32, #tpu.memory_space<vmem>>, vector<16xi32>,
        %bitcast3A_785 = vector.bitcast %get3A_784 : vector<16xi32> to vector<32xbf16>
        %add3A_786 = arith.addf %bitcast3A_785, %mul3A_779 : vector<32xbf16>
        %bitcast3A_787 = vector.bitcast %add3A_786 : vector<32xbf16> to vector<16xi32>
        %swap3A_788 = arith.constant 0 : i32
        %swap3A_789 = tpu.memref_slice %arg13[%squeeze3A_672, %swap3A_788] : memref<321x128xi32, #tpu.memory_space<vmem>> -> memref<1x128xi32, #tpu.memory_space<vmem>>
        %swap3A_790 = tpu.memref_squeeze %swap3A_789 : memref<1x128xi32, #tpu.memory_space<vmem>> -> memref<128xi32, #tpu.memory_space<vmem>>
        %swap3A_791 = arith.constant 80 : index
        %swap3A_792 = tpu.vector_load %swap3A_790[%swap3A_791] {strides = array<i32>} : memref<128xi32, #tpu.memory_space<vmem>>, vector<16xi32>,
        tpu.vector_store %swap3A_790[%swap3A_791], %bitcast3A_787 {strides = array<i32>} : memref<128xi32, #tpu.memory_space<vmem>>, vector<16xi32>,
        %get3A_793 = arith.constant 0 : i32
        %get3A_794 = tpu.memref_slice %arg11[%scan3A_653, %get3A_793] : memref<128x128xi32, #tpu.memory_space<vmem>> -> memref<1x128xi32, #tpu.memory_space<vmem>>
        %get3A_795 = tpu.memref_squeeze %get3A_794 : memref<1x128xi32, #tpu.memory_space<vmem>> -> memref<128xi32, #tpu.memory_space<vmem>>
        %get3A_796 = arith.constant 96 : index
        %get3A_797 = tpu.vector_load %get3A_795[%get3A_796] {strides = array<i32>} : memref<128xi32, #tpu.memory_space<vmem>>, vector<16xi32>,
        %bitcast3A_798 = vector.bitcast %get3A_797 : vector<16xi32> to vector<32xbf16>
        %mul3A_799 = arith.mulf %bitcast3A_798, %bitcast3A_667 : vector<32xbf16>
        %get3A_800 = arith.constant 0 : i32
        %get3A_801 = tpu.memref_slice %arg13[%squeeze3A_672, %get3A_800] : memref<321x128xi32, #tpu.memory_space<vmem>> -> memref<1x128xi32, #tpu.memory_space<vmem>>
        %get3A_802 = tpu.memref_squeeze %get3A_801 : memref<1x128xi32, #tpu.memory_space<vmem>> -> memref<128xi32, #tpu.memory_space<vmem>>
        %get3A_803 = arith.constant 96 : index
        %get3A_804 = tpu.vector_load %get3A_802[%get3A_803] {strides = array<i32>} : memref<128xi32, #tpu.memory_space<vmem>>, vector<16xi32>,
        %bitcast3A_805 = vector.bitcast %get3A_804 : vector<16xi32> to vector<32xbf16>
        %add3A_806 = arith.addf %bitcast3A_805, %mul3A_799 : vector<32xbf16>
        %bitcast3A_807 = vector.bitcast %add3A_806 : vector<32xbf16> to vector<16xi32>
        %swap3A_808 = arith.constant 0 : i32
        %swap3A_809 = tpu.memref_slice %arg13[%squeeze3A_672, %swap3A_808] : memref<321x128xi32, #tpu.memory_space<vmem>> -> memref<1x128xi32, #tpu.memory_space<vmem>>
        %swap3A_810 = tpu.memref_squeeze %swap3A_809 : memref<1x128xi32, #tpu.memory_space<vmem>> -> memref<128xi32, #tpu.memory_space<vmem>>
        %swap3A_811 = arith.constant 96 : index
        %swap3A_812 = tpu.vector_load %swap3A_810[%swap3A_811] {strides = array<i32>} : memref<128xi32, #tpu.memory_space<vmem>>, vector<16xi32>,
        tpu.vector_store %swap3A_810[%swap3A_811], %bitcast3A_807 {strides = array<i32>} : memref<128xi32, #tpu.memory_space<vmem>>, vector<16xi32>,
        %get3A_813 = arith.constant 0 : i32
        %get3A_814 = tpu.memref_slice %arg11[%scan3A_653, %get3A_813] : memref<128x128xi32, #tpu.memory_space<vmem>> -> memref<1x128xi32, #tpu.memory_space<vmem>>
        %get3A_815 = tpu.memref_squeeze %get3A_814 : memref<1x128xi32, #tpu.memory_space<vmem>> -> memref<128xi32, #tpu.memory_space<vmem>>
        %get3A_816 = arith.constant 112 : index
        %get3A_817 = tpu.vector_load %get3A_815[%get3A_816] {strides = array<i32>} : memref<128xi32, #tpu.memory_space<vmem>>, vector<16xi32>,
        %bitcast3A_818 = vector.bitcast %get3A_817 : vector<16xi32> to vector<32xbf16>
        %mul3A_819 = arith.mulf %bitcast3A_818, %bitcast3A_667 : vector<32xbf16>
        %get3A_820 = arith.constant 0 : i32
        %get3A_821 = tpu.memref_slice %arg13[%squeeze3A_672, %get3A_820] : memref<321x128xi32, #tpu.memory_space<vmem>> -> memref<1x128xi32, #tpu.memory_space<vmem>>
        %get3A_822 = tpu.memref_squeeze %get3A_821 : memref<1x128xi32, #tpu.memory_space<vmem>> -> memref<128xi32, #tpu.memory_space<vmem>>
        %get3A_823 = arith.constant 112 : index
        %get3A_824 = tpu.vector_load %get3A_822[%get3A_823] {strides = array<i32>} : memref<128xi32, #tpu.memory_space<vmem>>, vector<16xi32>,
        %bitcast3A_825 = vector.bitcast %get3A_824 : vector<16xi32> to vector<32xbf16>
        %add3A_826 = arith.addf %bitcast3A_825, %mul3A_819 : vector<32xbf16>
        %bitcast3A_827 = vector.bitcast %add3A_826 : vector<32xbf16> to vector<16xi32>
        %swap3A_828 = arith.constant 0 : i32
        %swap3A_829 = tpu.memref_slice %arg13[%squeeze3A_672, %swap3A_828] : memref<321x128xi32, #tpu.memory_space<vmem>> -> memref<1x128xi32, #tpu.memory_space<vmem>>
        %swap3A_830 = tpu.memref_squeeze %swap3A_829 : memref<1x128xi32, #tpu.memory_space<vmem>> -> memref<128xi32, #tpu.memory_space<vmem>>
        %swap3A_831 = arith.constant 112 : index
        %swap3A_832 = tpu.vector_load %swap3A_830[%swap3A_831] {strides = array<i32>} : memref<128xi32, #tpu.memory_space<vmem>>, vector<16xi32>,
        tpu.vector_store %swap3A_830[%swap3A_831], %bitcast3A_827 {strides = array<i32>} : memref<128xi32, #tpu.memory_space<vmem>>, vector<16xi32>,
      }
      %scan3A_106 = arith.constant 128 : i32
      %add3A_107 = arith.constant 1 : i32
      %add3A_108 = arith.addi %add3A_84, %add3A_107 : i32
      %lt3A_109 = arith.cmpi slt, %add3A_108, %select_n3A : i32
      %convert_element_type3A_110 = arith.extui %lt3A_109 : i1 to i32
      %cond3A_111 = arith.constant 0 : i32
      %cond3A_112 = arith.cmpi ne, %convert_element_type3A_110, %cond3A_111 : i32
      scf.if %cond3A_112 {
        %add3A_113 = arith.constant 2 : i32
        %add3A_114 = arith.addi %add3A_84, %add3A_113 : i32
        %lt3A_115 = arith.cmpi slt, %add3A_114, %select_n3A : i32
        %convert_element_type3A_116 = arith.extui %lt3A_115 : i1 to i32
        %cond3A_117 = arith.constant 0 : i32
        %cond3A_118 = arith.cmpi ne, %convert_element_type3A_116, %cond3A_117 : i32
        scf.if %cond3A_118 {
          %add3A_137 = arith.constant 2 : i32
          %add3A_138 = arith.addi %add3A_84, %add3A_137 : i32
          %mul3A_139 = arith.constant 128 : i32
          %mul3A_140 = arith.muli %add3A_138, %mul3A_139 : i32
          %dma_start3A_141 = tpu.memref_slice %arg8[%mul3A_140] : memref<8192xi32, #tpu.memory_space<vmem>> -> memref<128xi32, #tpu.memory_space<vmem>>
          %dma_start3A_142 = arith.constant 0 : i32
          %dma_start3A_143 = arith.constant 0 : i32
          %dma_start3A_144 = tpu.memref_slice %arg2[%dma_start3A_142, %dma_start3A_143] : memref<80000x128xi32, #tpu.memory_space<hbm>> -> memref<80000x128xi32, #tpu.memory_space<hbm>>
          tpu.enqueue_indirect_dma source(%dma_start3A_144 : memref<80000x128xi32, #tpu.memory_space<hbm>>) target(%arg11 : memref<128x128xi32, #tpu.memory_space<vmem>>) offsets(%dma_start3A_141 : memref<128xi32, #tpu.memory_space<vmem>>) semaphore(%arg16 : memref<!tpu.dma_semaphore, #tpu.memory_space<semaphore_mem>>)
        } else {
        }
        %add3A_119 = arith.constant 1 : i32
        %add3A_120 = arith.addi %add3A_84, %add3A_119 : i32
        %mul3A_121 = arith.constant 128 : i32
        %mul3A_122 = arith.muli %add3A_120, %mul3A_121 : i32
        %dma_wait3A_123 = tpu.memref_slice %arg8[%mul3A_122] : memref<8192xi32, #tpu.memory_space<vmem>> -> memref<128xi32, #tpu.memory_space<vmem>>
        %dma_wait3A_124 = arith.constant 0 : i32
        %dma_wait3A_125 = arith.constant 0 : i32
        %dma_wait3A_126 = tpu.memref_slice %arg2[%dma_wait3A_124, %dma_wait3A_125] : memref<80000x128xi32, #tpu.memory_space<hbm>> -> memref<80000x128xi32, #tpu.memory_space<hbm>>
        tpu.wait_indirect_dma semaphore(%arg17 : memref<!tpu.dma_semaphore, #tpu.memory_space<semaphore_mem>>) src(%dma_wait3A_126 : memref<80000x128xi32, #tpu.memory_space<hbm>>) dst(%arg12 : memref<128x128xi32, #tpu.memory_space<vmem>>)
        %mul3A_127 = arith.constant 128 : i32
        %mul3A_128 = arith.muli %add3A_120, %mul3A_127 : i32
        %broadcast_in_dim3A_129 = arith.constant 0 : i32
        %broadcast_in_dim3A_130 = vector.broadcast %broadcast_in_dim3A_129 : i32 to vector<16xi32>
        %scan3A_131 = arith.constant 0 : i32
        %scan3A_132 = arith.constant 0 : i32
        %scan3A_133 = arith.constant 128 : i32
        %scan3A_134 = arith.addi %scan3A_132, %scan3A_133 : i32
        %scan3A_135 = arith.constant 4 : i32
        scf.for %scan3A_137 = %scan3A_132 to %scan3A_134 step %scan3A_135  : i32 {
          %add3A_138 = arith.addi %mul3A_128, %scan3A_137 : i32
          %get3A_139 = arith.index_cast %add3A_138 : i32 to index
          %get3A_140 = tpu.vector_load %arg9[%get3A_139] {strides = array<i32>} : memref<8208xi32, #tpu.memory_space<vmem>>, vector<16xi32>,
          %lt3A_141 = arith.constant 0 : i32
          %lt3A_142 = vector.broadcast %lt3A_141 : i32 to vector<16xi32>
          %lt3A_143 = arith.cmpi slt, %broadcast_in_dim3A_130, %lt3A_142 : vector<16xi32>
          %add3A_144 = arith.constant 16 : i32
          %add3A_145 = vector.broadcast %add3A_144 : i32 to vector<16xi32>
          %add3A_146 = arith.addi %broadcast_in_dim3A_130, %add3A_145 : vector<16xi32>
          %select_n3A_147 = arith.select %lt3A_143, %add3A_146, %broadcast_in_dim3A_130 : vector<16xi1>, vector<16xi32>
          %broadcast_in_dim3A_148 = vector.shape_cast %select_n3A_147 : vector<16xi32> to vector<16x1xi32>
          %gather3A = vector.shape_cast %broadcast_in_dim3A_148 : vector<16x1xi32> to vector<16xi32>
          %gather3A_149 = tpu.dynamic_gather %get3A_140[%gather3A] in [0] : vector<16xi32>, vector<16xi32> -> vector<16xi32>
          %bitcast3A = vector.bitcast %gather3A_149 : vector<16xi32> to vector<32xbf16>
          %add3A_150 = arith.addi %mul3A_128, %scan3A_137 : i32
          %get3A_151 = arith.index_cast %add3A_150 : i32 to index
          %get3A_152 = tpu.vector_load %arg10[%get3A_151] {strides = array<i32>} : memref<8208xi32, #tpu.memory_space<vmem>>, vector<16xi32>,
          %slice3A_153 = vector.extract_strided_slice %get3A_152 {offsets = [0], sizes = [1], strides = [1]} : vector<16xi32> to vector<1xi32>
          %squeeze3A_154 = vector.extract %slice3A_153[0] : i32 from vector<1xi32>
          %get3A_155 = arith.constant 0 : i32
          %get3A_156 = tpu.memref_slice %arg12[%scan3A_137, %get3A_155] : memref<128x128xi32, #tpu.memory_space<vmem>> -> memref<1x128xi32, #tpu.memory_space<vmem>>
          %get3A_157 = tpu.memref_squeeze %get3A_156 : memref<1x128xi32, #tpu.memory_space<vmem>> -> memref<128xi32, #tpu.memory_space<vmem>>
          %get3A_158 = arith.constant 0 : index
          %get3A_159 = tpu.vector_load %get3A_157[%get3A_158] {strides = array<i32>} : memref<128xi32, #tpu.memory_space<vmem>>, vector<16xi32>,
          %bitcast3A_160 = vector.bitcast %get3A_159 : vector<16xi32> to vector<32xbf16>
          %mul3A_161 = arith.mulf %bitcast3A_160, %bitcast3A : vector<32xbf16>
          %get3A_162 = arith.constant 0 : i32
          %get3A_163 = tpu.memref_slice %arg13[%squeeze3A_154, %get3A_162] : memref<321x128xi32, #tpu.memory_space<vmem>> -> memref<1x128xi32, #tpu.memory_space<vmem>>
          %get3A_164 = tpu.memref_squeeze %get3A_163 : memref<1x128xi32, #tpu.memory_space<vmem>> -> memref<128xi32, #tpu.memory_space<vmem>>
          %get3A_165 = arith.constant 0 : index
          %get3A_166 = tpu.vector_load %get3A_164[%get3A_165] {strides = array<i32>} : memref<128xi32, #tpu.memory_space<vmem>>, vector<16xi32>,
          %bitcast3A_167 = vector.bitcast %get3A_166 : vector<16xi32> to vector<32xbf16>
          %add3A_168 = arith.addf %bitcast3A_167, %mul3A_161 : vector<32xbf16>
          %bitcast3A_169 = vector.bitcast %add3A_168 : vector<32xbf16> to vector<16xi32>
          %swap3A = arith.constant 0 : i32
          %swap3A_170 = tpu.memref_slice %arg13[%squeeze3A_154, %swap3A] : memref<321x128xi32, #tpu.memory_space<vmem>> -> memref<1x128xi32, #tpu.memory_space<vmem>>
          %swap3A_171 = tpu.memref_squeeze %swap3A_170 : memref<1x128xi32, #tpu.memory_space<vmem>> -> memref<128xi32, #tpu.memory_space<vmem>>
          %swap3A_172 = arith.constant 0 : index
          %swap3A_173 = tpu.vector_load %swap3A_171[%swap3A_172] {strides = array<i32>} : memref<128xi32, #tpu.memory_space<vmem>>, vector<16xi32>,
          tpu.vector_store %swap3A_171[%swap3A_172], %bitcast3A_169 {strides = array<i32>} : memref<128xi32, #tpu.memory_space<vmem>>, vector<16xi32>,
          %get3A_174 = arith.constant 0 : i32
          %get3A_175 = tpu.memref_slice %arg12[%scan3A_137, %get3A_174] : memref<128x128xi32, #tpu.memory_space<vmem>> -> memref<1x128xi32, #tpu.memory_space<vmem>>
          %get3A_176 = tpu.memref_squeeze %get3A_175 : memref<1x128xi32, #tpu.memory_space<vmem>> -> memref<128xi32, #tpu.memory_space<vmem>>
          %get3A_177 = arith.constant 16 : index
          %get3A_178 = tpu.vector_load %get3A_176[%get3A_177] {strides = array<i32>} : memref<128xi32, #tpu.memory_space<vmem>>, vector<16xi32>,
          %bitcast3A_179 = vector.bitcast %get3A_178 : vector<16xi32> to vector<32xbf16>
          %mul3A_180 = arith.mulf %bitcast3A_179, %bitcast3A : vector<32xbf16>
          %get3A_181 = arith.constant 0 : i32
          %get3A_182 = tpu.memref_slice %arg13[%squeeze3A_154, %get3A_181] : memref<321x128xi32, #tpu.memory_space<vmem>> -> memref<1x128xi32, #tpu.memory_space<vmem>>
          %get3A_183 = tpu.memref_squeeze %get3A_182 : memref<1x128xi32, #tpu.memory_space<vmem>> -> memref<128xi32, #tpu.memory_space<vmem>>
          %get3A_184 = arith.constant 16 : index
          %get3A_185 = tpu.vector_load %get3A_183[%get3A_184] {strides = array<i32>} : memref<128xi32, #tpu.memory_space<vmem>>, vector<16xi32>,
          %bitcast3A_186 = vector.bitcast %get3A_185 : vector<16xi32> to vector<32xbf16>
          %add3A_187 = arith.addf %bitcast3A_186, %mul3A_180 : vector<32xbf16>
          %bitcast3A_188 = vector.bitcast %add3A_187 : vector<32xbf16> to vector<16xi32>
          %swap3A_189 = arith.constant 0 : i32
          %swap3A_190 = tpu.memref_slice %arg13[%squeeze3A_154, %swap3A_189] : memref<321x128xi32, #tpu.memory_space<vmem>> -> memref<1x128xi32, #tpu.memory_space<vmem>>
          %swap3A_191 = tpu.memref_squeeze %swap3A_190 : memref<1x128xi32, #tpu.memory_space<vmem>> -> memref<128xi32, #tpu.memory_space<vmem>>
          %swap3A_192 = arith.constant 16 : index
          %swap3A_193 = tpu.vector_load %swap3A_191[%swap3A_192] {strides = array<i32>} : memref<128xi32, #tpu.memory_space<vmem>>, vector<16xi32>,
          tpu.vector_store %swap3A_191[%swap3A_192], %bitcast3A_188 {strides = array<i32>} : memref<128xi32, #tpu.memory_space<vmem>>, vector<16xi32>,
          %get3A_194 = arith.constant 0 : i32
          %get3A_195 = tpu.memref_slice %arg12[%scan3A_137, %get3A_194] : memref<128x128xi32, #tpu.memory_space<vmem>> -> memref<1x128xi32, #tpu.memory_space<vmem>>
          %get3A_196 = tpu.memref_squeeze %get3A_195 : memref<1x128xi32, #tpu.memory_space<vmem>> -> memref<128xi32, #tpu.memory_space<vmem>>
          %get3A_197 = arith.constant 32 : index
          %get3A_198 = tpu.vector_load %get3A_196[%get3A_197] {strides = array<i32>} : memref<128xi32, #tpu.memory_space<vmem>>, vector<16xi32>,
          %bitcast3A_199 = vector.bitcast %get3A_198 : vector<16xi32> to vector<32xbf16>
          %mul3A_200 = arith.mulf %bitcast3A_199, %bitcast3A : vector<32xbf16>
          %get3A_201 = arith.constant 0 : i32
          %get3A_202 = tpu.memref_slice %arg13[%squeeze3A_154, %get3A_201] : memref<321x128xi32, #tpu.memory_space<vmem>> -> memref<1x128xi32, #tpu.memory_space<vmem>>
          %get3A_203 = tpu.memref_squeeze %get3A_202 : memref<1x128xi32, #tpu.memory_space<vmem>> -> memref<128xi32, #tpu.memory_space<vmem>>
          %get3A_204 = arith.constant 32 : index
          %get3A_205 = tpu.vector_load %get3A_203[%get3A_204] {strides = array<i32>} : memref<128xi32, #tpu.memory_space<vmem>>, vector<16xi32>,
          %bitcast3A_206 = vector.bitcast %get3A_205 : vector<16xi32> to vector<32xbf16>
          %add3A_207 = arith.addf %bitcast3A_206, %mul3A_200 : vector<32xbf16>
          %bitcast3A_208 = vector.bitcast %add3A_207 : vector<32xbf16> to vector<16xi32>
          %swap3A_209 = arith.constant 0 : i32
          %swap3A_210 = tpu.memref_slice %arg13[%squeeze3A_154, %swap3A_209] : memref<321x128xi32, #tpu.memory_space<vmem>> -> memref<1x128xi32, #tpu.memory_space<vmem>>
          %swap3A_211 = tpu.memref_squeeze %swap3A_210 : memref<1x128xi32, #tpu.memory_space<vmem>> -> memref<128xi32, #tpu.memory_space<vmem>>
          %swap3A_212 = arith.constant 32 : index
          %swap3A_213 = tpu.vector_load %swap3A_211[%swap3A_212] {strides = array<i32>} : memref<128xi32, #tpu.memory_space<vmem>>, vector<16xi32>,
          tpu.vector_store %swap3A_211[%swap3A_212], %bitcast3A_208 {strides = array<i32>} : memref<128xi32, #tpu.memory_space<vmem>>, vector<16xi32>,
          %get3A_214 = arith.constant 0 : i32
          %get3A_215 = tpu.memref_slice %arg12[%scan3A_137, %get3A_214] : memref<128x128xi32, #tpu.memory_space<vmem>> -> memref<1x128xi32, #tpu.memory_space<vmem>>
          %get3A_216 = tpu.memref_squeeze %get3A_215 : memref<1x128xi32, #tpu.memory_space<vmem>> -> memref<128xi32, #tpu.memory_space<vmem>>
          %get3A_217 = arith.constant 48 : index
          %get3A_218 = tpu.vector_load %get3A_216[%get3A_217] {strides = array<i32>} : memref<128xi32, #tpu.memory_space<vmem>>, vector<16xi32>,
          %bitcast3A_219 = vector.bitcast %get3A_218 : vector<16xi32> to vector<32xbf16>
          %mul3A_220 = arith.mulf %bitcast3A_219, %bitcast3A : vector<32xbf16>
          %get3A_221 = arith.constant 0 : i32
          %get3A_222 = tpu.memref_slice %arg13[%squeeze3A_154, %get3A_221] : memref<321x128xi32, #tpu.memory_space<vmem>> -> memref<1x128xi32, #tpu.memory_space<vmem>>
          %get3A_223 = tpu.memref_squeeze %get3A_222 : memref<1x128xi32, #tpu.memory_space<vmem>> -> memref<128xi32, #tpu.memory_space<vmem>>
          %get3A_224 = arith.constant 48 : index
          %get3A_225 = tpu.vector_load %get3A_223[%get3A_224] {strides = array<i32>} : memref<128xi32, #tpu.memory_space<vmem>>, vector<16xi32>,
          %bitcast3A_226 = vector.bitcast %get3A_225 : vector<16xi32> to vector<32xbf16>
          %add3A_227 = arith.addf %bitcast3A_226, %mul3A_220 : vector<32xbf16>
          %bitcast3A_228 = vector.bitcast %add3A_227 : vector<32xbf16> to vector<16xi32>
          %swap3A_229 = arith.constant 0 : i32
          %swap3A_230 = tpu.memref_slice %arg13[%squeeze3A_154, %swap3A_229] : memref<321x128xi32, #tpu.memory_space<vmem>> -> memref<1x128xi32, #tpu.memory_space<vmem>>
          %swap3A_231 = tpu.memref_squeeze %swap3A_230 : memref<1x128xi32, #tpu.memory_space<vmem>> -> memref<128xi32, #tpu.memory_space<vmem>>
          %swap3A_232 = arith.constant 48 : index
          %swap3A_233 = tpu.vector_load %swap3A_231[%swap3A_232] {strides = array<i32>} : memref<128xi32, #tpu.memory_space<vmem>>, vector<16xi32>,
          tpu.vector_store %swap3A_231[%swap3A_232], %bitcast3A_228 {strides = array<i32>} : memref<128xi32, #tpu.memory_space<vmem>>, vector<16xi32>,
          %get3A_234 = arith.constant 0 : i32
          %get3A_235 = tpu.memref_slice %arg12[%scan3A_137, %get3A_234] : memref<128x128xi32, #tpu.memory_space<vmem>> -> memref<1x128xi32, #tpu.memory_space<vmem>>
          %get3A_236 = tpu.memref_squeeze %get3A_235 : memref<1x128xi32, #tpu.memory_space<vmem>> -> memref<128xi32, #tpu.memory_space<vmem>>
          %get3A_237 = arith.constant 64 : index
          %get3A_238 = tpu.vector_load %get3A_236[%get3A_237] {strides = array<i32>} : memref<128xi32, #tpu.memory_space<vmem>>, vector<16xi32>,
          %bitcast3A_239 = vector.bitcast %get3A_238 : vector<16xi32> to vector<32xbf16>
          %mul3A_240 = arith.mulf %bitcast3A_239, %bitcast3A : vector<32xbf16>
          %get3A_241 = arith.constant 0 : i32
          %get3A_242 = tpu.memref_slice %arg13[%squeeze3A_154, %get3A_241] : memref<321x128xi32, #tpu.memory_space<vmem>> -> memref<1x128xi32, #tpu.memory_space<vmem>>
          %get3A_243 = tpu.memref_squeeze %get3A_242 : memref<1x128xi32, #tpu.memory_space<vmem>> -> memref<128xi32, #tpu.memory_space<vmem>>
          %get3A_244 = arith.constant 64 : index
          %get3A_245 = tpu.vector_load %get3A_243[%get3A_244] {strides = array<i32>} : memref<128xi32, #tpu.memory_space<vmem>>, vector<16xi32>,
          %bitcast3A_246 = vector.bitcast %get3A_245 : vector<16xi32> to vector<32xbf16>
          %add3A_247 = arith.addf %bitcast3A_246, %mul3A_240 : vector<32xbf16>
          %bitcast3A_248 = vector.bitcast %add3A_247 : vector<32xbf16> to vector<16xi32>
          %swap3A_249 = arith.constant 0 : i32
          %swap3A_250 = tpu.memref_slice %arg13[%squeeze3A_154, %swap3A_249] : memref<321x128xi32, #tpu.memory_space<vmem>> -> memref<1x128xi32, #tpu.memory_space<vmem>>
          %swap3A_251 = tpu.memref_squeeze %swap3A_250 : memref<1x128xi32, #tpu.memory_space<vmem>> -> memref<128xi32, #tpu.memory_space<vmem>>
          %swap3A_252 = arith.constant 64 : index
          %swap3A_253 = tpu.vector_load %swap3A_251[%swap3A_252] {strides = array<i32>} : memref<128xi32, #tpu.memory_space<vmem>>, vector<16xi32>,
          tpu.vector_store %swap3A_251[%swap3A_252], %bitcast3A_248 {strides = array<i32>} : memref<128xi32, #tpu.memory_space<vmem>>, vector<16xi32>,
          %get3A_254 = arith.constant 0 : i32
          %get3A_255 = tpu.memref_slice %arg12[%scan3A_137, %get3A_254] : memref<128x128xi32, #tpu.memory_space<vmem>> -> memref<1x128xi32, #tpu.memory_space<vmem>>
          %get3A_256 = tpu.memref_squeeze %get3A_255 : memref<1x128xi32, #tpu.memory_space<vmem>> -> memref<128xi32, #tpu.memory_space<vmem>>
          %get3A_257 = arith.constant 80 : index
          %get3A_258 = tpu.vector_load %get3A_256[%get3A_257] {strides = array<i32>} : memref<128xi32, #tpu.memory_space<vmem>>, vector<16xi32>,
          %bitcast3A_259 = vector.bitcast %get3A_258 : vector<16xi32> to vector<32xbf16>
          %mul3A_260 = arith.mulf %bitcast3A_259, %bitcast3A : vector<32xbf16>
          %get3A_261 = arith.constant 0 : i32
          %get3A_262 = tpu.memref_slice %arg13[%squeeze3A_154, %get3A_261] : memref<321x128xi32, #tpu.memory_space<vmem>> -> memref<1x128xi32, #tpu.memory_space<vmem>>
          %get3A_263 = tpu.memref_squeeze %get3A_262 : memref<1x128xi32, #tpu.memory_space<vmem>> -> memref<128xi32, #tpu.memory_space<vmem>>
          %get3A_264 = arith.constant 80 : index
          %get3A_265 = tpu.vector_load %get3A_263[%get3A_264] {strides = array<i32>} : memref<128xi32, #tpu.memory_space<vmem>>, vector<16xi32>,
          %bitcast3A_266 = vector.bitcast %get3A_265 : vector<16xi32> to vector<32xbf16>
          %add3A_267 = arith.addf %bitcast3A_266, %mul3A_260 : vector<32xbf16>
          %bitcast3A_268 = vector.bitcast %add3A_267 : vector<32xbf16> to vector<16xi32>
          %swap3A_269 = arith.constant 0 : i32
          %swap3A_270 = tpu.memref_slice %arg13[%squeeze3A_154, %swap3A_269] : memref<321x128xi32, #tpu.memory_space<vmem>> -> memref<1x128xi32, #tpu.memory_space<vmem>>
          %swap3A_271 = tpu.memref_squeeze %swap3A_270 : memref<1x128xi32, #tpu.memory_space<vmem>> -> memref<128xi32, #tpu.memory_space<vmem>>
          %swap3A_272 = arith.constant 80 : index
          %swap3A_273 = tpu.vector_load %swap3A_271[%swap3A_272] {strides = array<i32>} : memref<128xi32, #tpu.memory_space<vmem>>, vector<16xi32>,
          tpu.vector_store %swap3A_271[%swap3A_272], %bitcast3A_268 {strides = array<i32>} : memref<128xi32, #tpu.memory_space<vmem>>, vector<16xi32>,
          %get3A_274 = arith.constant 0 : i32
          %get3A_275 = tpu.memref_slice %arg12[%scan3A_137, %get3A_274] : memref<128x128xi32, #tpu.memory_space<vmem>> -> memref<1x128xi32, #tpu.memory_space<vmem>>
          %get3A_276 = tpu.memref_squeeze %get3A_275 : memref<1x128xi32, #tpu.memory_space<vmem>> -> memref<128xi32, #tpu.memory_space<vmem>>
          %get3A_277 = arith.constant 96 : index
          %get3A_278 = tpu.vector_load %get3A_276[%get3A_277] {strides = array<i32>} : memref<128xi32, #tpu.memory_space<vmem>>, vector<16xi32>,
          %bitcast3A_279 = vector.bitcast %get3A_278 : vector<16xi32> to vector<32xbf16>
          %mul3A_280 = arith.mulf %bitcast3A_279, %bitcast3A : vector<32xbf16>
          %get3A_281 = arith.constant 0 : i32
          %get3A_282 = tpu.memref_slice %arg13[%squeeze3A_154, %get3A_281] : memref<321x128xi32, #tpu.memory_space<vmem>> -> memref<1x128xi32, #tpu.memory_space<vmem>>
          %get3A_283 = tpu.memref_squeeze %get3A_282 : memref<1x128xi32, #tpu.memory_space<vmem>> -> memref<128xi32, #tpu.memory_space<vmem>>
          %get3A_284 = arith.constant 96 : index
          %get3A_285 = tpu.vector_load %get3A_283[%get3A_284] {strides = array<i32>} : memref<128xi32, #tpu.memory_space<vmem>>, vector<16xi32>,
          %bitcast3A_286 = vector.bitcast %get3A_285 : vector<16xi32> to vector<32xbf16>
          %add3A_287 = arith.addf %bitcast3A_286, %mul3A_280 : vector<32xbf16>
          %bitcast3A_288 = vector.bitcast %add3A_287 : vector<32xbf16> to vector<16xi32>
          %swap3A_289 = arith.constant 0 : i32
          %swap3A_290 = tpu.memref_slice %arg13[%squeeze3A_154, %swap3A_289] : memref<321x128xi32, #tpu.memory_space<vmem>> -> memref<1x128xi32, #tpu.memory_space<vmem>>
          %swap3A_291 = tpu.memref_squeeze %swap3A_290 : memref<1x128xi32, #tpu.memory_space<vmem>> -> memref<128xi32, #tpu.memory_space<vmem>>
          %swap3A_292 = arith.constant 96 : index
          %swap3A_293 = tpu.vector_load %swap3A_291[%swap3A_292] {strides = array<i32>} : memref<128xi32, #tpu.memory_space<vmem>>, vector<16xi32>,
          tpu.vector_store %swap3A_291[%swap3A_292], %bitcast3A_288 {strides = array<i32>} : memref<128xi32, #tpu.memory_space<vmem>>, vector<16xi32>,
          %get3A_294 = arith.constant 0 : i32
          %get3A_295 = tpu.memref_slice %arg12[%scan3A_137, %get3A_294] : memref<128x128xi32, #tpu.memory_space<vmem>> -> memref<1x128xi32, #tpu.memory_space<vmem>>
          %get3A_296 = tpu.memref_squeeze %get3A_295 : memref<1x128xi32, #tpu.memory_space<vmem>> -> memref<128xi32, #tpu.memory_space<vmem>>
          %get3A_297 = arith.constant 112 : index
          %get3A_298 = tpu.vector_load %get3A_296[%get3A_297] {strides = array<i32>} : memref<128xi32, #tpu.memory_space<vmem>>, vector<16xi32>,
          %bitcast3A_299 = vector.bitcast %get3A_298 : vector<16xi32> to vector<32xbf16>
          %mul3A_300 = arith.mulf %bitcast3A_299, %bitcast3A : vector<32xbf16>
          %get3A_301 = arith.constant 0 : i32
          %get3A_302 = tpu.memref_slice %arg13[%squeeze3A_154, %get3A_301] : memref<321x128xi32, #tpu.memory_space<vmem>> -> memref<1x128xi32, #tpu.memory_space<vmem>>
          %get3A_303 = tpu.memref_squeeze %get3A_302 : memref<1x128xi32, #tpu.memory_space<vmem>> -> memref<128xi32, #tpu.memory_space<vmem>>
          %get3A_304 = arith.constant 112 : index
          %get3A_305 = tpu.vector_load %get3A_303[%get3A_304] {strides = array<i32>} : memref<128xi32, #tpu.memory_space<vmem>>, vector<16xi32>,
          %bitcast3A_306 = vector.bitcast %get3A_305 : vector<16xi32> to vector<32xbf16>
          %add3A_307 = arith.addf %bitcast3A_306, %mul3A_300 : vector<32xbf16>
          %bitcast3A_308 = vector.bitcast %add3A_307 : vector<32xbf16> to vector<16xi32>
          %swap3A_309 = arith.constant 0 : i32
          %swap3A_310 = tpu.memref_slice %arg13[%squeeze3A_154, %swap3A_309] : memref<321x128xi32, #tpu.memory_space<vmem>> -> memref<1x128xi32, #tpu.memory_space<vmem>>
          %swap3A_311 = tpu.memref_squeeze %swap3A_310 : memref<1x128xi32, #tpu.memory_space<vmem>> -> memref<128xi32, #tpu.memory_space<vmem>>
          %swap3A_312 = arith.constant 112 : index
          %swap3A_313 = tpu.vector_load %swap3A_311[%swap3A_312] {strides = array<i32>} : memref<128xi32, #tpu.memory_space<vmem>>, vector<16xi32>,
          tpu.vector_store %swap3A_311[%swap3A_312], %bitcast3A_308 {strides = array<i32>} : memref<128xi32, #tpu.memory_space<vmem>>, vector<16xi32>,
          %scan3A_314 = arith.constant 1 : i32
          %scan3A_315 = arith.addi %scan3A_137, %scan3A_314 : i32
          %add3A_316 = arith.addi %mul3A_128, %scan3A_315 : i32
          %get3A_317 = arith.index_cast %add3A_316 : i32 to index
          %get3A_318 = tpu.vector_load %arg9[%get3A_317] {strides = array<i32>} : memref<8208xi32, #tpu.memory_space<vmem>>, vector<16xi32>,
          %lt3A_319 = arith.constant 0 : i32
          %lt3A_320 = vector.broadcast %lt3A_319 : i32 to vector<16xi32>
          %lt3A_321 = arith.cmpi slt, %broadcast_in_dim3A_130, %lt3A_320 : vector<16xi32>
          %add3A_322 = arith.constant 16 : i32
          %add3A_323 = vector.broadcast %add3A_322 : i32 to vector<16xi32>
          %add3A_324 = arith.addi %broadcast_in_dim3A_130, %add3A_323 : vector<16xi32>
          %select_n3A_325 = arith.select %lt3A_321, %add3A_324, %broadcast_in_dim3A_130 : vector<16xi1>, vector<16xi32>
          %broadcast_in_dim3A_326 = vector.shape_cast %select_n3A_325 : vector<16xi32> to vector<16x1xi32>
          %gather3A_327 = vector.shape_cast %broadcast_in_dim3A_326 : vector<16x1xi32> to vector<16xi32>
          %gather3A_328 = tpu.dynamic_gather %get3A_318[%gather3A_327] in [0] : vector<16xi32>, vector<16xi32> -> vector<16xi32>
          %bitcast3A_329 = vector.bitcast %gather3A_328 : vector<16xi32> to vector<32xbf16>
          %add3A_330 = arith.addi %mul3A_128, %scan3A_315 : i32
          %get3A_331 = arith.index_cast %add3A_330 : i32 to index
          %get3A_332 = tpu.vector_load %arg10[%get3A_331] {strides = array<i32>} : memref<8208xi32, #tpu.memory_space<vmem>>, vector<16xi32>,
          %slice3A_333 = vector.extract_strided_slice %get3A_332 {offsets = [0], sizes = [1], strides = [1]} : vector<16xi32> to vector<1xi32>
          %squeeze3A_334 = vector.extract %slice3A_333[0] : i32 from vector<1xi32>
          %get3A_335 = arith.constant 0 : i32
          %get3A_336 = tpu.memref_slice %arg12[%scan3A_315, %get3A_335] : memref<128x128xi32, #tpu.memory_space<vmem>> -> memref<1x128xi32, #tpu.memory_space<vmem>>
          %get3A_337 = tpu.memref_squeeze %get3A_336 : memref<1x128xi32, #tpu.memory_space<vmem>> -> memref<128xi32, #tpu.memory_space<vmem>>
          %get3A_338 = arith.constant 0 : index
          %get3A_339 = tpu.vector_load %get3A_337[%get3A_338] {strides = array<i32>} : memref<128xi32, #tpu.memory_space<vmem>>, vector<16xi32>,
          %bitcast3A_340 = vector.bitcast %get3A_339 : vector<16xi32> to vector<32xbf16>
          %mul3A_341 = arith.mulf %bitcast3A_340, %bitcast3A_329 : vector<32xbf16>
          %get3A_342 = arith.constant 0 : i32
          %get3A_343 = tpu.memref_slice %arg13[%squeeze3A_334, %get3A_342] : memref<321x128xi32, #tpu.memory_space<vmem>> -> memref<1x128xi32, #tpu.memory_space<vmem>>
          %get3A_344 = tpu.memref_squeeze %get3A_343 : memref<1x128xi32, #tpu.memory_space<vmem>> -> memref<128xi32, #tpu.memory_space<vmem>>
          %get3A_345 = arith.constant 0 : index
          %get3A_346 = tpu.vector_load %get3A_344[%get3A_345] {strides = array<i32>} : memref<128xi32, #tpu.memory_space<vmem>>, vector<16xi32>,
          %bitcast3A_347 = vector.bitcast %get3A_346 : vector<16xi32> to vector<32xbf16>
          %add3A_348 = arith.addf %bitcast3A_347, %mul3A_341 : vector<32xbf16>
          %bitcast3A_349 = vector.bitcast %add3A_348 : vector<32xbf16> to vector<16xi32>
          %swap3A_350 = arith.constant 0 : i32
          %swap3A_351 = tpu.memref_slice %arg13[%squeeze3A_334, %swap3A_350] : memref<321x128xi32, #tpu.memory_space<vmem>> -> memref<1x128xi32, #tpu.memory_space<vmem>>
          %swap3A_352 = tpu.memref_squeeze %swap3A_351 : memref<1x128xi32, #tpu.memory_space<vmem>> -> memref<128xi32, #tpu.memory_space<vmem>>
          %swap3A_353 = arith.constant 0 : index
          %swap3A_354 = tpu.vector_load %swap3A_352[%swap3A_353] {strides = array<i32>} : memref<128xi32, #tpu.memory_space<vmem>>, vector<16xi32>,
          tpu.vector_store %swap3A_352[%swap3A_353], %bitcast3A_349 {strides = array<i32>} : memref<128xi32, #tpu.memory_space<vmem>>, vector<16xi32>,
          %get3A_355 = arith.constant 0 : i32
          %get3A_356 = tpu.memref_slice %arg12[%scan3A_315, %get3A_355] : memref<128x128xi32, #tpu.memory_space<vmem>> -> memref<1x128xi32, #tpu.memory_space<vmem>>
          %get3A_357 = tpu.memref_squeeze %get3A_356 : memref<1x128xi32, #tpu.memory_space<vmem>> -> memref<128xi32, #tpu.memory_space<vmem>>
          %get3A_358 = arith.constant 16 : index
          %get3A_359 = tpu.vector_load %get3A_357[%get3A_358] {strides = array<i32>} : memref<128xi32, #tpu.memory_space<vmem>>, vector<16xi32>,
          %bitcast3A_360 = vector.bitcast %get3A_359 : vector<16xi32> to vector<32xbf16>
          %mul3A_361 = arith.mulf %bitcast3A_360, %bitcast3A_329 : vector<32xbf16>
          %get3A_362 = arith.constant 0 : i32
          %get3A_363 = tpu.memref_slice %arg13[%squeeze3A_334, %get3A_362] : memref<321x128xi32, #tpu.memory_space<vmem>> -> memref<1x128xi32, #tpu.memory_space<vmem>>
          %get3A_364 = tpu.memref_squeeze %get3A_363 : memref<1x128xi32, #tpu.memory_space<vmem>> -> memref<128xi32, #tpu.memory_space<vmem>>
          %get3A_365 = arith.constant 16 : index
          %get3A_366 = tpu.vector_load %get3A_364[%get3A_365] {strides = array<i32>} : memref<128xi32, #tpu.memory_space<vmem>>, vector<16xi32>,
          %bitcast3A_367 = vector.bitcast %get3A_366 : vector<16xi32> to vector<32xbf16>
          %add3A_368 = arith.addf %bitcast3A_367, %mul3A_361 : vector<32xbf16>
          %bitcast3A_369 = vector.bitcast %add3A_368 : vector<32xbf16> to vector<16xi32>
          %swap3A_370 = arith.constant 0 : i32
          %swap3A_371 = tpu.memref_slice %arg13[%squeeze3A_334, %swap3A_370] : memref<321x128xi32, #tpu.memory_space<vmem>> -> memref<1x128xi32, #tpu.memory_space<vmem>>
          %swap3A_372 = tpu.memref_squeeze %swap3A_371 : memref<1x128xi32, #tpu.memory_space<vmem>> -> memref<128xi32, #tpu.memory_space<vmem>>
          %swap3A_373 = arith.constant 16 : index
          %swap3A_374 = tpu.vector_load %swap3A_372[%swap3A_373] {strides = array<i32>} : memref<128xi32, #tpu.memory_space<vmem>>, vector<16xi32>,
          tpu.vector_store %swap3A_372[%swap3A_373], %bitcast3A_369 {strides = array<i32>} : memref<128xi32, #tpu.memory_space<vmem>>, vector<16xi32>,
          %get3A_375 = arith.constant 0 : i32
          %get3A_376 = tpu.memref_slice %arg12[%scan3A_315, %get3A_375] : memref<128x128xi32, #tpu.memory_space<vmem>> -> memref<1x128xi32, #tpu.memory_space<vmem>>
          %get3A_377 = tpu.memref_squeeze %get3A_376 : memref<1x128xi32, #tpu.memory_space<vmem>> -> memref<128xi32, #tpu.memory_space<vmem>>
          %get3A_378 = arith.constant 32 : index
          %get3A_379 = tpu.vector_load %get3A_377[%get3A_378] {strides = array<i32>} : memref<128xi32, #tpu.memory_space<vmem>>, vector<16xi32>,
          %bitcast3A_380 = vector.bitcast %get3A_379 : vector<16xi32> to vector<32xbf16>
          %mul3A_381 = arith.mulf %bitcast3A_380, %bitcast3A_329 : vector<32xbf16>
          %get3A_382 = arith.constant 0 : i32
          %get3A_383 = tpu.memref_slice %arg13[%squeeze3A_334, %get3A_382] : memref<321x128xi32, #tpu.memory_space<vmem>> -> memref<1x128xi32, #tpu.memory_space<vmem>>
          %get3A_384 = tpu.memref_squeeze %get3A_383 : memref<1x128xi32, #tpu.memory_space<vmem>> -> memref<128xi32, #tpu.memory_space<vmem>>
          %get3A_385 = arith.constant 32 : index
          %get3A_386 = tpu.vector_load %get3A_384[%get3A_385] {strides = array<i32>} : memref<128xi32, #tpu.memory_space<vmem>>, vector<16xi32>,
          %bitcast3A_387 = vector.bitcast %get3A_386 : vector<16xi32> to vector<32xbf16>
          %add3A_388 = arith.addf %bitcast3A_387, %mul3A_381 : vector<32xbf16>
          %bitcast3A_389 = vector.bitcast %add3A_388 : vector<32xbf16> to vector<16xi32>
          %swap3A_390 = arith.constant 0 : i32
          %swap3A_391 = tpu.memref_slice %arg13[%squeeze3A_334, %swap3A_390] : memref<321x128xi32, #tpu.memory_space<vmem>> -> memref<1x128xi32, #tpu.memory_space<vmem>>
          %swap3A_392 = tpu.memref_squeeze %swap3A_391 : memref<1x128xi32, #tpu.memory_space<vmem>> -> memref<128xi32, #tpu.memory_space<vmem>>
          %swap3A_393 = arith.constant 32 : index
          %swap3A_394 = tpu.vector_load %swap3A_392[%swap3A_393] {strides = array<i32>} : memref<128xi32, #tpu.memory_space<vmem>>, vector<16xi32>,
          tpu.vector_store %swap3A_392[%swap3A_393], %bitcast3A_389 {strides = array<i32>} : memref<128xi32, #tpu.memory_space<vmem>>, vector<16xi32>,
          %get3A_395 = arith.constant 0 : i32
          %get3A_396 = tpu.memref_slice %arg12[%scan3A_315, %get3A_395] : memref<128x128xi32, #tpu.memory_space<vmem>> -> memref<1x128xi32, #tpu.memory_space<vmem>>
          %get3A_397 = tpu.memref_squeeze %get3A_396 : memref<1x128xi32, #tpu.memory_space<vmem>> -> memref<128xi32, #tpu.memory_space<vmem>>
          %get3A_398 = arith.constant 48 : index
          %get3A_399 = tpu.vector_load %get3A_397[%get3A_398] {strides = array<i32>} : memref<128xi32, #tpu.memory_space<vmem>>, vector<16xi32>,
          %bitcast3A_400 = vector.bitcast %get3A_399 : vector<16xi32> to vector<32xbf16>
          %mul3A_401 = arith.mulf %bitcast3A_400, %bitcast3A_329 : vector<32xbf16>
          %get3A_402 = arith.constant 0 : i32
          %get3A_403 = tpu.memref_slice %arg13[%squeeze3A_334, %get3A_402] : memref<321x128xi32, #tpu.memory_space<vmem>> -> memref<1x128xi32, #tpu.memory_space<vmem>>
          %get3A_404 = tpu.memref_squeeze %get3A_403 : memref<1x128xi32, #tpu.memory_space<vmem>> -> memref<128xi32, #tpu.memory_space<vmem>>
          %get3A_405 = arith.constant 48 : index
          %get3A_406 = tpu.vector_load %get3A_404[%get3A_405] {strides = array<i32>} : memref<128xi32, #tpu.memory_space<vmem>>, vector<16xi32>,
          %bitcast3A_407 = vector.bitcast %get3A_406 : vector<16xi32> to vector<32xbf16>
          %add3A_408 = arith.addf %bitcast3A_407, %mul3A_401 : vector<32xbf16>
          %bitcast3A_409 = vector.bitcast %add3A_408 : vector<32xbf16> to vector<16xi32>
          %swap3A_410 = arith.constant 0 : i32
          %swap3A_411 = tpu.memref_slice %arg13[%squeeze3A_334, %swap3A_410] : memref<321x128xi32, #tpu.memory_space<vmem>> -> memref<1x128xi32, #tpu.memory_space<vmem>>
          %swap3A_412 = tpu.memref_squeeze %swap3A_411 : memref<1x128xi32, #tpu.memory_space<vmem>> -> memref<128xi32, #tpu.memory_space<vmem>>
          %swap3A_413 = arith.constant 48 : index
          %swap3A_414 = tpu.vector_load %swap3A_412[%swap3A_413] {strides = array<i32>} : memref<128xi32, #tpu.memory_space<vmem>>, vector<16xi32>,
          tpu.vector_store %swap3A_412[%swap3A_413], %bitcast3A_409 {strides = array<i32>} : memref<128xi32, #tpu.memory_space<vmem>>, vector<16xi32>,
          %get3A_415 = arith.constant 0 : i32
          %get3A_416 = tpu.memref_slice %arg12[%scan3A_315, %get3A_415] : memref<128x128xi32, #tpu.memory_space<vmem>> -> memref<1x128xi32, #tpu.memory_space<vmem>>
          %get3A_417 = tpu.memref_squeeze %get3A_416 : memref<1x128xi32, #tpu.memory_space<vmem>> -> memref<128xi32, #tpu.memory_space<vmem>>
          %get3A_418 = arith.constant 64 : index
          %get3A_419 = tpu.vector_load %get3A_417[%get3A_418] {strides = array<i32>} : memref<128xi32, #tpu.memory_space<vmem>>, vector<16xi32>,
          %bitcast3A_420 = vector.bitcast %get3A_419 : vector<16xi32> to vector<32xbf16>
          %mul3A_421 = arith.mulf %bitcast3A_420, %bitcast3A_329 : vector<32xbf16>
          %get3A_422 = arith.constant 0 : i32
          %get3A_423 = tpu.memref_slice %arg13[%squeeze3A_334, %get3A_422] : memref<321x128xi32, #tpu.memory_space<vmem>> -> memref<1x128xi32, #tpu.memory_space<vmem>>
          %get3A_424 = tpu.memref_squeeze %get3A_423 : memref<1x128xi32, #tpu.memory_space<vmem>> -> memref<128xi32, #tpu.memory_space<vmem>>
          %get3A_425 = arith.constant 64 : index
          %get3A_426 = tpu.vector_load %get3A_424[%get3A_425] {strides = array<i32>} : memref<128xi32, #tpu.memory_space<vmem>>, vector<16xi32>,
          %bitcast3A_427 = vector.bitcast %get3A_426 : vector<16xi32> to vector<32xbf16>
          %add3A_428 = arith.addf %bitcast3A_427, %mul3A_421 : vector<32xbf16>
          %bitcast3A_429 = vector.bitcast %add3A_428 : vector<32xbf16> to vector<16xi32>
          %swap3A_430 = arith.constant 0 : i32
          %swap3A_431 = tpu.memref_slice %arg13[%squeeze3A_334, %swap3A_430] : memref<321x128xi32, #tpu.memory_space<vmem>> -> memref<1x128xi32, #tpu.memory_space<vmem>>
          %swap3A_432 = tpu.memref_squeeze %swap3A_431 : memref<1x128xi32, #tpu.memory_space<vmem>> -> memref<128xi32, #tpu.memory_space<vmem>>
          %swap3A_433 = arith.constant 64 : index
          %swap3A_434 = tpu.vector_load %swap3A_432[%swap3A_433] {strides = array<i32>} : memref<128xi32, #tpu.memory_space<vmem>>, vector<16xi32>,
          tpu.vector_store %swap3A_432[%swap3A_433], %bitcast3A_429 {strides = array<i32>} : memref<128xi32, #tpu.memory_space<vmem>>, vector<16xi32>,
          %get3A_435 = arith.constant 0 : i32
          %get3A_436 = tpu.memref_slice %arg12[%scan3A_315, %get3A_435] : memref<128x128xi32, #tpu.memory_space<vmem>> -> memref<1x128xi32, #tpu.memory_space<vmem>>
          %get3A_437 = tpu.memref_squeeze %get3A_436 : memref<1x128xi32, #tpu.memory_space<vmem>> -> memref<128xi32, #tpu.memory_space<vmem>>
          %get3A_438 = arith.constant 80 : index
          %get3A_439 = tpu.vector_load %get3A_437[%get3A_438] {strides = array<i32>} : memref<128xi32, #tpu.memory_space<vmem>>, vector<16xi32>,
          %bitcast3A_440 = vector.bitcast %get3A_439 : vector<16xi32> to vector<32xbf16>
          %mul3A_441 = arith.mulf %bitcast3A_440, %bitcast3A_329 : vector<32xbf16>
          %get3A_442 = arith.constant 0 : i32
          %get3A_443 = tpu.memref_slice %arg13[%squeeze3A_334, %get3A_442] : memref<321x128xi32, #tpu.memory_space<vmem>> -> memref<1x128xi32, #tpu.memory_space<vmem>>
          %get3A_444 = tpu.memref_squeeze %get3A_443 : memref<1x128xi32, #tpu.memory_space<vmem>> -> memref<128xi32, #tpu.memory_space<vmem>>
          %get3A_445 = arith.constant 80 : index
          %get3A_446 = tpu.vector_load %get3A_444[%get3A_445] {strides = array<i32>} : memref<128xi32, #tpu.memory_space<vmem>>, vector<16xi32>,
          %bitcast3A_447 = vector.bitcast %get3A_446 : vector<16xi32> to vector<32xbf16>
          %add3A_448 = arith.addf %bitcast3A_447, %mul3A_441 : vector<32xbf16>
          %bitcast3A_449 = vector.bitcast %add3A_448 : vector<32xbf16> to vector<16xi32>
          %swap3A_450 = arith.constant 0 : i32
          %swap3A_451 = tpu.memref_slice %arg13[%squeeze3A_334, %swap3A_450] : memref<321x128xi32, #tpu.memory_space<vmem>> -> memref<1x128xi32, #tpu.memory_space<vmem>>
          %swap3A_452 = tpu.memref_squeeze %swap3A_451 : memref<1x128xi32, #tpu.memory_space<vmem>> -> memref<128xi32, #tpu.memory_space<vmem>>
          %swap3A_453 = arith.constant 80 : index
          %swap3A_454 = tpu.vector_load %swap3A_452[%swap3A_453] {strides = array<i32>} : memref<128xi32, #tpu.memory_space<vmem>>, vector<16xi32>,
          tpu.vector_store %swap3A_452[%swap3A_453], %bitcast3A_449 {strides = array<i32>} : memref<128xi32, #tpu.memory_space<vmem>>, vector<16xi32>,
          %get3A_455 = arith.constant 0 : i32
          %get3A_456 = tpu.memref_slice %arg12[%scan3A_315, %get3A_455] : memref<128x128xi32, #tpu.memory_space<vmem>> -> memref<1x128xi32, #tpu.memory_space<vmem>>
          %get3A_457 = tpu.memref_squeeze %get3A_456 : memref<1x128xi32, #tpu.memory_space<vmem>> -> memref<128xi32, #tpu.memory_space<vmem>>
          %get3A_458 = arith.constant 96 : index
          %get3A_459 = tpu.vector_load %get3A_457[%get3A_458] {strides = array<i32>} : memref<128xi32, #tpu.memory_space<vmem>>, vector<16xi32>,
          %bitcast3A_460 = vector.bitcast %get3A_459 : vector<16xi32> to vector<32xbf16>
          %mul3A_461 = arith.mulf %bitcast3A_460, %bitcast3A_329 : vector<32xbf16>
          %get3A_462 = arith.constant 0 : i32
          %get3A_463 = tpu.memref_slice %arg13[%squeeze3A_334, %get3A_462] : memref<321x128xi32, #tpu.memory_space<vmem>> -> memref<1x128xi32, #tpu.memory_space<vmem>>
          %get3A_464 = tpu.memref_squeeze %get3A_463 : memref<1x128xi32, #tpu.memory_space<vmem>> -> memref<128xi32, #tpu.memory_space<vmem>>
          %get3A_465 = arith.constant 96 : index
          %get3A_466 = tpu.vector_load %get3A_464[%get3A_465] {strides = array<i32>} : memref<128xi32, #tpu.memory_space<vmem>>, vector<16xi32>,
          %bitcast3A_467 = vector.bitcast %get3A_466 : vector<16xi32> to vector<32xbf16>
          %add3A_468 = arith.addf %bitcast3A_467, %mul3A_461 : vector<32xbf16>
          %bitcast3A_469 = vector.bitcast %add3A_468 : vector<32xbf16> to vector<16xi32>
          %swap3A_470 = arith.constant 0 : i32
          %swap3A_471 = tpu.memref_slice %arg13[%squeeze3A_334, %swap3A_470] : memref<321x128xi32, #tpu.memory_space<vmem>> -> memref<1x128xi32, #tpu.memory_space<vmem>>
          %swap3A_472 = tpu.memref_squeeze %swap3A_471 : memref<1x128xi32, #tpu.memory_space<vmem>> -> memref<128xi32, #tpu.memory_space<vmem>>
          %swap3A_473 = arith.constant 96 : index
          %swap3A_474 = tpu.vector_load %swap3A_472[%swap3A_473] {strides = array<i32>} : memref<128xi32, #tpu.memory_space<vmem>>, vector<16xi32>,
          tpu.vector_store %swap3A_472[%swap3A_473], %bitcast3A_469 {strides = array<i32>} : memref<128xi32, #tpu.memory_space<vmem>>, vector<16xi32>,
          %get3A_475 = arith.constant 0 : i32
          %get3A_476 = tpu.memref_slice %arg12[%scan3A_315, %get3A_475] : memref<128x128xi32, #tpu.memory_space<vmem>> -> memref<1x128xi32, #tpu.memory_space<vmem>>
          %get3A_477 = tpu.memref_squeeze %get3A_476 : memref<1x128xi32, #tpu.memory_space<vmem>> -> memref<128xi32, #tpu.memory_space<vmem>>
          %get3A_478 = arith.constant 112 : index
          %get3A_479 = tpu.vector_load %get3A_477[%get3A_478] {strides = array<i32>} : memref<128xi32, #tpu.memory_space<vmem>>, vector<16xi32>,
          %bitcast3A_480 = vector.bitcast %get3A_479 : vector<16xi32> to vector<32xbf16>
          %mul3A_481 = arith.mulf %bitcast3A_480, %bitcast3A_329 : vector<32xbf16>
          %get3A_482 = arith.constant 0 : i32
          %get3A_483 = tpu.memref_slice %arg13[%squeeze3A_334, %get3A_482] : memref<321x128xi32, #tpu.memory_space<vmem>> -> memref<1x128xi32, #tpu.memory_space<vmem>>
          %get3A_484 = tpu.memref_squeeze %get3A_483 : memref<1x128xi32, #tpu.memory_space<vmem>> -> memref<128xi32, #tpu.memory_space<vmem>>
          %get3A_485 = arith.constant 112 : index
          %get3A_486 = tpu.vector_load %get3A_484[%get3A_485] {strides = array<i32>} : memref<128xi32, #tpu.memory_space<vmem>>, vector<16xi32>,
          %bitcast3A_487 = vector.bitcast %get3A_486 : vector<16xi32> to vector<32xbf16>
          %add3A_488 = arith.addf %bitcast3A_487, %mul3A_481 : vector<32xbf16>
          %bitcast3A_489 = vector.bitcast %add3A_488 : vector<32xbf16> to vector<16xi32>
          %swap3A_490 = arith.constant 0 : i32
          %swap3A_491 = tpu.memref_slice %arg13[%squeeze3A_334, %swap3A_490] : memref<321x128xi32, #tpu.memory_space<vmem>> -> memref<1x128xi32, #tpu.memory_space<vmem>>
          %swap3A_492 = tpu.memref_squeeze %swap3A_491 : memref<1x128xi32, #tpu.memory_space<vmem>> -> memref<128xi32, #tpu.memory_space<vmem>>
          %swap3A_493 = arith.constant 112 : index
          %swap3A_494 = tpu.vector_load %swap3A_492[%swap3A_493] {strides = array<i32>} : memref<128xi32, #tpu.memory_space<vmem>>, vector<16xi32>,
          tpu.vector_store %swap3A_492[%swap3A_493], %bitcast3A_489 {strides = array<i32>} : memref<128xi32, #tpu.memory_space<vmem>>, vector<16xi32>,
          %scan3A_495 = arith.constant 2 : i32
          %scan3A_496 = arith.addi %scan3A_137, %scan3A_495 : i32
          %add3A_497 = arith.addi %mul3A_128, %scan3A_496 : i32
          %get3A_498 = arith.index_cast %add3A_497 : i32 to index
          %get3A_499 = tpu.vector_load %arg9[%get3A_498] {strides = array<i32>} : memref<8208xi32, #tpu.memory_space<vmem>>, vector<16xi32>,
          %lt3A_500 = arith.constant 0 : i32
          %lt3A_501 = vector.broadcast %lt3A_500 : i32 to vector<16xi32>
          %lt3A_502 = arith.cmpi slt, %broadcast_in_dim3A_130, %lt3A_501 : vector<16xi32>
          %add3A_503 = arith.constant 16 : i32
          %add3A_504 = vector.broadcast %add3A_503 : i32 to vector<16xi32>
          %add3A_505 = arith.addi %broadcast_in_dim3A_130, %add3A_504 : vector<16xi32>
          %select_n3A_506 = arith.select %lt3A_502, %add3A_505, %broadcast_in_dim3A_130 : vector<16xi1>, vector<16xi32>
          %broadcast_in_dim3A_507 = vector.shape_cast %select_n3A_506 : vector<16xi32> to vector<16x1xi32>
          %gather3A_508 = vector.shape_cast %broadcast_in_dim3A_507 : vector<16x1xi32> to vector<16xi32>
          %gather3A_509 = tpu.dynamic_gather %get3A_499[%gather3A_508] in [0] : vector<16xi32>, vector<16xi32> -> vector<16xi32>
          %bitcast3A_510 = vector.bitcast %gather3A_509 : vector<16xi32> to vector<32xbf16>
          %add3A_511 = arith.addi %mul3A_128, %scan3A_496 : i32
          %get3A_512 = arith.index_cast %add3A_511 : i32 to index
          %get3A_513 = tpu.vector_load %arg10[%get3A_512] {strides = array<i32>} : memref<8208xi32, #tpu.memory_space<vmem>>, vector<16xi32>,
          %slice3A_514 = vector.extract_strided_slice %get3A_513 {offsets = [0], sizes = [1], strides = [1]} : vector<16xi32> to vector<1xi32>
          %squeeze3A_515 = vector.extract %slice3A_514[0] : i32 from vector<1xi32>
          %get3A_516 = arith.constant 0 : i32
          %get3A_517 = tpu.memref_slice %arg12[%scan3A_496, %get3A_516] : memref<128x128xi32, #tpu.memory_space<vmem>> -> memref<1x128xi32, #tpu.memory_space<vmem>>
          %get3A_518 = tpu.memref_squeeze %get3A_517 : memref<1x128xi32, #tpu.memory_space<vmem>> -> memref<128xi32, #tpu.memory_space<vmem>>
          %get3A_519 = arith.constant 0 : index
          %get3A_520 = tpu.vector_load %get3A_518[%get3A_519] {strides = array<i32>} : memref<128xi32, #tpu.memory_space<vmem>>, vector<16xi32>,
          %bitcast3A_521 = vector.bitcast %get3A_520 : vector<16xi32> to vector<32xbf16>
          %mul3A_522 = arith.mulf %bitcast3A_521, %bitcast3A_510 : vector<32xbf16>
          %get3A_523 = arith.constant 0 : i32
          %get3A_524 = tpu.memref_slice %arg13[%squeeze3A_515, %get3A_523] : memref<321x128xi32, #tpu.memory_space<vmem>> -> memref<1x128xi32, #tpu.memory_space<vmem>>
          %get3A_525 = tpu.memref_squeeze %get3A_524 : memref<1x128xi32, #tpu.memory_space<vmem>> -> memref<128xi32, #tpu.memory_space<vmem>>
          %get3A_526 = arith.constant 0 : index
          %get3A_527 = tpu.vector_load %get3A_525[%get3A_526] {strides = array<i32>} : memref<128xi32, #tpu.memory_space<vmem>>, vector<16xi32>,
          %bitcast3A_528 = vector.bitcast %get3A_527 : vector<16xi32> to vector<32xbf16>
          %add3A_529 = arith.addf %bitcast3A_528, %mul3A_522 : vector<32xbf16>
          %bitcast3A_530 = vector.bitcast %add3A_529 : vector<32xbf16> to vector<16xi32>
          %swap3A_531 = arith.constant 0 : i32
          %swap3A_532 = tpu.memref_slice %arg13[%squeeze3A_515, %swap3A_531] : memref<321x128xi32, #tpu.memory_space<vmem>> -> memref<1x128xi32, #tpu.memory_space<vmem>>
          %swap3A_533 = tpu.memref_squeeze %swap3A_532 : memref<1x128xi32, #tpu.memory_space<vmem>> -> memref<128xi32, #tpu.memory_space<vmem>>
          %swap3A_534 = arith.constant 0 : index
          %swap3A_535 = tpu.vector_load %swap3A_533[%swap3A_534] {strides = array<i32>} : memref<128xi32, #tpu.memory_space<vmem>>, vector<16xi32>,
          tpu.vector_store %swap3A_533[%swap3A_534], %bitcast3A_530 {strides = array<i32>} : memref<128xi32, #tpu.memory_space<vmem>>, vector<16xi32>,
          %get3A_536 = arith.constant 0 : i32
          %get3A_537 = tpu.memref_slice %arg12[%scan3A_496, %get3A_536] : memref<128x128xi32, #tpu.memory_space<vmem>> -> memref<1x128xi32, #tpu.memory_space<vmem>>
          %get3A_538 = tpu.memref_squeeze %get3A_537 : memref<1x128xi32, #tpu.memory_space<vmem>> -> memref<128xi32, #tpu.memory_space<vmem>>
          %get3A_539 = arith.constant 16 : index
          %get3A_540 = tpu.vector_load %get3A_538[%get3A_539] {strides = array<i32>} : memref<128xi32, #tpu.memory_space<vmem>>, vector<16xi32>,
          %bitcast3A_541 = vector.bitcast %get3A_540 : vector<16xi32> to vector<32xbf16>
          %mul3A_542 = arith.mulf %bitcast3A_541, %bitcast3A_510 : vector<32xbf16>
          %get3A_543 = arith.constant 0 : i32
          %get3A_544 = tpu.memref_slice %arg13[%squeeze3A_515, %get3A_543] : memref<321x128xi32, #tpu.memory_space<vmem>> -> memref<1x128xi32, #tpu.memory_space<vmem>>
          %get3A_545 = tpu.memref_squeeze %get3A_544 : memref<1x128xi32, #tpu.memory_space<vmem>> -> memref<128xi32, #tpu.memory_space<vmem>>
          %get3A_546 = arith.constant 16 : index
          %get3A_547 = tpu.vector_load %get3A_545[%get3A_546] {strides = array<i32>} : memref<128xi32, #tpu.memory_space<vmem>>, vector<16xi32>,
          %bitcast3A_548 = vector.bitcast %get3A_547 : vector<16xi32> to vector<32xbf16>
          %add3A_549 = arith.addf %bitcast3A_548, %mul3A_542 : vector<32xbf16>
          %bitcast3A_550 = vector.bitcast %add3A_549 : vector<32xbf16> to vector<16xi32>
          %swap3A_551 = arith.constant 0 : i32
          %swap3A_552 = tpu.memref_slice %arg13[%squeeze3A_515, %swap3A_551] : memref<321x128xi32, #tpu.memory_space<vmem>> -> memref<1x128xi32, #tpu.memory_space<vmem>>
          %swap3A_553 = tpu.memref_squeeze %swap3A_552 : memref<1x128xi32, #tpu.memory_space<vmem>> -> memref<128xi32, #tpu.memory_space<vmem>>
          %swap3A_554 = arith.constant 16 : index
          %swap3A_555 = tpu.vector_load %swap3A_553[%swap3A_554] {strides = array<i32>} : memref<128xi32, #tpu.memory_space<vmem>>, vector<16xi32>,
          tpu.vector_store %swap3A_553[%swap3A_554], %bitcast3A_550 {strides = array<i32>} : memref<128xi32, #tpu.memory_space<vmem>>, vector<16xi32>,
          %get3A_556 = arith.constant 0 : i32
          %get3A_557 = tpu.memref_slice %arg12[%scan3A_496, %get3A_556] : memref<128x128xi32, #tpu.memory_space<vmem>> -> memref<1x128xi32, #tpu.memory_space<vmem>>
          %get3A_558 = tpu.memref_squeeze %get3A_557 : memref<1x128xi32, #tpu.memory_space<vmem>> -> memref<128xi32, #tpu.memory_space<vmem>>
          %get3A_559 = arith.constant 32 : index
          %get3A_560 = tpu.vector_load %get3A_558[%get3A_559] {strides = array<i32>} : memref<128xi32, #tpu.memory_space<vmem>>, vector<16xi32>,
          %bitcast3A_561 = vector.bitcast %get3A_560 : vector<16xi32> to vector<32xbf16>
          %mul3A_562 = arith.mulf %bitcast3A_561, %bitcast3A_510 : vector<32xbf16>
          %get3A_563 = arith.constant 0 : i32
          %get3A_564 = tpu.memref_slice %arg13[%squeeze3A_515, %get3A_563] : memref<321x128xi32, #tpu.memory_space<vmem>> -> memref<1x128xi32, #tpu.memory_space<vmem>>
          %get3A_565 = tpu.memref_squeeze %get3A_564 : memref<1x128xi32, #tpu.memory_space<vmem>> -> memref<128xi32, #tpu.memory_space<vmem>>
          %get3A_566 = arith.constant 32 : index
          %get3A_567 = tpu.vector_load %get3A_565[%get3A_566] {strides = array<i32>} : memref<128xi32, #tpu.memory_space<vmem>>, vector<16xi32>,
          %bitcast3A_568 = vector.bitcast %get3A_567 : vector<16xi32> to vector<32xbf16>
          %add3A_569 = arith.addf %bitcast3A_568, %mul3A_562 : vector<32xbf16>
          %bitcast3A_570 = vector.bitcast %add3A_569 : vector<32xbf16> to vector<16xi32>
          %swap3A_571 = arith.constant 0 : i32
          %swap3A_572 = tpu.memref_slice %arg13[%squeeze3A_515, %swap3A_571] : memref<321x128xi32, #tpu.memory_space<vmem>> -> memref<1x128xi32, #tpu.memory_space<vmem>>
          %swap3A_573 = tpu.memref_squeeze %swap3A_572 : memref<1x128xi32, #tpu.memory_space<vmem>> -> memref<128xi32, #tpu.memory_space<vmem>>
          %swap3A_574 = arith.constant 32 : index
          %swap3A_575 = tpu.vector_load %swap3A_573[%swap3A_574] {strides = array<i32>} : memref<128xi32, #tpu.memory_space<vmem>>, vector<16xi32>,
          tpu.vector_store %swap3A_573[%swap3A_574], %bitcast3A_570 {strides = array<i32>} : memref<128xi32, #tpu.memory_space<vmem>>, vector<16xi32>,
          %get3A_576 = arith.constant 0 : i32
          %get3A_577 = tpu.memref_slice %arg12[%scan3A_496, %get3A_576] : memref<128x128xi32, #tpu.memory_space<vmem>> -> memref<1x128xi32, #tpu.memory_space<vmem>>
          %get3A_578 = tpu.memref_squeeze %get3A_577 : memref<1x128xi32, #tpu.memory_space<vmem>> -> memref<128xi32, #tpu.memory_space<vmem>>
          %get3A_579 = arith.constant 48 : index
          %get3A_580 = tpu.vector_load %get3A_578[%get3A_579] {strides = array<i32>} : memref<128xi32, #tpu.memory_space<vmem>>, vector<16xi32>,
          %bitcast3A_581 = vector.bitcast %get3A_580 : vector<16xi32> to vector<32xbf16>
          %mul3A_582 = arith.mulf %bitcast3A_581, %bitcast3A_510 : vector<32xbf16>
          %get3A_583 = arith.constant 0 : i32
          %get3A_584 = tpu.memref_slice %arg13[%squeeze3A_515, %get3A_583] : memref<321x128xi32, #tpu.memory_space<vmem>> -> memref<1x128xi32, #tpu.memory_space<vmem>>
          %get3A_585 = tpu.memref_squeeze %get3A_584 : memref<1x128xi32, #tpu.memory_space<vmem>> -> memref<128xi32, #tpu.memory_space<vmem>>
          %get3A_586 = arith.constant 48 : index
          %get3A_587 = tpu.vector_load %get3A_585[%get3A_586] {strides = array<i32>} : memref<128xi32, #tpu.memory_space<vmem>>, vector<16xi32>,
          %bitcast3A_588 = vector.bitcast %get3A_587 : vector<16xi32> to vector<32xbf16>
          %add3A_589 = arith.addf %bitcast3A_588, %mul3A_582 : vector<32xbf16>
          %bitcast3A_590 = vector.bitcast %add3A_589 : vector<32xbf16> to vector<16xi32>
          %swap3A_591 = arith.constant 0 : i32
          %swap3A_592 = tpu.memref_slice %arg13[%squeeze3A_515, %swap3A_591] : memref<321x128xi32, #tpu.memory_space<vmem>> -> memref<1x128xi32, #tpu.memory_space<vmem>>
          %swap3A_593 = tpu.memref_squeeze %swap3A_592 : memref<1x128xi32, #tpu.memory_space<vmem>> -> memref<128xi32, #tpu.memory_space<vmem>>
          %swap3A_594 = arith.constant 48 : index
          %swap3A_595 = tpu.vector_load %swap3A_593[%swap3A_594] {strides = array<i32>} : memref<128xi32, #tpu.memory_space<vmem>>, vector<16xi32>,
          tpu.vector_store %swap3A_593[%swap3A_594], %bitcast3A_590 {strides = array<i32>} : memref<128xi32, #tpu.memory_space<vmem>>, vector<16xi32>,
          %get3A_596 = arith.constant 0 : i32
          %get3A_597 = tpu.memref_slice %arg12[%scan3A_496, %get3A_596] : memref<128x128xi32, #tpu.memory_space<vmem>> -> memref<1x128xi32, #tpu.memory_space<vmem>>
          %get3A_598 = tpu.memref_squeeze %get3A_597 : memref<1x128xi32, #tpu.memory_space<vmem>> -> memref<128xi32, #tpu.memory_space<vmem>>
          %get3A_599 = arith.constant 64 : index
          %get3A_600 = tpu.vector_load %get3A_598[%get3A_599] {strides = array<i32>} : memref<128xi32, #tpu.memory_space<vmem>>, vector<16xi32>,
          %bitcast3A_601 = vector.bitcast %get3A_600 : vector<16xi32> to vector<32xbf16>
          %mul3A_602 = arith.mulf %bitcast3A_601, %bitcast3A_510 : vector<32xbf16>
          %get3A_603 = arith.constant 0 : i32
          %get3A_604 = tpu.memref_slice %arg13[%squeeze3A_515, %get3A_603] : memref<321x128xi32, #tpu.memory_space<vmem>> -> memref<1x128xi32, #tpu.memory_space<vmem>>
          %get3A_605 = tpu.memref_squeeze %get3A_604 : memref<1x128xi32, #tpu.memory_space<vmem>> -> memref<128xi32, #tpu.memory_space<vmem>>
          %get3A_606 = arith.constant 64 : index
          %get3A_607 = tpu.vector_load %get3A_605[%get3A_606] {strides = array<i32>} : memref<128xi32, #tpu.memory_space<vmem>>, vector<16xi32>,
          %bitcast3A_608 = vector.bitcast %get3A_607 : vector<16xi32> to vector<32xbf16>
          %add3A_609 = arith.addf %bitcast3A_608, %mul3A_602 : vector<32xbf16>
          %bitcast3A_610 = vector.bitcast %add3A_609 : vector<32xbf16> to vector<16xi32>
          %swap3A_611 = arith.constant 0 : i32
          %swap3A_612 = tpu.memref_slice %arg13[%squeeze3A_515, %swap3A_611] : memref<321x128xi32, #tpu.memory_space<vmem>> -> memref<1x128xi32, #tpu.memory_space<vmem>>
          %swap3A_613 = tpu.memref_squeeze %swap3A_612 : memref<1x128xi32, #tpu.memory_space<vmem>> -> memref<128xi32, #tpu.memory_space<vmem>>
          %swap3A_614 = arith.constant 64 : index
          %swap3A_615 = tpu.vector_load %swap3A_613[%swap3A_614] {strides = array<i32>} : memref<128xi32, #tpu.memory_space<vmem>>, vector<16xi32>,
          tpu.vector_store %swap3A_613[%swap3A_614], %bitcast3A_610 {strides = array<i32>} : memref<128xi32, #tpu.memory_space<vmem>>, vector<16xi32>,
          %get3A_616 = arith.constant 0 : i32
          %get3A_617 = tpu.memref_slice %arg12[%scan3A_496, %get3A_616] : memref<128x128xi32, #tpu.memory_space<vmem>> -> memref<1x128xi32, #tpu.memory_space<vmem>>
          %get3A_618 = tpu.memref_squeeze %get3A_617 : memref<1x128xi32, #tpu.memory_space<vmem>> -> memref<128xi32, #tpu.memory_space<vmem>>
          %get3A_619 = arith.constant 80 : index
          %get3A_620 = tpu.vector_load %get3A_618[%get3A_619] {strides = array<i32>} : memref<128xi32, #tpu.memory_space<vmem>>, vector<16xi32>,
          %bitcast3A_621 = vector.bitcast %get3A_620 : vector<16xi32> to vector<32xbf16>
          %mul3A_622 = arith.mulf %bitcast3A_621, %bitcast3A_510 : vector<32xbf16>
          %get3A_623 = arith.constant 0 : i32
          %get3A_624 = tpu.memref_slice %arg13[%squeeze3A_515, %get3A_623] : memref<321x128xi32, #tpu.memory_space<vmem>> -> memref<1x128xi32, #tpu.memory_space<vmem>>
          %get3A_625 = tpu.memref_squeeze %get3A_624 : memref<1x128xi32, #tpu.memory_space<vmem>> -> memref<128xi32, #tpu.memory_space<vmem>>
          %get3A_626 = arith.constant 80 : index
          %get3A_627 = tpu.vector_load %get3A_625[%get3A_626] {strides = array<i32>} : memref<128xi32, #tpu.memory_space<vmem>>, vector<16xi32>,
          %bitcast3A_628 = vector.bitcast %get3A_627 : vector<16xi32> to vector<32xbf16>
          %add3A_629 = arith.addf %bitcast3A_628, %mul3A_622 : vector<32xbf16>
          %bitcast3A_630 = vector.bitcast %add3A_629 : vector<32xbf16> to vector<16xi32>
          %swap3A_631 = arith.constant 0 : i32
          %swap3A_632 = tpu.memref_slice %arg13[%squeeze3A_515, %swap3A_631] : memref<321x128xi32, #tpu.memory_space<vmem>> -> memref<1x128xi32, #tpu.memory_space<vmem>>
          %swap3A_633 = tpu.memref_squeeze %swap3A_632 : memref<1x128xi32, #tpu.memory_space<vmem>> -> memref<128xi32, #tpu.memory_space<vmem>>
          %swap3A_634 = arith.constant 80 : index
          %swap3A_635 = tpu.vector_load %swap3A_633[%swap3A_634] {strides = array<i32>} : memref<128xi32, #tpu.memory_space<vmem>>, vector<16xi32>,
          tpu.vector_store %swap3A_633[%swap3A_634], %bitcast3A_630 {strides = array<i32>} : memref<128xi32, #tpu.memory_space<vmem>>, vector<16xi32>,
          %get3A_636 = arith.constant 0 : i32
          %get3A_637 = tpu.memref_slice %arg12[%scan3A_496, %get3A_636] : memref<128x128xi32, #tpu.memory_space<vmem>> -> memref<1x128xi32, #tpu.memory_space<vmem>>
          %get3A_638 = tpu.memref_squeeze %get3A_637 : memref<1x128xi32, #tpu.memory_space<vmem>> -> memref<128xi32, #tpu.memory_space<vmem>>
          %get3A_639 = arith.constant 96 : index
          %get3A_640 = tpu.vector_load %get3A_638[%get3A_639] {strides = array<i32>} : memref<128xi32, #tpu.memory_space<vmem>>, vector<16xi32>,
          %bitcast3A_641 = vector.bitcast %get3A_640 : vector<16xi32> to vector<32xbf16>
          %mul3A_642 = arith.mulf %bitcast3A_641, %bitcast3A_510 : vector<32xbf16>
          %get3A_643 = arith.constant 0 : i32
          %get3A_644 = tpu.memref_slice %arg13[%squeeze3A_515, %get3A_643] : memref<321x128xi32, #tpu.memory_space<vmem>> -> memref<1x128xi32, #tpu.memory_space<vmem>>
          %get3A_645 = tpu.memref_squeeze %get3A_644 : memref<1x128xi32, #tpu.memory_space<vmem>> -> memref<128xi32, #tpu.memory_space<vmem>>
          %get3A_646 = arith.constant 96 : index
          %get3A_647 = tpu.vector_load %get3A_645[%get3A_646] {strides = array<i32>} : memref<128xi32, #tpu.memory_space<vmem>>, vector<16xi32>,
          %bitcast3A_648 = vector.bitcast %get3A_647 : vector<16xi32> to vector<32xbf16>
          %add3A_649 = arith.addf %bitcast3A_648, %mul3A_642 : vector<32xbf16>
          %bitcast3A_650 = vector.bitcast %add3A_649 : vector<32xbf16> to vector<16xi32>
          %swap3A_651 = arith.constant 0 : i32
          %swap3A_652 = tpu.memref_slice %arg13[%squeeze3A_515, %swap3A_651] : memref<321x128xi32, #tpu.memory_space<vmem>> -> memref<1x128xi32, #tpu.memory_space<vmem>>
          %swap3A_653 = tpu.memref_squeeze %swap3A_652 : memref<1x128xi32, #tpu.memory_space<vmem>> -> memref<128xi32, #tpu.memory_space<vmem>>
          %swap3A_654 = arith.constant 96 : index
          %swap3A_655 = tpu.vector_load %swap3A_653[%swap3A_654] {strides = array<i32>} : memref<128xi32, #tpu.memory_space<vmem>>, vector<16xi32>,
          tpu.vector_store %swap3A_653[%swap3A_654], %bitcast3A_650 {strides = array<i32>} : memref<128xi32, #tpu.memory_space<vmem>>, vector<16xi32>,
          %get3A_656 = arith.constant 0 : i32
          %get3A_657 = tpu.memref_slice %arg12[%scan3A_496, %get3A_656] : memref<128x128xi32, #tpu.memory_space<vmem>> -> memref<1x128xi32, #tpu.memory_space<vmem>>
          %get3A_658 = tpu.memref_squeeze %get3A_657 : memref<1x128xi32, #tpu.memory_space<vmem>> -> memref<128xi32, #tpu.memory_space<vmem>>
          %get3A_659 = arith.constant 112 : index
          %get3A_660 = tpu.vector_load %get3A_658[%get3A_659] {strides = array<i32>} : memref<128xi32, #tpu.memory_space<vmem>>, vector<16xi32>,
          %bitcast3A_661 = vector.bitcast %get3A_660 : vector<16xi32> to vector<32xbf16>
          %mul3A_662 = arith.mulf %bitcast3A_661, %bitcast3A_510 : vector<32xbf16>
          %get3A_663 = arith.constant 0 : i32
          %get3A_664 = tpu.memref_slice %arg13[%squeeze3A_515, %get3A_663] : memref<321x128xi32, #tpu.memory_space<vmem>> -> memref<1x128xi32, #tpu.memory_space<vmem>>
          %get3A_665 = tpu.memref_squeeze %get3A_664 : memref<1x128xi32, #tpu.memory_space<vmem>> -> memref<128xi32, #tpu.memory_space<vmem>>
          %get3A_666 = arith.constant 112 : index
          %get3A_667 = tpu.vector_load %get3A_665[%get3A_666] {strides = array<i32>} : memref<128xi32, #tpu.memory_space<vmem>>, vector<16xi32>,
          %bitcast3A_668 = vector.bitcast %get3A_667 : vector<16xi32> to vector<32xbf16>
          %add3A_669 = arith.addf %bitcast3A_668, %mul3A_662 : vector<32xbf16>
          %bitcast3A_670 = vector.bitcast %add3A_669 : vector<32xbf16> to vector<16xi32>
          %swap3A_671 = arith.constant 0 : i32
          %swap3A_672 = tpu.memref_slice %arg13[%squeeze3A_515, %swap3A_671] : memref<321x128xi32, #tpu.memory_space<vmem>> -> memref<1x128xi32, #tpu.memory_space<vmem>>
          %swap3A_673 = tpu.memref_squeeze %swap3A_672 : memref<1x128xi32, #tpu.memory_space<vmem>> -> memref<128xi32, #tpu.memory_space<vmem>>
          %swap3A_674 = arith.constant 112 : index
          %swap3A_675 = tpu.vector_load %swap3A_673[%swap3A_674] {strides = array<i32>} : memref<128xi32, #tpu.memory_space<vmem>>, vector<16xi32>,
          tpu.vector_store %swap3A_673[%swap3A_674], %bitcast3A_670 {strides = array<i32>} : memref<128xi32, #tpu.memory_space<vmem>>, vector<16xi32>,
          %scan3A_676 = arith.constant 3 : i32
          %scan3A_677 = arith.addi %scan3A_137, %scan3A_676 : i32
          %add3A_678 = arith.addi %mul3A_128, %scan3A_677 : i32
          %get3A_679 = arith.index_cast %add3A_678 : i32 to index
          %get3A_680 = tpu.vector_load %arg9[%get3A_679] {strides = array<i32>} : memref<8208xi32, #tpu.memory_space<vmem>>, vector<16xi32>,
          %lt3A_681 = arith.constant 0 : i32
          %lt3A_682 = vector.broadcast %lt3A_681 : i32 to vector<16xi32>
          %lt3A_683 = arith.cmpi slt, %broadcast_in_dim3A_130, %lt3A_682 : vector<16xi32>
          %add3A_684 = arith.constant 16 : i32
          %add3A_685 = vector.broadcast %add3A_684 : i32 to vector<16xi32>
          %add3A_686 = arith.addi %broadcast_in_dim3A_130, %add3A_685 : vector<16xi32>
          %select_n3A_687 = arith.select %lt3A_683, %add3A_686, %broadcast_in_dim3A_130 : vector<16xi1>, vector<16xi32>
          %broadcast_in_dim3A_688 = vector.shape_cast %select_n3A_687 : vector<16xi32> to vector<16x1xi32>
          %gather3A_689 = vector.shape_cast %broadcast_in_dim3A_688 : vector<16x1xi32> to vector<16xi32>
          %gather3A_690 = tpu.dynamic_gather %get3A_680[%gather3A_689] in [0] : vector<16xi32>, vector<16xi32> -> vector<16xi32>
          %bitcast3A_691 = vector.bitcast %gather3A_690 : vector<16xi32> to vector<32xbf16>
          %add3A_692 = arith.addi %mul3A_128, %scan3A_677 : i32
          %get3A_693 = arith.index_cast %add3A_692 : i32 to index
          %get3A_694 = tpu.vector_load %arg10[%get3A_693] {strides = array<i32>} : memref<8208xi32, #tpu.memory_space<vmem>>, vector<16xi32>,
          %slice3A_695 = vector.extract_strided_slice %get3A_694 {offsets = [0], sizes = [1], strides = [1]} : vector<16xi32> to vector<1xi32>
          %squeeze3A_696 = vector.extract %slice3A_695[0] : i32 from vector<1xi32>
          %get3A_697 = arith.constant 0 : i32
          %get3A_698 = tpu.memref_slice %arg12[%scan3A_677, %get3A_697] : memref<128x128xi32, #tpu.memory_space<vmem>> -> memref<1x128xi32, #tpu.memory_space<vmem>>
          %get3A_699 = tpu.memref_squeeze %get3A_698 : memref<1x128xi32, #tpu.memory_space<vmem>> -> memref<128xi32, #tpu.memory_space<vmem>>
          %get3A_700 = arith.constant 0 : index
          %get3A_701 = tpu.vector_load %get3A_699[%get3A_700] {strides = array<i32>} : memref<128xi32, #tpu.memory_space<vmem>>, vector<16xi32>,
          %bitcast3A_702 = vector.bitcast %get3A_701 : vector<16xi32> to vector<32xbf16>
          %mul3A_703 = arith.mulf %bitcast3A_702, %bitcast3A_691 : vector<32xbf16>
          %get3A_704 = arith.constant 0 : i32
          %get3A_705 = tpu.memref_slice %arg13[%squeeze3A_696, %get3A_704] : memref<321x128xi32, #tpu.memory_space<vmem>> -> memref<1x128xi32, #tpu.memory_space<vmem>>
          %get3A_706 = tpu.memref_squeeze %get3A_705 : memref<1x128xi32, #tpu.memory_space<vmem>> -> memref<128xi32, #tpu.memory_space<vmem>>
          %get3A_707 = arith.constant 0 : index
          %get3A_708 = tpu.vector_load %get3A_706[%get3A_707] {strides = array<i32>} : memref<128xi32, #tpu.memory_space<vmem>>, vector<16xi32>,
          %bitcast3A_709 = vector.bitcast %get3A_708 : vector<16xi32> to vector<32xbf16>
          %add3A_710 = arith.addf %bitcast3A_709, %mul3A_703 : vector<32xbf16>
          %bitcast3A_711 = vector.bitcast %add3A_710 : vector<32xbf16> to vector<16xi32>
          %swap3A_712 = arith.constant 0 : i32
          %swap3A_713 = tpu.memref_slice %arg13[%squeeze3A_696, %swap3A_712] : memref<321x128xi32, #tpu.memory_space<vmem>> -> memref<1x128xi32, #tpu.memory_space<vmem>>
          %swap3A_714 = tpu.memref_squeeze %swap3A_713 : memref<1x128xi32, #tpu.memory_space<vmem>> -> memref<128xi32, #tpu.memory_space<vmem>>
          %swap3A_715 = arith.constant 0 : index
          %swap3A_716 = tpu.vector_load %swap3A_714[%swap3A_715] {strides = array<i32>} : memref<128xi32, #tpu.memory_space<vmem>>, vector<16xi32>,
          tpu.vector_store %swap3A_714[%swap3A_715], %bitcast3A_711 {strides = array<i32>} : memref<128xi32, #tpu.memory_space<vmem>>, vector<16xi32>,
          %get3A_717 = arith.constant 0 : i32
          %get3A_718 = tpu.memref_slice %arg12[%scan3A_677, %get3A_717] : memref<128x128xi32, #tpu.memory_space<vmem>> -> memref<1x128xi32, #tpu.memory_space<vmem>>
          %get3A_719 = tpu.memref_squeeze %get3A_718 : memref<1x128xi32, #tpu.memory_space<vmem>> -> memref<128xi32, #tpu.memory_space<vmem>>
          %get3A_720 = arith.constant 16 : index
          %get3A_721 = tpu.vector_load %get3A_719[%get3A_720] {strides = array<i32>} : memref<128xi32, #tpu.memory_space<vmem>>, vector<16xi32>,
          %bitcast3A_722 = vector.bitcast %get3A_721 : vector<16xi32> to vector<32xbf16>
          %mul3A_723 = arith.mulf %bitcast3A_722, %bitcast3A_691 : vector<32xbf16>
          %get3A_724 = arith.constant 0 : i32
          %get3A_725 = tpu.memref_slice %arg13[%squeeze3A_696, %get3A_724] : memref<321x128xi32, #tpu.memory_space<vmem>> -> memref<1x128xi32, #tpu.memory_space<vmem>>
          %get3A_726 = tpu.memref_squeeze %get3A_725 : memref<1x128xi32, #tpu.memory_space<vmem>> -> memref<128xi32, #tpu.memory_space<vmem>>
          %get3A_727 = arith.constant 16 : index
          %get3A_728 = tpu.vector_load %get3A_726[%get3A_727] {strides = array<i32>} : memref<128xi32, #tpu.memory_space<vmem>>, vector<16xi32>,
          %bitcast3A_729 = vector.bitcast %get3A_728 : vector<16xi32> to vector<32xbf16>
          %add3A_730 = arith.addf %bitcast3A_729, %mul3A_723 : vector<32xbf16>
          %bitcast3A_731 = vector.bitcast %add3A_730 : vector<32xbf16> to vector<16xi32>
          %swap3A_732 = arith.constant 0 : i32
          %swap3A_733 = tpu.memref_slice %arg13[%squeeze3A_696, %swap3A_732] : memref<321x128xi32, #tpu.memory_space<vmem>> -> memref<1x128xi32, #tpu.memory_space<vmem>>
          %swap3A_734 = tpu.memref_squeeze %swap3A_733 : memref<1x128xi32, #tpu.memory_space<vmem>> -> memref<128xi32, #tpu.memory_space<vmem>>
          %swap3A_735 = arith.constant 16 : index
          %swap3A_736 = tpu.vector_load %swap3A_734[%swap3A_735] {strides = array<i32>} : memref<128xi32, #tpu.memory_space<vmem>>, vector<16xi32>,
          tpu.vector_store %swap3A_734[%swap3A_735], %bitcast3A_731 {strides = array<i32>} : memref<128xi32, #tpu.memory_space<vmem>>, vector<16xi32>,
          %get3A_737 = arith.constant 0 : i32
          %get3A_738 = tpu.memref_slice %arg12[%scan3A_677, %get3A_737] : memref<128x128xi32, #tpu.memory_space<vmem>> -> memref<1x128xi32, #tpu.memory_space<vmem>>
          %get3A_739 = tpu.memref_squeeze %get3A_738 : memref<1x128xi32, #tpu.memory_space<vmem>> -> memref<128xi32, #tpu.memory_space<vmem>>
          %get3A_740 = arith.constant 32 : index
          %get3A_741 = tpu.vector_load %get3A_739[%get3A_740] {strides = array<i32>} : memref<128xi32, #tpu.memory_space<vmem>>, vector<16xi32>,
          %bitcast3A_742 = vector.bitcast %get3A_741 : vector<16xi32> to vector<32xbf16>
          %mul3A_743 = arith.mulf %bitcast3A_742, %bitcast3A_691 : vector<32xbf16>
          %get3A_744 = arith.constant 0 : i32
          %get3A_745 = tpu.memref_slice %arg13[%squeeze3A_696, %get3A_744] : memref<321x128xi32, #tpu.memory_space<vmem>> -> memref<1x128xi32, #tpu.memory_space<vmem>>
          %get3A_746 = tpu.memref_squeeze %get3A_745 : memref<1x128xi32, #tpu.memory_space<vmem>> -> memref<128xi32, #tpu.memory_space<vmem>>
          %get3A_747 = arith.constant 32 : index
          %get3A_748 = tpu.vector_load %get3A_746[%get3A_747] {strides = array<i32>} : memref<128xi32, #tpu.memory_space<vmem>>, vector<16xi32>,
          %bitcast3A_749 = vector.bitcast %get3A_748 : vector<16xi32> to vector<32xbf16>
          %add3A_750 = arith.addf %bitcast3A_749, %mul3A_743 : vector<32xbf16>
          %bitcast3A_751 = vector.bitcast %add3A_750 : vector<32xbf16> to vector<16xi32>
          %swap3A_752 = arith.constant 0 : i32
          %swap3A_753 = tpu.memref_slice %arg13[%squeeze3A_696, %swap3A_752] : memref<321x128xi32, #tpu.memory_space<vmem>> -> memref<1x128xi32, #tpu.memory_space<vmem>>
          %swap3A_754 = tpu.memref_squeeze %swap3A_753 : memref<1x128xi32, #tpu.memory_space<vmem>> -> memref<128xi32, #tpu.memory_space<vmem>>
          %swap3A_755 = arith.constant 32 : index
          %swap3A_756 = tpu.vector_load %swap3A_754[%swap3A_755] {strides = array<i32>} : memref<128xi32, #tpu.memory_space<vmem>>, vector<16xi32>,
          tpu.vector_store %swap3A_754[%swap3A_755], %bitcast3A_751 {strides = array<i32>} : memref<128xi32, #tpu.memory_space<vmem>>, vector<16xi32>,
          %get3A_757 = arith.constant 0 : i32
          %get3A_758 = tpu.memref_slice %arg12[%scan3A_677, %get3A_757] : memref<128x128xi32, #tpu.memory_space<vmem>> -> memref<1x128xi32, #tpu.memory_space<vmem>>
          %get3A_759 = tpu.memref_squeeze %get3A_758 : memref<1x128xi32, #tpu.memory_space<vmem>> -> memref<128xi32, #tpu.memory_space<vmem>>
          %get3A_760 = arith.constant 48 : index
          %get3A_761 = tpu.vector_load %get3A_759[%get3A_760] {strides = array<i32>} : memref<128xi32, #tpu.memory_space<vmem>>, vector<16xi32>,
          %bitcast3A_762 = vector.bitcast %get3A_761 : vector<16xi32> to vector<32xbf16>
          %mul3A_763 = arith.mulf %bitcast3A_762, %bitcast3A_691 : vector<32xbf16>
          %get3A_764 = arith.constant 0 : i32
          %get3A_765 = tpu.memref_slice %arg13[%squeeze3A_696, %get3A_764] : memref<321x128xi32, #tpu.memory_space<vmem>> -> memref<1x128xi32, #tpu.memory_space<vmem>>
          %get3A_766 = tpu.memref_squeeze %get3A_765 : memref<1x128xi32, #tpu.memory_space<vmem>> -> memref<128xi32, #tpu.memory_space<vmem>>
          %get3A_767 = arith.constant 48 : index
          %get3A_768 = tpu.vector_load %get3A_766[%get3A_767] {strides = array<i32>} : memref<128xi32, #tpu.memory_space<vmem>>, vector<16xi32>,
          %bitcast3A_769 = vector.bitcast %get3A_768 : vector<16xi32> to vector<32xbf16>
          %add3A_770 = arith.addf %bitcast3A_769, %mul3A_763 : vector<32xbf16>
          %bitcast3A_771 = vector.bitcast %add3A_770 : vector<32xbf16> to vector<16xi32>
          %swap3A_772 = arith.constant 0 : i32
          %swap3A_773 = tpu.memref_slice %arg13[%squeeze3A_696, %swap3A_772] : memref<321x128xi32, #tpu.memory_space<vmem>> -> memref<1x128xi32, #tpu.memory_space<vmem>>
          %swap3A_774 = tpu.memref_squeeze %swap3A_773 : memref<1x128xi32, #tpu.memory_space<vmem>> -> memref<128xi32, #tpu.memory_space<vmem>>
          %swap3A_775 = arith.constant 48 : index
          %swap3A_776 = tpu.vector_load %swap3A_774[%swap3A_775] {strides = array<i32>} : memref<128xi32, #tpu.memory_space<vmem>>, vector<16xi32>,
          tpu.vector_store %swap3A_774[%swap3A_775], %bitcast3A_771 {strides = array<i32>} : memref<128xi32, #tpu.memory_space<vmem>>, vector<16xi32>,
          %get3A_777 = arith.constant 0 : i32
          %get3A_778 = tpu.memref_slice %arg12[%scan3A_677, %get3A_777] : memref<128x128xi32, #tpu.memory_space<vmem>> -> memref<1x128xi32, #tpu.memory_space<vmem>>
          %get3A_779 = tpu.memref_squeeze %get3A_778 : memref<1x128xi32, #tpu.memory_space<vmem>> -> memref<128xi32, #tpu.memory_space<vmem>>
          %get3A_780 = arith.constant 64 : index
          %get3A_781 = tpu.vector_load %get3A_779[%get3A_780] {strides = array<i32>} : memref<128xi32, #tpu.memory_space<vmem>>, vector<16xi32>,
          %bitcast3A_782 = vector.bitcast %get3A_781 : vector<16xi32> to vector<32xbf16>
          %mul3A_783 = arith.mulf %bitcast3A_782, %bitcast3A_691 : vector<32xbf16>
          %get3A_784 = arith.constant 0 : i32
          %get3A_785 = tpu.memref_slice %arg13[%squeeze3A_696, %get3A_784] : memref<321x128xi32, #tpu.memory_space<vmem>> -> memref<1x128xi32, #tpu.memory_space<vmem>>
          %get3A_786 = tpu.memref_squeeze %get3A_785 : memref<1x128xi32, #tpu.memory_space<vmem>> -> memref<128xi32, #tpu.memory_space<vmem>>
          %get3A_787 = arith.constant 64 : index
          %get3A_788 = tpu.vector_load %get3A_786[%get3A_787] {strides = array<i32>} : memref<128xi32, #tpu.memory_space<vmem>>, vector<16xi32>,
          %bitcast3A_789 = vector.bitcast %get3A_788 : vector<16xi32> to vector<32xbf16>
          %add3A_790 = arith.addf %bitcast3A_789, %mul3A_783 : vector<32xbf16>
          %bitcast3A_791 = vector.bitcast %add3A_790 : vector<32xbf16> to vector<16xi32>
          %swap3A_792 = arith.constant 0 : i32
          %swap3A_793 = tpu.memref_slice %arg13[%squeeze3A_696, %swap3A_792] : memref<321x128xi32, #tpu.memory_space<vmem>> -> memref<1x128xi32, #tpu.memory_space<vmem>>
          %swap3A_794 = tpu.memref_squeeze %swap3A_793 : memref<1x128xi32, #tpu.memory_space<vmem>> -> memref<128xi32, #tpu.memory_space<vmem>>
          %swap3A_795 = arith.constant 64 : index
          %swap3A_796 = tpu.vector_load %swap3A_794[%swap3A_795] {strides = array<i32>} : memref<128xi32, #tpu.memory_space<vmem>>, vector<16xi32>,
          tpu.vector_store %swap3A_794[%swap3A_795], %bitcast3A_791 {strides = array<i32>} : memref<128xi32, #tpu.memory_space<vmem>>, vector<16xi32>,
          %get3A_797 = arith.constant 0 : i32
          %get3A_798 = tpu.memref_slice %arg12[%scan3A_677, %get3A_797] : memref<128x128xi32, #tpu.memory_space<vmem>> -> memref<1x128xi32, #tpu.memory_space<vmem>>
          %get3A_799 = tpu.memref_squeeze %get3A_798 : memref<1x128xi32, #tpu.memory_space<vmem>> -> memref<128xi32, #tpu.memory_space<vmem>>
          %get3A_800 = arith.constant 80 : index
          %get3A_801 = tpu.vector_load %get3A_799[%get3A_800] {strides = array<i32>} : memref<128xi32, #tpu.memory_space<vmem>>, vector<16xi32>,
          %bitcast3A_802 = vector.bitcast %get3A_801 : vector<16xi32> to vector<32xbf16>
          %mul3A_803 = arith.mulf %bitcast3A_802, %bitcast3A_691 : vector<32xbf16>
          %get3A_804 = arith.constant 0 : i32
          %get3A_805 = tpu.memref_slice %arg13[%squeeze3A_696, %get3A_804] : memref<321x128xi32, #tpu.memory_space<vmem>> -> memref<1x128xi32, #tpu.memory_space<vmem>>
          %get3A_806 = tpu.memref_squeeze %get3A_805 : memref<1x128xi32, #tpu.memory_space<vmem>> -> memref<128xi32, #tpu.memory_space<vmem>>
          %get3A_807 = arith.constant 80 : index
          %get3A_808 = tpu.vector_load %get3A_806[%get3A_807] {strides = array<i32>} : memref<128xi32, #tpu.memory_space<vmem>>, vector<16xi32>,
          %bitcast3A_809 = vector.bitcast %get3A_808 : vector<16xi32> to vector<32xbf16>
          %add3A_810 = arith.addf %bitcast3A_809, %mul3A_803 : vector<32xbf16>
          %bitcast3A_811 = vector.bitcast %add3A_810 : vector<32xbf16> to vector<16xi32>
          %swap3A_812 = arith.constant 0 : i32
          %swap3A_813 = tpu.memref_slice %arg13[%squeeze3A_696, %swap3A_812] : memref<321x128xi32, #tpu.memory_space<vmem>> -> memref<1x128xi32, #tpu.memory_space<vmem>>
          %swap3A_814 = tpu.memref_squeeze %swap3A_813 : memref<1x128xi32, #tpu.memory_space<vmem>> -> memref<128xi32, #tpu.memory_space<vmem>>
          %swap3A_815 = arith.constant 80 : index
          %swap3A_816 = tpu.vector_load %swap3A_814[%swap3A_815] {strides = array<i32>} : memref<128xi32, #tpu.memory_space<vmem>>, vector<16xi32>,
          tpu.vector_store %swap3A_814[%swap3A_815], %bitcast3A_811 {strides = array<i32>} : memref<128xi32, #tpu.memory_space<vmem>>, vector<16xi32>,
          %get3A_817 = arith.constant 0 : i32
          %get3A_818 = tpu.memref_slice %arg12[%scan3A_677, %get3A_817] : memref<128x128xi32, #tpu.memory_space<vmem>> -> memref<1x128xi32, #tpu.memory_space<vmem>>
          %get3A_819 = tpu.memref_squeeze %get3A_818 : memref<1x128xi32, #tpu.memory_space<vmem>> -> memref<128xi32, #tpu.memory_space<vmem>>
          %get3A_820 = arith.constant 96 : index
          %get3A_821 = tpu.vector_load %get3A_819[%get3A_820] {strides = array<i32>} : memref<128xi32, #tpu.memory_space<vmem>>, vector<16xi32>,
          %bitcast3A_822 = vector.bitcast %get3A_821 : vector<16xi32> to vector<32xbf16>
          %mul3A_823 = arith.mulf %bitcast3A_822, %bitcast3A_691 : vector<32xbf16>
          %get3A_824 = arith.constant 0 : i32
          %get3A_825 = tpu.memref_slice %arg13[%squeeze3A_696, %get3A_824] : memref<321x128xi32, #tpu.memory_space<vmem>> -> memref<1x128xi32, #tpu.memory_space<vmem>>
          %get3A_826 = tpu.memref_squeeze %get3A_825 : memref<1x128xi32, #tpu.memory_space<vmem>> -> memref<128xi32, #tpu.memory_space<vmem>>
          %get3A_827 = arith.constant 96 : index
          %get3A_828 = tpu.vector_load %get3A_826[%get3A_827] {strides = array<i32>} : memref<128xi32, #tpu.memory_space<vmem>>, vector<16xi32>,
          %bitcast3A_829 = vector.bitcast %get3A_828 : vector<16xi32> to vector<32xbf16>
          %add3A_830 = arith.addf %bitcast3A_829, %mul3A_823 : vector<32xbf16>
          %bitcast3A_831 = vector.bitcast %add3A_830 : vector<32xbf16> to vector<16xi32>
          %swap3A_832 = arith.constant 0 : i32
          %swap3A_833 = tpu.memref_slice %arg13[%squeeze3A_696, %swap3A_832] : memref<321x128xi32, #tpu.memory_space<vmem>> -> memref<1x128xi32, #tpu.memory_space<vmem>>
          %swap3A_834 = tpu.memref_squeeze %swap3A_833 : memref<1x128xi32, #tpu.memory_space<vmem>> -> memref<128xi32, #tpu.memory_space<vmem>>
          %swap3A_835 = arith.constant 96 : index
          %swap3A_836 = tpu.vector_load %swap3A_834[%swap3A_835] {strides = array<i32>} : memref<128xi32, #tpu.memory_space<vmem>>, vector<16xi32>,
          tpu.vector_store %swap3A_834[%swap3A_835], %bitcast3A_831 {strides = array<i32>} : memref<128xi32, #tpu.memory_space<vmem>>, vector<16xi32>,
          %get3A_837 = arith.constant 0 : i32
          %get3A_838 = tpu.memref_slice %arg12[%scan3A_677, %get3A_837] : memref<128x128xi32, #tpu.memory_space<vmem>> -> memref<1x128xi32, #tpu.memory_space<vmem>>
          %get3A_839 = tpu.memref_squeeze %get3A_838 : memref<1x128xi32, #tpu.memory_space<vmem>> -> memref<128xi32, #tpu.memory_space<vmem>>
          %get3A_840 = arith.constant 112 : index
          %get3A_841 = tpu.vector_load %get3A_839[%get3A_840] {strides = array<i32>} : memref<128xi32, #tpu.memory_space<vmem>>, vector<16xi32>,
          %bitcast3A_842 = vector.bitcast %get3A_841 : vector<16xi32> to vector<32xbf16>
          %mul3A_843 = arith.mulf %bitcast3A_842, %bitcast3A_691 : vector<32xbf16>
          %get3A_844 = arith.constant 0 : i32
          %get3A_845 = tpu.memref_slice %arg13[%squeeze3A_696, %get3A_844] : memref<321x128xi32, #tpu.memory_space<vmem>> -> memref<1x128xi32, #tpu.memory_space<vmem>>
          %get3A_846 = tpu.memref_squeeze %get3A_845 : memref<1x128xi32, #tpu.memory_space<vmem>> -> memref<128xi32, #tpu.memory_space<vmem>>
          %get3A_847 = arith.constant 112 : index
          %get3A_848 = tpu.vector_load %get3A_846[%get3A_847] {strides = array<i32>} : memref<128xi32, #tpu.memory_space<vmem>>, vector<16xi32>,
          %bitcast3A_849 = vector.bitcast %get3A_848 : vector<16xi32> to vector<32xbf16>
          %add3A_850 = arith.addf %bitcast3A_849, %mul3A_843 : vector<32xbf16>
          %bitcast3A_851 = vector.bitcast %add3A_850 : vector<32xbf16> to vector<16xi32>
          %swap3A_852 = arith.constant 0 : i32
          %swap3A_853 = tpu.memref_slice %arg13[%squeeze3A_696, %swap3A_852] : memref<321x128xi32, #tpu.memory_space<vmem>> -> memref<1x128xi32, #tpu.memory_space<vmem>>
          %swap3A_854 = tpu.memref_squeeze %swap3A_853 : memref<1x128xi32, #tpu.memory_space<vmem>> -> memref<128xi32, #tpu.memory_space<vmem>>
          %swap3A_855 = arith.constant 112 : index
          %swap3A_856 = tpu.vector_load %swap3A_854[%swap3A_855] {strides = array<i32>} : memref<128xi32, #tpu.memory_space<vmem>>, vector<16xi32>,
          tpu.vector_store %swap3A_854[%swap3A_855], %bitcast3A_851 {strides = array<i32>} : memref<128xi32, #tpu.memory_space<vmem>>, vector<16xi32>,
        }
        %scan3A_136 = arith.constant 128 : i32
      } else {
      }
    }
    %while3A_75 = arith.constant 1 : i32
    scf.for %while3A_82 = %while3A_73 to %while3A_69 step %while3A_75  : i32 {
      %mul3A_83 = arith.muli %while3A_82, %while3A : i32
      %add3A_84 = arith.addi %while3A_66, %mul3A_83 : i32
      %add3A_85 = arith.constant 1 : i32
      %add3A_86 = arith.addi %add3A_84, %add3A_85 : i32
      %lt3A_87 = arith.cmpi slt, %add3A_86, %select_n3A : i32
      %convert_element_type3A_88 = arith.extui %lt3A_87 : i1 to i32
      %cond3A_89 = arith.constant 0 : i32
      %cond3A_90 = arith.cmpi ne, %convert_element_type3A_88, %cond3A_89 : i32
      scf.if %cond3A_90 {
        %add3A_113 = arith.constant 1 : i32
        %add3A_114 = arith.addi %add3A_84, %add3A_113 : i32
        %mul3A_115 = arith.constant 128 : i32
        %mul3A_116 = arith.muli %add3A_114, %mul3A_115 : i32
        %dma_start3A_117 = tpu.memref_slice %arg8[%mul3A_116] : memref<8192xi32, #tpu.memory_space<vmem>> -> memref<128xi32, #tpu.memory_space<vmem>>
        %dma_start3A_118 = arith.constant 0 : i32
        %dma_start3A_119 = arith.constant 0 : i32
        %dma_start3A_120 = tpu.memref_slice %arg2[%dma_start3A_118, %dma_start3A_119] : memref<80000x128xi32, #tpu.memory_space<hbm>> -> memref<80000x128xi32, #tpu.memory_space<hbm>>
        tpu.enqueue_indirect_dma source(%dma_start3A_120 : memref<80000x128xi32, #tpu.memory_space<hbm>>) target(%arg12 : memref<128x128xi32, #tpu.memory_space<vmem>>) offsets(%dma_start3A_117 : memref<128xi32, #tpu.memory_space<vmem>>) semaphore(%arg17 : memref<!tpu.dma_semaphore, #tpu.memory_space<semaphore_mem>>)
      } else {
      }
      %mul3A_91 = arith.constant 128 : i32
      %mul3A_92 = arith.muli %add3A_84, %mul3A_91 : i32
      %dma_wait3A_93 = tpu.memref_slice %arg8[%mul3A_92] : memref<8192xi32, #tpu.memory_space<vmem>> -> memref<128xi32, #tpu.memory_space<vmem>>
      %dma_wait3A_94 = arith.constant 0 : i32
      %dma_wait3A_95 = arith.constant 0 : i32
      %dma_wait3A_96 = tpu.memref_slice %arg2[%dma_wait3A_94, %dma_wait3A_95] : memref<80000x128xi32, #tpu.memory_space<hbm>> -> memref<80000x128xi32, #tpu.memory_space<hbm>>
      tpu.wait_indirect_dma semaphore(%arg16 : memref<!tpu.dma_semaphore, #tpu.memory_space<semaphore_mem>>) src(%dma_wait3A_96 : memref<80000x128xi32, #tpu.memory_space<hbm>>) dst(%arg11 : memref<128x128xi32, #tpu.memory_space<vmem>>)
      %mul3A_97 = arith.constant 128 : i32
      %mul3A_98 = arith.muli %add3A_84, %mul3A_97 : i32
      %broadcast_in_dim3A_99 = arith.constant 0 : i32
      %broadcast_in_dim3A_100 = vector.broadcast %broadcast_in_dim3A_99 : i32 to vector<16xi32>
      %scan3A_101 = arith.constant 0 : i32
      %scan3A_102 = arith.constant 0 : i32
      %scan3A_103 = arith.constant 128 : i32
      %scan3A_104 = arith.addi %scan3A_102, %scan3A_103 : i32
      %scan3A_105 = arith.constant 4 : i32
      scf.for %scan3A_113 = %scan3A_102 to %scan3A_104 step %scan3A_105  : i32 {
        %add3A_114 = arith.addi %mul3A_98, %scan3A_113 : i32
        %get3A_115 = arith.index_cast %add3A_114 : i32 to index
        %get3A_116 = tpu.vector_load %arg9[%get3A_115] {strides = array<i32>} : memref<8208xi32, #tpu.memory_space<vmem>>, vector<16xi32>,
        %lt3A_117 = arith.constant 0 : i32
        %lt3A_118 = vector.broadcast %lt3A_117 : i32 to vector<16xi32>
        %lt3A_119 = arith.cmpi slt, %broadcast_in_dim3A_100, %lt3A_118 : vector<16xi32>
        %add3A_120 = arith.constant 16 : i32
        %add3A_121 = vector.broadcast %add3A_120 : i32 to vector<16xi32>
        %add3A_122 = arith.addi %broadcast_in_dim3A_100, %add3A_121 : vector<16xi32>
        %select_n3A_123 = arith.select %lt3A_119, %add3A_122, %broadcast_in_dim3A_100 : vector<16xi1>, vector<16xi32>
        %broadcast_in_dim3A_124 = vector.shape_cast %select_n3A_123 : vector<16xi32> to vector<16x1xi32>
        %gather3A = vector.shape_cast %broadcast_in_dim3A_124 : vector<16x1xi32> to vector<16xi32>
        %gather3A_125 = tpu.dynamic_gather %get3A_116[%gather3A] in [0] : vector<16xi32>, vector<16xi32> -> vector<16xi32>
        %bitcast3A = vector.bitcast %gather3A_125 : vector<16xi32> to vector<32xbf16>
        %add3A_126 = arith.addi %mul3A_98, %scan3A_113 : i32
        %get3A_127 = arith.index_cast %add3A_126 : i32 to index
        %get3A_128 = tpu.vector_load %arg10[%get3A_127] {strides = array<i32>} : memref<8208xi32, #tpu.memory_space<vmem>>, vector<16xi32>,
        %slice3A_129 = vector.extract_strided_slice %get3A_128 {offsets = [0], sizes = [1], strides = [1]} : vector<16xi32> to vector<1xi32>
        %squeeze3A_130 = vector.extract %slice3A_129[0] : i32 from vector<1xi32>
        %get3A_131 = arith.constant 0 : i32
        %get3A_132 = tpu.memref_slice %arg11[%scan3A_113, %get3A_131] : memref<128x128xi32, #tpu.memory_space<vmem>> -> memref<1x128xi32, #tpu.memory_space<vmem>>
        %get3A_133 = tpu.memref_squeeze %get3A_132 : memref<1x128xi32, #tpu.memory_space<vmem>> -> memref<128xi32, #tpu.memory_space<vmem>>
        %get3A_134 = arith.constant 0 : index
        %get3A_135 = tpu.vector_load %get3A_133[%get3A_134] {strides = array<i32>} : memref<128xi32, #tpu.memory_space<vmem>>, vector<16xi32>,
        %bitcast3A_136 = vector.bitcast %get3A_135 : vector<16xi32> to vector<32xbf16>
        %mul3A_137 = arith.mulf %bitcast3A_136, %bitcast3A : vector<32xbf16>
        %get3A_138 = arith.constant 0 : i32
        %get3A_139 = tpu.memref_slice %arg13[%squeeze3A_130, %get3A_138] : memref<321x128xi32, #tpu.memory_space<vmem>> -> memref<1x128xi32, #tpu.memory_space<vmem>>
        %get3A_140 = tpu.memref_squeeze %get3A_139 : memref<1x128xi32, #tpu.memory_space<vmem>> -> memref<128xi32, #tpu.memory_space<vmem>>
        %get3A_141 = arith.constant 0 : index
        %get3A_142 = tpu.vector_load %get3A_140[%get3A_141] {strides = array<i32>} : memref<128xi32, #tpu.memory_space<vmem>>, vector<16xi32>,
        %bitcast3A_143 = vector.bitcast %get3A_142 : vector<16xi32> to vector<32xbf16>
        %add3A_144 = arith.addf %bitcast3A_143, %mul3A_137 : vector<32xbf16>
        %bitcast3A_145 = vector.bitcast %add3A_144 : vector<32xbf16> to vector<16xi32>
        %swap3A = arith.constant 0 : i32
        %swap3A_146 = tpu.memref_slice %arg13[%squeeze3A_130, %swap3A] : memref<321x128xi32, #tpu.memory_space<vmem>> -> memref<1x128xi32, #tpu.memory_space<vmem>>
        %swap3A_147 = tpu.memref_squeeze %swap3A_146 : memref<1x128xi32, #tpu.memory_space<vmem>> -> memref<128xi32, #tpu.memory_space<vmem>>
        %swap3A_148 = arith.constant 0 : index
        %swap3A_149 = tpu.vector_load %swap3A_147[%swap3A_148] {strides = array<i32>} : memref<128xi32, #tpu.memory_space<vmem>>, vector<16xi32>,
        tpu.vector_store %swap3A_147[%swap3A_148], %bitcast3A_145 {strides = array<i32>} : memref<128xi32, #tpu.memory_space<vmem>>, vector<16xi32>,
        %get3A_150 = arith.constant 0 : i32
        %get3A_151 = tpu.memref_slice %arg11[%scan3A_113, %get3A_150] : memref<128x128xi32, #tpu.memory_space<vmem>> -> memref<1x128xi32, #tpu.memory_space<vmem>>
        %get3A_152 = tpu.memref_squeeze %get3A_151 : memref<1x128xi32, #tpu.memory_space<vmem>> -> memref<128xi32, #tpu.memory_space<vmem>>
        %get3A_153 = arith.constant 16 : index
        %get3A_154 = tpu.vector_load %get3A_152[%get3A_153] {strides = array<i32>} : memref<128xi32, #tpu.memory_space<vmem>>, vector<16xi32>,
        %bitcast3A_155 = vector.bitcast %get3A_154 : vector<16xi32> to vector<32xbf16>
        %mul3A_156 = arith.mulf %bitcast3A_155, %bitcast3A : vector<32xbf16>
        %get3A_157 = arith.constant 0 : i32
        %get3A_158 = tpu.memref_slice %arg13[%squeeze3A_130, %get3A_157] : memref<321x128xi32, #tpu.memory_space<vmem>> -> memref<1x128xi32, #tpu.memory_space<vmem>>
        %get3A_159 = tpu.memref_squeeze %get3A_158 : memref<1x128xi32, #tpu.memory_space<vmem>> -> memref<128xi32, #tpu.memory_space<vmem>>
        %get3A_160 = arith.constant 16 : index
        %get3A_161 = tpu.vector_load %get3A_159[%get3A_160] {strides = array<i32>} : memref<128xi32, #tpu.memory_space<vmem>>, vector<16xi32>,
        %bitcast3A_162 = vector.bitcast %get3A_161 : vector<16xi32> to vector<32xbf16>
        %add3A_163 = arith.addf %bitcast3A_162, %mul3A_156 : vector<32xbf16>
        %bitcast3A_164 = vector.bitcast %add3A_163 : vector<32xbf16> to vector<16xi32>
        %swap3A_165 = arith.constant 0 : i32
        %swap3A_166 = tpu.memref_slice %arg13[%squeeze3A_130, %swap3A_165] : memref<321x128xi32, #tpu.memory_space<vmem>> -> memref<1x128xi32, #tpu.memory_space<vmem>>
        %swap3A_167 = tpu.memref_squeeze %swap3A_166 : memref<1x128xi32, #tpu.memory_space<vmem>> -> memref<128xi32, #tpu.memory_space<vmem>>
        %swap3A_168 = arith.constant 16 : index
        %swap3A_169 = tpu.vector_load %swap3A_167[%swap3A_168] {strides = array<i32>} : memref<128xi32, #tpu.memory_space<vmem>>, vector<16xi32>,
        tpu.vector_store %swap3A_167[%swap3A_168], %bitcast3A_164 {strides = array<i32>} : memref<128xi32, #tpu.memory_space<vmem>>, vector<16xi32>,
        %get3A_170 = arith.constant 0 : i32
        %get3A_171 = tpu.memref_slice %arg11[%scan3A_113, %get3A_170] : memref<128x128xi32, #tpu.memory_space<vmem>> -> memref<1x128xi32, #tpu.memory_space<vmem>>
        %get3A_172 = tpu.memref_squeeze %get3A_171 : memref<1x128xi32, #tpu.memory_space<vmem>> -> memref<128xi32, #tpu.memory_space<vmem>>
        %get3A_173 = arith.constant 32 : index
        %get3A_174 = tpu.vector_load %get3A_172[%get3A_173] {strides = array<i32>} : memref<128xi32, #tpu.memory_space<vmem>>, vector<16xi32>,
        %bitcast3A_175 = vector.bitcast %get3A_174 : vector<16xi32> to vector<32xbf16>
        %mul3A_176 = arith.mulf %bitcast3A_175, %bitcast3A : vector<32xbf16>
        %get3A_177 = arith.constant 0 : i32
        %get3A_178 = tpu.memref_slice %arg13[%squeeze3A_130, %get3A_177] : memref<321x128xi32, #tpu.memory_space<vmem>> -> memref<1x128xi32, #tpu.memory_space<vmem>>
        %get3A_179 = tpu.memref_squeeze %get3A_178 : memref<1x128xi32, #tpu.memory_space<vmem>> -> memref<128xi32, #tpu.memory_space<vmem>>
        %get3A_180 = arith.constant 32 : index
        %get3A_181 = tpu.vector_load %get3A_179[%get3A_180] {strides = array<i32>} : memref<128xi32, #tpu.memory_space<vmem>>, vector<16xi32>,
        %bitcast3A_182 = vector.bitcast %get3A_181 : vector<16xi32> to vector<32xbf16>
        %add3A_183 = arith.addf %bitcast3A_182, %mul3A_176 : vector<32xbf16>
        %bitcast3A_184 = vector.bitcast %add3A_183 : vector<32xbf16> to vector<16xi32>
        %swap3A_185 = arith.constant 0 : i32
        %swap3A_186 = tpu.memref_slice %arg13[%squeeze3A_130, %swap3A_185] : memref<321x128xi32, #tpu.memory_space<vmem>> -> memref<1x128xi32, #tpu.memory_space<vmem>>
        %swap3A_187 = tpu.memref_squeeze %swap3A_186 : memref<1x128xi32, #tpu.memory_space<vmem>> -> memref<128xi32, #tpu.memory_space<vmem>>
        %swap3A_188 = arith.constant 32 : index
        %swap3A_189 = tpu.vector_load %swap3A_187[%swap3A_188] {strides = array<i32>} : memref<128xi32, #tpu.memory_space<vmem>>, vector<16xi32>,
        tpu.vector_store %swap3A_187[%swap3A_188], %bitcast3A_184 {strides = array<i32>} : memref<128xi32, #tpu.memory_space<vmem>>, vector<16xi32>,
        %get3A_190 = arith.constant 0 : i32
        %get3A_191 = tpu.memref_slice %arg11[%scan3A_113, %get3A_190] : memref<128x128xi32, #tpu.memory_space<vmem>> -> memref<1x128xi32, #tpu.memory_space<vmem>>
        %get3A_192 = tpu.memref_squeeze %get3A_191 : memref<1x128xi32, #tpu.memory_space<vmem>> -> memref<128xi32, #tpu.memory_space<vmem>>
        %get3A_193 = arith.constant 48 : index
        %get3A_194 = tpu.vector_load %get3A_192[%get3A_193] {strides = array<i32>} : memref<128xi32, #tpu.memory_space<vmem>>, vector<16xi32>,
        %bitcast3A_195 = vector.bitcast %get3A_194 : vector<16xi32> to vector<32xbf16>
        %mul3A_196 = arith.mulf %bitcast3A_195, %bitcast3A : vector<32xbf16>
        %get3A_197 = arith.constant 0 : i32
        %get3A_198 = tpu.memref_slice %arg13[%squeeze3A_130, %get3A_197] : memref<321x128xi32, #tpu.memory_space<vmem>> -> memref<1x128xi32, #tpu.memory_space<vmem>>
        %get3A_199 = tpu.memref_squeeze %get3A_198 : memref<1x128xi32, #tpu.memory_space<vmem>> -> memref<128xi32, #tpu.memory_space<vmem>>
        %get3A_200 = arith.constant 48 : index
        %get3A_201 = tpu.vector_load %get3A_199[%get3A_200] {strides = array<i32>} : memref<128xi32, #tpu.memory_space<vmem>>, vector<16xi32>,
        %bitcast3A_202 = vector.bitcast %get3A_201 : vector<16xi32> to vector<32xbf16>
        %add3A_203 = arith.addf %bitcast3A_202, %mul3A_196 : vector<32xbf16>
        %bitcast3A_204 = vector.bitcast %add3A_203 : vector<32xbf16> to vector<16xi32>
        %swap3A_205 = arith.constant 0 : i32
        %swap3A_206 = tpu.memref_slice %arg13[%squeeze3A_130, %swap3A_205] : memref<321x128xi32, #tpu.memory_space<vmem>> -> memref<1x128xi32, #tpu.memory_space<vmem>>
        %swap3A_207 = tpu.memref_squeeze %swap3A_206 : memref<1x128xi32, #tpu.memory_space<vmem>> -> memref<128xi32, #tpu.memory_space<vmem>>
        %swap3A_208 = arith.constant 48 : index
        %swap3A_209 = tpu.vector_load %swap3A_207[%swap3A_208] {strides = array<i32>} : memref<128xi32, #tpu.memory_space<vmem>>, vector<16xi32>,
        tpu.vector_store %swap3A_207[%swap3A_208], %bitcast3A_204 {strides = array<i32>} : memref<128xi32, #tpu.memory_space<vmem>>, vector<16xi32>,
        %get3A_210 = arith.constant 0 : i32
        %get3A_211 = tpu.memref_slice %arg11[%scan3A_113, %get3A_210] : memref<128x128xi32, #tpu.memory_space<vmem>> -> memref<1x128xi32, #tpu.memory_space<vmem>>
        %get3A_212 = tpu.memref_squeeze %get3A_211 : memref<1x128xi32, #tpu.memory_space<vmem>> -> memref<128xi32, #tpu.memory_space<vmem>>
        %get3A_213 = arith.constant 64 : index
        %get3A_214 = tpu.vector_load %get3A_212[%get3A_213] {strides = array<i32>} : memref<128xi32, #tpu.memory_space<vmem>>, vector<16xi32>,
        %bitcast3A_215 = vector.bitcast %get3A_214 : vector<16xi32> to vector<32xbf16>
        %mul3A_216 = arith.mulf %bitcast3A_215, %bitcast3A : vector<32xbf16>
        %get3A_217 = arith.constant 0 : i32
        %get3A_218 = tpu.memref_slice %arg13[%squeeze3A_130, %get3A_217] : memref<321x128xi32, #tpu.memory_space<vmem>> -> memref<1x128xi32, #tpu.memory_space<vmem>>
        %get3A_219 = tpu.memref_squeeze %get3A_218 : memref<1x128xi32, #tpu.memory_space<vmem>> -> memref<128xi32, #tpu.memory_space<vmem>>
        %get3A_220 = arith.constant 64 : index
        %get3A_221 = tpu.vector_load %get3A_219[%get3A_220] {strides = array<i32>} : memref<128xi32, #tpu.memory_space<vmem>>, vector<16xi32>,
        %bitcast3A_222 = vector.bitcast %get3A_221 : vector<16xi32> to vector<32xbf16>
        %add3A_223 = arith.addf %bitcast3A_222, %mul3A_216 : vector<32xbf16>
        %bitcast3A_224 = vector.bitcast %add3A_223 : vector<32xbf16> to vector<16xi32>
        %swap3A_225 = arith.constant 0 : i32
        %swap3A_226 = tpu.memref_slice %arg13[%squeeze3A_130, %swap3A_225] : memref<321x128xi32, #tpu.memory_space<vmem>> -> memref<1x128xi32, #tpu.memory_space<vmem>>
        %swap3A_227 = tpu.memref_squeeze %swap3A_226 : memref<1x128xi32, #tpu.memory_space<vmem>> -> memref<128xi32, #tpu.memory_space<vmem>>
        %swap3A_228 = arith.constant 64 : index
        %swap3A_229 = tpu.vector_load %swap3A_227[%swap3A_228] {strides = array<i32>} : memref<128xi32, #tpu.memory_space<vmem>>, vector<16xi32>,
        tpu.vector_store %swap3A_227[%swap3A_228], %bitcast3A_224 {strides = array<i32>} : memref<128xi32, #tpu.memory_space<vmem>>, vector<16xi32>,
        %get3A_230 = arith.constant 0 : i32
        %get3A_231 = tpu.memref_slice %arg11[%scan3A_113, %get3A_230] : memref<128x128xi32, #tpu.memory_space<vmem>> -> memref<1x128xi32, #tpu.memory_space<vmem>>
        %get3A_232 = tpu.memref_squeeze %get3A_231 : memref<1x128xi32, #tpu.memory_space<vmem>> -> memref<128xi32, #tpu.memory_space<vmem>>
        %get3A_233 = arith.constant 80 : index
        %get3A_234 = tpu.vector_load %get3A_232[%get3A_233] {strides = array<i32>} : memref<128xi32, #tpu.memory_space<vmem>>, vector<16xi32>,
        %bitcast3A_235 = vector.bitcast %get3A_234 : vector<16xi32> to vector<32xbf16>
        %mul3A_236 = arith.mulf %bitcast3A_235, %bitcast3A : vector<32xbf16>
        %get3A_237 = arith.constant 0 : i32
        %get3A_238 = tpu.memref_slice %arg13[%squeeze3A_130, %get3A_237] : memref<321x128xi32, #tpu.memory_space<vmem>> -> memref<1x128xi32, #tpu.memory_space<vmem>>
        %get3A_239 = tpu.memref_squeeze %get3A_238 : memref<1x128xi32, #tpu.memory_space<vmem>> -> memref<128xi32, #tpu.memory_space<vmem>>
        %get3A_240 = arith.constant 80 : index
        %get3A_241 = tpu.vector_load %get3A_239[%get3A_240] {strides = array<i32>} : memref<128xi32, #tpu.memory_space<vmem>>, vector<16xi32>,
        %bitcast3A_242 = vector.bitcast %get3A_241 : vector<16xi32> to vector<32xbf16>
        %add3A_243 = arith.addf %bitcast3A_242, %mul3A_236 : vector<32xbf16>
        %bitcast3A_244 = vector.bitcast %add3A_243 : vector<32xbf16> to vector<16xi32>
        %swap3A_245 = arith.constant 0 : i32
        %swap3A_246 = tpu.memref_slice %arg13[%squeeze3A_130, %swap3A_245] : memref<321x128xi32, #tpu.memory_space<vmem>> -> memref<1x128xi32, #tpu.memory_space<vmem>>
        %swap3A_247 = tpu.memref_squeeze %swap3A_246 : memref<1x128xi32, #tpu.memory_space<vmem>> -> memref<128xi32, #tpu.memory_space<vmem>>
        %swap3A_248 = arith.constant 80 : index
        %swap3A_249 = tpu.vector_load %swap3A_247[%swap3A_248] {strides = array<i32>} : memref<128xi32, #tpu.memory_space<vmem>>, vector<16xi32>,
        tpu.vector_store %swap3A_247[%swap3A_248], %bitcast3A_244 {strides = array<i32>} : memref<128xi32, #tpu.memory_space<vmem>>, vector<16xi32>,
        %get3A_250 = arith.constant 0 : i32
        %get3A_251 = tpu.memref_slice %arg11[%scan3A_113, %get3A_250] : memref<128x128xi32, #tpu.memory_space<vmem>> -> memref<1x128xi32, #tpu.memory_space<vmem>>
        %get3A_252 = tpu.memref_squeeze %get3A_251 : memref<1x128xi32, #tpu.memory_space<vmem>> -> memref<128xi32, #tpu.memory_space<vmem>>
        %get3A_253 = arith.constant 96 : index
        %get3A_254 = tpu.vector_load %get3A_252[%get3A_253] {strides = array<i32>} : memref<128xi32, #tpu.memory_space<vmem>>, vector<16xi32>,
        %bitcast3A_255 = vector.bitcast %get3A_254 : vector<16xi32> to vector<32xbf16>
        %mul3A_256 = arith.mulf %bitcast3A_255, %bitcast3A : vector<32xbf16>
        %get3A_257 = arith.constant 0 : i32
        %get3A_258 = tpu.memref_slice %arg13[%squeeze3A_130, %get3A_257] : memref<321x128xi32, #tpu.memory_space<vmem>> -> memref<1x128xi32, #tpu.memory_space<vmem>>
        %get3A_259 = tpu.memref_squeeze %get3A_258 : memref<1x128xi32, #tpu.memory_space<vmem>> -> memref<128xi32, #tpu.memory_space<vmem>>
        %get3A_260 = arith.constant 96 : index
        %get3A_261 = tpu.vector_load %get3A_259[%get3A_260] {strides = array<i32>} : memref<128xi32, #tpu.memory_space<vmem>>, vector<16xi32>,
        %bitcast3A_262 = vector.bitcast %get3A_261 : vector<16xi32> to vector<32xbf16>
        %add3A_263 = arith.addf %bitcast3A_262, %mul3A_256 : vector<32xbf16>
        %bitcast3A_264 = vector.bitcast %add3A_263 : vector<32xbf16> to vector<16xi32>
        %swap3A_265 = arith.constant 0 : i32
        %swap3A_266 = tpu.memref_slice %arg13[%squeeze3A_130, %swap3A_265] : memref<321x128xi32, #tpu.memory_space<vmem>> -> memref<1x128xi32, #tpu.memory_space<vmem>>
        %swap3A_267 = tpu.memref_squeeze %swap3A_266 : memref<1x128xi32, #tpu.memory_space<vmem>> -> memref<128xi32, #tpu.memory_space<vmem>>
        %swap3A_268 = arith.constant 96 : index
        %swap3A_269 = tpu.vector_load %swap3A_267[%swap3A_268] {strides = array<i32>} : memref<128xi32, #tpu.memory_space<vmem>>, vector<16xi32>,
        tpu.vector_store %swap3A_267[%swap3A_268], %bitcast3A_264 {strides = array<i32>} : memref<128xi32, #tpu.memory_space<vmem>>, vector<16xi32>,
        %get3A_270 = arith.constant 0 : i32
        %get3A_271 = tpu.memref_slice %arg11[%scan3A_113, %get3A_270] : memref<128x128xi32, #tpu.memory_space<vmem>> -> memref<1x128xi32, #tpu.memory_space<vmem>>
        %get3A_272 = tpu.memref_squeeze %get3A_271 : memref<1x128xi32, #tpu.memory_space<vmem>> -> memref<128xi32, #tpu.memory_space<vmem>>
        %get3A_273 = arith.constant 112 : index
        %get3A_274 = tpu.vector_load %get3A_272[%get3A_273] {strides = array<i32>} : memref<128xi32, #tpu.memory_space<vmem>>, vector<16xi32>,
        %bitcast3A_275 = vector.bitcast %get3A_274 : vector<16xi32> to vector<32xbf16>
        %mul3A_276 = arith.mulf %bitcast3A_275, %bitcast3A : vector<32xbf16>
        %get3A_277 = arith.constant 0 : i32
        %get3A_278 = tpu.memref_slice %arg13[%squeeze3A_130, %get3A_277] : memref<321x128xi32, #tpu.memory_space<vmem>> -> memref<1x128xi32, #tpu.memory_space<vmem>>
        %get3A_279 = tpu.memref_squeeze %get3A_278 : memref<1x128xi32, #tpu.memory_space<vmem>> -> memref<128xi32, #tpu.memory_space<vmem>>
        %get3A_280 = arith.constant 112 : index
        %get3A_281 = tpu.vector_load %get3A_279[%get3A_280] {strides = array<i32>} : memref<128xi32, #tpu.memory_space<vmem>>, vector<16xi32>,
        %bitcast3A_282 = vector.bitcast %get3A_281 : vector<16xi32> to vector<32xbf16>
        %add3A_283 = arith.addf %bitcast3A_282, %mul3A_276 : vector<32xbf16>
        %bitcast3A_284 = vector.bitcast %add3A_283 : vector<32xbf16> to vector<16xi32>
        %swap3A_285 = arith.constant 0 : i32
        %swap3A_286 = tpu.memref_slice %arg13[%squeeze3A_130, %swap3A_285] : memref<321x128xi32, #tpu.memory_space<vmem>> -> memref<1x128xi32, #tpu.memory_space<vmem>>
        %swap3A_287 = tpu.memref_squeeze %swap3A_286 : memref<1x128xi32, #tpu.memory_space<vmem>> -> memref<128xi32, #tpu.memory_space<vmem>>
        %swap3A_288 = arith.constant 112 : index
        %swap3A_289 = tpu.vector_load %swap3A_287[%swap3A_288] {strides = array<i32>} : memref<128xi32, #tpu.memory_space<vmem>>, vector<16xi32>,
        tpu.vector_store %swap3A_287[%swap3A_288], %bitcast3A_284 {strides = array<i32>} : memref<128xi32, #tpu.memory_space<vmem>>, vector<16xi32>,
        %scan3A_290 = arith.constant 1 : i32
        %scan3A_291 = arith.addi %scan3A_113, %scan3A_290 : i32
        %add3A_292 = arith.addi %mul3A_98, %scan3A_291 : i32
        %get3A_293 = arith.index_cast %add3A_292 : i32 to index
        %get3A_294 = tpu.vector_load %arg9[%get3A_293] {strides = array<i32>} : memref<8208xi32, #tpu.memory_space<vmem>>, vector<16xi32>,
        %lt3A_295 = arith.constant 0 : i32
        %lt3A_296 = vector.broadcast %lt3A_295 : i32 to vector<16xi32>
        %lt3A_297 = arith.cmpi slt, %broadcast_in_dim3A_100, %lt3A_296 : vector<16xi32>
        %add3A_298 = arith.constant 16 : i32
        %add3A_299 = vector.broadcast %add3A_298 : i32 to vector<16xi32>
        %add3A_300 = arith.addi %broadcast_in_dim3A_100, %add3A_299 : vector<16xi32>
        %select_n3A_301 = arith.select %lt3A_297, %add3A_300, %broadcast_in_dim3A_100 : vector<16xi1>, vector<16xi32>
        %broadcast_in_dim3A_302 = vector.shape_cast %select_n3A_301 : vector<16xi32> to vector<16x1xi32>
        %gather3A_303 = vector.shape_cast %broadcast_in_dim3A_302 : vector<16x1xi32> to vector<16xi32>
        %gather3A_304 = tpu.dynamic_gather %get3A_294[%gather3A_303] in [0] : vector<16xi32>, vector<16xi32> -> vector<16xi32>
        %bitcast3A_305 = vector.bitcast %gather3A_304 : vector<16xi32> to vector<32xbf16>
        %add3A_306 = arith.addi %mul3A_98, %scan3A_291 : i32
        %get3A_307 = arith.index_cast %add3A_306 : i32 to index
        %get3A_308 = tpu.vector_load %arg10[%get3A_307] {strides = array<i32>} : memref<8208xi32, #tpu.memory_space<vmem>>, vector<16xi32>,
        %slice3A_309 = vector.extract_strided_slice %get3A_308 {offsets = [0], sizes = [1], strides = [1]} : vector<16xi32> to vector<1xi32>
        %squeeze3A_310 = vector.extract %slice3A_309[0] : i32 from vector<1xi32>
        %get3A_311 = arith.constant 0 : i32
        %get3A_312 = tpu.memref_slice %arg11[%scan3A_291, %get3A_311] : memref<128x128xi32, #tpu.memory_space<vmem>> -> memref<1x128xi32, #tpu.memory_space<vmem>>
        %get3A_313 = tpu.memref_squeeze %get3A_312 : memref<1x128xi32, #tpu.memory_space<vmem>> -> memref<128xi32, #tpu.memory_space<vmem>>
        %get3A_314 = arith.constant 0 : index
        %get3A_315 = tpu.vector_load %get3A_313[%get3A_314] {strides = array<i32>} : memref<128xi32, #tpu.memory_space<vmem>>, vector<16xi32>,
        %bitcast3A_316 = vector.bitcast %get3A_315 : vector<16xi32> to vector<32xbf16>
        %mul3A_317 = arith.mulf %bitcast3A_316, %bitcast3A_305 : vector<32xbf16>
        %get3A_318 = arith.constant 0 : i32
        %get3A_319 = tpu.memref_slice %arg13[%squeeze3A_310, %get3A_318] : memref<321x128xi32, #tpu.memory_space<vmem>> -> memref<1x128xi32, #tpu.memory_space<vmem>>
        %get3A_320 = tpu.memref_squeeze %get3A_319 : memref<1x128xi32, #tpu.memory_space<vmem>> -> memref<128xi32, #tpu.memory_space<vmem>>
        %get3A_321 = arith.constant 0 : index
        %get3A_322 = tpu.vector_load %get3A_320[%get3A_321] {strides = array<i32>} : memref<128xi32, #tpu.memory_space<vmem>>, vector<16xi32>,
        %bitcast3A_323 = vector.bitcast %get3A_322 : vector<16xi32> to vector<32xbf16>
        %add3A_324 = arith.addf %bitcast3A_323, %mul3A_317 : vector<32xbf16>
        %bitcast3A_325 = vector.bitcast %add3A_324 : vector<32xbf16> to vector<16xi32>
        %swap3A_326 = arith.constant 0 : i32
        %swap3A_327 = tpu.memref_slice %arg13[%squeeze3A_310, %swap3A_326] : memref<321x128xi32, #tpu.memory_space<vmem>> -> memref<1x128xi32, #tpu.memory_space<vmem>>
        %swap3A_328 = tpu.memref_squeeze %swap3A_327 : memref<1x128xi32, #tpu.memory_space<vmem>> -> memref<128xi32, #tpu.memory_space<vmem>>
        %swap3A_329 = arith.constant 0 : index
        %swap3A_330 = tpu.vector_load %swap3A_328[%swap3A_329] {strides = array<i32>} : memref<128xi32, #tpu.memory_space<vmem>>, vector<16xi32>,
        tpu.vector_store %swap3A_328[%swap3A_329], %bitcast3A_325 {strides = array<i32>} : memref<128xi32, #tpu.memory_space<vmem>>, vector<16xi32>,
        %get3A_331 = arith.constant 0 : i32
        %get3A_332 = tpu.memref_slice %arg11[%scan3A_291, %get3A_331] : memref<128x128xi32, #tpu.memory_space<vmem>> -> memref<1x128xi32, #tpu.memory_space<vmem>>
        %get3A_333 = tpu.memref_squeeze %get3A_332 : memref<1x128xi32, #tpu.memory_space<vmem>> -> memref<128xi32, #tpu.memory_space<vmem>>
        %get3A_334 = arith.constant 16 : index
        %get3A_335 = tpu.vector_load %get3A_333[%get3A_334] {strides = array<i32>} : memref<128xi32, #tpu.memory_space<vmem>>, vector<16xi32>,
        %bitcast3A_336 = vector.bitcast %get3A_335 : vector<16xi32> to vector<32xbf16>
        %mul3A_337 = arith.mulf %bitcast3A_336, %bitcast3A_305 : vector<32xbf16>
        %get3A_338 = arith.constant 0 : i32
        %get3A_339 = tpu.memref_slice %arg13[%squeeze3A_310, %get3A_338] : memref<321x128xi32, #tpu.memory_space<vmem>> -> memref<1x128xi32, #tpu.memory_space<vmem>>
        %get3A_340 = tpu.memref_squeeze %get3A_339 : memref<1x128xi32, #tpu.memory_space<vmem>> -> memref<128xi32, #tpu.memory_space<vmem>>
        %get3A_341 = arith.constant 16 : index
        %get3A_342 = tpu.vector_load %get3A_340[%get3A_341] {strides = array<i32>} : memref<128xi32, #tpu.memory_space<vmem>>, vector<16xi32>,
        %bitcast3A_343 = vector.bitcast %get3A_342 : vector<16xi32> to vector<32xbf16>
        %add3A_344 = arith.addf %bitcast3A_343, %mul3A_337 : vector<32xbf16>
        %bitcast3A_345 = vector.bitcast %add3A_344 : vector<32xbf16> to vector<16xi32>
        %swap3A_346 = arith.constant 0 : i32
        %swap3A_347 = tpu.memref_slice %arg13[%squeeze3A_310, %swap3A_346] : memref<321x128xi32, #tpu.memory_space<vmem>> -> memref<1x128xi32, #tpu.memory_space<vmem>>
        %swap3A_348 = tpu.memref_squeeze %swap3A_347 : memref<1x128xi32, #tpu.memory_space<vmem>> -> memref<128xi32, #tpu.memory_space<vmem>>
        %swap3A_349 = arith.constant 16 : index
        %swap3A_350 = tpu.vector_load %swap3A_348[%swap3A_349] {strides = array<i32>} : memref<128xi32, #tpu.memory_space<vmem>>, vector<16xi32>,
        tpu.vector_store %swap3A_348[%swap3A_349], %bitcast3A_345 {strides = array<i32>} : memref<128xi32, #tpu.memory_space<vmem>>, vector<16xi32>,
        %get3A_351 = arith.constant 0 : i32
        %get3A_352 = tpu.memref_slice %arg11[%scan3A_291, %get3A_351] : memref<128x128xi32, #tpu.memory_space<vmem>> -> memref<1x128xi32, #tpu.memory_space<vmem>>
        %get3A_353 = tpu.memref_squeeze %get3A_352 : memref<1x128xi32, #tpu.memory_space<vmem>> -> memref<128xi32, #tpu.memory_space<vmem>>
        %get3A_354 = arith.constant 32 : index
        %get3A_355 = tpu.vector_load %get3A_353[%get3A_354] {strides = array<i32>} : memref<128xi32, #tpu.memory_space<vmem>>, vector<16xi32>,
        %bitcast3A_356 = vector.bitcast %get3A_355 : vector<16xi32> to vector<32xbf16>
        %mul3A_357 = arith.mulf %bitcast3A_356, %bitcast3A_305 : vector<32xbf16>
        %get3A_358 = arith.constant 0 : i32
        %get3A_359 = tpu.memref_slice %arg13[%squeeze3A_310, %get3A_358] : memref<321x128xi32, #tpu.memory_space<vmem>> -> memref<1x128xi32, #tpu.memory_space<vmem>>
        %get3A_360 = tpu.memref_squeeze %get3A_359 : memref<1x128xi32, #tpu.memory_space<vmem>> -> memref<128xi32, #tpu.memory_space<vmem>>
        %get3A_361 = arith.constant 32 : index
        %get3A_362 = tpu.vector_load %get3A_360[%get3A_361] {strides = array<i32>} : memref<128xi32, #tpu.memory_space<vmem>>, vector<16xi32>,
        %bitcast3A_363 = vector.bitcast %get3A_362 : vector<16xi32> to vector<32xbf16>
        %add3A_364 = arith.addf %bitcast3A_363, %mul3A_357 : vector<32xbf16>
        %bitcast3A_365 = vector.bitcast %add3A_364 : vector<32xbf16> to vector<16xi32>
        %swap3A_366 = arith.constant 0 : i32
        %swap3A_367 = tpu.memref_slice %arg13[%squeeze3A_310, %swap3A_366] : memref<321x128xi32, #tpu.memory_space<vmem>> -> memref<1x128xi32, #tpu.memory_space<vmem>>
        %swap3A_368 = tpu.memref_squeeze %swap3A_367 : memref<1x128xi32, #tpu.memory_space<vmem>> -> memref<128xi32, #tpu.memory_space<vmem>>
        %swap3A_369 = arith.constant 32 : index
        %swap3A_370 = tpu.vector_load %swap3A_368[%swap3A_369] {strides = array<i32>} : memref<128xi32, #tpu.memory_space<vmem>>, vector<16xi32>,
        tpu.vector_store %swap3A_368[%swap3A_369], %bitcast3A_365 {strides = array<i32>} : memref<128xi32, #tpu.memory_space<vmem>>, vector<16xi32>,
        %get3A_371 = arith.constant 0 : i32
        %get3A_372 = tpu.memref_slice %arg11[%scan3A_291, %get3A_371] : memref<128x128xi32, #tpu.memory_space<vmem>> -> memref<1x128xi32, #tpu.memory_space<vmem>>
        %get3A_373 = tpu.memref_squeeze %get3A_372 : memref<1x128xi32, #tpu.memory_space<vmem>> -> memref<128xi32, #tpu.memory_space<vmem>>
        %get3A_374 = arith.constant 48 : index
        %get3A_375 = tpu.vector_load %get3A_373[%get3A_374] {strides = array<i32>} : memref<128xi32, #tpu.memory_space<vmem>>, vector<16xi32>,
        %bitcast3A_376 = vector.bitcast %get3A_375 : vector<16xi32> to vector<32xbf16>
        %mul3A_377 = arith.mulf %bitcast3A_376, %bitcast3A_305 : vector<32xbf16>
        %get3A_378 = arith.constant 0 : i32
        %get3A_379 = tpu.memref_slice %arg13[%squeeze3A_310, %get3A_378] : memref<321x128xi32, #tpu.memory_space<vmem>> -> memref<1x128xi32, #tpu.memory_space<vmem>>
        %get3A_380 = tpu.memref_squeeze %get3A_379 : memref<1x128xi32, #tpu.memory_space<vmem>> -> memref<128xi32, #tpu.memory_space<vmem>>
        %get3A_381 = arith.constant 48 : index
        %get3A_382 = tpu.vector_load %get3A_380[%get3A_381] {strides = array<i32>} : memref<128xi32, #tpu.memory_space<vmem>>, vector<16xi32>,
        %bitcast3A_383 = vector.bitcast %get3A_382 : vector<16xi32> to vector<32xbf16>
        %add3A_384 = arith.addf %bitcast3A_383, %mul3A_377 : vector<32xbf16>
        %bitcast3A_385 = vector.bitcast %add3A_384 : vector<32xbf16> to vector<16xi32>
        %swap3A_386 = arith.constant 0 : i32
        %swap3A_387 = tpu.memref_slice %arg13[%squeeze3A_310, %swap3A_386] : memref<321x128xi32, #tpu.memory_space<vmem>> -> memref<1x128xi32, #tpu.memory_space<vmem>>
        %swap3A_388 = tpu.memref_squeeze %swap3A_387 : memref<1x128xi32, #tpu.memory_space<vmem>> -> memref<128xi32, #tpu.memory_space<vmem>>
        %swap3A_389 = arith.constant 48 : index
        %swap3A_390 = tpu.vector_load %swap3A_388[%swap3A_389] {strides = array<i32>} : memref<128xi32, #tpu.memory_space<vmem>>, vector<16xi32>,
        tpu.vector_store %swap3A_388[%swap3A_389], %bitcast3A_385 {strides = array<i32>} : memref<128xi32, #tpu.memory_space<vmem>>, vector<16xi32>,
        %get3A_391 = arith.constant 0 : i32
        %get3A_392 = tpu.memref_slice %arg11[%scan3A_291, %get3A_391] : memref<128x128xi32, #tpu.memory_space<vmem>> -> memref<1x128xi32, #tpu.memory_space<vmem>>
        %get3A_393 = tpu.memref_squeeze %get3A_392 : memref<1x128xi32, #tpu.memory_space<vmem>> -> memref<128xi32, #tpu.memory_space<vmem>>
        %get3A_394 = arith.constant 64 : index
        %get3A_395 = tpu.vector_load %get3A_393[%get3A_394] {strides = array<i32>} : memref<128xi32, #tpu.memory_space<vmem>>, vector<16xi32>,
        %bitcast3A_396 = vector.bitcast %get3A_395 : vector<16xi32> to vector<32xbf16>
        %mul3A_397 = arith.mulf %bitcast3A_396, %bitcast3A_305 : vector<32xbf16>
        %get3A_398 = arith.constant 0 : i32
        %get3A_399 = tpu.memref_slice %arg13[%squeeze3A_310, %get3A_398] : memref<321x128xi32, #tpu.memory_space<vmem>> -> memref<1x128xi32, #tpu.memory_space<vmem>>
        %get3A_400 = tpu.memref_squeeze %get3A_399 : memref<1x128xi32, #tpu.memory_space<vmem>> -> memref<128xi32, #tpu.memory_space<vmem>>
        %get3A_401 = arith.constant 64 : index
        %get3A_402 = tpu.vector_load %get3A_400[%get3A_401] {strides = array<i32>} : memref<128xi32, #tpu.memory_space<vmem>>, vector<16xi32>,
        %bitcast3A_403 = vector.bitcast %get3A_402 : vector<16xi32> to vector<32xbf16>
        %add3A_404 = arith.addf %bitcast3A_403, %mul3A_397 : vector<32xbf16>
        %bitcast3A_405 = vector.bitcast %add3A_404 : vector<32xbf16> to vector<16xi32>
        %swap3A_406 = arith.constant 0 : i32
        %swap3A_407 = tpu.memref_slice %arg13[%squeeze3A_310, %swap3A_406] : memref<321x128xi32, #tpu.memory_space<vmem>> -> memref<1x128xi32, #tpu.memory_space<vmem>>
        %swap3A_408 = tpu.memref_squeeze %swap3A_407 : memref<1x128xi32, #tpu.memory_space<vmem>> -> memref<128xi32, #tpu.memory_space<vmem>>
        %swap3A_409 = arith.constant 64 : index
        %swap3A_410 = tpu.vector_load %swap3A_408[%swap3A_409] {strides = array<i32>} : memref<128xi32, #tpu.memory_space<vmem>>, vector<16xi32>,
        tpu.vector_store %swap3A_408[%swap3A_409], %bitcast3A_405 {strides = array<i32>} : memref<128xi32, #tpu.memory_space<vmem>>, vector<16xi32>,
        %get3A_411 = arith.constant 0 : i32
        %get3A_412 = tpu.memref_slice %arg11[%scan3A_291, %get3A_411] : memref<128x128xi32, #tpu.memory_space<vmem>> -> memref<1x128xi32, #tpu.memory_space<vmem>>
        %get3A_413 = tpu.memref_squeeze %get3A_412 : memref<1x128xi32, #tpu.memory_space<vmem>> -> memref<128xi32, #tpu.memory_space<vmem>>
        %get3A_414 = arith.constant 80 : index
        %get3A_415 = tpu.vector_load %get3A_413[%get3A_414] {strides = array<i32>} : memref<128xi32, #tpu.memory_space<vmem>>, vector<16xi32>,
        %bitcast3A_416 = vector.bitcast %get3A_415 : vector<16xi32> to vector<32xbf16>
        %mul3A_417 = arith.mulf %bitcast3A_416, %bitcast3A_305 : vector<32xbf16>
        %get3A_418 = arith.constant 0 : i32
        %get3A_419 = tpu.memref_slice %arg13[%squeeze3A_310, %get3A_418] : memref<321x128xi32, #tpu.memory_space<vmem>> -> memref<1x128xi32, #tpu.memory_space<vmem>>
        %get3A_420 = tpu.memref_squeeze %get3A_419 : memref<1x128xi32, #tpu.memory_space<vmem>> -> memref<128xi32, #tpu.memory_space<vmem>>
        %get3A_421 = arith.constant 80 : index
        %get3A_422 = tpu.vector_load %get3A_420[%get3A_421] {strides = array<i32>} : memref<128xi32, #tpu.memory_space<vmem>>, vector<16xi32>,
        %bitcast3A_423 = vector.bitcast %get3A_422 : vector<16xi32> to vector<32xbf16>
        %add3A_424 = arith.addf %bitcast3A_423, %mul3A_417 : vector<32xbf16>
        %bitcast3A_425 = vector.bitcast %add3A_424 : vector<32xbf16> to vector<16xi32>
        %swap3A_426 = arith.constant 0 : i32
        %swap3A_427 = tpu.memref_slice %arg13[%squeeze3A_310, %swap3A_426] : memref<321x128xi32, #tpu.memory_space<vmem>> -> memref<1x128xi32, #tpu.memory_space<vmem>>
        %swap3A_428 = tpu.memref_squeeze %swap3A_427 : memref<1x128xi32, #tpu.memory_space<vmem>> -> memref<128xi32, #tpu.memory_space<vmem>>
        %swap3A_429 = arith.constant 80 : index
        %swap3A_430 = tpu.vector_load %swap3A_428[%swap3A_429] {strides = array<i32>} : memref<128xi32, #tpu.memory_space<vmem>>, vector<16xi32>,
        tpu.vector_store %swap3A_428[%swap3A_429], %bitcast3A_425 {strides = array<i32>} : memref<128xi32, #tpu.memory_space<vmem>>, vector<16xi32>,
        %get3A_431 = arith.constant 0 : i32
        %get3A_432 = tpu.memref_slice %arg11[%scan3A_291, %get3A_431] : memref<128x128xi32, #tpu.memory_space<vmem>> -> memref<1x128xi32, #tpu.memory_space<vmem>>
        %get3A_433 = tpu.memref_squeeze %get3A_432 : memref<1x128xi32, #tpu.memory_space<vmem>> -> memref<128xi32, #tpu.memory_space<vmem>>
        %get3A_434 = arith.constant 96 : index
        %get3A_435 = tpu.vector_load %get3A_433[%get3A_434] {strides = array<i32>} : memref<128xi32, #tpu.memory_space<vmem>>, vector<16xi32>,
        %bitcast3A_436 = vector.bitcast %get3A_435 : vector<16xi32> to vector<32xbf16>
        %mul3A_437 = arith.mulf %bitcast3A_436, %bitcast3A_305 : vector<32xbf16>
        %get3A_438 = arith.constant 0 : i32
        %get3A_439 = tpu.memref_slice %arg13[%squeeze3A_310, %get3A_438] : memref<321x128xi32, #tpu.memory_space<vmem>> -> memref<1x128xi32, #tpu.memory_space<vmem>>
        %get3A_440 = tpu.memref_squeeze %get3A_439 : memref<1x128xi32, #tpu.memory_space<vmem>> -> memref<128xi32, #tpu.memory_space<vmem>>
        %get3A_441 = arith.constant 96 : index
        %get3A_442 = tpu.vector_load %get3A_440[%get3A_441] {strides = array<i32>} : memref<128xi32, #tpu.memory_space<vmem>>, vector<16xi32>,
        %bitcast3A_443 = vector.bitcast %get3A_442 : vector<16xi32> to vector<32xbf16>
        %add3A_444 = arith.addf %bitcast3A_443, %mul3A_437 : vector<32xbf16>
        %bitcast3A_445 = vector.bitcast %add3A_444 : vector<32xbf16> to vector<16xi32>
        %swap3A_446 = arith.constant 0 : i32
        %swap3A_447 = tpu.memref_slice %arg13[%squeeze3A_310, %swap3A_446] : memref<321x128xi32, #tpu.memory_space<vmem>> -> memref<1x128xi32, #tpu.memory_space<vmem>>
        %swap3A_448 = tpu.memref_squeeze %swap3A_447 : memref<1x128xi32, #tpu.memory_space<vmem>> -> memref<128xi32, #tpu.memory_space<vmem>>
        %swap3A_449 = arith.constant 96 : index
        %swap3A_450 = tpu.vector_load %swap3A_448[%swap3A_449] {strides = array<i32>} : memref<128xi32, #tpu.memory_space<vmem>>, vector<16xi32>,
        tpu.vector_store %swap3A_448[%swap3A_449], %bitcast3A_445 {strides = array<i32>} : memref<128xi32, #tpu.memory_space<vmem>>, vector<16xi32>,
        %get3A_451 = arith.constant 0 : i32
        %get3A_452 = tpu.memref_slice %arg11[%scan3A_291, %get3A_451] : memref<128x128xi32, #tpu.memory_space<vmem>> -> memref<1x128xi32, #tpu.memory_space<vmem>>
        %get3A_453 = tpu.memref_squeeze %get3A_452 : memref<1x128xi32, #tpu.memory_space<vmem>> -> memref<128xi32, #tpu.memory_space<vmem>>
        %get3A_454 = arith.constant 112 : index
        %get3A_455 = tpu.vector_load %get3A_453[%get3A_454] {strides = array<i32>} : memref<128xi32, #tpu.memory_space<vmem>>, vector<16xi32>,
        %bitcast3A_456 = vector.bitcast %get3A_455 : vector<16xi32> to vector<32xbf16>
        %mul3A_457 = arith.mulf %bitcast3A_456, %bitcast3A_305 : vector<32xbf16>
        %get3A_458 = arith.constant 0 : i32
        %get3A_459 = tpu.memref_slice %arg13[%squeeze3A_310, %get3A_458] : memref<321x128xi32, #tpu.memory_space<vmem>> -> memref<1x128xi32, #tpu.memory_space<vmem>>
        %get3A_460 = tpu.memref_squeeze %get3A_459 : memref<1x128xi32, #tpu.memory_space<vmem>> -> memref<128xi32, #tpu.memory_space<vmem>>
        %get3A_461 = arith.constant 112 : index
        %get3A_462 = tpu.vector_load %get3A_460[%get3A_461] {strides = array<i32>} : memref<128xi32, #tpu.memory_space<vmem>>, vector<16xi32>,
        %bitcast3A_463 = vector.bitcast %get3A_462 : vector<16xi32> to vector<32xbf16>
        %add3A_464 = arith.addf %bitcast3A_463, %mul3A_457 : vector<32xbf16>
        %bitcast3A_465 = vector.bitcast %add3A_464 : vector<32xbf16> to vector<16xi32>
        %swap3A_466 = arith.constant 0 : i32
        %swap3A_467 = tpu.memref_slice %arg13[%squeeze3A_310, %swap3A_466] : memref<321x128xi32, #tpu.memory_space<vmem>> -> memref<1x128xi32, #tpu.memory_space<vmem>>
        %swap3A_468 = tpu.memref_squeeze %swap3A_467 : memref<1x128xi32, #tpu.memory_space<vmem>> -> memref<128xi32, #tpu.memory_space<vmem>>
        %swap3A_469 = arith.constant 112 : index
        %swap3A_470 = tpu.vector_load %swap3A_468[%swap3A_469] {strides = array<i32>} : memref<128xi32, #tpu.memory_space<vmem>>, vector<16xi32>,
        tpu.vector_store %swap3A_468[%swap3A_469], %bitcast3A_465 {strides = array<i32>} : memref<128xi32, #tpu.memory_space<vmem>>, vector<16xi32>,
        %scan3A_471 = arith.constant 2 : i32
        %scan3A_472 = arith.addi %scan3A_113, %scan3A_471 : i32
        %add3A_473 = arith.addi %mul3A_98, %scan3A_472 : i32
        %get3A_474 = arith.index_cast %add3A_473 : i32 to index
        %get3A_475 = tpu.vector_load %arg9[%get3A_474] {strides = array<i32>} : memref<8208xi32, #tpu.memory_space<vmem>>, vector<16xi32>,
        %lt3A_476 = arith.constant 0 : i32
        %lt3A_477 = vector.broadcast %lt3A_476 : i32 to vector<16xi32>
        %lt3A_478 = arith.cmpi slt, %broadcast_in_dim3A_100, %lt3A_477 : vector<16xi32>
        %add3A_479 = arith.constant 16 : i32
        %add3A_480 = vector.broadcast %add3A_479 : i32 to vector<16xi32>
        %add3A_481 = arith.addi %broadcast_in_dim3A_100, %add3A_480 : vector<16xi32>
        %select_n3A_482 = arith.select %lt3A_478, %add3A_481, %broadcast_in_dim3A_100 : vector<16xi1>, vector<16xi32>
        %broadcast_in_dim3A_483 = vector.shape_cast %select_n3A_482 : vector<16xi32> to vector<16x1xi32>
        %gather3A_484 = vector.shape_cast %broadcast_in_dim3A_483 : vector<16x1xi32> to vector<16xi32>
        %gather3A_485 = tpu.dynamic_gather %get3A_475[%gather3A_484] in [0] : vector<16xi32>, vector<16xi32> -> vector<16xi32>
        %bitcast3A_486 = vector.bitcast %gather3A_485 : vector<16xi32> to vector<32xbf16>
        %add3A_487 = arith.addi %mul3A_98, %scan3A_472 : i32
        %get3A_488 = arith.index_cast %add3A_487 : i32 to index
        %get3A_489 = tpu.vector_load %arg10[%get3A_488] {strides = array<i32>} : memref<8208xi32, #tpu.memory_space<vmem>>, vector<16xi32>,
        %slice3A_490 = vector.extract_strided_slice %get3A_489 {offsets = [0], sizes = [1], strides = [1]} : vector<16xi32> to vector<1xi32>
        %squeeze3A_491 = vector.extract %slice3A_490[0] : i32 from vector<1xi32>
        %get3A_492 = arith.constant 0 : i32
        %get3A_493 = tpu.memref_slice %arg11[%scan3A_472, %get3A_492] : memref<128x128xi32, #tpu.memory_space<vmem>> -> memref<1x128xi32, #tpu.memory_space<vmem>>
        %get3A_494 = tpu.memref_squeeze %get3A_493 : memref<1x128xi32, #tpu.memory_space<vmem>> -> memref<128xi32, #tpu.memory_space<vmem>>
        %get3A_495 = arith.constant 0 : index
        %get3A_496 = tpu.vector_load %get3A_494[%get3A_495] {strides = array<i32>} : memref<128xi32, #tpu.memory_space<vmem>>, vector<16xi32>,
        %bitcast3A_497 = vector.bitcast %get3A_496 : vector<16xi32> to vector<32xbf16>
        %mul3A_498 = arith.mulf %bitcast3A_497, %bitcast3A_486 : vector<32xbf16>
        %get3A_499 = arith.constant 0 : i32
        %get3A_500 = tpu.memref_slice %arg13[%squeeze3A_491, %get3A_499] : memref<321x128xi32, #tpu.memory_space<vmem>> -> memref<1x128xi32, #tpu.memory_space<vmem>>
        %get3A_501 = tpu.memref_squeeze %get3A_500 : memref<1x128xi32, #tpu.memory_space<vmem>> -> memref<128xi32, #tpu.memory_space<vmem>>
        %get3A_502 = arith.constant 0 : index
        %get3A_503 = tpu.vector_load %get3A_501[%get3A_502] {strides = array<i32>} : memref<128xi32, #tpu.memory_space<vmem>>, vector<16xi32>,
        %bitcast3A_504 = vector.bitcast %get3A_503 : vector<16xi32> to vector<32xbf16>
        %add3A_505 = arith.addf %bitcast3A_504, %mul3A_498 : vector<32xbf16>
        %bitcast3A_506 = vector.bitcast %add3A_505 : vector<32xbf16> to vector<16xi32>
        %swap3A_507 = arith.constant 0 : i32
        %swap3A_508 = tpu.memref_slice %arg13[%squeeze3A_491, %swap3A_507] : memref<321x128xi32, #tpu.memory_space<vmem>> -> memref<1x128xi32, #tpu.memory_space<vmem>>
        %swap3A_509 = tpu.memref_squeeze %swap3A_508 : memref<1x128xi32, #tpu.memory_space<vmem>> -> memref<128xi32, #tpu.memory_space<vmem>>
        %swap3A_510 = arith.constant 0 : index
        %swap3A_511 = tpu.vector_load %swap3A_509[%swap3A_510] {strides = array<i32>} : memref<128xi32, #tpu.memory_space<vmem>>, vector<16xi32>,
        tpu.vector_store %swap3A_509[%swap3A_510], %bitcast3A_506 {strides = array<i32>} : memref<128xi32, #tpu.memory_space<vmem>>, vector<16xi32>,
        %get3A_512 = arith.constant 0 : i32
        %get3A_513 = tpu.memref_slice %arg11[%scan3A_472, %get3A_512] : memref<128x128xi32, #tpu.memory_space<vmem>> -> memref<1x128xi32, #tpu.memory_space<vmem>>
        %get3A_514 = tpu.memref_squeeze %get3A_513 : memref<1x128xi32, #tpu.memory_space<vmem>> -> memref<128xi32, #tpu.memory_space<vmem>>
        %get3A_515 = arith.constant 16 : index
        %get3A_516 = tpu.vector_load %get3A_514[%get3A_515] {strides = array<i32>} : memref<128xi32, #tpu.memory_space<vmem>>, vector<16xi32>,
        %bitcast3A_517 = vector.bitcast %get3A_516 : vector<16xi32> to vector<32xbf16>
        %mul3A_518 = arith.mulf %bitcast3A_517, %bitcast3A_486 : vector<32xbf16>
        %get3A_519 = arith.constant 0 : i32
        %get3A_520 = tpu.memref_slice %arg13[%squeeze3A_491, %get3A_519] : memref<321x128xi32, #tpu.memory_space<vmem>> -> memref<1x128xi32, #tpu.memory_space<vmem>>
        %get3A_521 = tpu.memref_squeeze %get3A_520 : memref<1x128xi32, #tpu.memory_space<vmem>> -> memref<128xi32, #tpu.memory_space<vmem>>
        %get3A_522 = arith.constant 16 : index
        %get3A_523 = tpu.vector_load %get3A_521[%get3A_522] {strides = array<i32>} : memref<128xi32, #tpu.memory_space<vmem>>, vector<16xi32>,
        %bitcast3A_524 = vector.bitcast %get3A_523 : vector<16xi32> to vector<32xbf16>
        %add3A_525 = arith.addf %bitcast3A_524, %mul3A_518 : vector<32xbf16>
        %bitcast3A_526 = vector.bitcast %add3A_525 : vector<32xbf16> to vector<16xi32>
        %swap3A_527 = arith.constant 0 : i32
        %swap3A_528 = tpu.memref_slice %arg13[%squeeze3A_491, %swap3A_527] : memref<321x128xi32, #tpu.memory_space<vmem>> -> memref<1x128xi32, #tpu.memory_space<vmem>>
        %swap3A_529 = tpu.memref_squeeze %swap3A_528 : memref<1x128xi32, #tpu.memory_space<vmem>> -> memref<128xi32, #tpu.memory_space<vmem>>
        %swap3A_530 = arith.constant 16 : index
        %swap3A_531 = tpu.vector_load %swap3A_529[%swap3A_530] {strides = array<i32>} : memref<128xi32, #tpu.memory_space<vmem>>, vector<16xi32>,
        tpu.vector_store %swap3A_529[%swap3A_530], %bitcast3A_526 {strides = array<i32>} : memref<128xi32, #tpu.memory_space<vmem>>, vector<16xi32>,
        %get3A_532 = arith.constant 0 : i32
        %get3A_533 = tpu.memref_slice %arg11[%scan3A_472, %get3A_532] : memref<128x128xi32, #tpu.memory_space<vmem>> -> memref<1x128xi32, #tpu.memory_space<vmem>>
        %get3A_534 = tpu.memref_squeeze %get3A_533 : memref<1x128xi32, #tpu.memory_space<vmem>> -> memref<128xi32, #tpu.memory_space<vmem>>
        %get3A_535 = arith.constant 32 : index
        %get3A_536 = tpu.vector_load %get3A_534[%get3A_535] {strides = array<i32>} : memref<128xi32, #tpu.memory_space<vmem>>, vector<16xi32>,
        %bitcast3A_537 = vector.bitcast %get3A_536 : vector<16xi32> to vector<32xbf16>
        %mul3A_538 = arith.mulf %bitcast3A_537, %bitcast3A_486 : vector<32xbf16>
        %get3A_539 = arith.constant 0 : i32
        %get3A_540 = tpu.memref_slice %arg13[%squeeze3A_491, %get3A_539] : memref<321x128xi32, #tpu.memory_space<vmem>> -> memref<1x128xi32, #tpu.memory_space<vmem>>
        %get3A_541 = tpu.memref_squeeze %get3A_540 : memref<1x128xi32, #tpu.memory_space<vmem>> -> memref<128xi32, #tpu.memory_space<vmem>>
        %get3A_542 = arith.constant 32 : index
        %get3A_543 = tpu.vector_load %get3A_541[%get3A_542] {strides = array<i32>} : memref<128xi32, #tpu.memory_space<vmem>>, vector<16xi32>,
        %bitcast3A_544 = vector.bitcast %get3A_543 : vector<16xi32> to vector<32xbf16>
        %add3A_545 = arith.addf %bitcast3A_544, %mul3A_538 : vector<32xbf16>
        %bitcast3A_546 = vector.bitcast %add3A_545 : vector<32xbf16> to vector<16xi32>
        %swap3A_547 = arith.constant 0 : i32
        %swap3A_548 = tpu.memref_slice %arg13[%squeeze3A_491, %swap3A_547] : memref<321x128xi32, #tpu.memory_space<vmem>> -> memref<1x128xi32, #tpu.memory_space<vmem>>
        %swap3A_549 = tpu.memref_squeeze %swap3A_548 : memref<1x128xi32, #tpu.memory_space<vmem>> -> memref<128xi32, #tpu.memory_space<vmem>>
        %swap3A_550 = arith.constant 32 : index
        %swap3A_551 = tpu.vector_load %swap3A_549[%swap3A_550] {strides = array<i32>} : memref<128xi32, #tpu.memory_space<vmem>>, vector<16xi32>,
        tpu.vector_store %swap3A_549[%swap3A_550], %bitcast3A_546 {strides = array<i32>} : memref<128xi32, #tpu.memory_space<vmem>>, vector<16xi32>,
        %get3A_552 = arith.constant 0 : i32
        %get3A_553 = tpu.memref_slice %arg11[%scan3A_472, %get3A_552] : memref<128x128xi32, #tpu.memory_space<vmem>> -> memref<1x128xi32, #tpu.memory_space<vmem>>
        %get3A_554 = tpu.memref_squeeze %get3A_553 : memref<1x128xi32, #tpu.memory_space<vmem>> -> memref<128xi32, #tpu.memory_space<vmem>>
        %get3A_555 = arith.constant 48 : index
        %get3A_556 = tpu.vector_load %get3A_554[%get3A_555] {strides = array<i32>} : memref<128xi32, #tpu.memory_space<vmem>>, vector<16xi32>,
        %bitcast3A_557 = vector.bitcast %get3A_556 : vector<16xi32> to vector<32xbf16>
        %mul3A_558 = arith.mulf %bitcast3A_557, %bitcast3A_486 : vector<32xbf16>
        %get3A_559 = arith.constant 0 : i32
        %get3A_560 = tpu.memref_slice %arg13[%squeeze3A_491, %get3A_559] : memref<321x128xi32, #tpu.memory_space<vmem>> -> memref<1x128xi32, #tpu.memory_space<vmem>>
        %get3A_561 = tpu.memref_squeeze %get3A_560 : memref<1x128xi32, #tpu.memory_space<vmem>> -> memref<128xi32, #tpu.memory_space<vmem>>
        %get3A_562 = arith.constant 48 : index
        %get3A_563 = tpu.vector_load %get3A_561[%get3A_562] {strides = array<i32>} : memref<128xi32, #tpu.memory_space<vmem>>, vector<16xi32>,
        %bitcast3A_564 = vector.bitcast %get3A_563 : vector<16xi32> to vector<32xbf16>
        %add3A_565 = arith.addf %bitcast3A_564, %mul3A_558 : vector<32xbf16>
        %bitcast3A_566 = vector.bitcast %add3A_565 : vector<32xbf16> to vector<16xi32>
        %swap3A_567 = arith.constant 0 : i32
        %swap3A_568 = tpu.memref_slice %arg13[%squeeze3A_491, %swap3A_567] : memref<321x128xi32, #tpu.memory_space<vmem>> -> memref<1x128xi32, #tpu.memory_space<vmem>>
        %swap3A_569 = tpu.memref_squeeze %swap3A_568 : memref<1x128xi32, #tpu.memory_space<vmem>> -> memref<128xi32, #tpu.memory_space<vmem>>
        %swap3A_570 = arith.constant 48 : index
        %swap3A_571 = tpu.vector_load %swap3A_569[%swap3A_570] {strides = array<i32>} : memref<128xi32, #tpu.memory_space<vmem>>, vector<16xi32>,
        tpu.vector_store %swap3A_569[%swap3A_570], %bitcast3A_566 {strides = array<i32>} : memref<128xi32, #tpu.memory_space<vmem>>, vector<16xi32>,
        %get3A_572 = arith.constant 0 : i32
        %get3A_573 = tpu.memref_slice %arg11[%scan3A_472, %get3A_572] : memref<128x128xi32, #tpu.memory_space<vmem>> -> memref<1x128xi32, #tpu.memory_space<vmem>>
        %get3A_574 = tpu.memref_squeeze %get3A_573 : memref<1x128xi32, #tpu.memory_space<vmem>> -> memref<128xi32, #tpu.memory_space<vmem>>
        %get3A_575 = arith.constant 64 : index
        %get3A_576 = tpu.vector_load %get3A_574[%get3A_575] {strides = array<i32>} : memref<128xi32, #tpu.memory_space<vmem>>, vector<16xi32>,
        %bitcast3A_577 = vector.bitcast %get3A_576 : vector<16xi32> to vector<32xbf16>
        %mul3A_578 = arith.mulf %bitcast3A_577, %bitcast3A_486 : vector<32xbf16>
        %get3A_579 = arith.constant 0 : i32
        %get3A_580 = tpu.memref_slice %arg13[%squeeze3A_491, %get3A_579] : memref<321x128xi32, #tpu.memory_space<vmem>> -> memref<1x128xi32, #tpu.memory_space<vmem>>
        %get3A_581 = tpu.memref_squeeze %get3A_580 : memref<1x128xi32, #tpu.memory_space<vmem>> -> memref<128xi32, #tpu.memory_space<vmem>>
        %get3A_582 = arith.constant 64 : index
        %get3A_583 = tpu.vector_load %get3A_581[%get3A_582] {strides = array<i32>} : memref<128xi32, #tpu.memory_space<vmem>>, vector<16xi32>,
        %bitcast3A_584 = vector.bitcast %get3A_583 : vector<16xi32> to vector<32xbf16>
        %add3A_585 = arith.addf %bitcast3A_584, %mul3A_578 : vector<32xbf16>
        %bitcast3A_586 = vector.bitcast %add3A_585 : vector<32xbf16> to vector<16xi32>
        %swap3A_587 = arith.constant 0 : i32
        %swap3A_588 = tpu.memref_slice %arg13[%squeeze3A_491, %swap3A_587] : memref<321x128xi32, #tpu.memory_space<vmem>> -> memref<1x128xi32, #tpu.memory_space<vmem>>
        %swap3A_589 = tpu.memref_squeeze %swap3A_588 : memref<1x128xi32, #tpu.memory_space<vmem>> -> memref<128xi32, #tpu.memory_space<vmem>>
        %swap3A_590 = arith.constant 64 : index
        %swap3A_591 = tpu.vector_load %swap3A_589[%swap3A_590] {strides = array<i32>} : memref<128xi32, #tpu.memory_space<vmem>>, vector<16xi32>,
        tpu.vector_store %swap3A_589[%swap3A_590], %bitcast3A_586 {strides = array<i32>} : memref<128xi32, #tpu.memory_space<vmem>>, vector<16xi32>,
        %get3A_592 = arith.constant 0 : i32
        %get3A_593 = tpu.memref_slice %arg11[%scan3A_472, %get3A_592] : memref<128x128xi32, #tpu.memory_space<vmem>> -> memref<1x128xi32, #tpu.memory_space<vmem>>
        %get3A_594 = tpu.memref_squeeze %get3A_593 : memref<1x128xi32, #tpu.memory_space<vmem>> -> memref<128xi32, #tpu.memory_space<vmem>>
        %get3A_595 = arith.constant 80 : index
        %get3A_596 = tpu.vector_load %get3A_594[%get3A_595] {strides = array<i32>} : memref<128xi32, #tpu.memory_space<vmem>>, vector<16xi32>,
        %bitcast3A_597 = vector.bitcast %get3A_596 : vector<16xi32> to vector<32xbf16>
        %mul3A_598 = arith.mulf %bitcast3A_597, %bitcast3A_486 : vector<32xbf16>
        %get3A_599 = arith.constant 0 : i32
        %get3A_600 = tpu.memref_slice %arg13[%squeeze3A_491, %get3A_599] : memref<321x128xi32, #tpu.memory_space<vmem>> -> memref<1x128xi32, #tpu.memory_space<vmem>>
        %get3A_601 = tpu.memref_squeeze %get3A_600 : memref<1x128xi32, #tpu.memory_space<vmem>> -> memref<128xi32, #tpu.memory_space<vmem>>
        %get3A_602 = arith.constant 80 : index
        %get3A_603 = tpu.vector_load %get3A_601[%get3A_602] {strides = array<i32>} : memref<128xi32, #tpu.memory_space<vmem>>, vector<16xi32>,
        %bitcast3A_604 = vector.bitcast %get3A_603 : vector<16xi32> to vector<32xbf16>
        %add3A_605 = arith.addf %bitcast3A_604, %mul3A_598 : vector<32xbf16>
        %bitcast3A_606 = vector.bitcast %add3A_605 : vector<32xbf16> to vector<16xi32>
        %swap3A_607 = arith.constant 0 : i32
        %swap3A_608 = tpu.memref_slice %arg13[%squeeze3A_491, %swap3A_607] : memref<321x128xi32, #tpu.memory_space<vmem>> -> memref<1x128xi32, #tpu.memory_space<vmem>>
        %swap3A_609 = tpu.memref_squeeze %swap3A_608 : memref<1x128xi32, #tpu.memory_space<vmem>> -> memref<128xi32, #tpu.memory_space<vmem>>
        %swap3A_610 = arith.constant 80 : index
        %swap3A_611 = tpu.vector_load %swap3A_609[%swap3A_610] {strides = array<i32>} : memref<128xi32, #tpu.memory_space<vmem>>, vector<16xi32>,
        tpu.vector_store %swap3A_609[%swap3A_610], %bitcast3A_606 {strides = array<i32>} : memref<128xi32, #tpu.memory_space<vmem>>, vector<16xi32>,
        %get3A_612 = arith.constant 0 : i32
        %get3A_613 = tpu.memref_slice %arg11[%scan3A_472, %get3A_612] : memref<128x128xi32, #tpu.memory_space<vmem>> -> memref<1x128xi32, #tpu.memory_space<vmem>>
        %get3A_614 = tpu.memref_squeeze %get3A_613 : memref<1x128xi32, #tpu.memory_space<vmem>> -> memref<128xi32, #tpu.memory_space<vmem>>
        %get3A_615 = arith.constant 96 : index
        %get3A_616 = tpu.vector_load %get3A_614[%get3A_615] {strides = array<i32>} : memref<128xi32, #tpu.memory_space<vmem>>, vector<16xi32>,
        %bitcast3A_617 = vector.bitcast %get3A_616 : vector<16xi32> to vector<32xbf16>
        %mul3A_618 = arith.mulf %bitcast3A_617, %bitcast3A_486 : vector<32xbf16>
        %get3A_619 = arith.constant 0 : i32
        %get3A_620 = tpu.memref_slice %arg13[%squeeze3A_491, %get3A_619] : memref<321x128xi32, #tpu.memory_space<vmem>> -> memref<1x128xi32, #tpu.memory_space<vmem>>
        %get3A_621 = tpu.memref_squeeze %get3A_620 : memref<1x128xi32, #tpu.memory_space<vmem>> -> memref<128xi32, #tpu.memory_space<vmem>>
        %get3A_622 = arith.constant 96 : index
        %get3A_623 = tpu.vector_load %get3A_621[%get3A_622] {strides = array<i32>} : memref<128xi32, #tpu.memory_space<vmem>>, vector<16xi32>,
        %bitcast3A_624 = vector.bitcast %get3A_623 : vector<16xi32> to vector<32xbf16>
        %add3A_625 = arith.addf %bitcast3A_624, %mul3A_618 : vector<32xbf16>
        %bitcast3A_626 = vector.bitcast %add3A_625 : vector<32xbf16> to vector<16xi32>
        %swap3A_627 = arith.constant 0 : i32
        %swap3A_628 = tpu.memref_slice %arg13[%squeeze3A_491, %swap3A_627] : memref<321x128xi32, #tpu.memory_space<vmem>> -> memref<1x128xi32, #tpu.memory_space<vmem>>
        %swap3A_629 = tpu.memref_squeeze %swap3A_628 : memref<1x128xi32, #tpu.memory_space<vmem>> -> memref<128xi32, #tpu.memory_space<vmem>>
        %swap3A_630 = arith.constant 96 : index
        %swap3A_631 = tpu.vector_load %swap3A_629[%swap3A_630] {strides = array<i32>} : memref<128xi32, #tpu.memory_space<vmem>>, vector<16xi32>,
        tpu.vector_store %swap3A_629[%swap3A_630], %bitcast3A_626 {strides = array<i32>} : memref<128xi32, #tpu.memory_space<vmem>>, vector<16xi32>,
        %get3A_632 = arith.constant 0 : i32
        %get3A_633 = tpu.memref_slice %arg11[%scan3A_472, %get3A_632] : memref<128x128xi32, #tpu.memory_space<vmem>> -> memref<1x128xi32, #tpu.memory_space<vmem>>
        %get3A_634 = tpu.memref_squeeze %get3A_633 : memref<1x128xi32, #tpu.memory_space<vmem>> -> memref<128xi32, #tpu.memory_space<vmem>>
        %get3A_635 = arith.constant 112 : index
        %get3A_636 = tpu.vector_load %get3A_634[%get3A_635] {strides = array<i32>} : memref<128xi32, #tpu.memory_space<vmem>>, vector<16xi32>,
        %bitcast3A_637 = vector.bitcast %get3A_636 : vector<16xi32> to vector<32xbf16>
        %mul3A_638 = arith.mulf %bitcast3A_637, %bitcast3A_486 : vector<32xbf16>
        %get3A_639 = arith.constant 0 : i32
        %get3A_640 = tpu.memref_slice %arg13[%squeeze3A_491, %get3A_639] : memref<321x128xi32, #tpu.memory_space<vmem>> -> memref<1x128xi32, #tpu.memory_space<vmem>>
        %get3A_641 = tpu.memref_squeeze %get3A_640 : memref<1x128xi32, #tpu.memory_space<vmem>> -> memref<128xi32, #tpu.memory_space<vmem>>
        %get3A_642 = arith.constant 112 : index
        %get3A_643 = tpu.vector_load %get3A_641[%get3A_642] {strides = array<i32>} : memref<128xi32, #tpu.memory_space<vmem>>, vector<16xi32>,
        %bitcast3A_644 = vector.bitcast %get3A_643 : vector<16xi32> to vector<32xbf16>
        %add3A_645 = arith.addf %bitcast3A_644, %mul3A_638 : vector<32xbf16>
        %bitcast3A_646 = vector.bitcast %add3A_645 : vector<32xbf16> to vector<16xi32>
        %swap3A_647 = arith.constant 0 : i32
        %swap3A_648 = tpu.memref_slice %arg13[%squeeze3A_491, %swap3A_647] : memref<321x128xi32, #tpu.memory_space<vmem>> -> memref<1x128xi32, #tpu.memory_space<vmem>>
        %swap3A_649 = tpu.memref_squeeze %swap3A_648 : memref<1x128xi32, #tpu.memory_space<vmem>> -> memref<128xi32, #tpu.memory_space<vmem>>
        %swap3A_650 = arith.constant 112 : index
        %swap3A_651 = tpu.vector_load %swap3A_649[%swap3A_650] {strides = array<i32>} : memref<128xi32, #tpu.memory_space<vmem>>, vector<16xi32>,
        tpu.vector_store %swap3A_649[%swap3A_650], %bitcast3A_646 {strides = array<i32>} : memref<128xi32, #tpu.memory_space<vmem>>, vector<16xi32>,
        %scan3A_652 = arith.constant 3 : i32
        %scan3A_653 = arith.addi %scan3A_113, %scan3A_652 : i32
        %add3A_654 = arith.addi %mul3A_98, %scan3A_653 : i32
        %get3A_655 = arith.index_cast %add3A_654 : i32 to index
        %get3A_656 = tpu.vector_load %arg9[%get3A_655] {strides = array<i32>} : memref<8208xi32, #tpu.memory_space<vmem>>, vector<16xi32>,
        %lt3A_657 = arith.constant 0 : i32
        %lt3A_658 = vector.broadcast %lt3A_657 : i32 to vector<16xi32>
        %lt3A_659 = arith.cmpi slt, %broadcast_in_dim3A_100, %lt3A_658 : vector<16xi32>
        %add3A_660 = arith.constant 16 : i32
        %add3A_661 = vector.broadcast %add3A_660 : i32 to vector<16xi32>
        %add3A_662 = arith.addi %broadcast_in_dim3A_100, %add3A_661 : vector<16xi32>
        %select_n3A_663 = arith.select %lt3A_659, %add3A_662, %broadcast_in_dim3A_100 : vector<16xi1>, vector<16xi32>
        %broadcast_in_dim3A_664 = vector.shape_cast %select_n3A_663 : vector<16xi32> to vector<16x1xi32>
        %gather3A_665 = vector.shape_cast %broadcast_in_dim3A_664 : vector<16x1xi32> to vector<16xi32>
        %gather3A_666 = tpu.dynamic_gather %get3A_656[%gather3A_665] in [0] : vector<16xi32>, vector<16xi32> -> vector<16xi32>
        %bitcast3A_667 = vector.bitcast %gather3A_666 : vector<16xi32> to vector<32xbf16>
        %add3A_668 = arith.addi %mul3A_98, %scan3A_653 : i32
        %get3A_669 = arith.index_cast %add3A_668 : i32 to index
        %get3A_670 = tpu.vector_load %arg10[%get3A_669] {strides = array<i32>} : memref<8208xi32, #tpu.memory_space<vmem>>, vector<16xi32>,
        %slice3A_671 = vector.extract_strided_slice %get3A_670 {offsets = [0], sizes = [1], strides = [1]} : vector<16xi32> to vector<1xi32>
        %squeeze3A_672 = vector.extract %slice3A_671[0] : i32 from vector<1xi32>
        %get3A_673 = arith.constant 0 : i32
        %get3A_674 = tpu.memref_slice %arg11[%scan3A_653, %get3A_673] : memref<128x128xi32, #tpu.memory_space<vmem>> -> memref<1x128xi32, #tpu.memory_space<vmem>>
        %get3A_675 = tpu.memref_squeeze %get3A_674 : memref<1x128xi32, #tpu.memory_space<vmem>> -> memref<128xi32, #tpu.memory_space<vmem>>
        %get3A_676 = arith.constant 0 : index
        %get3A_677 = tpu.vector_load %get3A_675[%get3A_676] {strides = array<i32>} : memref<128xi32, #tpu.memory_space<vmem>>, vector<16xi32>,
        %bitcast3A_678 = vector.bitcast %get3A_677 : vector<16xi32> to vector<32xbf16>
        %mul3A_679 = arith.mulf %bitcast3A_678, %bitcast3A_667 : vector<32xbf16>
        %get3A_680 = arith.constant 0 : i32
        %get3A_681 = tpu.memref_slice %arg13[%squeeze3A_672, %get3A_680] : memref<321x128xi32, #tpu.memory_space<vmem>> -> memref<1x128xi32, #tpu.memory_space<vmem>>
        %get3A_682 = tpu.memref_squeeze %get3A_681 : memref<1x128xi32, #tpu.memory_space<vmem>> -> memref<128xi32, #tpu.memory_space<vmem>>
        %get3A_683 = arith.constant 0 : index
        %get3A_684 = tpu.vector_load %get3A_682[%get3A_683] {strides = array<i32>} : memref<128xi32, #tpu.memory_space<vmem>>, vector<16xi32>,
        %bitcast3A_685 = vector.bitcast %get3A_684 : vector<16xi32> to vector<32xbf16>
        %add3A_686 = arith.addf %bitcast3A_685, %mul3A_679 : vector<32xbf16>
        %bitcast3A_687 = vector.bitcast %add3A_686 : vector<32xbf16> to vector<16xi32>
        %swap3A_688 = arith.constant 0 : i32
        %swap3A_689 = tpu.memref_slice %arg13[%squeeze3A_672, %swap3A_688] : memref<321x128xi32, #tpu.memory_space<vmem>> -> memref<1x128xi32, #tpu.memory_space<vmem>>
        %swap3A_690 = tpu.memref_squeeze %swap3A_689 : memref<1x128xi32, #tpu.memory_space<vmem>> -> memref<128xi32, #tpu.memory_space<vmem>>
        %swap3A_691 = arith.constant 0 : index
        %swap3A_692 = tpu.vector_load %swap3A_690[%swap3A_691] {strides = array<i32>} : memref<128xi32, #tpu.memory_space<vmem>>, vector<16xi32>,
        tpu.vector_store %swap3A_690[%swap3A_691], %bitcast3A_687 {strides = array<i32>} : memref<128xi32, #tpu.memory_space<vmem>>, vector<16xi32>,
        %get3A_693 = arith.constant 0 : i32
        %get3A_694 = tpu.memref_slice %arg11[%scan3A_653, %get3A_693] : memref<128x128xi32, #tpu.memory_space<vmem>> -> memref<1x128xi32, #tpu.memory_space<vmem>>
        %get3A_695 = tpu.memref_squeeze %get3A_694 : memref<1x128xi32, #tpu.memory_space<vmem>> -> memref<128xi32, #tpu.memory_space<vmem>>
        %get3A_696 = arith.constant 16 : index
        %get3A_697 = tpu.vector_load %get3A_695[%get3A_696] {strides = array<i32>} : memref<128xi32, #tpu.memory_space<vmem>>, vector<16xi32>,
        %bitcast3A_698 = vector.bitcast %get3A_697 : vector<16xi32> to vector<32xbf16>
        %mul3A_699 = arith.mulf %bitcast3A_698, %bitcast3A_667 : vector<32xbf16>
        %get3A_700 = arith.constant 0 : i32
        %get3A_701 = tpu.memref_slice %arg13[%squeeze3A_672, %get3A_700] : memref<321x128xi32, #tpu.memory_space<vmem>> -> memref<1x128xi32, #tpu.memory_space<vmem>>
        %get3A_702 = tpu.memref_squeeze %get3A_701 : memref<1x128xi32, #tpu.memory_space<vmem>> -> memref<128xi32, #tpu.memory_space<vmem>>
        %get3A_703 = arith.constant 16 : index
        %get3A_704 = tpu.vector_load %get3A_702[%get3A_703] {strides = array<i32>} : memref<128xi32, #tpu.memory_space<vmem>>, vector<16xi32>,
        %bitcast3A_705 = vector.bitcast %get3A_704 : vector<16xi32> to vector<32xbf16>
        %add3A_706 = arith.addf %bitcast3A_705, %mul3A_699 : vector<32xbf16>
        %bitcast3A_707 = vector.bitcast %add3A_706 : vector<32xbf16> to vector<16xi32>
        %swap3A_708 = arith.constant 0 : i32
        %swap3A_709 = tpu.memref_slice %arg13[%squeeze3A_672, %swap3A_708] : memref<321x128xi32, #tpu.memory_space<vmem>> -> memref<1x128xi32, #tpu.memory_space<vmem>>
        %swap3A_710 = tpu.memref_squeeze %swap3A_709 : memref<1x128xi32, #tpu.memory_space<vmem>> -> memref<128xi32, #tpu.memory_space<vmem>>
        %swap3A_711 = arith.constant 16 : index
        %swap3A_712 = tpu.vector_load %swap3A_710[%swap3A_711] {strides = array<i32>} : memref<128xi32, #tpu.memory_space<vmem>>, vector<16xi32>,
        tpu.vector_store %swap3A_710[%swap3A_711], %bitcast3A_707 {strides = array<i32>} : memref<128xi32, #tpu.memory_space<vmem>>, vector<16xi32>,
        %get3A_713 = arith.constant 0 : i32
        %get3A_714 = tpu.memref_slice %arg11[%scan3A_653, %get3A_713] : memref<128x128xi32, #tpu.memory_space<vmem>> -> memref<1x128xi32, #tpu.memory_space<vmem>>
        %get3A_715 = tpu.memref_squeeze %get3A_714 : memref<1x128xi32, #tpu.memory_space<vmem>> -> memref<128xi32, #tpu.memory_space<vmem>>
        %get3A_716 = arith.constant 32 : index
        %get3A_717 = tpu.vector_load %get3A_715[%get3A_716] {strides = array<i32>} : memref<128xi32, #tpu.memory_space<vmem>>, vector<16xi32>,
        %bitcast3A_718 = vector.bitcast %get3A_717 : vector<16xi32> to vector<32xbf16>
        %mul3A_719 = arith.mulf %bitcast3A_718, %bitcast3A_667 : vector<32xbf16>
        %get3A_720 = arith.constant 0 : i32
        %get3A_721 = tpu.memref_slice %arg13[%squeeze3A_672, %get3A_720] : memref<321x128xi32, #tpu.memory_space<vmem>> -> memref<1x128xi32, #tpu.memory_space<vmem>>
        %get3A_722 = tpu.memref_squeeze %get3A_721 : memref<1x128xi32, #tpu.memory_space<vmem>> -> memref<128xi32, #tpu.memory_space<vmem>>
        %get3A_723 = arith.constant 32 : index
        %get3A_724 = tpu.vector_load %get3A_722[%get3A_723] {strides = array<i32>} : memref<128xi32, #tpu.memory_space<vmem>>, vector<16xi32>,
        %bitcast3A_725 = vector.bitcast %get3A_724 : vector<16xi32> to vector<32xbf16>
        %add3A_726 = arith.addf %bitcast3A_725, %mul3A_719 : vector<32xbf16>
        %bitcast3A_727 = vector.bitcast %add3A_726 : vector<32xbf16> to vector<16xi32>
        %swap3A_728 = arith.constant 0 : i32
        %swap3A_729 = tpu.memref_slice %arg13[%squeeze3A_672, %swap3A_728] : memref<321x128xi32, #tpu.memory_space<vmem>> -> memref<1x128xi32, #tpu.memory_space<vmem>>
        %swap3A_730 = tpu.memref_squeeze %swap3A_729 : memref<1x128xi32, #tpu.memory_space<vmem>> -> memref<128xi32, #tpu.memory_space<vmem>>
        %swap3A_731 = arith.constant 32 : index
        %swap3A_732 = tpu.vector_load %swap3A_730[%swap3A_731] {strides = array<i32>} : memref<128xi32, #tpu.memory_space<vmem>>, vector<16xi32>,
        tpu.vector_store %swap3A_730[%swap3A_731], %bitcast3A_727 {strides = array<i32>} : memref<128xi32, #tpu.memory_space<vmem>>, vector<16xi32>,
        %get3A_733 = arith.constant 0 : i32
        %get3A_734 = tpu.memref_slice %arg11[%scan3A_653, %get3A_733] : memref<128x128xi32, #tpu.memory_space<vmem>> -> memref<1x128xi32, #tpu.memory_space<vmem>>
        %get3A_735 = tpu.memref_squeeze %get3A_734 : memref<1x128xi32, #tpu.memory_space<vmem>> -> memref<128xi32, #tpu.memory_space<vmem>>
        %get3A_736 = arith.constant 48 : index
        %get3A_737 = tpu.vector_load %get3A_735[%get3A_736] {strides = array<i32>} : memref<128xi32, #tpu.memory_space<vmem>>, vector<16xi32>,
        %bitcast3A_738 = vector.bitcast %get3A_737 : vector<16xi32> to vector<32xbf16>
        %mul3A_739 = arith.mulf %bitcast3A_738, %bitcast3A_667 : vector<32xbf16>
        %get3A_740 = arith.constant 0 : i32
        %get3A_741 = tpu.memref_slice %arg13[%squeeze3A_672, %get3A_740] : memref<321x128xi32, #tpu.memory_space<vmem>> -> memref<1x128xi32, #tpu.memory_space<vmem>>
        %get3A_742 = tpu.memref_squeeze %get3A_741 : memref<1x128xi32, #tpu.memory_space<vmem>> -> memref<128xi32, #tpu.memory_space<vmem>>
        %get3A_743 = arith.constant 48 : index
        %get3A_744 = tpu.vector_load %get3A_742[%get3A_743] {strides = array<i32>} : memref<128xi32, #tpu.memory_space<vmem>>, vector<16xi32>,
        %bitcast3A_745 = vector.bitcast %get3A_744 : vector<16xi32> to vector<32xbf16>
        %add3A_746 = arith.addf %bitcast3A_745, %mul3A_739 : vector<32xbf16>
        %bitcast3A_747 = vector.bitcast %add3A_746 : vector<32xbf16> to vector<16xi32>
        %swap3A_748 = arith.constant 0 : i32
        %swap3A_749 = tpu.memref_slice %arg13[%squeeze3A_672, %swap3A_748] : memref<321x128xi32, #tpu.memory_space<vmem>> -> memref<1x128xi32, #tpu.memory_space<vmem>>
        %swap3A_750 = tpu.memref_squeeze %swap3A_749 : memref<1x128xi32, #tpu.memory_space<vmem>> -> memref<128xi32, #tpu.memory_space<vmem>>
        %swap3A_751 = arith.constant 48 : index
        %swap3A_752 = tpu.vector_load %swap3A_750[%swap3A_751] {strides = array<i32>} : memref<128xi32, #tpu.memory_space<vmem>>, vector<16xi32>,
        tpu.vector_store %swap3A_750[%swap3A_751], %bitcast3A_747 {strides = array<i32>} : memref<128xi32, #tpu.memory_space<vmem>>, vector<16xi32>,
        %get3A_753 = arith.constant 0 : i32
        %get3A_754 = tpu.memref_slice %arg11[%scan3A_653, %get3A_753] : memref<128x128xi32, #tpu.memory_space<vmem>> -> memref<1x128xi32, #tpu.memory_space<vmem>>
        %get3A_755 = tpu.memref_squeeze %get3A_754 : memref<1x128xi32, #tpu.memory_space<vmem>> -> memref<128xi32, #tpu.memory_space<vmem>>
        %get3A_756 = arith.constant 64 : index
        %get3A_757 = tpu.vector_load %get3A_755[%get3A_756] {strides = array<i32>} : memref<128xi32, #tpu.memory_space<vmem>>, vector<16xi32>,
        %bitcast3A_758 = vector.bitcast %get3A_757 : vector<16xi32> to vector<32xbf16>
        %mul3A_759 = arith.mulf %bitcast3A_758, %bitcast3A_667 : vector<32xbf16>
        %get3A_760 = arith.constant 0 : i32
        %get3A_761 = tpu.memref_slice %arg13[%squeeze3A_672, %get3A_760] : memref<321x128xi32, #tpu.memory_space<vmem>> -> memref<1x128xi32, #tpu.memory_space<vmem>>
        %get3A_762 = tpu.memref_squeeze %get3A_761 : memref<1x128xi32, #tpu.memory_space<vmem>> -> memref<128xi32, #tpu.memory_space<vmem>>
        %get3A_763 = arith.constant 64 : index
        %get3A_764 = tpu.vector_load %get3A_762[%get3A_763] {strides = array<i32>} : memref<128xi32, #tpu.memory_space<vmem>>, vector<16xi32>,
        %bitcast3A_765 = vector.bitcast %get3A_764 : vector<16xi32> to vector<32xbf16>
        %add3A_766 = arith.addf %bitcast3A_765, %mul3A_759 : vector<32xbf16>
        %bitcast3A_767 = vector.bitcast %add3A_766 : vector<32xbf16> to vector<16xi32>
        %swap3A_768 = arith.constant 0 : i32
        %swap3A_769 = tpu.memref_slice %arg13[%squeeze3A_672, %swap3A_768] : memref<321x128xi32, #tpu.memory_space<vmem>> -> memref<1x128xi32, #tpu.memory_space<vmem>>
        %swap3A_770 = tpu.memref_squeeze %swap3A_769 : memref<1x128xi32, #tpu.memory_space<vmem>> -> memref<128xi32, #tpu.memory_space<vmem>>
        %swap3A_771 = arith.constant 64 : index
        %swap3A_772 = tpu.vector_load %swap3A_770[%swap3A_771] {strides = array<i32>} : memref<128xi32, #tpu.memory_space<vmem>>, vector<16xi32>,
        tpu.vector_store %swap3A_770[%swap3A_771], %bitcast3A_767 {strides = array<i32>} : memref<128xi32, #tpu.memory_space<vmem>>, vector<16xi32>,
        %get3A_773 = arith.constant 0 : i32
        %get3A_774 = tpu.memref_slice %arg11[%scan3A_653, %get3A_773] : memref<128x128xi32, #tpu.memory_space<vmem>> -> memref<1x128xi32, #tpu.memory_space<vmem>>
        %get3A_775 = tpu.memref_squeeze %get3A_774 : memref<1x128xi32, #tpu.memory_space<vmem>> -> memref<128xi32, #tpu.memory_space<vmem>>
        %get3A_776 = arith.constant 80 : index
        %get3A_777 = tpu.vector_load %get3A_775[%get3A_776] {strides = array<i32>} : memref<128xi32, #tpu.memory_space<vmem>>, vector<16xi32>,
        %bitcast3A_778 = vector.bitcast %get3A_777 : vector<16xi32> to vector<32xbf16>
        %mul3A_779 = arith.mulf %bitcast3A_778, %bitcast3A_667 : vector<32xbf16>
        %get3A_780 = arith.constant 0 : i32
        %get3A_781 = tpu.memref_slice %arg13[%squeeze3A_672, %get3A_780] : memref<321x128xi32, #tpu.memory_space<vmem>> -> memref<1x128xi32, #tpu.memory_space<vmem>>
        %get3A_782 = tpu.memref_squeeze %get3A_781 : memref<1x128xi32, #tpu.memory_space<vmem>> -> memref<128xi32, #tpu.memory_space<vmem>>
        %get3A_783 = arith.constant 80 : index
        %get3A_784 = tpu.vector_load %get3A_782[%get3A_783] {strides = array<i32>} : memref<128xi32, #tpu.memory_space<vmem>>, vector<16xi32>,
        %bitcast3A_785 = vector.bitcast %get3A_784 : vector<16xi32> to vector<32xbf16>
        %add3A_786 = arith.addf %bitcast3A_785, %mul3A_779 : vector<32xbf16>
        %bitcast3A_787 = vector.bitcast %add3A_786 : vector<32xbf16> to vector<16xi32>
        %swap3A_788 = arith.constant 0 : i32
        %swap3A_789 = tpu.memref_slice %arg13[%squeeze3A_672, %swap3A_788] : memref<321x128xi32, #tpu.memory_space<vmem>> -> memref<1x128xi32, #tpu.memory_space<vmem>>
        %swap3A_790 = tpu.memref_squeeze %swap3A_789 : memref<1x128xi32, #tpu.memory_space<vmem>> -> memref<128xi32, #tpu.memory_space<vmem>>
        %swap3A_791 = arith.constant 80 : index
        %swap3A_792 = tpu.vector_load %swap3A_790[%swap3A_791] {strides = array<i32>} : memref<128xi32, #tpu.memory_space<vmem>>, vector<16xi32>,
        tpu.vector_store %swap3A_790[%swap3A_791], %bitcast3A_787 {strides = array<i32>} : memref<128xi32, #tpu.memory_space<vmem>>, vector<16xi32>,
        %get3A_793 = arith.constant 0 : i32
        %get3A_794 = tpu.memref_slice %arg11[%scan3A_653, %get3A_793] : memref<128x128xi32, #tpu.memory_space<vmem>> -> memref<1x128xi32, #tpu.memory_space<vmem>>
        %get3A_795 = tpu.memref_squeeze %get3A_794 : memref<1x128xi32, #tpu.memory_space<vmem>> -> memref<128xi32, #tpu.memory_space<vmem>>
        %get3A_796 = arith.constant 96 : index
        %get3A_797 = tpu.vector_load %get3A_795[%get3A_796] {strides = array<i32>} : memref<128xi32, #tpu.memory_space<vmem>>, vector<16xi32>,
        %bitcast3A_798 = vector.bitcast %get3A_797 : vector<16xi32> to vector<32xbf16>
        %mul3A_799 = arith.mulf %bitcast3A_798, %bitcast3A_667 : vector<32xbf16>
        %get3A_800 = arith.constant 0 : i32
        %get3A_801 = tpu.memref_slice %arg13[%squeeze3A_672, %get3A_800] : memref<321x128xi32, #tpu.memory_space<vmem>> -> memref<1x128xi32, #tpu.memory_space<vmem>>
        %get3A_802 = tpu.memref_squeeze %get3A_801 : memref<1x128xi32, #tpu.memory_space<vmem>> -> memref<128xi32, #tpu.memory_space<vmem>>
        %get3A_803 = arith.constant 96 : index
        %get3A_804 = tpu.vector_load %get3A_802[%get3A_803] {strides = array<i32>} : memref<128xi32, #tpu.memory_space<vmem>>, vector<16xi32>,
        %bitcast3A_805 = vector.bitcast %get3A_804 : vector<16xi32> to vector<32xbf16>
        %add3A_806 = arith.addf %bitcast3A_805, %mul3A_799 : vector<32xbf16>
        %bitcast3A_807 = vector.bitcast %add3A_806 : vector<32xbf16> to vector<16xi32>
        %swap3A_808 = arith.constant 0 : i32
        %swap3A_809 = tpu.memref_slice %arg13[%squeeze3A_672, %swap3A_808] : memref<321x128xi32, #tpu.memory_space<vmem>> -> memref<1x128xi32, #tpu.memory_space<vmem>>
        %swap3A_810 = tpu.memref_squeeze %swap3A_809 : memref<1x128xi32, #tpu.memory_space<vmem>> -> memref<128xi32, #tpu.memory_space<vmem>>
        %swap3A_811 = arith.constant 96 : index
        %swap3A_812 = tpu.vector_load %swap3A_810[%swap3A_811] {strides = array<i32>} : memref<128xi32, #tpu.memory_space<vmem>>, vector<16xi32>,
        tpu.vector_store %swap3A_810[%swap3A_811], %bitcast3A_807 {strides = array<i32>} : memref<128xi32, #tpu.memory_space<vmem>>, vector<16xi32>,
        %get3A_813 = arith.constant 0 : i32
        %get3A_814 = tpu.memref_slice %arg11[%scan3A_653, %get3A_813] : memref<128x128xi32, #tpu.memory_space<vmem>> -> memref<1x128xi32, #tpu.memory_space<vmem>>
        %get3A_815 = tpu.memref_squeeze %get3A_814 : memref<1x128xi32, #tpu.memory_space<vmem>> -> memref<128xi32, #tpu.memory_space<vmem>>
        %get3A_816 = arith.constant 112 : index
        %get3A_817 = tpu.vector_load %get3A_815[%get3A_816] {strides = array<i32>} : memref<128xi32, #tpu.memory_space<vmem>>, vector<16xi32>,
        %bitcast3A_818 = vector.bitcast %get3A_817 : vector<16xi32> to vector<32xbf16>
        %mul3A_819 = arith.mulf %bitcast3A_818, %bitcast3A_667 : vector<32xbf16>
        %get3A_820 = arith.constant 0 : i32
        %get3A_821 = tpu.memref_slice %arg13[%squeeze3A_672, %get3A_820] : memref<321x128xi32, #tpu.memory_space<vmem>> -> memref<1x128xi32, #tpu.memory_space<vmem>>
        %get3A_822 = tpu.memref_squeeze %get3A_821 : memref<1x128xi32, #tpu.memory_space<vmem>> -> memref<128xi32, #tpu.memory_space<vmem>>
        %get3A_823 = arith.constant 112 : index
        %get3A_824 = tpu.vector_load %get3A_822[%get3A_823] {strides = array<i32>} : memref<128xi32, #tpu.memory_space<vmem>>, vector<16xi32>,
        %bitcast3A_825 = vector.bitcast %get3A_824 : vector<16xi32> to vector<32xbf16>
        %add3A_826 = arith.addf %bitcast3A_825, %mul3A_819 : vector<32xbf16>
        %bitcast3A_827 = vector.bitcast %add3A_826 : vector<32xbf16> to vector<16xi32>
        %swap3A_828 = arith.constant 0 : i32
        %swap3A_829 = tpu.memref_slice %arg13[%squeeze3A_672, %swap3A_828] : memref<321x128xi32, #tpu.memory_space<vmem>> -> memref<1x128xi32, #tpu.memory_space<vmem>>
        %swap3A_830 = tpu.memref_squeeze %swap3A_829 : memref<1x128xi32, #tpu.memory_space<vmem>> -> memref<128xi32, #tpu.memory_space<vmem>>
        %swap3A_831 = arith.constant 112 : index
        %swap3A_832 = tpu.vector_load %swap3A_830[%swap3A_831] {strides = array<i32>} : memref<128xi32, #tpu.memory_space<vmem>>, vector<16xi32>,
        tpu.vector_store %swap3A_830[%swap3A_831], %bitcast3A_827 {strides = array<i32>} : memref<128xi32, #tpu.memory_space<vmem>>, vector<16xi32>,
      }
      %scan3A_106 = arith.constant 128 : i32
      %add3A_107 = arith.constant 1 : i32
      %add3A_108 = arith.addi %add3A_84, %add3A_107 : i32
      %lt3A_109 = arith.cmpi slt, %add3A_108, %select_n3A : i32
      %convert_element_type3A_110 = arith.extui %lt3A_109 : i1 to i32
      %cond3A_111 = arith.constant 0 : i32
      %cond3A_112 = arith.cmpi ne, %convert_element_type3A_110, %cond3A_111 : i32
      scf.if %cond3A_112 {
        %add3A_113 = arith.constant 2 : i32
        %add3A_114 = arith.addi %add3A_84, %add3A_113 : i32
        %lt3A_115 = arith.cmpi slt, %add3A_114, %select_n3A : i32
        %convert_element_type3A_116 = arith.extui %lt3A_115 : i1 to i32
        %cond3A_117 = arith.constant 0 : i32
        %cond3A_118 = arith.cmpi ne, %convert_element_type3A_116, %cond3A_117 : i32
        scf.if %cond3A_118 {
          %add3A_137 = arith.constant 2 : i32
          %add3A_138 = arith.addi %add3A_84, %add3A_137 : i32
          %mul3A_139 = arith.constant 128 : i32
          %mul3A_140 = arith.muli %add3A_138, %mul3A_139 : i32
          %dma_start3A_141 = tpu.memref_slice %arg8[%mul3A_140] : memref<8192xi32, #tpu.memory_space<vmem>> -> memref<128xi32, #tpu.memory_space<vmem>>
          %dma_start3A_142 = arith.constant 0 : i32
          %dma_start3A_143 = arith.constant 0 : i32
          %dma_start3A_144 = tpu.memref_slice %arg2[%dma_start3A_142, %dma_start3A_143] : memref<80000x128xi32, #tpu.memory_space<hbm>> -> memref<80000x128xi32, #tpu.memory_space<hbm>>
          tpu.enqueue_indirect_dma source(%dma_start3A_144 : memref<80000x128xi32, #tpu.memory_space<hbm>>) target(%arg11 : memref<128x128xi32, #tpu.memory_space<vmem>>) offsets(%dma_start3A_141 : memref<128xi32, #tpu.memory_space<vmem>>) semaphore(%arg16 : memref<!tpu.dma_semaphore, #tpu.memory_space<semaphore_mem>>)
        } else {
        }
        %add3A_119 = arith.constant 1 : i32
        %add3A_120 = arith.addi %add3A_84, %add3A_119 : i32
        %mul3A_121 = arith.constant 128 : i32
        %mul3A_122 = arith.muli %add3A_120, %mul3A_121 : i32
        %dma_wait3A_123 = tpu.memref_slice %arg8[%mul3A_122] : memref<8192xi32, #tpu.memory_space<vmem>> -> memref<128xi32, #tpu.memory_space<vmem>>
        %dma_wait3A_124 = arith.constant 0 : i32
        %dma_wait3A_125 = arith.constant 0 : i32
        %dma_wait3A_126 = tpu.memref_slice %arg2[%dma_wait3A_124, %dma_wait3A_125] : memref<80000x128xi32, #tpu.memory_space<hbm>> -> memref<80000x128xi32, #tpu.memory_space<hbm>>
        tpu.wait_indirect_dma semaphore(%arg17 : memref<!tpu.dma_semaphore, #tpu.memory_space<semaphore_mem>>) src(%dma_wait3A_126 : memref<80000x128xi32, #tpu.memory_space<hbm>>) dst(%arg12 : memref<128x128xi32, #tpu.memory_space<vmem>>)
        %mul3A_127 = arith.constant 128 : i32
        %mul3A_128 = arith.muli %add3A_120, %mul3A_127 : i32
        %broadcast_in_dim3A_129 = arith.constant 0 : i32
        %broadcast_in_dim3A_130 = vector.broadcast %broadcast_in_dim3A_129 : i32 to vector<16xi32>
        %scan3A_131 = arith.constant 0 : i32
        %scan3A_132 = arith.constant 0 : i32
        %scan3A_133 = arith.constant 128 : i32
        %scan3A_134 = arith.addi %scan3A_132, %scan3A_133 : i32
        %scan3A_135 = arith.constant 4 : i32
        scf.for %scan3A_137 = %scan3A_132 to %scan3A_134 step %scan3A_135  : i32 {
          %add3A_138 = arith.addi %mul3A_128, %scan3A_137 : i32
          %get3A_139 = arith.index_cast %add3A_138 : i32 to index
          %get3A_140 = tpu.vector_load %arg9[%get3A_139] {strides = array<i32>} : memref<8208xi32, #tpu.memory_space<vmem>>, vector<16xi32>,
          %lt3A_141 = arith.constant 0 : i32
          %lt3A_142 = vector.broadcast %lt3A_141 : i32 to vector<16xi32>
          %lt3A_143 = arith.cmpi slt, %broadcast_in_dim3A_130, %lt3A_142 : vector<16xi32>
          %add3A_144 = arith.constant 16 : i32
          %add3A_145 = vector.broadcast %add3A_144 : i32 to vector<16xi32>
          %add3A_146 = arith.addi %broadcast_in_dim3A_130, %add3A_145 : vector<16xi32>
          %select_n3A_147 = arith.select %lt3A_143, %add3A_146, %broadcast_in_dim3A_130 : vector<16xi1>, vector<16xi32>
          %broadcast_in_dim3A_148 = vector.shape_cast %select_n3A_147 : vector<16xi32> to vector<16x1xi32>
          %gather3A = vector.shape_cast %broadcast_in_dim3A_148 : vector<16x1xi32> to vector<16xi32>
          %gather3A_149 = tpu.dynamic_gather %get3A_140[%gather3A] in [0] : vector<16xi32>, vector<16xi32> -> vector<16xi32>
          %bitcast3A = vector.bitcast %gather3A_149 : vector<16xi32> to vector<32xbf16>
          %add3A_150 = arith.addi %mul3A_128, %scan3A_137 : i32
          %get3A_151 = arith.index_cast %add3A_150 : i32 to index
          %get3A_152 = tpu.vector_load %arg10[%get3A_151] {strides = array<i32>} : memref<8208xi32, #tpu.memory_space<vmem>>, vector<16xi32>,
          %slice3A_153 = vector.extract_strided_slice %get3A_152 {offsets = [0], sizes = [1], strides = [1]} : vector<16xi32> to vector<1xi32>
          %squeeze3A_154 = vector.extract %slice3A_153[0] : i32 from vector<1xi32>
          %get3A_155 = arith.constant 0 : i32
          %get3A_156 = tpu.memref_slice %arg12[%scan3A_137, %get3A_155] : memref<128x128xi32, #tpu.memory_space<vmem>> -> memref<1x128xi32, #tpu.memory_space<vmem>>
          %get3A_157 = tpu.memref_squeeze %get3A_156 : memref<1x128xi32, #tpu.memory_space<vmem>> -> memref<128xi32, #tpu.memory_space<vmem>>
          %get3A_158 = arith.constant 0 : index
          %get3A_159 = tpu.vector_load %get3A_157[%get3A_158] {strides = array<i32>} : memref<128xi32, #tpu.memory_space<vmem>>, vector<16xi32>,
          %bitcast3A_160 = vector.bitcast %get3A_159 : vector<16xi32> to vector<32xbf16>
          %mul3A_161 = arith.mulf %bitcast3A_160, %bitcast3A : vector<32xbf16>
          %get3A_162 = arith.constant 0 : i32
          %get3A_163 = tpu.memref_slice %arg13[%squeeze3A_154, %get3A_162] : memref<321x128xi32, #tpu.memory_space<vmem>> -> memref<1x128xi32, #tpu.memory_space<vmem>>
          %get3A_164 = tpu.memref_squeeze %get3A_163 : memref<1x128xi32, #tpu.memory_space<vmem>> -> memref<128xi32, #tpu.memory_space<vmem>>
          %get3A_165 = arith.constant 0 : index
          %get3A_166 = tpu.vector_load %get3A_164[%get3A_165] {strides = array<i32>} : memref<128xi32, #tpu.memory_space<vmem>>, vector<16xi32>,
          %bitcast3A_167 = vector.bitcast %get3A_166 : vector<16xi32> to vector<32xbf16>
          %add3A_168 = arith.addf %bitcast3A_167, %mul3A_161 : vector<32xbf16>
          %bitcast3A_169 = vector.bitcast %add3A_168 : vector<32xbf16> to vector<16xi32>
          %swap3A = arith.constant 0 : i32
          %swap3A_170 = tpu.memref_slice %arg13[%squeeze3A_154, %swap3A] : memref<321x128xi32, #tpu.memory_space<vmem>> -> memref<1x128xi32, #tpu.memory_space<vmem>>
          %swap3A_171 = tpu.memref_squeeze %swap3A_170 : memref<1x128xi32, #tpu.memory_space<vmem>> -> memref<128xi32, #tpu.memory_space<vmem>>
          %swap3A_172 = arith.constant 0 : index
          %swap3A_173 = tpu.vector_load %swap3A_171[%swap3A_172] {strides = array<i32>} : memref<128xi32, #tpu.memory_space<vmem>>, vector<16xi32>,
          tpu.vector_store %swap3A_171[%swap3A_172], %bitcast3A_169 {strides = array<i32>} : memref<128xi32, #tpu.memory_space<vmem>>, vector<16xi32>,
          %get3A_174 = arith.constant 0 : i32
          %get3A_175 = tpu.memref_slice %arg12[%scan3A_137, %get3A_174] : memref<128x128xi32, #tpu.memory_space<vmem>> -> memref<1x128xi32, #tpu.memory_space<vmem>>
          %get3A_176 = tpu.memref_squeeze %get3A_175 : memref<1x128xi32, #tpu.memory_space<vmem>> -> memref<128xi32, #tpu.memory_space<vmem>>
          %get3A_177 = arith.constant 16 : index
          %get3A_178 = tpu.vector_load %get3A_176[%get3A_177] {strides = array<i32>} : memref<128xi32, #tpu.memory_space<vmem>>, vector<16xi32>,
          %bitcast3A_179 = vector.bitcast %get3A_178 : vector<16xi32> to vector<32xbf16>
          %mul3A_180 = arith.mulf %bitcast3A_179, %bitcast3A : vector<32xbf16>
          %get3A_181 = arith.constant 0 : i32
          %get3A_182 = tpu.memref_slice %arg13[%squeeze3A_154, %get3A_181] : memref<321x128xi32, #tpu.memory_space<vmem>> -> memref<1x128xi32, #tpu.memory_space<vmem>>
          %get3A_183 = tpu.memref_squeeze %get3A_182 : memref<1x128xi32, #tpu.memory_space<vmem>> -> memref<128xi32, #tpu.memory_space<vmem>>
          %get3A_184 = arith.constant 16 : index
          %get3A_185 = tpu.vector_load %get3A_183[%get3A_184] {strides = array<i32>} : memref<128xi32, #tpu.memory_space<vmem>>, vector<16xi32>,
          %bitcast3A_186 = vector.bitcast %get3A_185 : vector<16xi32> to vector<32xbf16>
          %add3A_187 = arith.addf %bitcast3A_186, %mul3A_180 : vector<32xbf16>
          %bitcast3A_188 = vector.bitcast %add3A_187 : vector<32xbf16> to vector<16xi32>
          %swap3A_189 = arith.constant 0 : i32
          %swap3A_190 = tpu.memref_slice %arg13[%squeeze3A_154, %swap3A_189] : memref<321x128xi32, #tpu.memory_space<vmem>> -> memref<1x128xi32, #tpu.memory_space<vmem>>
          %swap3A_191 = tpu.memref_squeeze %swap3A_190 : memref<1x128xi32, #tpu.memory_space<vmem>> -> memref<128xi32, #tpu.memory_space<vmem>>
          %swap3A_192 = arith.constant 16 : index
          %swap3A_193 = tpu.vector_load %swap3A_191[%swap3A_192] {strides = array<i32>} : memref<128xi32, #tpu.memory_space<vmem>>, vector<16xi32>,
          tpu.vector_store %swap3A_191[%swap3A_192], %bitcast3A_188 {strides = array<i32>} : memref<128xi32, #tpu.memory_space<vmem>>, vector<16xi32>,
          %get3A_194 = arith.constant 0 : i32
          %get3A_195 = tpu.memref_slice %arg12[%scan3A_137, %get3A_194] : memref<128x128xi32, #tpu.memory_space<vmem>> -> memref<1x128xi32, #tpu.memory_space<vmem>>
          %get3A_196 = tpu.memref_squeeze %get3A_195 : memref<1x128xi32, #tpu.memory_space<vmem>> -> memref<128xi32, #tpu.memory_space<vmem>>
          %get3A_197 = arith.constant 32 : index
          %get3A_198 = tpu.vector_load %get3A_196[%get3A_197] {strides = array<i32>} : memref<128xi32, #tpu.memory_space<vmem>>, vector<16xi32>,
          %bitcast3A_199 = vector.bitcast %get3A_198 : vector<16xi32> to vector<32xbf16>
          %mul3A_200 = arith.mulf %bitcast3A_199, %bitcast3A : vector<32xbf16>
          %get3A_201 = arith.constant 0 : i32
          %get3A_202 = tpu.memref_slice %arg13[%squeeze3A_154, %get3A_201] : memref<321x128xi32, #tpu.memory_space<vmem>> -> memref<1x128xi32, #tpu.memory_space<vmem>>
          %get3A_203 = tpu.memref_squeeze %get3A_202 : memref<1x128xi32, #tpu.memory_space<vmem>> -> memref<128xi32, #tpu.memory_space<vmem>>
          %get3A_204 = arith.constant 32 : index
          %get3A_205 = tpu.vector_load %get3A_203[%get3A_204] {strides = array<i32>} : memref<128xi32, #tpu.memory_space<vmem>>, vector<16xi32>,
          %bitcast3A_206 = vector.bitcast %get3A_205 : vector<16xi32> to vector<32xbf16>
          %add3A_207 = arith.addf %bitcast3A_206, %mul3A_200 : vector<32xbf16>
          %bitcast3A_208 = vector.bitcast %add3A_207 : vector<32xbf16> to vector<16xi32>
          %swap3A_209 = arith.constant 0 : i32
          %swap3A_210 = tpu.memref_slice %arg13[%squeeze3A_154, %swap3A_209] : memref<321x128xi32, #tpu.memory_space<vmem>> -> memref<1x128xi32, #tpu.memory_space<vmem>>
          %swap3A_211 = tpu.memref_squeeze %swap3A_210 : memref<1x128xi32, #tpu.memory_space<vmem>> -> memref<128xi32, #tpu.memory_space<vmem>>
          %swap3A_212 = arith.constant 32 : index
          %swap3A_213 = tpu.vector_load %swap3A_211[%swap3A_212] {strides = array<i32>} : memref<128xi32, #tpu.memory_space<vmem>>, vector<16xi32>,
          tpu.vector_store %swap3A_211[%swap3A_212], %bitcast3A_208 {strides = array<i32>} : memref<128xi32, #tpu.memory_space<vmem>>, vector<16xi32>,
          %get3A_214 = arith.constant 0 : i32
          %get3A_215 = tpu.memref_slice %arg12[%scan3A_137, %get3A_214] : memref<128x128xi32, #tpu.memory_space<vmem>> -> memref<1x128xi32, #tpu.memory_space<vmem>>
          %get3A_216 = tpu.memref_squeeze %get3A_215 : memref<1x128xi32, #tpu.memory_space<vmem>> -> memref<128xi32, #tpu.memory_space<vmem>>
          %get3A_217 = arith.constant 48 : index
          %get3A_218 = tpu.vector_load %get3A_216[%get3A_217] {strides = array<i32>} : memref<128xi32, #tpu.memory_space<vmem>>, vector<16xi32>,
          %bitcast3A_219 = vector.bitcast %get3A_218 : vector<16xi32> to vector<32xbf16>
          %mul3A_220 = arith.mulf %bitcast3A_219, %bitcast3A : vector<32xbf16>
          %get3A_221 = arith.constant 0 : i32
          %get3A_222 = tpu.memref_slice %arg13[%squeeze3A_154, %get3A_221] : memref<321x128xi32, #tpu.memory_space<vmem>> -> memref<1x128xi32, #tpu.memory_space<vmem>>
          %get3A_223 = tpu.memref_squeeze %get3A_222 : memref<1x128xi32, #tpu.memory_space<vmem>> -> memref<128xi32, #tpu.memory_space<vmem>>
          %get3A_224 = arith.constant 48 : index
          %get3A_225 = tpu.vector_load %get3A_223[%get3A_224] {strides = array<i32>} : memref<128xi32, #tpu.memory_space<vmem>>, vector<16xi32>,
          %bitcast3A_226 = vector.bitcast %get3A_225 : vector<16xi32> to vector<32xbf16>
          %add3A_227 = arith.addf %bitcast3A_226, %mul3A_220 : vector<32xbf16>
          %bitcast3A_228 = vector.bitcast %add3A_227 : vector<32xbf16> to vector<16xi32>
          %swap3A_229 = arith.constant 0 : i32
          %swap3A_230 = tpu.memref_slice %arg13[%squeeze3A_154, %swap3A_229] : memref<321x128xi32, #tpu.memory_space<vmem>> -> memref<1x128xi32, #tpu.memory_space<vmem>>
          %swap3A_231 = tpu.memref_squeeze %swap3A_230 : memref<1x128xi32, #tpu.memory_space<vmem>> -> memref<128xi32, #tpu.memory_space<vmem>>
          %swap3A_232 = arith.constant 48 : index
          %swap3A_233 = tpu.vector_load %swap3A_231[%swap3A_232] {strides = array<i32>} : memref<128xi32, #tpu.memory_space<vmem>>, vector<16xi32>,
          tpu.vector_store %swap3A_231[%swap3A_232], %bitcast3A_228 {strides = array<i32>} : memref<128xi32, #tpu.memory_space<vmem>>, vector<16xi32>,
          %get3A_234 = arith.constant 0 : i32
          %get3A_235 = tpu.memref_slice %arg12[%scan3A_137, %get3A_234] : memref<128x128xi32, #tpu.memory_space<vmem>> -> memref<1x128xi32, #tpu.memory_space<vmem>>
          %get3A_236 = tpu.memref_squeeze %get3A_235 : memref<1x128xi32, #tpu.memory_space<vmem>> -> memref<128xi32, #tpu.memory_space<vmem>>
          %get3A_237 = arith.constant 64 : index
          %get3A_238 = tpu.vector_load %get3A_236[%get3A_237] {strides = array<i32>} : memref<128xi32, #tpu.memory_space<vmem>>, vector<16xi32>,
          %bitcast3A_239 = vector.bitcast %get3A_238 : vector<16xi32> to vector<32xbf16>
          %mul3A_240 = arith.mulf %bitcast3A_239, %bitcast3A : vector<32xbf16>
          %get3A_241 = arith.constant 0 : i32
          %get3A_242 = tpu.memref_slice %arg13[%squeeze3A_154, %get3A_241] : memref<321x128xi32, #tpu.memory_space<vmem>> -> memref<1x128xi32, #tpu.memory_space<vmem>>
          %get3A_243 = tpu.memref_squeeze %get3A_242 : memref<1x128xi32, #tpu.memory_space<vmem>> -> memref<128xi32, #tpu.memory_space<vmem>>
          %get3A_244 = arith.constant 64 : index
          %get3A_245 = tpu.vector_load %get3A_243[%get3A_244] {strides = array<i32>} : memref<128xi32, #tpu.memory_space<vmem>>, vector<16xi32>,
          %bitcast3A_246 = vector.bitcast %get3A_245 : vector<16xi32> to vector<32xbf16>
          %add3A_247 = arith.addf %bitcast3A_246, %mul3A_240 : vector<32xbf16>
          %bitcast3A_248 = vector.bitcast %add3A_247 : vector<32xbf16> to vector<16xi32>
          %swap3A_249 = arith.constant 0 : i32
          %swap3A_250 = tpu.memref_slice %arg13[%squeeze3A_154, %swap3A_249] : memref<321x128xi32, #tpu.memory_space<vmem>> -> memref<1x128xi32, #tpu.memory_space<vmem>>
          %swap3A_251 = tpu.memref_squeeze %swap3A_250 : memref<1x128xi32, #tpu.memory_space<vmem>> -> memref<128xi32, #tpu.memory_space<vmem>>
          %swap3A_252 = arith.constant 64 : index
          %swap3A_253 = tpu.vector_load %swap3A_251[%swap3A_252] {strides = array<i32>} : memref<128xi32, #tpu.memory_space<vmem>>, vector<16xi32>,
          tpu.vector_store %swap3A_251[%swap3A_252], %bitcast3A_248 {strides = array<i32>} : memref<128xi32, #tpu.memory_space<vmem>>, vector<16xi32>,
          %get3A_254 = arith.constant 0 : i32
          %get3A_255 = tpu.memref_slice %arg12[%scan3A_137, %get3A_254] : memref<128x128xi32, #tpu.memory_space<vmem>> -> memref<1x128xi32, #tpu.memory_space<vmem>>
          %get3A_256 = tpu.memref_squeeze %get3A_255 : memref<1x128xi32, #tpu.memory_space<vmem>> -> memref<128xi32, #tpu.memory_space<vmem>>
          %get3A_257 = arith.constant 80 : index
          %get3A_258 = tpu.vector_load %get3A_256[%get3A_257] {strides = array<i32>} : memref<128xi32, #tpu.memory_space<vmem>>, vector<16xi32>,
          %bitcast3A_259 = vector.bitcast %get3A_258 : vector<16xi32> to vector<32xbf16>
          %mul3A_260 = arith.mulf %bitcast3A_259, %bitcast3A : vector<32xbf16>
          %get3A_261 = arith.constant 0 : i32
          %get3A_262 = tpu.memref_slice %arg13[%squeeze3A_154, %get3A_261] : memref<321x128xi32, #tpu.memory_space<vmem>> -> memref<1x128xi32, #tpu.memory_space<vmem>>
          %get3A_263 = tpu.memref_squeeze %get3A_262 : memref<1x128xi32, #tpu.memory_space<vmem>> -> memref<128xi32, #tpu.memory_space<vmem>>
          %get3A_264 = arith.constant 80 : index
          %get3A_265 = tpu.vector_load %get3A_263[%get3A_264] {strides = array<i32>} : memref<128xi32, #tpu.memory_space<vmem>>, vector<16xi32>,
          %bitcast3A_266 = vector.bitcast %get3A_265 : vector<16xi32> to vector<32xbf16>
          %add3A_267 = arith.addf %bitcast3A_266, %mul3A_260 : vector<32xbf16>
          %bitcast3A_268 = vector.bitcast %add3A_267 : vector<32xbf16> to vector<16xi32>
          %swap3A_269 = arith.constant 0 : i32
          %swap3A_270 = tpu.memref_slice %arg13[%squeeze3A_154, %swap3A_269] : memref<321x128xi32, #tpu.memory_space<vmem>> -> memref<1x128xi32, #tpu.memory_space<vmem>>
          %swap3A_271 = tpu.memref_squeeze %swap3A_270 : memref<1x128xi32, #tpu.memory_space<vmem>> -> memref<128xi32, #tpu.memory_space<vmem>>
          %swap3A_272 = arith.constant 80 : index
          %swap3A_273 = tpu.vector_load %swap3A_271[%swap3A_272] {strides = array<i32>} : memref<128xi32, #tpu.memory_space<vmem>>, vector<16xi32>,
          tpu.vector_store %swap3A_271[%swap3A_272], %bitcast3A_268 {strides = array<i32>} : memref<128xi32, #tpu.memory_space<vmem>>, vector<16xi32>,
          %get3A_274 = arith.constant 0 : i32
          %get3A_275 = tpu.memref_slice %arg12[%scan3A_137, %get3A_274] : memref<128x128xi32, #tpu.memory_space<vmem>> -> memref<1x128xi32, #tpu.memory_space<vmem>>
          %get3A_276 = tpu.memref_squeeze %get3A_275 : memref<1x128xi32, #tpu.memory_space<vmem>> -> memref<128xi32, #tpu.memory_space<vmem>>
          %get3A_277 = arith.constant 96 : index
          %get3A_278 = tpu.vector_load %get3A_276[%get3A_277] {strides = array<i32>} : memref<128xi32, #tpu.memory_space<vmem>>, vector<16xi32>,
          %bitcast3A_279 = vector.bitcast %get3A_278 : vector<16xi32> to vector<32xbf16>
          %mul3A_280 = arith.mulf %bitcast3A_279, %bitcast3A : vector<32xbf16>
          %get3A_281 = arith.constant 0 : i32
          %get3A_282 = tpu.memref_slice %arg13[%squeeze3A_154, %get3A_281] : memref<321x128xi32, #tpu.memory_space<vmem>> -> memref<1x128xi32, #tpu.memory_space<vmem>>
          %get3A_283 = tpu.memref_squeeze %get3A_282 : memref<1x128xi32, #tpu.memory_space<vmem>> -> memref<128xi32, #tpu.memory_space<vmem>>
          %get3A_284 = arith.constant 96 : index
          %get3A_285 = tpu.vector_load %get3A_283[%get3A_284] {strides = array<i32>} : memref<128xi32, #tpu.memory_space<vmem>>, vector<16xi32>,
          %bitcast3A_286 = vector.bitcast %get3A_285 : vector<16xi32> to vector<32xbf16>
          %add3A_287 = arith.addf %bitcast3A_286, %mul3A_280 : vector<32xbf16>
          %bitcast3A_288 = vector.bitcast %add3A_287 : vector<32xbf16> to vector<16xi32>
          %swap3A_289 = arith.constant 0 : i32
          %swap3A_290 = tpu.memref_slice %arg13[%squeeze3A_154, %swap3A_289] : memref<321x128xi32, #tpu.memory_space<vmem>> -> memref<1x128xi32, #tpu.memory_space<vmem>>
          %swap3A_291 = tpu.memref_squeeze %swap3A_290 : memref<1x128xi32, #tpu.memory_space<vmem>> -> memref<128xi32, #tpu.memory_space<vmem>>
          %swap3A_292 = arith.constant 96 : index
          %swap3A_293 = tpu.vector_load %swap3A_291[%swap3A_292] {strides = array<i32>} : memref<128xi32, #tpu.memory_space<vmem>>, vector<16xi32>,
          tpu.vector_store %swap3A_291[%swap3A_292], %bitcast3A_288 {strides = array<i32>} : memref<128xi32, #tpu.memory_space<vmem>>, vector<16xi32>,
          %get3A_294 = arith.constant 0 : i32
          %get3A_295 = tpu.memref_slice %arg12[%scan3A_137, %get3A_294] : memref<128x128xi32, #tpu.memory_space<vmem>> -> memref<1x128xi32, #tpu.memory_space<vmem>>
          %get3A_296 = tpu.memref_squeeze %get3A_295 : memref<1x128xi32, #tpu.memory_space<vmem>> -> memref<128xi32, #tpu.memory_space<vmem>>
          %get3A_297 = arith.constant 112 : index
          %get3A_298 = tpu.vector_load %get3A_296[%get3A_297] {strides = array<i32>} : memref<128xi32, #tpu.memory_space<vmem>>, vector<16xi32>,
          %bitcast3A_299 = vector.bitcast %get3A_298 : vector<16xi32> to vector<32xbf16>
          %mul3A_300 = arith.mulf %bitcast3A_299, %bitcast3A : vector<32xbf16>
          %get3A_301 = arith.constant 0 : i32
          %get3A_302 = tpu.memref_slice %arg13[%squeeze3A_154, %get3A_301] : memref<321x128xi32, #tpu.memory_space<vmem>> -> memref<1x128xi32, #tpu.memory_space<vmem>>
          %get3A_303 = tpu.memref_squeeze %get3A_302 : memref<1x128xi32, #tpu.memory_space<vmem>> -> memref<128xi32, #tpu.memory_space<vmem>>
          %get3A_304 = arith.constant 112 : index
          %get3A_305 = tpu.vector_load %get3A_303[%get3A_304] {strides = array<i32>} : memref<128xi32, #tpu.memory_space<vmem>>, vector<16xi32>,
          %bitcast3A_306 = vector.bitcast %get3A_305 : vector<16xi32> to vector<32xbf16>
          %add3A_307 = arith.addf %bitcast3A_306, %mul3A_300 : vector<32xbf16>
          %bitcast3A_308 = vector.bitcast %add3A_307 : vector<32xbf16> to vector<16xi32>
          %swap3A_309 = arith.constant 0 : i32
          %swap3A_310 = tpu.memref_slice %arg13[%squeeze3A_154, %swap3A_309] : memref<321x128xi32, #tpu.memory_space<vmem>> -> memref<1x128xi32, #tpu.memory_space<vmem>>
          %swap3A_311 = tpu.memref_squeeze %swap3A_310 : memref<1x128xi32, #tpu.memory_space<vmem>> -> memref<128xi32, #tpu.memory_space<vmem>>
          %swap3A_312 = arith.constant 112 : index
          %swap3A_313 = tpu.vector_load %swap3A_311[%swap3A_312] {strides = array<i32>} : memref<128xi32, #tpu.memory_space<vmem>>, vector<16xi32>,
          tpu.vector_store %swap3A_311[%swap3A_312], %bitcast3A_308 {strides = array<i32>} : memref<128xi32, #tpu.memory_space<vmem>>, vector<16xi32>,
          %scan3A_314 = arith.constant 1 : i32
          %scan3A_315 = arith.addi %scan3A_137, %scan3A_314 : i32
          %add3A_316 = arith.addi %mul3A_128, %scan3A_315 : i32
          %get3A_317 = arith.index_cast %add3A_316 : i32 to index
          %get3A_318 = tpu.vector_load %arg9[%get3A_317] {strides = array<i32>} : memref<8208xi32, #tpu.memory_space<vmem>>, vector<16xi32>,
          %lt3A_319 = arith.constant 0 : i32
          %lt3A_320 = vector.broadcast %lt3A_319 : i32 to vector<16xi32>
          %lt3A_321 = arith.cmpi slt, %broadcast_in_dim3A_130, %lt3A_320 : vector<16xi32>
          %add3A_322 = arith.constant 16 : i32
          %add3A_323 = vector.broadcast %add3A_322 : i32 to vector<16xi32>
          %add3A_324 = arith.addi %broadcast_in_dim3A_130, %add3A_323 : vector<16xi32>
          %select_n3A_325 = arith.select %lt3A_321, %add3A_324, %broadcast_in_dim3A_130 : vector<16xi1>, vector<16xi32>
          %broadcast_in_dim3A_326 = vector.shape_cast %select_n3A_325 : vector<16xi32> to vector<16x1xi32>
          %gather3A_327 = vector.shape_cast %broadcast_in_dim3A_326 : vector<16x1xi32> to vector<16xi32>
          %gather3A_328 = tpu.dynamic_gather %get3A_318[%gather3A_327] in [0] : vector<16xi32>, vector<16xi32> -> vector<16xi32>
          %bitcast3A_329 = vector.bitcast %gather3A_328 : vector<16xi32> to vector<32xbf16>
          %add3A_330 = arith.addi %mul3A_128, %scan3A_315 : i32
          %get3A_331 = arith.index_cast %add3A_330 : i32 to index
          %get3A_332 = tpu.vector_load %arg10[%get3A_331] {strides = array<i32>} : memref<8208xi32, #tpu.memory_space<vmem>>, vector<16xi32>,
          %slice3A_333 = vector.extract_strided_slice %get3A_332 {offsets = [0], sizes = [1], strides = [1]} : vector<16xi32> to vector<1xi32>
          %squeeze3A_334 = vector.extract %slice3A_333[0] : i32 from vector<1xi32>
          %get3A_335 = arith.constant 0 : i32
          %get3A_336 = tpu.memref_slice %arg12[%scan3A_315, %get3A_335] : memref<128x128xi32, #tpu.memory_space<vmem>> -> memref<1x128xi32, #tpu.memory_space<vmem>>
          %get3A_337 = tpu.memref_squeeze %get3A_336 : memref<1x128xi32, #tpu.memory_space<vmem>> -> memref<128xi32, #tpu.memory_space<vmem>>
          %get3A_338 = arith.constant 0 : index
          %get3A_339 = tpu.vector_load %get3A_337[%get3A_338] {strides = array<i32>} : memref<128xi32, #tpu.memory_space<vmem>>, vector<16xi32>,
          %bitcast3A_340 = vector.bitcast %get3A_339 : vector<16xi32> to vector<32xbf16>
          %mul3A_341 = arith.mulf %bitcast3A_340, %bitcast3A_329 : vector<32xbf16>
          %get3A_342 = arith.constant 0 : i32
          %get3A_343 = tpu.memref_slice %arg13[%squeeze3A_334, %get3A_342] : memref<321x128xi32, #tpu.memory_space<vmem>> -> memref<1x128xi32, #tpu.memory_space<vmem>>
          %get3A_344 = tpu.memref_squeeze %get3A_343 : memref<1x128xi32, #tpu.memory_space<vmem>> -> memref<128xi32, #tpu.memory_space<vmem>>
          %get3A_345 = arith.constant 0 : index
          %get3A_346 = tpu.vector_load %get3A_344[%get3A_345] {strides = array<i32>} : memref<128xi32, #tpu.memory_space<vmem>>, vector<16xi32>,
          %bitcast3A_347 = vector.bitcast %get3A_346 : vector<16xi32> to vector<32xbf16>
          %add3A_348 = arith.addf %bitcast3A_347, %mul3A_341 : vector<32xbf16>
          %bitcast3A_349 = vector.bitcast %add3A_348 : vector<32xbf16> to vector<16xi32>
          %swap3A_350 = arith.constant 0 : i32
          %swap3A_351 = tpu.memref_slice %arg13[%squeeze3A_334, %swap3A_350] : memref<321x128xi32, #tpu.memory_space<vmem>> -> memref<1x128xi32, #tpu.memory_space<vmem>>
          %swap3A_352 = tpu.memref_squeeze %swap3A_351 : memref<1x128xi32, #tpu.memory_space<vmem>> -> memref<128xi32, #tpu.memory_space<vmem>>
          %swap3A_353 = arith.constant 0 : index
          %swap3A_354 = tpu.vector_load %swap3A_352[%swap3A_353] {strides = array<i32>} : memref<128xi32, #tpu.memory_space<vmem>>, vector<16xi32>,
          tpu.vector_store %swap3A_352[%swap3A_353], %bitcast3A_349 {strides = array<i32>} : memref<128xi32, #tpu.memory_space<vmem>>, vector<16xi32>,
          %get3A_355 = arith.constant 0 : i32
          %get3A_356 = tpu.memref_slice %arg12[%scan3A_315, %get3A_355] : memref<128x128xi32, #tpu.memory_space<vmem>> -> memref<1x128xi32, #tpu.memory_space<vmem>>
          %get3A_357 = tpu.memref_squeeze %get3A_356 : memref<1x128xi32, #tpu.memory_space<vmem>> -> memref<128xi32, #tpu.memory_space<vmem>>
          %get3A_358 = arith.constant 16 : index
          %get3A_359 = tpu.vector_load %get3A_357[%get3A_358] {strides = array<i32>} : memref<128xi32, #tpu.memory_space<vmem>>, vector<16xi32>,
          %bitcast3A_360 = vector.bitcast %get3A_359 : vector<16xi32> to vector<32xbf16>
          %mul3A_361 = arith.mulf %bitcast3A_360, %bitcast3A_329 : vector<32xbf16>
          %get3A_362 = arith.constant 0 : i32
          %get3A_363 = tpu.memref_slice %arg13[%squeeze3A_334, %get3A_362] : memref<321x128xi32, #tpu.memory_space<vmem>> -> memref<1x128xi32, #tpu.memory_space<vmem>>
          %get3A_364 = tpu.memref_squeeze %get3A_363 : memref<1x128xi32, #tpu.memory_space<vmem>> -> memref<128xi32, #tpu.memory_space<vmem>>
          %get3A_365 = arith.constant 16 : index
          %get3A_366 = tpu.vector_load %get3A_364[%get3A_365] {strides = array<i32>} : memref<128xi32, #tpu.memory_space<vmem>>, vector<16xi32>,
          %bitcast3A_367 = vector.bitcast %get3A_366 : vector<16xi32> to vector<32xbf16>
          %add3A_368 = arith.addf %bitcast3A_367, %mul3A_361 : vector<32xbf16>
          %bitcast3A_369 = vector.bitcast %add3A_368 : vector<32xbf16> to vector<16xi32>
          %swap3A_370 = arith.constant 0 : i32
          %swap3A_371 = tpu.memref_slice %arg13[%squeeze3A_334, %swap3A_370] : memref<321x128xi32, #tpu.memory_space<vmem>> -> memref<1x128xi32, #tpu.memory_space<vmem>>
          %swap3A_372 = tpu.memref_squeeze %swap3A_371 : memref<1x128xi32, #tpu.memory_space<vmem>> -> memref<128xi32, #tpu.memory_space<vmem>>
          %swap3A_373 = arith.constant 16 : index
          %swap3A_374 = tpu.vector_load %swap3A_372[%swap3A_373] {strides = array<i32>} : memref<128xi32, #tpu.memory_space<vmem>>, vector<16xi32>,
          tpu.vector_store %swap3A_372[%swap3A_373], %bitcast3A_369 {strides = array<i32>} : memref<128xi32, #tpu.memory_space<vmem>>, vector<16xi32>,
          %get3A_375 = arith.constant 0 : i32
          %get3A_376 = tpu.memref_slice %arg12[%scan3A_315, %get3A_375] : memref<128x128xi32, #tpu.memory_space<vmem>> -> memref<1x128xi32, #tpu.memory_space<vmem>>
          %get3A_377 = tpu.memref_squeeze %get3A_376 : memref<1x128xi32, #tpu.memory_space<vmem>> -> memref<128xi32, #tpu.memory_space<vmem>>
          %get3A_378 = arith.constant 32 : index
          %get3A_379 = tpu.vector_load %get3A_377[%get3A_378] {strides = array<i32>} : memref<128xi32, #tpu.memory_space<vmem>>, vector<16xi32>,
          %bitcast3A_380 = vector.bitcast %get3A_379 : vector<16xi32> to vector<32xbf16>
          %mul3A_381 = arith.mulf %bitcast3A_380, %bitcast3A_329 : vector<32xbf16>
          %get3A_382 = arith.constant 0 : i32
          %get3A_383 = tpu.memref_slice %arg13[%squeeze3A_334, %get3A_382] : memref<321x128xi32, #tpu.memory_space<vmem>> -> memref<1x128xi32, #tpu.memory_space<vmem>>
          %get3A_384 = tpu.memref_squeeze %get3A_383 : memref<1x128xi32, #tpu.memory_space<vmem>> -> memref<128xi32, #tpu.memory_space<vmem>>
          %get3A_385 = arith.constant 32 : index
          %get3A_386 = tpu.vector_load %get3A_384[%get3A_385] {strides = array<i32>} : memref<128xi32, #tpu.memory_space<vmem>>, vector<16xi32>,
          %bitcast3A_387 = vector.bitcast %get3A_386 : vector<16xi32> to vector<32xbf16>
          %add3A_388 = arith.addf %bitcast3A_387, %mul3A_381 : vector<32xbf16>
          %bitcast3A_389 = vector.bitcast %add3A_388 : vector<32xbf16> to vector<16xi32>
          %swap3A_390 = arith.constant 0 : i32
          %swap3A_391 = tpu.memref_slice %arg13[%squeeze3A_334, %swap3A_390] : memref<321x128xi32, #tpu.memory_space<vmem>> -> memref<1x128xi32, #tpu.memory_space<vmem>>
          %swap3A_392 = tpu.memref_squeeze %swap3A_391 : memref<1x128xi32, #tpu.memory_space<vmem>> -> memref<128xi32, #tpu.memory_space<vmem>>
          %swap3A_393 = arith.constant 32 : index
          %swap3A_394 = tpu.vector_load %swap3A_392[%swap3A_393] {strides = array<i32>} : memref<128xi32, #tpu.memory_space<vmem>>, vector<16xi32>,
          tpu.vector_store %swap3A_392[%swap3A_393], %bitcast3A_389 {strides = array<i32>} : memref<128xi32, #tpu.memory_space<vmem>>, vector<16xi32>,
          %get3A_395 = arith.constant 0 : i32
          %get3A_396 = tpu.memref_slice %arg12[%scan3A_315, %get3A_395] : memref<128x128xi32, #tpu.memory_space<vmem>> -> memref<1x128xi32, #tpu.memory_space<vmem>>
          %get3A_397 = tpu.memref_squeeze %get3A_396 : memref<1x128xi32, #tpu.memory_space<vmem>> -> memref<128xi32, #tpu.memory_space<vmem>>
          %get3A_398 = arith.constant 48 : index
          %get3A_399 = tpu.vector_load %get3A_397[%get3A_398] {strides = array<i32>} : memref<128xi32, #tpu.memory_space<vmem>>, vector<16xi32>,
          %bitcast3A_400 = vector.bitcast %get3A_399 : vector<16xi32> to vector<32xbf16>
          %mul3A_401 = arith.mulf %bitcast3A_400, %bitcast3A_329 : vector<32xbf16>
          %get3A_402 = arith.constant 0 : i32
          %get3A_403 = tpu.memref_slice %arg13[%squeeze3A_334, %get3A_402] : memref<321x128xi32, #tpu.memory_space<vmem>> -> memref<1x128xi32, #tpu.memory_space<vmem>>
          %get3A_404 = tpu.memref_squeeze %get3A_403 : memref<1x128xi32, #tpu.memory_space<vmem>> -> memref<128xi32, #tpu.memory_space<vmem>>
          %get3A_405 = arith.constant 48 : index
          %get3A_406 = tpu.vector_load %get3A_404[%get3A_405] {strides = array<i32>} : memref<128xi32, #tpu.memory_space<vmem>>, vector<16xi32>,
          %bitcast3A_407 = vector.bitcast %get3A_406 : vector<16xi32> to vector<32xbf16>
          %add3A_408 = arith.addf %bitcast3A_407, %mul3A_401 : vector<32xbf16>
          %bitcast3A_409 = vector.bitcast %add3A_408 : vector<32xbf16> to vector<16xi32>
          %swap3A_410 = arith.constant 0 : i32
          %swap3A_411 = tpu.memref_slice %arg13[%squeeze3A_334, %swap3A_410] : memref<321x128xi32, #tpu.memory_space<vmem>> -> memref<1x128xi32, #tpu.memory_space<vmem>>
          %swap3A_412 = tpu.memref_squeeze %swap3A_411 : memref<1x128xi32, #tpu.memory_space<vmem>> -> memref<128xi32, #tpu.memory_space<vmem>>
          %swap3A_413 = arith.constant 48 : index
          %swap3A_414 = tpu.vector_load %swap3A_412[%swap3A_413] {strides = array<i32>} : memref<128xi32, #tpu.memory_space<vmem>>, vector<16xi32>,
          tpu.vector_store %swap3A_412[%swap3A_413], %bitcast3A_409 {strides = array<i32>} : memref<128xi32, #tpu.memory_space<vmem>>, vector<16xi32>,
          %get3A_415 = arith.constant 0 : i32
          %get3A_416 = tpu.memref_slice %arg12[%scan3A_315, %get3A_415] : memref<128x128xi32, #tpu.memory_space<vmem>> -> memref<1x128xi32, #tpu.memory_space<vmem>>
          %get3A_417 = tpu.memref_squeeze %get3A_416 : memref<1x128xi32, #tpu.memory_space<vmem>> -> memref<128xi32, #tpu.memory_space<vmem>>
          %get3A_418 = arith.constant 64 : index
          %get3A_419 = tpu.vector_load %get3A_417[%get3A_418] {strides = array<i32>} : memref<128xi32, #tpu.memory_space<vmem>>, vector<16xi32>,
          %bitcast3A_420 = vector.bitcast %get3A_419 : vector<16xi32> to vector<32xbf16>
          %mul3A_421 = arith.mulf %bitcast3A_420, %bitcast3A_329 : vector<32xbf16>
          %get3A_422 = arith.constant 0 : i32
          %get3A_423 = tpu.memref_slice %arg13[%squeeze3A_334, %get3A_422] : memref<321x128xi32, #tpu.memory_space<vmem>> -> memref<1x128xi32, #tpu.memory_space<vmem>>
          %get3A_424 = tpu.memref_squeeze %get3A_423 : memref<1x128xi32, #tpu.memory_space<vmem>> -> memref<128xi32, #tpu.memory_space<vmem>>
          %get3A_425 = arith.constant 64 : index
          %get3A_426 = tpu.vector_load %get3A_424[%get3A_425] {strides = array<i32>} : memref<128xi32, #tpu.memory_space<vmem>>, vector<16xi32>,
          %bitcast3A_427 = vector.bitcast %get3A_426 : vector<16xi32> to vector<32xbf16>
          %add3A_428 = arith.addf %bitcast3A_427, %mul3A_421 : vector<32xbf16>
          %bitcast3A_429 = vector.bitcast %add3A_428 : vector<32xbf16> to vector<16xi32>
          %swap3A_430 = arith.constant 0 : i32
          %swap3A_431 = tpu.memref_slice %arg13[%squeeze3A_334, %swap3A_430] : memref<321x128xi32, #tpu.memory_space<vmem>> -> memref<1x128xi32, #tpu.memory_space<vmem>>
          %swap3A_432 = tpu.memref_squeeze %swap3A_431 : memref<1x128xi32, #tpu.memory_space<vmem>> -> memref<128xi32, #tpu.memory_space<vmem>>
          %swap3A_433 = arith.constant 64 : index
          %swap3A_434 = tpu.vector_load %swap3A_432[%swap3A_433] {strides = array<i32>} : memref<128xi32, #tpu.memory_space<vmem>>, vector<16xi32>,
          tpu.vector_store %swap3A_432[%swap3A_433], %bitcast3A_429 {strides = array<i32>} : memref<128xi32, #tpu.memory_space<vmem>>, vector<16xi32>,
          %get3A_435 = arith.constant 0 : i32
          %get3A_436 = tpu.memref_slice %arg12[%scan3A_315, %get3A_435] : memref<128x128xi32, #tpu.memory_space<vmem>> -> memref<1x128xi32, #tpu.memory_space<vmem>>
          %get3A_437 = tpu.memref_squeeze %get3A_436 : memref<1x128xi32, #tpu.memory_space<vmem>> -> memref<128xi32, #tpu.memory_space<vmem>>
          %get3A_438 = arith.constant 80 : index
          %get3A_439 = tpu.vector_load %get3A_437[%get3A_438] {strides = array<i32>} : memref<128xi32, #tpu.memory_space<vmem>>, vector<16xi32>,
          %bitcast3A_440 = vector.bitcast %get3A_439 : vector<16xi32> to vector<32xbf16>
          %mul3A_441 = arith.mulf %bitcast3A_440, %bitcast3A_329 : vector<32xbf16>
          %get3A_442 = arith.constant 0 : i32
          %get3A_443 = tpu.memref_slice %arg13[%squeeze3A_334, %get3A_442] : memref<321x128xi32, #tpu.memory_space<vmem>> -> memref<1x128xi32, #tpu.memory_space<vmem>>
          %get3A_444 = tpu.memref_squeeze %get3A_443 : memref<1x128xi32, #tpu.memory_space<vmem>> -> memref<128xi32, #tpu.memory_space<vmem>>
          %get3A_445 = arith.constant 80 : index
          %get3A_446 = tpu.vector_load %get3A_444[%get3A_445] {strides = array<i32>} : memref<128xi32, #tpu.memory_space<vmem>>, vector<16xi32>,
          %bitcast3A_447 = vector.bitcast %get3A_446 : vector<16xi32> to vector<32xbf16>
          %add3A_448 = arith.addf %bitcast3A_447, %mul3A_441 : vector<32xbf16>
          %bitcast3A_449 = vector.bitcast %add3A_448 : vector<32xbf16> to vector<16xi32>
          %swap3A_450 = arith.constant 0 : i32
          %swap3A_451 = tpu.memref_slice %arg13[%squeeze3A_334, %swap3A_450] : memref<321x128xi32, #tpu.memory_space<vmem>> -> memref<1x128xi32, #tpu.memory_space<vmem>>
          %swap3A_452 = tpu.memref_squeeze %swap3A_451 : memref<1x128xi32, #tpu.memory_space<vmem>> -> memref<128xi32, #tpu.memory_space<vmem>>
          %swap3A_453 = arith.constant 80 : index
          %swap3A_454 = tpu.vector_load %swap3A_452[%swap3A_453] {strides = array<i32>} : memref<128xi32, #tpu.memory_space<vmem>>, vector<16xi32>,
          tpu.vector_store %swap3A_452[%swap3A_453], %bitcast3A_449 {strides = array<i32>} : memref<128xi32, #tpu.memory_space<vmem>>, vector<16xi32>,
          %get3A_455 = arith.constant 0 : i32
          %get3A_456 = tpu.memref_slice %arg12[%scan3A_315, %get3A_455] : memref<128x128xi32, #tpu.memory_space<vmem>> -> memref<1x128xi32, #tpu.memory_space<vmem>>
          %get3A_457 = tpu.memref_squeeze %get3A_456 : memref<1x128xi32, #tpu.memory_space<vmem>> -> memref<128xi32, #tpu.memory_space<vmem>>
          %get3A_458 = arith.constant 96 : index
          %get3A_459 = tpu.vector_load %get3A_457[%get3A_458] {strides = array<i32>} : memref<128xi32, #tpu.memory_space<vmem>>, vector<16xi32>,
          %bitcast3A_460 = vector.bitcast %get3A_459 : vector<16xi32> to vector<32xbf16>
          %mul3A_461 = arith.mulf %bitcast3A_460, %bitcast3A_329 : vector<32xbf16>
          %get3A_462 = arith.constant 0 : i32
          %get3A_463 = tpu.memref_slice %arg13[%squeeze3A_334, %get3A_462] : memref<321x128xi32, #tpu.memory_space<vmem>> -> memref<1x128xi32, #tpu.memory_space<vmem>>
          %get3A_464 = tpu.memref_squeeze %get3A_463 : memref<1x128xi32, #tpu.memory_space<vmem>> -> memref<128xi32, #tpu.memory_space<vmem>>
          %get3A_465 = arith.constant 96 : index
          %get3A_466 = tpu.vector_load %get3A_464[%get3A_465] {strides = array<i32>} : memref<128xi32, #tpu.memory_space<vmem>>, vector<16xi32>,
          %bitcast3A_467 = vector.bitcast %get3A_466 : vector<16xi32> to vector<32xbf16>
          %add3A_468 = arith.addf %bitcast3A_467, %mul3A_461 : vector<32xbf16>
          %bitcast3A_469 = vector.bitcast %add3A_468 : vector<32xbf16> to vector<16xi32>
          %swap3A_470 = arith.constant 0 : i32
          %swap3A_471 = tpu.memref_slice %arg13[%squeeze3A_334, %swap3A_470] : memref<321x128xi32, #tpu.memory_space<vmem>> -> memref<1x128xi32, #tpu.memory_space<vmem>>
          %swap3A_472 = tpu.memref_squeeze %swap3A_471 : memref<1x128xi32, #tpu.memory_space<vmem>> -> memref<128xi32, #tpu.memory_space<vmem>>
          %swap3A_473 = arith.constant 96 : index
          %swap3A_474 = tpu.vector_load %swap3A_472[%swap3A_473] {strides = array<i32>} : memref<128xi32, #tpu.memory_space<vmem>>, vector<16xi32>,
          tpu.vector_store %swap3A_472[%swap3A_473], %bitcast3A_469 {strides = array<i32>} : memref<128xi32, #tpu.memory_space<vmem>>, vector<16xi32>,
          %get3A_475 = arith.constant 0 : i32
          %get3A_476 = tpu.memref_slice %arg12[%scan3A_315, %get3A_475] : memref<128x128xi32, #tpu.memory_space<vmem>> -> memref<1x128xi32, #tpu.memory_space<vmem>>
          %get3A_477 = tpu.memref_squeeze %get3A_476 : memref<1x128xi32, #tpu.memory_space<vmem>> -> memref<128xi32, #tpu.memory_space<vmem>>
          %get3A_478 = arith.constant 112 : index
          %get3A_479 = tpu.vector_load %get3A_477[%get3A_478] {strides = array<i32>} : memref<128xi32, #tpu.memory_space<vmem>>, vector<16xi32>,
          %bitcast3A_480 = vector.bitcast %get3A_479 : vector<16xi32> to vector<32xbf16>
          %mul3A_481 = arith.mulf %bitcast3A_480, %bitcast3A_329 : vector<32xbf16>
          %get3A_482 = arith.constant 0 : i32
          %get3A_483 = tpu.memref_slice %arg13[%squeeze3A_334, %get3A_482] : memref<321x128xi32, #tpu.memory_space<vmem>> -> memref<1x128xi32, #tpu.memory_space<vmem>>
          %get3A_484 = tpu.memref_squeeze %get3A_483 : memref<1x128xi32, #tpu.memory_space<vmem>> -> memref<128xi32, #tpu.memory_space<vmem>>
          %get3A_485 = arith.constant 112 : index
          %get3A_486 = tpu.vector_load %get3A_484[%get3A_485] {strides = array<i32>} : memref<128xi32, #tpu.memory_space<vmem>>, vector<16xi32>,
          %bitcast3A_487 = vector.bitcast %get3A_486 : vector<16xi32> to vector<32xbf16>
          %add3A_488 = arith.addf %bitcast3A_487, %mul3A_481 : vector<32xbf16>
          %bitcast3A_489 = vector.bitcast %add3A_488 : vector<32xbf16> to vector<16xi32>
          %swap3A_490 = arith.constant 0 : i32
          %swap3A_491 = tpu.memref_slice %arg13[%squeeze3A_334, %swap3A_490] : memref<321x128xi32, #tpu.memory_space<vmem>> -> memref<1x128xi32, #tpu.memory_space<vmem>>
          %swap3A_492 = tpu.memref_squeeze %swap3A_491 : memref<1x128xi32, #tpu.memory_space<vmem>> -> memref<128xi32, #tpu.memory_space<vmem>>
          %swap3A_493 = arith.constant 112 : index
          %swap3A_494 = tpu.vector_load %swap3A_492[%swap3A_493] {strides = array<i32>} : memref<128xi32, #tpu.memory_space<vmem>>, vector<16xi32>,
          tpu.vector_store %swap3A_492[%swap3A_493], %bitcast3A_489 {strides = array<i32>} : memref<128xi32, #tpu.memory_space<vmem>>, vector<16xi32>,
          %scan3A_495 = arith.constant 2 : i32
          %scan3A_496 = arith.addi %scan3A_137, %scan3A_495 : i32
          %add3A_497 = arith.addi %mul3A_128, %scan3A_496 : i32
          %get3A_498 = arith.index_cast %add3A_497 : i32 to index
          %get3A_499 = tpu.vector_load %arg9[%get3A_498] {strides = array<i32>} : memref<8208xi32, #tpu.memory_space<vmem>>, vector<16xi32>,
          %lt3A_500 = arith.constant 0 : i32
          %lt3A_501 = vector.broadcast %lt3A_500 : i32 to vector<16xi32>
          %lt3A_502 = arith.cmpi slt, %broadcast_in_dim3A_130, %lt3A_501 : vector<16xi32>
          %add3A_503 = arith.constant 16 : i32
          %add3A_504 = vector.broadcast %add3A_503 : i32 to vector<16xi32>
          %add3A_505 = arith.addi %broadcast_in_dim3A_130, %add3A_504 : vector<16xi32>
          %select_n3A_506 = arith.select %lt3A_502, %add3A_505, %broadcast_in_dim3A_130 : vector<16xi1>, vector<16xi32>
          %broadcast_in_dim3A_507 = vector.shape_cast %select_n3A_506 : vector<16xi32> to vector<16x1xi32>
          %gather3A_508 = vector.shape_cast %broadcast_in_dim3A_507 : vector<16x1xi32> to vector<16xi32>
          %gather3A_509 = tpu.dynamic_gather %get3A_499[%gather3A_508] in [0] : vector<16xi32>, vector<16xi32> -> vector<16xi32>
          %bitcast3A_510 = vector.bitcast %gather3A_509 : vector<16xi32> to vector<32xbf16>
          %add3A_511 = arith.addi %mul3A_128, %scan3A_496 : i32
          %get3A_512 = arith.index_cast %add3A_511 : i32 to index
          %get3A_513 = tpu.vector_load %arg10[%get3A_512] {strides = array<i32>} : memref<8208xi32, #tpu.memory_space<vmem>>, vector<16xi32>,
          %slice3A_514 = vector.extract_strided_slice %get3A_513 {offsets = [0], sizes = [1], strides = [1]} : vector<16xi32> to vector<1xi32>
          %squeeze3A_515 = vector.extract %slice3A_514[0] : i32 from vector<1xi32>
          %get3A_516 = arith.constant 0 : i32
          %get3A_517 = tpu.memref_slice %arg12[%scan3A_496, %get3A_516] : memref<128x128xi32, #tpu.memory_space<vmem>> -> memref<1x128xi32, #tpu.memory_space<vmem>>
          %get3A_518 = tpu.memref_squeeze %get3A_517 : memref<1x128xi32, #tpu.memory_space<vmem>> -> memref<128xi32, #tpu.memory_space<vmem>>
          %get3A_519 = arith.constant 0 : index
          %get3A_520 = tpu.vector_load %get3A_518[%get3A_519] {strides = array<i32>} : memref<128xi32, #tpu.memory_space<vmem>>, vector<16xi32>,
          %bitcast3A_521 = vector.bitcast %get3A_520 : vector<16xi32> to vector<32xbf16>
          %mul3A_522 = arith.mulf %bitcast3A_521, %bitcast3A_510 : vector<32xbf16>
          %get3A_523 = arith.constant 0 : i32
          %get3A_524 = tpu.memref_slice %arg13[%squeeze3A_515, %get3A_523] : memref<321x128xi32, #tpu.memory_space<vmem>> -> memref<1x128xi32, #tpu.memory_space<vmem>>
          %get3A_525 = tpu.memref_squeeze %get3A_524 : memref<1x128xi32, #tpu.memory_space<vmem>> -> memref<128xi32, #tpu.memory_space<vmem>>
          %get3A_526 = arith.constant 0 : index
          %get3A_527 = tpu.vector_load %get3A_525[%get3A_526] {strides = array<i32>} : memref<128xi32, #tpu.memory_space<vmem>>, vector<16xi32>,
          %bitcast3A_528 = vector.bitcast %get3A_527 : vector<16xi32> to vector<32xbf16>
          %add3A_529 = arith.addf %bitcast3A_528, %mul3A_522 : vector<32xbf16>
          %bitcast3A_530 = vector.bitcast %add3A_529 : vector<32xbf16> to vector<16xi32>
          %swap3A_531 = arith.constant 0 : i32
          %swap3A_532 = tpu.memref_slice %arg13[%squeeze3A_515, %swap3A_531] : memref<321x128xi32, #tpu.memory_space<vmem>> -> memref<1x128xi32, #tpu.memory_space<vmem>>
          %swap3A_533 = tpu.memref_squeeze %swap3A_532 : memref<1x128xi32, #tpu.memory_space<vmem>> -> memref<128xi32, #tpu.memory_space<vmem>>
          %swap3A_534 = arith.constant 0 : index
          %swap3A_535 = tpu.vector_load %swap3A_533[%swap3A_534] {strides = array<i32>} : memref<128xi32, #tpu.memory_space<vmem>>, vector<16xi32>,
          tpu.vector_store %swap3A_533[%swap3A_534], %bitcast3A_530 {strides = array<i32>} : memref<128xi32, #tpu.memory_space<vmem>>, vector<16xi32>,
          %get3A_536 = arith.constant 0 : i32
          %get3A_537 = tpu.memref_slice %arg12[%scan3A_496, %get3A_536] : memref<128x128xi32, #tpu.memory_space<vmem>> -> memref<1x128xi32, #tpu.memory_space<vmem>>
          %get3A_538 = tpu.memref_squeeze %get3A_537 : memref<1x128xi32, #tpu.memory_space<vmem>> -> memref<128xi32, #tpu.memory_space<vmem>>
          %get3A_539 = arith.constant 16 : index
          %get3A_540 = tpu.vector_load %get3A_538[%get3A_539] {strides = array<i32>} : memref<128xi32, #tpu.memory_space<vmem>>, vector<16xi32>,
          %bitcast3A_541 = vector.bitcast %get3A_540 : vector<16xi32> to vector<32xbf16>
          %mul3A_542 = arith.mulf %bitcast3A_541, %bitcast3A_510 : vector<32xbf16>
          %get3A_543 = arith.constant 0 : i32
          %get3A_544 = tpu.memref_slice %arg13[%squeeze3A_515, %get3A_543] : memref<321x128xi32, #tpu.memory_space<vmem>> -> memref<1x128xi32, #tpu.memory_space<vmem>>
          %get3A_545 = tpu.memref_squeeze %get3A_544 : memref<1x128xi32, #tpu.memory_space<vmem>> -> memref<128xi32, #tpu.memory_space<vmem>>
          %get3A_546 = arith.constant 16 : index
          %get3A_547 = tpu.vector_load %get3A_545[%get3A_546] {strides = array<i32>} : memref<128xi32, #tpu.memory_space<vmem>>, vector<16xi32>,
          %bitcast3A_548 = vector.bitcast %get3A_547 : vector<16xi32> to vector<32xbf16>
          %add3A_549 = arith.addf %bitcast3A_548, %mul3A_542 : vector<32xbf16>
          %bitcast3A_550 = vector.bitcast %add3A_549 : vector<32xbf16> to vector<16xi32>
          %swap3A_551 = arith.constant 0 : i32
          %swap3A_552 = tpu.memref_slice %arg13[%squeeze3A_515, %swap3A_551] : memref<321x128xi32, #tpu.memory_space<vmem>> -> memref<1x128xi32, #tpu.memory_space<vmem>>
          %swap3A_553 = tpu.memref_squeeze %swap3A_552 : memref<1x128xi32, #tpu.memory_space<vmem>> -> memref<128xi32, #tpu.memory_space<vmem>>
          %swap3A_554 = arith.constant 16 : index
          %swap3A_555 = tpu.vector_load %swap3A_553[%swap3A_554] {strides = array<i32>} : memref<128xi32, #tpu.memory_space<vmem>>, vector<16xi32>,
          tpu.vector_store %swap3A_553[%swap3A_554], %bitcast3A_550 {strides = array<i32>} : memref<128xi32, #tpu.memory_space<vmem>>, vector<16xi32>,
          %get3A_556 = arith.constant 0 : i32
          %get3A_557 = tpu.memref_slice %arg12[%scan3A_496, %get3A_556] : memref<128x128xi32, #tpu.memory_space<vmem>> -> memref<1x128xi32, #tpu.memory_space<vmem>>
          %get3A_558 = tpu.memref_squeeze %get3A_557 : memref<1x128xi32, #tpu.memory_space<vmem>> -> memref<128xi32, #tpu.memory_space<vmem>>
          %get3A_559 = arith.constant 32 : index
          %get3A_560 = tpu.vector_load %get3A_558[%get3A_559] {strides = array<i32>} : memref<128xi32, #tpu.memory_space<vmem>>, vector<16xi32>,
          %bitcast3A_561 = vector.bitcast %get3A_560 : vector<16xi32> to vector<32xbf16>
          %mul3A_562 = arith.mulf %bitcast3A_561, %bitcast3A_510 : vector<32xbf16>
          %get3A_563 = arith.constant 0 : i32
          %get3A_564 = tpu.memref_slice %arg13[%squeeze3A_515, %get3A_563] : memref<321x128xi32, #tpu.memory_space<vmem>> -> memref<1x128xi32, #tpu.memory_space<vmem>>
          %get3A_565 = tpu.memref_squeeze %get3A_564 : memref<1x128xi32, #tpu.memory_space<vmem>> -> memref<128xi32, #tpu.memory_space<vmem>>
          %get3A_566 = arith.constant 32 : index
          %get3A_567 = tpu.vector_load %get3A_565[%get3A_566] {strides = array<i32>} : memref<128xi32, #tpu.memory_space<vmem>>, vector<16xi32>,
          %bitcast3A_568 = vector.bitcast %get3A_567 : vector<16xi32> to vector<32xbf16>
          %add3A_569 = arith.addf %bitcast3A_568, %mul3A_562 : vector<32xbf16>
          %bitcast3A_570 = vector.bitcast %add3A_569 : vector<32xbf16> to vector<16xi32>
          %swap3A_571 = arith.constant 0 : i32
          %swap3A_572 = tpu.memref_slice %arg13[%squeeze3A_515, %swap3A_571] : memref<321x128xi32, #tpu.memory_space<vmem>> -> memref<1x128xi32, #tpu.memory_space<vmem>>
          %swap3A_573 = tpu.memref_squeeze %swap3A_572 : memref<1x128xi32, #tpu.memory_space<vmem>> -> memref<128xi32, #tpu.memory_space<vmem>>
          %swap3A_574 = arith.constant 32 : index
          %swap3A_575 = tpu.vector_load %swap3A_573[%swap3A_574] {strides = array<i32>} : memref<128xi32, #tpu.memory_space<vmem>>, vector<16xi32>,
          tpu.vector_store %swap3A_573[%swap3A_574], %bitcast3A_570 {strides = array<i32>} : memref<128xi32, #tpu.memory_space<vmem>>, vector<16xi32>,
          %get3A_576 = arith.constant 0 : i32
          %get3A_577 = tpu.memref_slice %arg12[%scan3A_496, %get3A_576] : memref<128x128xi32, #tpu.memory_space<vmem>> -> memref<1x128xi32, #tpu.memory_space<vmem>>
          %get3A_578 = tpu.memref_squeeze %get3A_577 : memref<1x128xi32, #tpu.memory_space<vmem>> -> memref<128xi32, #tpu.memory_space<vmem>>
          %get3A_579 = arith.constant 48 : index
          %get3A_580 = tpu.vector_load %get3A_578[%get3A_579] {strides = array<i32>} : memref<128xi32, #tpu.memory_space<vmem>>, vector<16xi32>,
          %bitcast3A_581 = vector.bitcast %get3A_580 : vector<16xi32> to vector<32xbf16>
          %mul3A_582 = arith.mulf %bitcast3A_581, %bitcast3A_510 : vector<32xbf16>
          %get3A_583 = arith.constant 0 : i32
          %get3A_584 = tpu.memref_slice %arg13[%squeeze3A_515, %get3A_583] : memref<321x128xi32, #tpu.memory_space<vmem>> -> memref<1x128xi32, #tpu.memory_space<vmem>>
          %get3A_585 = tpu.memref_squeeze %get3A_584 : memref<1x128xi32, #tpu.memory_space<vmem>> -> memref<128xi32, #tpu.memory_space<vmem>>
          %get3A_586 = arith.constant 48 : index
          %get3A_587 = tpu.vector_load %get3A_585[%get3A_586] {strides = array<i32>} : memref<128xi32, #tpu.memory_space<vmem>>, vector<16xi32>,
          %bitcast3A_588 = vector.bitcast %get3A_587 : vector<16xi32> to vector<32xbf16>
          %add3A_589 = arith.addf %bitcast3A_588, %mul3A_582 : vector<32xbf16>
          %bitcast3A_590 = vector.bitcast %add3A_589 : vector<32xbf16> to vector<16xi32>
          %swap3A_591 = arith.constant 0 : i32
          %swap3A_592 = tpu.memref_slice %arg13[%squeeze3A_515, %swap3A_591] : memref<321x128xi32, #tpu.memory_space<vmem>> -> memref<1x128xi32, #tpu.memory_space<vmem>>
          %swap3A_593 = tpu.memref_squeeze %swap3A_592 : memref<1x128xi32, #tpu.memory_space<vmem>> -> memref<128xi32, #tpu.memory_space<vmem>>
          %swap3A_594 = arith.constant 48 : index
          %swap3A_595 = tpu.vector_load %swap3A_593[%swap3A_594] {strides = array<i32>} : memref<128xi32, #tpu.memory_space<vmem>>, vector<16xi32>,
          tpu.vector_store %swap3A_593[%swap3A_594], %bitcast3A_590 {strides = array<i32>} : memref<128xi32, #tpu.memory_space<vmem>>, vector<16xi32>,
          %get3A_596 = arith.constant 0 : i32
          %get3A_597 = tpu.memref_slice %arg12[%scan3A_496, %get3A_596] : memref<128x128xi32, #tpu.memory_space<vmem>> -> memref<1x128xi32, #tpu.memory_space<vmem>>
          %get3A_598 = tpu.memref_squeeze %get3A_597 : memref<1x128xi32, #tpu.memory_space<vmem>> -> memref<128xi32, #tpu.memory_space<vmem>>
          %get3A_599 = arith.constant 64 : index
          %get3A_600 = tpu.vector_load %get3A_598[%get3A_599] {strides = array<i32>} : memref<128xi32, #tpu.memory_space<vmem>>, vector<16xi32>,
          %bitcast3A_601 = vector.bitcast %get3A_600 : vector<16xi32> to vector<32xbf16>
          %mul3A_602 = arith.mulf %bitcast3A_601, %bitcast3A_510 : vector<32xbf16>
          %get3A_603 = arith.constant 0 : i32
          %get3A_604 = tpu.memref_slice %arg13[%squeeze3A_515, %get3A_603] : memref<321x128xi32, #tpu.memory_space<vmem>> -> memref<1x128xi32, #tpu.memory_space<vmem>>
          %get3A_605 = tpu.memref_squeeze %get3A_604 : memref<1x128xi32, #tpu.memory_space<vmem>> -> memref<128xi32, #tpu.memory_space<vmem>>
          %get3A_606 = arith.constant 64 : index
          %get3A_607 = tpu.vector_load %get3A_605[%get3A_606] {strides = array<i32>} : memref<128xi32, #tpu.memory_space<vmem>>, vector<16xi32>,
          %bitcast3A_608 = vector.bitcast %get3A_607 : vector<16xi32> to vector<32xbf16>
          %add3A_609 = arith.addf %bitcast3A_608, %mul3A_602 : vector<32xbf16>
          %bitcast3A_610 = vector.bitcast %add3A_609 : vector<32xbf16> to vector<16xi32>
          %swap3A_611 = arith.constant 0 : i32
          %swap3A_612 = tpu.memref_slice %arg13[%squeeze3A_515, %swap3A_611] : memref<321x128xi32, #tpu.memory_space<vmem>> -> memref<1x128xi32, #tpu.memory_space<vmem>>
          %swap3A_613 = tpu.memref_squeeze %swap3A_612 : memref<1x128xi32, #tpu.memory_space<vmem>> -> memref<128xi32, #tpu.memory_space<vmem>>
          %swap3A_614 = arith.constant 64 : index
          %swap3A_615 = tpu.vector_load %swap3A_613[%swap3A_614] {strides = array<i32>} : memref<128xi32, #tpu.memory_space<vmem>>, vector<16xi32>,
          tpu.vector_store %swap3A_613[%swap3A_614], %bitcast3A_610 {strides = array<i32>} : memref<128xi32, #tpu.memory_space<vmem>>, vector<16xi32>,
          %get3A_616 = arith.constant 0 : i32
          %get3A_617 = tpu.memref_slice %arg12[%scan3A_496, %get3A_616] : memref<128x128xi32, #tpu.memory_space<vmem>> -> memref<1x128xi32, #tpu.memory_space<vmem>>
          %get3A_618 = tpu.memref_squeeze %get3A_617 : memref<1x128xi32, #tpu.memory_space<vmem>> -> memref<128xi32, #tpu.memory_space<vmem>>
          %get3A_619 = arith.constant 80 : index
          %get3A_620 = tpu.vector_load %get3A_618[%get3A_619] {strides = array<i32>} : memref<128xi32, #tpu.memory_space<vmem>>, vector<16xi32>,
          %bitcast3A_621 = vector.bitcast %get3A_620 : vector<16xi32> to vector<32xbf16>
          %mul3A_622 = arith.mulf %bitcast3A_621, %bitcast3A_510 : vector<32xbf16>
          %get3A_623 = arith.constant 0 : i32
          %get3A_624 = tpu.memref_slice %arg13[%squeeze3A_515, %get3A_623] : memref<321x128xi32, #tpu.memory_space<vmem>> -> memref<1x128xi32, #tpu.memory_space<vmem>>
          %get3A_625 = tpu.memref_squeeze %get3A_624 : memref<1x128xi32, #tpu.memory_space<vmem>> -> memref<128xi32, #tpu.memory_space<vmem>>
          %get3A_626 = arith.constant 80 : index
          %get3A_627 = tpu.vector_load %get3A_625[%get3A_626] {strides = array<i32>} : memref<128xi32, #tpu.memory_space<vmem>>, vector<16xi32>,
          %bitcast3A_628 = vector.bitcast %get3A_627 : vector<16xi32> to vector<32xbf16>
          %add3A_629 = arith.addf %bitcast3A_628, %mul3A_622 : vector<32xbf16>
          %bitcast3A_630 = vector.bitcast %add3A_629 : vector<32xbf16> to vector<16xi32>
          %swap3A_631 = arith.constant 0 : i32
          %swap3A_632 = tpu.memref_slice %arg13[%squeeze3A_515, %swap3A_631] : memref<321x128xi32, #tpu.memory_space<vmem>> -> memref<1x128xi32, #tpu.memory_space<vmem>>
          %swap3A_633 = tpu.memref_squeeze %swap3A_632 : memref<1x128xi32, #tpu.memory_space<vmem>> -> memref<128xi32, #tpu.memory_space<vmem>>
          %swap3A_634 = arith.constant 80 : index
          %swap3A_635 = tpu.vector_load %swap3A_633[%swap3A_634] {strides = array<i32>} : memref<128xi32, #tpu.memory_space<vmem>>, vector<16xi32>,
          tpu.vector_store %swap3A_633[%swap3A_634], %bitcast3A_630 {strides = array<i32>} : memref<128xi32, #tpu.memory_space<vmem>>, vector<16xi32>,
          %get3A_636 = arith.constant 0 : i32
          %get3A_637 = tpu.memref_slice %arg12[%scan3A_496, %get3A_636] : memref<128x128xi32, #tpu.memory_space<vmem>> -> memref<1x128xi32, #tpu.memory_space<vmem>>
          %get3A_638 = tpu.memref_squeeze %get3A_637 : memref<1x128xi32, #tpu.memory_space<vmem>> -> memref<128xi32, #tpu.memory_space<vmem>>
          %get3A_639 = arith.constant 96 : index
          %get3A_640 = tpu.vector_load %get3A_638[%get3A_639] {strides = array<i32>} : memref<128xi32, #tpu.memory_space<vmem>>, vector<16xi32>,
          %bitcast3A_641 = vector.bitcast %get3A_640 : vector<16xi32> to vector<32xbf16>
          %mul3A_642 = arith.mulf %bitcast3A_641, %bitcast3A_510 : vector<32xbf16>
          %get3A_643 = arith.constant 0 : i32
          %get3A_644 = tpu.memref_slice %arg13[%squeeze3A_515, %get3A_643] : memref<321x128xi32, #tpu.memory_space<vmem>> -> memref<1x128xi32, #tpu.memory_space<vmem>>
          %get3A_645 = tpu.memref_squeeze %get3A_644 : memref<1x128xi32, #tpu.memory_space<vmem>> -> memref<128xi32, #tpu.memory_space<vmem>>
          %get3A_646 = arith.constant 96 : index
          %get3A_647 = tpu.vector_load %get3A_645[%get3A_646] {strides = array<i32>} : memref<128xi32, #tpu.memory_space<vmem>>, vector<16xi32>,
          %bitcast3A_648 = vector.bitcast %get3A_647 : vector<16xi32> to vector<32xbf16>
          %add3A_649 = arith.addf %bitcast3A_648, %mul3A_642 : vector<32xbf16>
          %bitcast3A_650 = vector.bitcast %add3A_649 : vector<32xbf16> to vector<16xi32>
          %swap3A_651 = arith.constant 0 : i32
          %swap3A_652 = tpu.memref_slice %arg13[%squeeze3A_515, %swap3A_651] : memref<321x128xi32, #tpu.memory_space<vmem>> -> memref<1x128xi32, #tpu.memory_space<vmem>>
          %swap3A_653 = tpu.memref_squeeze %swap3A_652 : memref<1x128xi32, #tpu.memory_space<vmem>> -> memref<128xi32, #tpu.memory_space<vmem>>
          %swap3A_654 = arith.constant 96 : index
          %swap3A_655 = tpu.vector_load %swap3A_653[%swap3A_654] {strides = array<i32>} : memref<128xi32, #tpu.memory_space<vmem>>, vector<16xi32>,
          tpu.vector_store %swap3A_653[%swap3A_654], %bitcast3A_650 {strides = array<i32>} : memref<128xi32, #tpu.memory_space<vmem>>, vector<16xi32>,
          %get3A_656 = arith.constant 0 : i32
          %get3A_657 = tpu.memref_slice %arg12[%scan3A_496, %get3A_656] : memref<128x128xi32, #tpu.memory_space<vmem>> -> memref<1x128xi32, #tpu.memory_space<vmem>>
          %get3A_658 = tpu.memref_squeeze %get3A_657 : memref<1x128xi32, #tpu.memory_space<vmem>> -> memref<128xi32, #tpu.memory_space<vmem>>
          %get3A_659 = arith.constant 112 : index
          %get3A_660 = tpu.vector_load %get3A_658[%get3A_659] {strides = array<i32>} : memref<128xi32, #tpu.memory_space<vmem>>, vector<16xi32>,
          %bitcast3A_661 = vector.bitcast %get3A_660 : vector<16xi32> to vector<32xbf16>
          %mul3A_662 = arith.mulf %bitcast3A_661, %bitcast3A_510 : vector<32xbf16>
          %get3A_663 = arith.constant 0 : i32
          %get3A_664 = tpu.memref_slice %arg13[%squeeze3A_515, %get3A_663] : memref<321x128xi32, #tpu.memory_space<vmem>> -> memref<1x128xi32, #tpu.memory_space<vmem>>
          %get3A_665 = tpu.memref_squeeze %get3A_664 : memref<1x128xi32, #tpu.memory_space<vmem>> -> memref<128xi32, #tpu.memory_space<vmem>>
          %get3A_666 = arith.constant 112 : index
          %get3A_667 = tpu.vector_load %get3A_665[%get3A_666] {strides = array<i32>} : memref<128xi32, #tpu.memory_space<vmem>>, vector<16xi32>,
          %bitcast3A_668 = vector.bitcast %get3A_667 : vector<16xi32> to vector<32xbf16>
          %add3A_669 = arith.addf %bitcast3A_668, %mul3A_662 : vector<32xbf16>
          %bitcast3A_670 = vector.bitcast %add3A_669 : vector<32xbf16> to vector<16xi32>
          %swap3A_671 = arith.constant 0 : i32
          %swap3A_672 = tpu.memref_slice %arg13[%squeeze3A_515, %swap3A_671] : memref<321x128xi32, #tpu.memory_space<vmem>> -> memref<1x128xi32, #tpu.memory_space<vmem>>
          %swap3A_673 = tpu.memref_squeeze %swap3A_672 : memref<1x128xi32, #tpu.memory_space<vmem>> -> memref<128xi32, #tpu.memory_space<vmem>>
          %swap3A_674 = arith.constant 112 : index
          %swap3A_675 = tpu.vector_load %swap3A_673[%swap3A_674] {strides = array<i32>} : memref<128xi32, #tpu.memory_space<vmem>>, vector<16xi32>,
          tpu.vector_store %swap3A_673[%swap3A_674], %bitcast3A_670 {strides = array<i32>} : memref<128xi32, #tpu.memory_space<vmem>>, vector<16xi32>,
          %scan3A_676 = arith.constant 3 : i32
          %scan3A_677 = arith.addi %scan3A_137, %scan3A_676 : i32
          %add3A_678 = arith.addi %mul3A_128, %scan3A_677 : i32
          %get3A_679 = arith.index_cast %add3A_678 : i32 to index
          %get3A_680 = tpu.vector_load %arg9[%get3A_679] {strides = array<i32>} : memref<8208xi32, #tpu.memory_space<vmem>>, vector<16xi32>,
          %lt3A_681 = arith.constant 0 : i32
          %lt3A_682 = vector.broadcast %lt3A_681 : i32 to vector<16xi32>
          %lt3A_683 = arith.cmpi slt, %broadcast_in_dim3A_130, %lt3A_682 : vector<16xi32>
          %add3A_684 = arith.constant 16 : i32
          %add3A_685 = vector.broadcast %add3A_684 : i32 to vector<16xi32>
          %add3A_686 = arith.addi %broadcast_in_dim3A_130, %add3A_685 : vector<16xi32>
          %select_n3A_687 = arith.select %lt3A_683, %add3A_686, %broadcast_in_dim3A_130 : vector<16xi1>, vector<16xi32>
          %broadcast_in_dim3A_688 = vector.shape_cast %select_n3A_687 : vector<16xi32> to vector<16x1xi32>
          %gather3A_689 = vector.shape_cast %broadcast_in_dim3A_688 : vector<16x1xi32> to vector<16xi32>
          %gather3A_690 = tpu.dynamic_gather %get3A_680[%gather3A_689] in [0] : vector<16xi32>, vector<16xi32> -> vector<16xi32>
          %bitcast3A_691 = vector.bitcast %gather3A_690 : vector<16xi32> to vector<32xbf16>
          %add3A_692 = arith.addi %mul3A_128, %scan3A_677 : i32
          %get3A_693 = arith.index_cast %add3A_692 : i32 to index
          %get3A_694 = tpu.vector_load %arg10[%get3A_693] {strides = array<i32>} : memref<8208xi32, #tpu.memory_space<vmem>>, vector<16xi32>,
          %slice3A_695 = vector.extract_strided_slice %get3A_694 {offsets = [0], sizes = [1], strides = [1]} : vector<16xi32> to vector<1xi32>
          %squeeze3A_696 = vector.extract %slice3A_695[0] : i32 from vector<1xi32>
          %get3A_697 = arith.constant 0 : i32
          %get3A_698 = tpu.memref_slice %arg12[%scan3A_677, %get3A_697] : memref<128x128xi32, #tpu.memory_space<vmem>> -> memref<1x128xi32, #tpu.memory_space<vmem>>
          %get3A_699 = tpu.memref_squeeze %get3A_698 : memref<1x128xi32, #tpu.memory_space<vmem>> -> memref<128xi32, #tpu.memory_space<vmem>>
          %get3A_700 = arith.constant 0 : index
          %get3A_701 = tpu.vector_load %get3A_699[%get3A_700] {strides = array<i32>} : memref<128xi32, #tpu.memory_space<vmem>>, vector<16xi32>,
          %bitcast3A_702 = vector.bitcast %get3A_701 : vector<16xi32> to vector<32xbf16>
          %mul3A_703 = arith.mulf %bitcast3A_702, %bitcast3A_691 : vector<32xbf16>
          %get3A_704 = arith.constant 0 : i32
          %get3A_705 = tpu.memref_slice %arg13[%squeeze3A_696, %get3A_704] : memref<321x128xi32, #tpu.memory_space<vmem>> -> memref<1x128xi32, #tpu.memory_space<vmem>>
          %get3A_706 = tpu.memref_squeeze %get3A_705 : memref<1x128xi32, #tpu.memory_space<vmem>> -> memref<128xi32, #tpu.memory_space<vmem>>
          %get3A_707 = arith.constant 0 : index
          %get3A_708 = tpu.vector_load %get3A_706[%get3A_707] {strides = array<i32>} : memref<128xi32, #tpu.memory_space<vmem>>, vector<16xi32>,
          %bitcast3A_709 = vector.bitcast %get3A_708 : vector<16xi32> to vector<32xbf16>
          %add3A_710 = arith.addf %bitcast3A_709, %mul3A_703 : vector<32xbf16>
          %bitcast3A_711 = vector.bitcast %add3A_710 : vector<32xbf16> to vector<16xi32>
          %swap3A_712 = arith.constant 0 : i32
          %swap3A_713 = tpu.memref_slice %arg13[%squeeze3A_696, %swap3A_712] : memref<321x128xi32, #tpu.memory_space<vmem>> -> memref<1x128xi32, #tpu.memory_space<vmem>>
          %swap3A_714 = tpu.memref_squeeze %swap3A_713 : memref<1x128xi32, #tpu.memory_space<vmem>> -> memref<128xi32, #tpu.memory_space<vmem>>
          %swap3A_715 = arith.constant 0 : index
          %swap3A_716 = tpu.vector_load %swap3A_714[%swap3A_715] {strides = array<i32>} : memref<128xi32, #tpu.memory_space<vmem>>, vector<16xi32>,
          tpu.vector_store %swap3A_714[%swap3A_715], %bitcast3A_711 {strides = array<i32>} : memref<128xi32, #tpu.memory_space<vmem>>, vector<16xi32>,
          %get3A_717 = arith.constant 0 : i32
          %get3A_718 = tpu.memref_slice %arg12[%scan3A_677, %get3A_717] : memref<128x128xi32, #tpu.memory_space<vmem>> -> memref<1x128xi32, #tpu.memory_space<vmem>>
          %get3A_719 = tpu.memref_squeeze %get3A_718 : memref<1x128xi32, #tpu.memory_space<vmem>> -> memref<128xi32, #tpu.memory_space<vmem>>
          %get3A_720 = arith.constant 16 : index
          %get3A_721 = tpu.vector_load %get3A_719[%get3A_720] {strides = array<i32>} : memref<128xi32, #tpu.memory_space<vmem>>, vector<16xi32>,
          %bitcast3A_722 = vector.bitcast %get3A_721 : vector<16xi32> to vector<32xbf16>
          %mul3A_723 = arith.mulf %bitcast3A_722, %bitcast3A_691 : vector<32xbf16>
          %get3A_724 = arith.constant 0 : i32
          %get3A_725 = tpu.memref_slice %arg13[%squeeze3A_696, %get3A_724] : memref<321x128xi32, #tpu.memory_space<vmem>> -> memref<1x128xi32, #tpu.memory_space<vmem>>
          %get3A_726 = tpu.memref_squeeze %get3A_725 : memref<1x128xi32, #tpu.memory_space<vmem>> -> memref<128xi32, #tpu.memory_space<vmem>>
          %get3A_727 = arith.constant 16 : index
          %get3A_728 = tpu.vector_load %get3A_726[%get3A_727] {strides = array<i32>} : memref<128xi32, #tpu.memory_space<vmem>>, vector<16xi32>,
          %bitcast3A_729 = vector.bitcast %get3A_728 : vector<16xi32> to vector<32xbf16>
          %add3A_730 = arith.addf %bitcast3A_729, %mul3A_723 : vector<32xbf16>
          %bitcast3A_731 = vector.bitcast %add3A_730 : vector<32xbf16> to vector<16xi32>
          %swap3A_732 = arith.constant 0 : i32
          %swap3A_733 = tpu.memref_slice %arg13[%squeeze3A_696, %swap3A_732] : memref<321x128xi32, #tpu.memory_space<vmem>> -> memref<1x128xi32, #tpu.memory_space<vmem>>
          %swap3A_734 = tpu.memref_squeeze %swap3A_733 : memref<1x128xi32, #tpu.memory_space<vmem>> -> memref<128xi32, #tpu.memory_space<vmem>>
          %swap3A_735 = arith.constant 16 : index
          %swap3A_736 = tpu.vector_load %swap3A_734[%swap3A_735] {strides = array<i32>} : memref<128xi32, #tpu.memory_space<vmem>>, vector<16xi32>,
          tpu.vector_store %swap3A_734[%swap3A_735], %bitcast3A_731 {strides = array<i32>} : memref<128xi32, #tpu.memory_space<vmem>>, vector<16xi32>,
          %get3A_737 = arith.constant 0 : i32
          %get3A_738 = tpu.memref_slice %arg12[%scan3A_677, %get3A_737] : memref<128x128xi32, #tpu.memory_space<vmem>> -> memref<1x128xi32, #tpu.memory_space<vmem>>
          %get3A_739 = tpu.memref_squeeze %get3A_738 : memref<1x128xi32, #tpu.memory_space<vmem>> -> memref<128xi32, #tpu.memory_space<vmem>>
          %get3A_740 = arith.constant 32 : index
          %get3A_741 = tpu.vector_load %get3A_739[%get3A_740] {strides = array<i32>} : memref<128xi32, #tpu.memory_space<vmem>>, vector<16xi32>,
          %bitcast3A_742 = vector.bitcast %get3A_741 : vector<16xi32> to vector<32xbf16>
          %mul3A_743 = arith.mulf %bitcast3A_742, %bitcast3A_691 : vector<32xbf16>
          %get3A_744 = arith.constant 0 : i32
          %get3A_745 = tpu.memref_slice %arg13[%squeeze3A_696, %get3A_744] : memref<321x128xi32, #tpu.memory_space<vmem>> -> memref<1x128xi32, #tpu.memory_space<vmem>>
          %get3A_746 = tpu.memref_squeeze %get3A_745 : memref<1x128xi32, #tpu.memory_space<vmem>> -> memref<128xi32, #tpu.memory_space<vmem>>
          %get3A_747 = arith.constant 32 : index
          %get3A_748 = tpu.vector_load %get3A_746[%get3A_747] {strides = array<i32>} : memref<128xi32, #tpu.memory_space<vmem>>, vector<16xi32>,
          %bitcast3A_749 = vector.bitcast %get3A_748 : vector<16xi32> to vector<32xbf16>
          %add3A_750 = arith.addf %bitcast3A_749, %mul3A_743 : vector<32xbf16>
          %bitcast3A_751 = vector.bitcast %add3A_750 : vector<32xbf16> to vector<16xi32>
          %swap3A_752 = arith.constant 0 : i32
          %swap3A_753 = tpu.memref_slice %arg13[%squeeze3A_696, %swap3A_752] : memref<321x128xi32, #tpu.memory_space<vmem>> -> memref<1x128xi32, #tpu.memory_space<vmem>>
          %swap3A_754 = tpu.memref_squeeze %swap3A_753 : memref<1x128xi32, #tpu.memory_space<vmem>> -> memref<128xi32, #tpu.memory_space<vmem>>
          %swap3A_755 = arith.constant 32 : index
          %swap3A_756 = tpu.vector_load %swap3A_754[%swap3A_755] {strides = array<i32>} : memref<128xi32, #tpu.memory_space<vmem>>, vector<16xi32>,
          tpu.vector_store %swap3A_754[%swap3A_755], %bitcast3A_751 {strides = array<i32>} : memref<128xi32, #tpu.memory_space<vmem>>, vector<16xi32>,
          %get3A_757 = arith.constant 0 : i32
          %get3A_758 = tpu.memref_slice %arg12[%scan3A_677, %get3A_757] : memref<128x128xi32, #tpu.memory_space<vmem>> -> memref<1x128xi32, #tpu.memory_space<vmem>>
          %get3A_759 = tpu.memref_squeeze %get3A_758 : memref<1x128xi32, #tpu.memory_space<vmem>> -> memref<128xi32, #tpu.memory_space<vmem>>
          %get3A_760 = arith.constant 48 : index
          %get3A_761 = tpu.vector_load %get3A_759[%get3A_760] {strides = array<i32>} : memref<128xi32, #tpu.memory_space<vmem>>, vector<16xi32>,
          %bitcast3A_762 = vector.bitcast %get3A_761 : vector<16xi32> to vector<32xbf16>
          %mul3A_763 = arith.mulf %bitcast3A_762, %bitcast3A_691 : vector<32xbf16>
          %get3A_764 = arith.constant 0 : i32
          %get3A_765 = tpu.memref_slice %arg13[%squeeze3A_696, %get3A_764] : memref<321x128xi32, #tpu.memory_space<vmem>> -> memref<1x128xi32, #tpu.memory_space<vmem>>
          %get3A_766 = tpu.memref_squeeze %get3A_765 : memref<1x128xi32, #tpu.memory_space<vmem>> -> memref<128xi32, #tpu.memory_space<vmem>>
          %get3A_767 = arith.constant 48 : index
          %get3A_768 = tpu.vector_load %get3A_766[%get3A_767] {strides = array<i32>} : memref<128xi32, #tpu.memory_space<vmem>>, vector<16xi32>,
          %bitcast3A_769 = vector.bitcast %get3A_768 : vector<16xi32> to vector<32xbf16>
          %add3A_770 = arith.addf %bitcast3A_769, %mul3A_763 : vector<32xbf16>
          %bitcast3A_771 = vector.bitcast %add3A_770 : vector<32xbf16> to vector<16xi32>
          %swap3A_772 = arith.constant 0 : i32
          %swap3A_773 = tpu.memref_slice %arg13[%squeeze3A_696, %swap3A_772] : memref<321x128xi32, #tpu.memory_space<vmem>> -> memref<1x128xi32, #tpu.memory_space<vmem>>
          %swap3A_774 = tpu.memref_squeeze %swap3A_773 : memref<1x128xi32, #tpu.memory_space<vmem>> -> memref<128xi32, #tpu.memory_space<vmem>>
          %swap3A_775 = arith.constant 48 : index
          %swap3A_776 = tpu.vector_load %swap3A_774[%swap3A_775] {strides = array<i32>} : memref<128xi32, #tpu.memory_space<vmem>>, vector<16xi32>,
          tpu.vector_store %swap3A_774[%swap3A_775], %bitcast3A_771 {strides = array<i32>} : memref<128xi32, #tpu.memory_space<vmem>>, vector<16xi32>,
          %get3A_777 = arith.constant 0 : i32
          %get3A_778 = tpu.memref_slice %arg12[%scan3A_677, %get3A_777] : memref<128x128xi32, #tpu.memory_space<vmem>> -> memref<1x128xi32, #tpu.memory_space<vmem>>
          %get3A_779 = tpu.memref_squeeze %get3A_778 : memref<1x128xi32, #tpu.memory_space<vmem>> -> memref<128xi32, #tpu.memory_space<vmem>>
          %get3A_780 = arith.constant 64 : index
          %get3A_781 = tpu.vector_load %get3A_779[%get3A_780] {strides = array<i32>} : memref<128xi32, #tpu.memory_space<vmem>>, vector<16xi32>,
          %bitcast3A_782 = vector.bitcast %get3A_781 : vector<16xi32> to vector<32xbf16>
          %mul3A_783 = arith.mulf %bitcast3A_782, %bitcast3A_691 : vector<32xbf16>
          %get3A_784 = arith.constant 0 : i32
          %get3A_785 = tpu.memref_slice %arg13[%squeeze3A_696, %get3A_784] : memref<321x128xi32, #tpu.memory_space<vmem>> -> memref<1x128xi32, #tpu.memory_space<vmem>>
          %get3A_786 = tpu.memref_squeeze %get3A_785 : memref<1x128xi32, #tpu.memory_space<vmem>> -> memref<128xi32, #tpu.memory_space<vmem>>
          %get3A_787 = arith.constant 64 : index
          %get3A_788 = tpu.vector_load %get3A_786[%get3A_787] {strides = array<i32>} : memref<128xi32, #tpu.memory_space<vmem>>, vector<16xi32>,
          %bitcast3A_789 = vector.bitcast %get3A_788 : vector<16xi32> to vector<32xbf16>
          %add3A_790 = arith.addf %bitcast3A_789, %mul3A_783 : vector<32xbf16>
          %bitcast3A_791 = vector.bitcast %add3A_790 : vector<32xbf16> to vector<16xi32>
          %swap3A_792 = arith.constant 0 : i32
          %swap3A_793 = tpu.memref_slice %arg13[%squeeze3A_696, %swap3A_792] : memref<321x128xi32, #tpu.memory_space<vmem>> -> memref<1x128xi32, #tpu.memory_space<vmem>>
          %swap3A_794 = tpu.memref_squeeze %swap3A_793 : memref<1x128xi32, #tpu.memory_space<vmem>> -> memref<128xi32, #tpu.memory_space<vmem>>
          %swap3A_795 = arith.constant 64 : index
          %swap3A_796 = tpu.vector_load %swap3A_794[%swap3A_795] {strides = array<i32>} : memref<128xi32, #tpu.memory_space<vmem>>, vector<16xi32>,
          tpu.vector_store %swap3A_794[%swap3A_795], %bitcast3A_791 {strides = array<i32>} : memref<128xi32, #tpu.memory_space<vmem>>, vector<16xi32>,
          %get3A_797 = arith.constant 0 : i32
          %get3A_798 = tpu.memref_slice %arg12[%scan3A_677, %get3A_797] : memref<128x128xi32, #tpu.memory_space<vmem>> -> memref<1x128xi32, #tpu.memory_space<vmem>>
          %get3A_799 = tpu.memref_squeeze %get3A_798 : memref<1x128xi32, #tpu.memory_space<vmem>> -> memref<128xi32, #tpu.memory_space<vmem>>
          %get3A_800 = arith.constant 80 : index
          %get3A_801 = tpu.vector_load %get3A_799[%get3A_800] {strides = array<i32>} : memref<128xi32, #tpu.memory_space<vmem>>, vector<16xi32>,
          %bitcast3A_802 = vector.bitcast %get3A_801 : vector<16xi32> to vector<32xbf16>
          %mul3A_803 = arith.mulf %bitcast3A_802, %bitcast3A_691 : vector<32xbf16>
          %get3A_804 = arith.constant 0 : i32
          %get3A_805 = tpu.memref_slice %arg13[%squeeze3A_696, %get3A_804] : memref<321x128xi32, #tpu.memory_space<vmem>> -> memref<1x128xi32, #tpu.memory_space<vmem>>
          %get3A_806 = tpu.memref_squeeze %get3A_805 : memref<1x128xi32, #tpu.memory_space<vmem>> -> memref<128xi32, #tpu.memory_space<vmem>>
          %get3A_807 = arith.constant 80 : index
          %get3A_808 = tpu.vector_load %get3A_806[%get3A_807] {strides = array<i32>} : memref<128xi32, #tpu.memory_space<vmem>>, vector<16xi32>,
          %bitcast3A_809 = vector.bitcast %get3A_808 : vector<16xi32> to vector<32xbf16>
          %add3A_810 = arith.addf %bitcast3A_809, %mul3A_803 : vector<32xbf16>
          %bitcast3A_811 = vector.bitcast %add3A_810 : vector<32xbf16> to vector<16xi32>
          %swap3A_812 = arith.constant 0 : i32
          %swap3A_813 = tpu.memref_slice %arg13[%squeeze3A_696, %swap3A_812] : memref<321x128xi32, #tpu.memory_space<vmem>> -> memref<1x128xi32, #tpu.memory_space<vmem>>
          %swap3A_814 = tpu.memref_squeeze %swap3A_813 : memref<1x128xi32, #tpu.memory_space<vmem>> -> memref<128xi32, #tpu.memory_space<vmem>>
          %swap3A_815 = arith.constant 80 : index
          %swap3A_816 = tpu.vector_load %swap3A_814[%swap3A_815] {strides = array<i32>} : memref<128xi32, #tpu.memory_space<vmem>>, vector<16xi32>,
          tpu.vector_store %swap3A_814[%swap3A_815], %bitcast3A_811 {strides = array<i32>} : memref<128xi32, #tpu.memory_space<vmem>>, vector<16xi32>,
          %get3A_817 = arith.constant 0 : i32
          %get3A_818 = tpu.memref_slice %arg12[%scan3A_677, %get3A_817] : memref<128x128xi32, #tpu.memory_space<vmem>> -> memref<1x128xi32, #tpu.memory_space<vmem>>
          %get3A_819 = tpu.memref_squeeze %get3A_818 : memref<1x128xi32, #tpu.memory_space<vmem>> -> memref<128xi32, #tpu.memory_space<vmem>>
          %get3A_820 = arith.constant 96 : index
          %get3A_821 = tpu.vector_load %get3A_819[%get3A_820] {strides = array<i32>} : memref<128xi32, #tpu.memory_space<vmem>>, vector<16xi32>,
          %bitcast3A_822 = vector.bitcast %get3A_821 : vector<16xi32> to vector<32xbf16>
          %mul3A_823 = arith.mulf %bitcast3A_822, %bitcast3A_691 : vector<32xbf16>
          %get3A_824 = arith.constant 0 : i32
          %get3A_825 = tpu.memref_slice %arg13[%squeeze3A_696, %get3A_824] : memref<321x128xi32, #tpu.memory_space<vmem>> -> memref<1x128xi32, #tpu.memory_space<vmem>>
          %get3A_826 = tpu.memref_squeeze %get3A_825 : memref<1x128xi32, #tpu.memory_space<vmem>> -> memref<128xi32, #tpu.memory_space<vmem>>
          %get3A_827 = arith.constant 96 : index
          %get3A_828 = tpu.vector_load %get3A_826[%get3A_827] {strides = array<i32>} : memref<128xi32, #tpu.memory_space<vmem>>, vector<16xi32>,
          %bitcast3A_829 = vector.bitcast %get3A_828 : vector<16xi32> to vector<32xbf16>
          %add3A_830 = arith.addf %bitcast3A_829, %mul3A_823 : vector<32xbf16>
          %bitcast3A_831 = vector.bitcast %add3A_830 : vector<32xbf16> to vector<16xi32>
          %swap3A_832 = arith.constant 0 : i32
          %swap3A_833 = tpu.memref_slice %arg13[%squeeze3A_696, %swap3A_832] : memref<321x128xi32, #tpu.memory_space<vmem>> -> memref<1x128xi32, #tpu.memory_space<vmem>>
          %swap3A_834 = tpu.memref_squeeze %swap3A_833 : memref<1x128xi32, #tpu.memory_space<vmem>> -> memref<128xi32, #tpu.memory_space<vmem>>
          %swap3A_835 = arith.constant 96 : index
          %swap3A_836 = tpu.vector_load %swap3A_834[%swap3A_835] {strides = array<i32>} : memref<128xi32, #tpu.memory_space<vmem>>, vector<16xi32>,
          tpu.vector_store %swap3A_834[%swap3A_835], %bitcast3A_831 {strides = array<i32>} : memref<128xi32, #tpu.memory_space<vmem>>, vector<16xi32>,
          %get3A_837 = arith.constant 0 : i32
          %get3A_838 = tpu.memref_slice %arg12[%scan3A_677, %get3A_837] : memref<128x128xi32, #tpu.memory_space<vmem>> -> memref<1x128xi32, #tpu.memory_space<vmem>>
          %get3A_839 = tpu.memref_squeeze %get3A_838 : memref<1x128xi32, #tpu.memory_space<vmem>> -> memref<128xi32, #tpu.memory_space<vmem>>
          %get3A_840 = arith.constant 112 : index
          %get3A_841 = tpu.vector_load %get3A_839[%get3A_840] {strides = array<i32>} : memref<128xi32, #tpu.memory_space<vmem>>, vector<16xi32>,
          %bitcast3A_842 = vector.bitcast %get3A_841 : vector<16xi32> to vector<32xbf16>
          %mul3A_843 = arith.mulf %bitcast3A_842, %bitcast3A_691 : vector<32xbf16>
          %get3A_844 = arith.constant 0 : i32
          %get3A_845 = tpu.memref_slice %arg13[%squeeze3A_696, %get3A_844] : memref<321x128xi32, #tpu.memory_space<vmem>> -> memref<1x128xi32, #tpu.memory_space<vmem>>
          %get3A_846 = tpu.memref_squeeze %get3A_845 : memref<1x128xi32, #tpu.memory_space<vmem>> -> memref<128xi32, #tpu.memory_space<vmem>>
          %get3A_847 = arith.constant 112 : index
          %get3A_848 = tpu.vector_load %get3A_846[%get3A_847] {strides = array<i32>} : memref<128xi32, #tpu.memory_space<vmem>>, vector<16xi32>,
          %bitcast3A_849 = vector.bitcast %get3A_848 : vector<16xi32> to vector<32xbf16>
          %add3A_850 = arith.addf %bitcast3A_849, %mul3A_843 : vector<32xbf16>
          %bitcast3A_851 = vector.bitcast %add3A_850 : vector<32xbf16> to vector<16xi32>
          %swap3A_852 = arith.constant 0 : i32
          %swap3A_853 = tpu.memref_slice %arg13[%squeeze3A_696, %swap3A_852] : memref<321x128xi32, #tpu.memory_space<vmem>> -> memref<1x128xi32, #tpu.memory_space<vmem>>
          %swap3A_854 = tpu.memref_squeeze %swap3A_853 : memref<1x128xi32, #tpu.memory_space<vmem>> -> memref<128xi32, #tpu.memory_space<vmem>>
          %swap3A_855 = arith.constant 112 : index
          %swap3A_856 = tpu.vector_load %swap3A_854[%swap3A_855] {strides = array<i32>} : memref<128xi32, #tpu.memory_space<vmem>>, vector<16xi32>,
          tpu.vector_store %swap3A_854[%swap3A_855], %bitcast3A_851 {strides = array<i32>} : memref<128xi32, #tpu.memory_space<vmem>>, vector<16xi32>,
        }
        %scan3A_136 = arith.constant 128 : i32
      } else {
      }
    }
    %lt3A = arith.constant 31 : i32
    %lt3A_76 = arith.cmpi slt, %add3A, %lt3A : i32
    %convert_element_type3A = arith.extui %lt3A_76 : i1 to i32
    %cond3A = arith.constant 0 : i32
    %cond3A_77 = arith.cmpi ne, %convert_element_type3A, %cond3A : i32
    scf.if %cond3A_77 {
      %mul3A_82 = arith.constant 320 : i32
      %mul3A_83 = arith.muli %add3A, %mul3A_82 : i32
      "tpu.region"() ({
        %run_scoped3A = tpu.sem_alloc : memref<!tpu.dma_semaphore, #tpu.memory_space<semaphore_mem>>
        %dma_start3A_84 = arith.constant 0 : i32
        %dma_start3A_85 = arith.constant 0 : i32
        %dma_start3A_86 = tpu.memref_slice %arg13[%dma_start3A_84, %dma_start3A_85] : memref<321x128xi32, #tpu.memory_space<vmem>> -> memref<320x128xi32, #tpu.memory_space<vmem>>
        %dma_start3A_87 = arith.constant 0 : i32
        %dma_start3A_88 = tpu.memref_slice %arg7[%mul3A_83, %dma_start3A_87] : memref<10000x128xi32, #tpu.memory_space<hbm>> -> memref<320x128xi32, #tpu.memory_space<hbm>>
        %dma_start3A_89 = arith.constant 0 : i32
        %dma_start3A_90 = tpu.memref_slice %arg7[%mul3A_83, %dma_start3A_89] : memref<10000x128xi32, #tpu.memory_space<hbm>> -> memref<320x128xi32, #tpu.memory_space<hbm>>
        %dma_start3A_91 = arith.constant 0 : i32
        %dma_start3A_92 = arith.constant 0 : i32
        %dma_start3A_93 = tpu.memref_slice %arg13[%dma_start3A_91, %dma_start3A_92] : memref<321x128xi32, #tpu.memory_space<vmem>> -> memref<320x128xi32, #tpu.memory_space<vmem>>
        tpu.enqueue_dma source(%dma_start3A_93 : memref<320x128xi32, #tpu.memory_space<vmem>>) target(%dma_start3A_90 : memref<320x128xi32, #tpu.memory_space<hbm>>) target_semaphore(%run_scoped3A : memref<!tpu.dma_semaphore, #tpu.memory_space<semaphore_mem>>)
        %dma_wait3A_94 = arith.constant 0 : i32
        %dma_wait3A_95 = arith.constant 0 : i32
        %dma_wait3A_96 = tpu.memref_slice %arg13[%dma_wait3A_94, %dma_wait3A_95] : memref<321x128xi32, #tpu.memory_space<vmem>> -> memref<320x128xi32, #tpu.memory_space<vmem>>
        %dma_wait3A_97 = arith.constant 0 : i32
        %dma_wait3A_98 = tpu.memref_slice %arg7[%mul3A_83, %dma_wait3A_97] : memref<10000x128xi32, #tpu.memory_space<hbm>> -> memref<320x128xi32, #tpu.memory_space<hbm>>
        %dma_wait3A_99 = arith.constant 0 : i32
        %dma_wait3A_100 = tpu.memref_slice %arg7[%mul3A_83, %dma_wait3A_99] : memref<10000x128xi32, #tpu.memory_space<hbm>> -> memref<320x128xi32, #tpu.memory_space<hbm>>
        %dma_wait3A_101 = arith.constant 0 : i32
        %dma_wait3A_102 = arith.constant 0 : i32
        %dma_wait3A_103 = tpu.memref_slice %arg13[%dma_wait3A_101, %dma_wait3A_102] : memref<321x128xi32, #tpu.memory_space<vmem>> -> memref<320x128xi32, #tpu.memory_space<vmem>>
        tpu.wait_dma2 semaphore(%run_scoped3A : memref<!tpu.dma_semaphore, #tpu.memory_space<semaphore_mem>>) src(%dma_wait3A_103 : memref<320x128xi32, #tpu.memory_space<vmem>>) dst(%dma_wait3A_100 : memref<320x128xi32, #tpu.memory_space<hbm>>)
        tpu.yield
      }) : () -> ()
    } else {
    }
    %eq3A = arith.constant 31 : i32
    %eq3A_78 = arith.cmpi eq, %add3A, %eq3A : i32
    %convert_element_type3A_79 = arith.extui %eq3A_78 : i1 to i32
    %cond3A_80 = arith.constant 0 : i32
    %cond3A_81 = arith.cmpi ne, %convert_element_type3A_79, %cond3A_80 : i32
    scf.if %cond3A_81 {
      "tpu.region"() ({
        %run_scoped3A = tpu.sem_alloc : memref<!tpu.dma_semaphore, #tpu.memory_space<semaphore_mem>>
        %dma_start3A_82 = arith.constant 0 : i32
        %dma_start3A_83 = arith.constant 0 : i32
        %dma_start3A_84 = tpu.memref_slice %arg13[%dma_start3A_82, %dma_start3A_83] : memref<321x128xi32, #tpu.memory_space<vmem>> -> memref<80x128xi32, #tpu.memory_space<vmem>>
        %dma_start3A_85 = arith.constant 9920 : i32
        %dma_start3A_86 = arith.constant 0 : i32
        %dma_start3A_87 = tpu.memref_slice %arg7[%dma_start3A_85, %dma_start3A_86] : memref<10000x128xi32, #tpu.memory_space<hbm>> -> memref<80x128xi32, #tpu.memory_space<hbm>>
        %dma_start3A_88 = arith.constant 9920 : i32
        %dma_start3A_89 = arith.constant 0 : i32
        %dma_start3A_90 = tpu.memref_slice %arg7[%dma_start3A_88, %dma_start3A_89] : memref<10000x128xi32, #tpu.memory_space<hbm>> -> memref<80x128xi32, #tpu.memory_space<hbm>>
        %dma_start3A_91 = arith.constant 0 : i32
        %dma_start3A_92 = arith.constant 0 : i32
        %dma_start3A_93 = tpu.memref_slice %arg13[%dma_start3A_91, %dma_start3A_92] : memref<321x128xi32, #tpu.memory_space<vmem>> -> memref<80x128xi32, #tpu.memory_space<vmem>>
        tpu.enqueue_dma source(%dma_start3A_93 : memref<80x128xi32, #tpu.memory_space<vmem>>) target(%dma_start3A_90 : memref<80x128xi32, #tpu.memory_space<hbm>>) target_semaphore(%run_scoped3A : memref<!tpu.dma_semaphore, #tpu.memory_space<semaphore_mem>>)
        %dma_wait3A_94 = arith.constant 0 : i32
        %dma_wait3A_95 = arith.constant 0 : i32
        %dma_wait3A_96 = tpu.memref_slice %arg13[%dma_wait3A_94, %dma_wait3A_95] : memref<321x128xi32, #tpu.memory_space<vmem>> -> memref<80x128xi32, #tpu.memory_space<vmem>>
        %dma_wait3A_97 = arith.constant 9920 : i32
        %dma_wait3A_98 = arith.constant 0 : i32
        %dma_wait3A_99 = tpu.memref_slice %arg7[%dma_wait3A_97, %dma_wait3A_98] : memref<10000x128xi32, #tpu.memory_space<hbm>> -> memref<80x128xi32, #tpu.memory_space<hbm>>
        %dma_wait3A_100 = arith.constant 9920 : i32
        %dma_wait3A_101 = arith.constant 0 : i32
        %dma_wait3A_102 = tpu.memref_slice %arg7[%dma_wait3A_100, %dma_wait3A_101] : memref<10000x128xi32, #tpu.memory_space<hbm>> -> memref<80x128xi32, #tpu.memory_space<hbm>>
        %dma_wait3A_103 = arith.constant 0 : i32
        %dma_wait3A_104 = arith.constant 0 : i32
        %dma_wait3A_105 = tpu.memref_slice %arg13[%dma_wait3A_103, %dma_wait3A_104] : memref<321x128xi32, #tpu.memory_space<vmem>> -> memref<80x128xi32, #tpu.memory_space<vmem>>
        tpu.wait_dma2 semaphore(%run_scoped3A : memref<!tpu.dma_semaphore, #tpu.memory_space<semaphore_mem>>) src(%dma_wait3A_105 : memref<80x128xi32, #tpu.memory_space<vmem>>) dst(%dma_wait3A_102 : memref<80x128xi32, #tpu.memory_space<hbm>>)
        tpu.yield
      }) : () -> ()
    } else {
    }
    return
  }
}

module attributes {stable_mosaic.version = 14 : i64} {
  func.func @_bias_body(%arg0: i32, %arg1: memref<2000x128xi32, #tpu.memory_space<vmem>>, %arg2: memref<256xf32, #tpu.memory_space<vmem>>, %arg3: memref<2000x256xf32, #tpu.memory_space<vmem>>) attributes {dimension_semantics = [#tpu.dimension_semantics<parallel>], iteration_bounds = array<i64: 5>, scalar_prefetch = 0 : i64, scratch_operands = 0 : i64, tpu.core_type = #tpu.core_type<tc>, window_params = [{transform_indices = @transform_0, window_bounds = array<i64: 2000, 128>}, {pipeline_mode = #tpu.pipeline_mode<synchronous>, transform_indices = @transform_1, window_bounds = array<i64: 256>}, {transform_indices = @transform_2, window_bounds = array<i64: 2000, 256>}]} {
    %get3A = arith.constant 0 : index
    %get3A_0 = arith.constant 0 : index
    %get3A_1 = vector.load %arg1[%get3A, %get3A_0] : memref<2000x128xi32, #tpu.memory_space<vmem>>, vector<2000x128xi32>
    %and3A = arith.constant 65535 : i32
    %and3A_2 = vector.broadcast %and3A : i32 to vector<2000x128xi32>
    %and3A_3 = arith.andi %get3A_1, %and3A_2 : vector<2000x128xi32>
    %convert_element_type3A = arith.trunci %and3A_3 : vector<2000x128xi32> to vector<2000x128xi16>
    %bitcast_convert_type3A = tpu.bitcast %convert_element_type3A : vector<2000x128xi16> -> vector<2000x128xbf16>
    %convert_element_type3A_4 = arith.extf %bitcast_convert_type3A : vector<2000x128xbf16> to vector<2000x128xf32>
    %shift_right_arithmetic3A = arith.constant 16 : i32
    %shift_right_arithmetic3A_5 = vector.broadcast %shift_right_arithmetic3A : i32 to vector<2000x128xi32>
    %shift_right_arithmetic3A_6 = arith.shrsi %get3A_1, %shift_right_arithmetic3A_5 : vector<2000x128xi32>
    %convert_element_type3A_7 = arith.trunci %shift_right_arithmetic3A_6 : vector<2000x128xi32> to vector<2000x128xi16>
    %bitcast_convert_type3A_8 = tpu.bitcast %convert_element_type3A_7 : vector<2000x128xi16> -> vector<2000x128xbf16>
    %convert_element_type3A_9 = arith.extf %bitcast_convert_type3A_8 : vector<2000x128xbf16> to vector<2000x128xf32>
    %get3A_10 = arith.constant 0 : index
    %get3A_11 = vector.load %arg2[%get3A_10] : memref<256xf32, #tpu.memory_space<vmem>>, vector<128xf32>
    %broadcast_in_dim3A = vector.shape_cast %get3A_11 : vector<128xf32> to vector<1x128xf32>
    %add3A = vector.broadcast %broadcast_in_dim3A : vector<1x128xf32> to vector<2000x128xf32>
    %add3A_12 = arith.addf %convert_element_type3A_4, %add3A : vector<2000x128xf32>
    %swap3A = arith.constant 0 : index
    %swap3A_13 = arith.constant 0 : index
    %swap3A_14 = vector.load %arg3[%swap3A, %swap3A_13] : memref<2000x256xf32, #tpu.memory_space<vmem>>, vector<2000x128xf32>
    tpu.vector_store %arg3[%swap3A, %swap3A_13], %add3A_12 {strides = array<i32>} : memref<2000x256xf32, #tpu.memory_space<vmem>>, vector<2000x128xf32>,
    %get3A_15 = arith.constant 128 : index
    %get3A_16 = vector.load %arg2[%get3A_15] : memref<256xf32, #tpu.memory_space<vmem>>, vector<128xf32>
    %broadcast_in_dim3A_17 = vector.shape_cast %get3A_16 : vector<128xf32> to vector<1x128xf32>
    %add3A_18 = vector.broadcast %broadcast_in_dim3A_17 : vector<1x128xf32> to vector<2000x128xf32>
    %add3A_19 = arith.addf %convert_element_type3A_9, %add3A_18 : vector<2000x128xf32>
    %swap3A_20 = arith.constant 0 : index
    %swap3A_21 = arith.constant 128 : index
    %swap3A_22 = vector.load %arg3[%swap3A_20, %swap3A_21] : memref<2000x256xf32, #tpu.memory_space<vmem>>, vector<2000x128xf32>
    tpu.vector_store %arg3[%swap3A_20, %swap3A_21], %add3A_19 {strides = array<i32>} : memref<2000x256xf32, #tpu.memory_space<vmem>>, vector<2000x128xf32>,
    return
  }
  func.func @transform_0(%arg0: i32) -> (i32, i32) {
    %c0_i32 = arith.constant 0 : i32
    %c0_i32_0 = arith.constant 0 : i32
    return %arg0, %c0_i32 : i32, i32
  }
  func.func @transform_1(%arg0: i32) -> i32 {
    %c0_i32 = arith.constant 0 : i32
    %c0_i32_0 = arith.constant 0 : i32
    return %c0_i32 : i32
  }
  func.func @transform_2(%arg0: i32) -> (i32, i32) {
    %c0_i32 = arith.constant 0 : i32
    %c0_i32_0 = arith.constant 0 : i32
    return %arg0, %c0_i32 : i32, i32
  }
}

module attributes {stable_mosaic.version = 14 : i64} {
  func.func @_xw_body(%arg0: i32, %arg1: i32, %arg2: memref<400x256xf32, #tpu.memory_space<vmem>>, %arg3: memref<1x256x256xf32, #tpu.memory_space<vmem>>, %arg4: memref<1x400x128xi32, #tpu.memory_space<vmem>>) attributes {dimension_semantics = [#tpu.dimension_semantics<arbitrary>, #tpu.dimension_semantics<arbitrary>], iteration_bounds = array<i64: 25, 8>, scalar_prefetch = 0 : i64, scratch_operands = 0 : i64, tpu.core_type = #tpu.core_type<tc>, window_params = [{transform_indices = @transform_0, window_bounds = array<i64: 400, 256>}, {transform_indices = @transform_1, window_bounds = array<i64: 1, 256, 256>}, {transform_indices = @transform_2, window_bounds = array<i64: 1, 400, 128>}]} {
    %get3A = arith.constant 0 : index
    %get3A_0 = arith.constant 0 : index
    %get3A_1 = vector.load %arg2[%get3A, %get3A_0] : memref<400x256xf32, #tpu.memory_space<vmem>>, vector<400x256xf32>
    %convert_element_type3A = arith.truncf %get3A_1 : vector<400x256xf32> to vector<400x256xbf16>
    %get3A_2 = arith.constant 0 : index
    %get3A_3 = arith.constant 0 : index
    %get3A_4 = arith.constant 0 : index
    %get3A_5 = vector.load %arg3[%get3A_2, %get3A_3, %get3A_4] : memref<1x256x256xf32, #tpu.memory_space<vmem>>, vector<1x256x256xf32>
    %get3A_6 = vector.shape_cast %get3A_5 : vector<1x256x256xf32> to vector<256x256xf32>
    %convert_element_type3A_7 = arith.truncf %get3A_6 : vector<256x256xf32> to vector<256x256xbf16>
    %dot_general3A = arith.constant dense<0.000000e+00> : vector<400x256xf32>
    %dot_general3A_8 = tpu.matmul %convert_element_type3A, %convert_element_type3A_7, %dot_general3A {dimension_numbers = #tpu.dot_dimension_numbers<[1], [0], [0], [1], [0, 0, 1, 1], [], []>, transpose_lhs_hint = false} : vector<400x256xbf16>, vector<256x256xbf16>, vector<400x256xf32> -> vector<400x256xf32>
    %convert_element_type3A_9 = arith.truncf %dot_general3A_8 : vector<400x256xf32> to vector<400x256xbf16>
    %slice3A = vector.extract_strided_slice %convert_element_type3A_9 {offsets = [0, 0], sizes = [400, 128], strides = [1, 1]} : vector<400x256xbf16> to vector<400x128xbf16>
    %bitcast_convert_type3A = tpu.bitcast %slice3A : vector<400x128xbf16> -> vector<400x128xi16>
    %convert_element_type3A_10 = arith.extui %bitcast_convert_type3A : vector<400x128xi16> to vector<400x128xi32>
    %slice3A_11 = vector.extract_strided_slice %convert_element_type3A_9 {offsets = [0, 128], sizes = [400, 128], strides = [1, 1]} : vector<400x256xbf16> to vector<400x128xbf16>
    %bitcast_convert_type3A_12 = tpu.bitcast %slice3A_11 : vector<400x128xbf16> -> vector<400x128xi16>
    %convert_element_type3A_13 = arith.extui %bitcast_convert_type3A_12 : vector<400x128xi16> to vector<400x128xi32>
    %shift_left3A = arith.constant 16 : i32
    %shift_left3A_14 = vector.broadcast %shift_left3A : i32 to vector<400x128xi32>
    %shift_left3A_15 = arith.shli %convert_element_type3A_13, %shift_left3A_14 : vector<400x128xi32>
    %or3A = arith.ori %shift_left3A_15, %convert_element_type3A_10 : vector<400x128xi32>
    %swap3A = arith.constant 0 : index
    %swap3A_16 = arith.constant 0 : index
    %swap3A_17 = arith.constant 0 : index
    %swap3A_18 = vector.load %arg4[%swap3A, %swap3A_16, %swap3A_17] : memref<1x400x128xi32, #tpu.memory_space<vmem>>, vector<1x400x128xi32>
    %swap3A_19 = vector.shape_cast %swap3A_18 : vector<1x400x128xi32> to vector<400x128xi32>
    %swap3A_20 = vector.shape_cast %or3A : vector<400x128xi32> to vector<1x400x128xi32>
    tpu.vector_store %arg4[%swap3A, %swap3A_16, %swap3A_17], %swap3A_20 {strides = array<i32>} : memref<1x400x128xi32, #tpu.memory_space<vmem>>, vector<1x400x128xi32>,
    return
  }
  func.func @transform_0(%arg0: i32, %arg1: i32) -> (i32, i32) {
    %c0_i32 = arith.constant 0 : i32
    %c0_i32_0 = arith.constant 0 : i32
    return %arg0, %c0_i32 : i32, i32
  }
  func.func @transform_1(%arg0: i32, %arg1: i32) -> (i32, i32, i32) {
    %c0_i32 = arith.constant 0 : i32
    %c0_i32_0 = arith.constant 0 : i32
    %c0_i32_1 = arith.constant 0 : i32
    return %arg1, %c0_i32, %c0_i32_0 : i32, i32, i32
  }
  func.func @transform_2(%arg0: i32, %arg1: i32) -> (i32, i32, i32) {
    %c0_i32 = arith.constant 0 : i32
    %c0_i32_0 = arith.constant 0 : i32
    return %arg1, %arg0, %c0_i32 : i32, i32, i32
  }
}

</mosaic_0001>

<sc_bundles>
// kernel: kernel.6.cloned.1.call-start
scs
__scs_entry_jumppad:
0x0: {  	(pc) =	sbr.rel $0x88, $3  }
0x1: {  	(tag) =	ssettag $0x0;
	lr =	simm.s32 $0x1  }
0x2: {  	[smem:$0x3F9B] =	sst lr;
	_ =	strace $0xD0000000  }
0x3: {  	_ = 	snop  }
0x4: {  	_ = 	snop  }
0x5: {  	_ = 	snop  }
0x6: {  	_ = 	snop  }
0x7: {  	_ = 	snop  }
__scs_overlays_trampoline_lowered:
0x8: {  	[smem:$0x3FAA] =	sst s0  }
0x9: {  	[smem:$0x3FAB] =	sst s1  }
0xa: {  	[smem:$0x3FAC] =	sst s2  }
0xb: {  	[smem:$0x3FAD] =	sst s3  }
0xc: {  	[smem:$0x3FAE] =	sst s4  }
0xd: {  	[smem:$0x3FAF] =	sst s5  }
0xe: {  	[smem:$0x3FB0] =	sst s6  }
0xf: {  	[smem:$0x3FB1] =	sst s7  }
0x10: {  	[smem:$0x3FB2] =	sst s8  }
0x11: {  	[smem:$0x3FB3] =	sst s9;
	s0 =	simm.s32 @!p0 $0x0  }
0x12: {  	s1 =	sld [smem:$0x3F99];
	s0 =	simm.s32 @p0 $0x1  }
0x13: {  	[smem:$0x3FB4] =	sst s0;
	s0 =	simm.s32 @!p1 $0x0  }
0x14: {  	s2 =	sld [smem:$0x3F98];
	s0 =	simm.s32 @p1 $0x1  }
0x15: {  	[smem:$0x3FB5] =	sst s0;
	s0 =	simm.s32 @!p2 $0x0  }
0x16: {  	s3 =	sld [smem:$0x3FDB];
	s0 =	simm.s32 @p2 $0x1  }
0x17: {  	s4 =	simm.s32 $0x1BF5;
	[smem:$0x3FB7] =	sst s0  }
0x18: {  	s0 =	sld [smem:$0x3F9A];
	_ =	swait.ge [sflag:s4], $0x0  }
0x19: {  	s7 =	sld [smem:$0x3F9B]  }
0x1a: {  	s8 =	sadd.s32 $0xFFFFE003, lr  }
0x1b: {  	s9 =	sadd.s32 $0xFFFFFEF7, lr;
	s5 =	simm.s32 $0xFFFFFFFF;
	p2 =	slt.u32 s8, $0xFFFFF086  }
0x1c: {  	p1 =	slt.u32 s9, $0xF7A;
	s5 =	simm.s32 @!p2 $0x0  }
0x1d: {  	s5 =	simm.s32 @p1 $0x1;
	p0 =	seq.s32 s7, s2  }
0x1e: {  	s7 =	smul.u32 @!p0 $0xF7A, s2;
	p2 =	seq.s32 @!p0 s5, $0x0  }
0x1f: {  	s9 =	smul.u32 $0xF7A, s1;
	s8 =	simm.s32 @!p0 $0x1BF5;
	p2 =	por !p2, p0  }
0x20: {  	[sflag:s8] =	ssyncset.s32 @!p0 $0xFFFFF086;
	s6 =	sadd.s32 @!p0 s3, s7;
	s7 =	simm.s32 @!p0 $0x108  }
0x21: {  	s3 =	sadd.s32 s3, s9;
	s6 =	sadd.s32 @!p0 $0x88, s6;
	s7 =	simm.s32 @p2 $0x1082  }
0x22: {  	[simem:s7], [sflag:s8] =	dma.local @!p0 [hbm:s6], $0xF7A  }
0x23: {  	s9 =	sor.u32 $0xD0000000, s2;
	s6 =	simm.s32 $0x108;
	_ =	swait.ge @!p0 [sflag:s8], $0x0  }
0x24: {  	s3 =	sadd.s32 $0x88, s3;
	s6 =	simm.s32 @!p1 $0x1082;
	[sflag:s4] =	ssyncset.s32 $0xFFFFF086  }
0x25: {  	[simem:s6], [sflag:s4] =	dma.local [hbm:s3], $0xF7A  }
0x26: {  	[smem:$0x3F9B] =	sst s1;
	(tag) =	ssettag s2;
	_ =	strace s9  }
0x27: {  	s1 =	sld [smem:$0x3FAB]  }
0x28: {  	s2 =	sld [smem:$0x3FAC]  }
0x29: {  	s4 =	sld [smem:$0x3FAE]  }
0x2a: {  	p0 =	seq.s32 s5, $0x0;
	s5 =	sld [smem:$0x3FAF]  }
0x2b: {  	s6 =	sld [smem:$0x3FB0]  }
0x2c: {  	s7 =	sld [smem:$0x3FB1]  }
0x2d: {  	s3 =	simm.s32 $0x108;
	s8 =	sld [smem:$0x3FB2]  }
0x2e: {  	s3 =	simm.s32 @!p0 $0x1082;
	s9 =	sld [smem:$0x3FB3]  }
0x2f: {  	lr =	sadd.s32 s0, s3;
	s0 =	sld [smem:$0x3FAA]  }
0x30: {  	s3 =	sld [smem:$0x3FAD]  }
0x31: {  	[smem:$0x3FB6] =	sst s10  }
0x32: {  	s10 =	sld [smem:$0x3FB4];
	_ =	sdelay $0x3  }
0x33: {  	p0 =	seq.s32 s10, $0x1;
	s10 =	sld [smem:$0x3FB6];
	_ =	sdelay $0x3  }
0x34: {  	[smem:$0x3FB6] =	sst s10  }
0x35: {  	s10 =	sld [smem:$0x3FB5];
	_ =	sdelay $0x3  }
0x36: {  	p1 =	seq.s32 s10, $0x1;
	s10 =	sld [smem:$0x3FB6];
	_ =	sdelay $0x3  }
0x37: {  	[smem:$0x3FB6] =	sst s10  }
0x38: {  	s10 =	sld [smem:$0x3FB7]  }
0x39: {  	_ = 	snop;
	(pc) =	sbr.ind lr, $3  }
0x3a: {  	_ = 	snop  }
0x3b: {  	_ = 	snop  }
0x3c: {  	p2 =	seq.s32 s10, $0x1;
	s10 =	sld [smem:$0x3FB6]  }
0x3d: {  	_ =	shalt  }
0x3e: {  	_ =	shalt  }
0x3f: {  	_ =	shalt  }
0x40: {  	_ =	shalt  }
0x41: {  	_ =	shalt  }
0x42: {  	_ =	shalt  }
0x43: {  	_ =	shalt  }
0x44: {  	_ =	shalt  }
0x45: {  	_ =	shalt  }
0x46: {  	_ =	shalt  }
0x47: {  	_ =	shalt  }
0x48: {  	_ =	shalt  }
0x49: {  	_ =	shalt  }
0x4a: {  	_ =	shalt  }
0x4b: {  	_ =	shalt  }
0x4c: {  	_ =	shalt  }
0x4d: {  	_ =	shalt  }
0x4e: {  	_ =	shalt  }
0x4f: {  	_ =	shalt  }
0x50: {  	_ =	shalt  }
0x51: {  	_ =	shalt  }
0x52: {  	_ =	shalt  }
0x53: {  	_ =	shalt  }
0x54: {  	_ =	shalt  }
0x55: {  	_ =	shalt  }
0x56: {  	_ =	shalt  }
0x57: {  	_ =	shalt  }
0x58: {  	_ =	shalt  }
0x59: {  	_ =	shalt  }
0x5a: {  	_ =	shalt  }
0x5b: {  	_ =	shalt  }
0x5c: {  	_ =	shalt  }
0x5d: {  	_ =	shalt  }
0x5e: {  	_ =	shalt  }
0x5f: {  	_ =	shalt  }
0x60: {  	_ =	shalt  }
0x61: {  	_ =	shalt  }
0x62: {  	_ =	shalt  }
0x63: {  	_ =	shalt  }
0x64: {  	_ =	shalt  }
0x65: {  	_ =	shalt  }
0x66: {  	_ =	shalt  }
0x67: {  	_ =	shalt  }
0x68: {  	_ =	shalt  }
0x69: {  	_ =	shalt  }
0x6a: {  	_ =	shalt  }
0x6b: {  	_ =	shalt  }
0x6c: {  	_ =	shalt  }
0x6d: {  	_ =	shalt  }
0x6e: {  	_ =	shalt  }
0x6f: {  	_ =	shalt  }
0x70: {  	_ =	shalt  }
0x71: {  	_ =	shalt  }
0x72: {  	_ =	shalt  }
0x73: {  	_ =	shalt  }
0x74: {  	_ =	shalt  }
0x75: {  	_ =	shalt  }
0x76: {  	_ =	shalt  }
0x77: {  	_ =	shalt  }
0x78: {  	_ =	shalt  }
0x79: {  	_ =	shalt  }
0x7a: {  	_ =	shalt  }
0x7b: {  	_ =	shalt  }
0x7c: {  	_ =	shalt  }
0x7d: {  	_ =	shalt  }
0x7e: {  	_ =	shalt  }
0x7f: {  	_ =	shalt  }
0x80: {  	_ =	shalt  }
0x81: {  	_ =	shalt  }
0x82: {  	_ =	shalt  }
0x83: {  	_ =	shalt  }
0x84: {  	_ =	shalt  }
0x85: {  	_ =	shalt  }
0x86: {  	_ =	shalt  }
0x87: {  	_ =	shalt  }
.Lfunc_end0:
.L_simem_size_0:
called_computation_lowered:
.L_overlay_start_0:
0x88: {  	s2 =	sld [smem:$0x3FD9]  }
0x89: {  	s3 =	sld [smem:$0x3FFE];
	_ =	sdelay $0x1  }
0x8a: {  	s1 =	srdreg.scid  }
0x8b: {  	s0 =	sand.u32 $0x1, s1  }
0x8c: {  	s17 =	sshll.u32 s0, $0xA;
	s2 =	sadd.s32 s3, s2  }
0x8d: {  	s2 =	sadd.s32 s2, s17  }
0x8e: {  	[smem:$0x3FC2] =	sst s2  }
0x8f: {  	_ = 	snop  }
0x90: {  	s2 =	sld [smem:$0x3FC7]  }
0x91: {  	s18 =	sld [smem:$0x3FD0];
	(tm) =	ssettm $0x1  }
0x92: {  	s4 =	sld [smem:$0x3FFB];
	_ =	sdelay $0x3  }
0x93: {  	_ =	strace s4  }
0x94: {  	s4 =	sld [smem:$0x3FFC];
	_ =	sdelay $0x3  }
0x95: {  	_ =	strace s4  }
0x96: {  	s4 =	sld [smem:$0x3FFD];
	_ =	sdelay $0x3  }
0x97: {  	_ =	strace s4  }
0x98: {  	_ =	strace $0x8FFFFFFF  }
0x99: {  	s19 =	sld [smem:$0x3FDB];
	_ =	sdelay $0x1  }
0x9a: {  	s5 =	simm.s32 $_scs_section_size  }
0x9b: {  	s6 =	simm.s32 $_size__tile_overlayer_lowered;
	s7 =	simm.s32 $_tile_overlayer_lowered  }
0x9c: {  	s22 =	simm.s32 $0x1BFF;
	s21 =	sshll.u32 s7, $0x1;
	s4 =	sadd.s32 s5, s19  }
0x9d: {  	s8 =	simm.s32 $0x0;
	s20 =	sshll.u32 s6, $0x1;
	s6 =	sadd.s32 s21, s4  }
0x9e: {  	[timem:s8], [sflag:s22] =	dma.local [hbm:s6], s20  }
0x9f: {  	_ =	swait.ge [sflag:s22], s20  }
0xa0: {  	s5 =	ssub.s32 $0x0, s20;
	[sflag:s22] =	ssyncset.done $0x0  }
0xa1: {  	[sflag:s22] =	ssyncadd.s32 s5;
	_ =	sdelay $0x1  }
0xa2: {  	s23 =	simm.s32 $0x1B8B  }
0xa3: {  	_ =	swait.ge [sflag:s23], $0x1  }
0xa4: {  	[sflag:s23] =	ssyncset.done $0x0  }
0xa5: {  	s25 =	simm.s32 $0x1B8E;
	s24 =	sld [smem:$0x3FFE];
	[sflag:s23] =	ssyncadd.s32 $0xFFFFFFFF  }
0xa6: {  	s26 =	simm.s32 $execute0_lowered;
	[smem:$0x3FD2] =	sst s25  }
0xa7: {  	s6 =	sshll.u32 s26, $0x1;
	_ =	strace $0x80000046;
	[dreg:$0x1] =	wrdreg $0xFFFFFFFF  }
0xa8: {  	s28 =	simm.s32 $_size_execute0_lowered;
	s4 =	sadd.s32 s4, s6;
	[dreg:$0x0] =	wrdreg $0x0  }
0xa9: {  	s6 =	sshll.u32 s28, $0x1;
	[dreg:$0x2] =	wrdreg s4  }
0xaa: {  	[dreg:$0x3] =	wrdreg s6  }
0xab: {  	[dreg:$0x4] =	wrdreg $0xC0  }
0xac: {  	_ =	task [dreg:s8], $0x5FFFF  }
0xad: {  	[dreg:$0x1] =	wrdreg $0xFFFFFFFF  }
0xae: {  	[dreg:$0x0] =	wrdreg $0x60  }
0xaf: {  	[dreg:$0x2] =	wrdreg s24  }
0xb0: {  	[dreg:$0x3] =	wrdreg s2  }
0xb1: {  	[dreg:$0x4] =	wrdreg s18  }
0xb2: {  	[dreg:$0x5] =	wrdreg $0x9  }
0xb3: {  	_ =	task.clear_ibuf [dreg:s8], $0x6FFFF;
	_ =	strace $0x90000046  }
0xb4: {  	s29 =	simm.s32 $0x9;
	_ =	strace $0x80000048  }
0xb5: {  	_ =	swait.ge [sflag:s29], $0x1  }
0xb6: {  	[sflag:s29] =	ssyncadd.s32 $0xFFFFFFFF  }
0xb7: {  	_ =	strace $0x90000048  }
0xb8: {  	_ =	sfence  }
0xb9: {  	s30 =	sld [smem:$0x0];
	_ =	sdelay $0x2  }
0xba: {  	s31 =	sshll.u32 s1, $0xD;
	s1 =	sshrl.u32 s1, $0x2  }
0xbb: {  	s3 =	sand.u32 $0x4000, s31;
	s1 =	sadd.s32 s1, s30  }
0xbc: {  	s0 =	sor.u32 s3, s0;
	s1 =	sshll.u32 s1, $0x11  }
0xbd: {  	s0 =	sor.u32 s1, s0  }
0xbe: {  	s0 =	sadd.s32 $0x8F2B, s0  }
0xbf: {  	[sflag:s0] =	ssyncadd.remote.s32 $0x1  }
0xc0: {  	_ =	sfence.sel $0xFFFF  }
0xc1: {  	[dreg:$0x0] =	wrdreg $0xFFFFFFFF;
	(pc) =	sbr.abs _section_cstart, $3  }
0xc2: {  	[dreg:$0x1] =	wrdreg $0xFFFFFFFF  }
0xc3: {  	_ =	task.clear_ibuf [dreg:s8], $0x2FFFF;
	_ =	strace $0x9FFFFFFF  }
0xc4: {  	(tm) =	ssettm $0x7FFFFFFF  }
0xc5: {  	_ =	shalt  }
tec
execute0_lowered:
.L_overlay_start_1:
0x0: {  	(tag) =	ssettag $0x1  }
0x1: {  	s0 =	rddreg [dreg:$0x0]  }
0x2: {  	s1 =	rddreg [dreg:$0x1]  }
0x3: {  	s3 =	rddreg [dreg:$0x2];
	s4 =	simm.s32 $0x0;
	s2 =	srdreg.scid  }
0x4: {  	s5 =	stileid.u32;
	s13 =	simm.s32 $0x2000;
	s14 =	simm.s32 $0x3000  }
0x5: {  	s15 =	simm.s32 $0x4000;
	s16 =	simm.s32 $0x5000;
	s17 =	simm.s32 $0x6000  }
0x6: {  	s18 =	simm.s32 $0x7000;
	s19 =	simm.s32 $0x1;
	s20 =	simm.s32 $0x8000  }
0x7: {  	s21 =	simm.s32 $0xA000;
	s22 =	simm.s32 $0xC000;
	s23 =	simm.s32 $0x2  }
0x8: {  	s25 =	simm.s32 $0x3;
	s26 =	simm.s32 $0x0;
	[smem:$0x7FF] =	sst s4  }
0x9: {  	s2 =	sand.u32 $0x1, s2;
	s6 =	sshll.u32 s5, $0x1;
	s5 =	sadd.s32 $0x600, s0  }
0xa: {  	_ =	strace $0x80000047;
	s7 =	sor.u32 s2, s6;
	s6 =	sadd.s32 $0x5600, s0  }
0xb: {  	s2 =	ssub.s32 $0x2, s2;
	s8 =	sshll.u32 s7, $0xA;
	s31 =	sshll.u32 s7, $0x1  }
0xc: {  	s9 =	sshrl.u32 s2, $0x1;
	s12 =	smul.u32 $0x140, s7;
	s24 =	sshll.u32 s7, $0x7  }
0xd: {  	s10 =	sadd.s32 s8, s0;
	s0 =	sadd.s32 s31, s0;
	s2 =	ssub.s32 s2, s9  }
0xe: {  	v1 =	vmov s24;
	s24 =	simm.s32 $0xE000;
	s7 =	sadd.s32 $0x22600, s0;
	s8 =	sadd.s32 $0xA600, s10  }
0xf: {  	v2 =	vimm.s32 $0x0;
	v3 =	vimm.s32 $0x140;
	s9 =	sadd.s32 $0x12600, s10;
	s10 =	sadd.s32 $0x1A600, s10;
	s11 =	smax.u32 s2, $0x1;
	v0 =	vmov s12  }
.LBB2_1:
0x10: {  	[tilespmem:s4], [sflag:$0x1] =	stream.linear.gather [hbm4b:s5+s4], $0xFA0, $0x38;
	[tilespmem:$0xE080] =	vst v63  }
0x11: {  	s0 =	simm.s32 $0x1000  }
0x12: {  	[tilespmem:s0], [sflag:$0x1] =	stream.linear.gather [hbm4b:s1+s4], $0xFA0, $0x38;
	[tilespmem:$0xE080] =	vst v63  }
0x13: {  	_ = 	snop  }
0x14: {  	[tilespmem:s13], [sflag:$0x1] =	stream.linear.gather [hbm4b:s3+s4], $0xFA0, $0x38;
	[tilespmem:$0xE080] =	vst v63  }
0x15: {  	s28 =	simm.s32 $0x0  }
0x16: {  	v4 =	vimm.s32 $0x0;
	[tilespmem:s14], [sflag:$0x1] =	stream.linear.gather [hbm4b:s6+s4], $0xFA0, $0x38;
	[tilespmem:$0xE080] =	vst v63  }
.LBB2_2:
0x17: {  	s29 =	smul.u32 $0x1F40, s28;
	_ =	sdelay $0x1  }
0x18: {  	s0 =	sshrl.u32 s29, $0x3  }
0x19: {  	s0 =	sadd.s32 $0x1F4, s0  }
0x1a: {  	s2 =	sadd.s32 s5, s0  }
0x1b: {  	[tilespmem:s15], [sflag:$0x2] =	stream.linear.gather [hbm4b:s2+s4], $0xFA0, $0x38;
	[tilespmem:$0xE080] =	vst v63  }
0x1c: {  	s12 =	sadd.s32 s1, s0  }
0x1d: {  	[tilespmem:s16], [sflag:$0x2] =	stream.linear.gather [hbm4b:s12+s4], $0xFA0, $0x38;
	[tilespmem:$0xE080] =	vst v63  }
0x1e: {  	s12 =	sadd.s32 s3, s0  }
0x1f: {  	[tilespmem:s17], [sflag:$0x2] =	stream.linear.gather [hbm4b:s12+s4], $0xFA0, $0x38;
	[tilespmem:$0xE080] =	vst v63  }
0x20: {  	s0 =	sadd.s32 s6, s0  }
0x21: {  	[tilespmem:s18], [sflag:$0x2] =	stream.linear.gather [hbm4b:s0+s4], $0xFA0, $0x38;
	[tilespmem:$0xE080] =	vst v63  }
0x22: {  	_ =	swait.ge [sflag:s19], $0xFA0  }
0x23: {  	[sflag:s19] =	ssyncset.done $0x0  }
0x24: {  	[sflag:s19] =	ssyncadd.s32 $0xFFFFF060  }
0x25: {  	_ =	swait.ge [sflag:s19], $0xFA0  }
0x26: {  	[sflag:s19] =	ssyncset.done $0x0  }
0x27: {  	[sflag:s19] =	ssyncadd.s32 $0xFFFFF060  }
0x28: {  	_ =	swait.ge [sflag:s19], $0xFA0  }
0x29: {  	[sflag:s19] =	ssyncset.done $0x0  }
0x2a: {  	[sflag:s19] =	ssyncadd.s32 $0xFFFFF060  }
0x2b: {  	s30 =	simm.s32 $0xFFFFFFF8;
	_ =	swait.ge [sflag:s19], $0xFA0  }
0x2c: {  	s31 =	simm.s32 $0x2040;
	s2 =	simm.s32 $0x40;
	[sflag:s19] =	ssyncset.done $0x0  }
0x2d: {  	s12 =	simm.s32 $0x3040;
	s0 =	simm.s32 $0x1040;
	[sflag:s19] =	ssyncadd.s32 $0xFFFFF060  }
.LBB2_3:
0x2e: {  	v5 =	vld [tilespmem:s31+$0xFFFFFFC0];
	_ =	sdelay $0x4  }
0x2f: {  	v5 =	vsub.s32 v5, v0  }
0x30: {  	vm0 =	vlt.u32 v5, $0x140  }
0x31: {  	v6 =	vsel vm0, $0x1, v2  }
0x32: {  	(xrf0) =	vadd.scan.msk.s32 $0xffff, v6;
	_ =	sdelay $0x4  }
0x33: {  	v6 =	vld [tilespmem:s0+$0xFFFFFFC0]  }
0x34: {  	v8 =	vld [tilespmem:s12+$0xFFFFFFC0];
	v7, _, _ =	vpop (xrf0)  }
0x35: {  	v9 =	vld [tilespmem:s2+$0xFFFFFFC0];
	v7 =	vadd.s32 v7, v4  }
0x36: {  	v7 =	vadd.s32 $0xFFFFFFFF, v7;
	_ =	sdelay $0x1  }
0x37: {  	v6 =	vmul.u32 $0x2710, v6  }
0x38: {  	v8 =	vadd.s32 $0x8000, v8  }
0x39: {  	v49 =	vshra.s32 v8, $0x10;
	v8 =	vand.u32 $0xFFFF0000, v8;
	v6 =	vadd.s32 v9, v6  }
0x3a: {  	v8 =	vor.u32 v49, v8;
	[tilespmem:v7+s20+$0x0] =	vst.idx.msk vm0, v6  }
0x3b: {  	[tilespmem:v7+s21+$0x0] =	vst.idx.msk vm0, v8  }
0x3c: {  	[tilespmem:v7+s22+$0x0] =	vst.idx.msk vm0, v5  }
0x3d: {  	v5 =	vld [tilespmem:s31+$0xFFFFFFD0];
	_ =	sdelay $0x4  }
0x3e: {  	v5 =	vsub.s32 v5, v0  }
0x3f: {  	vm1 =	vlt.u32 v5, $0x140  }
0x40: {  	v6 =	vsel vm1, $0x1, v2  }
0x41: {  	(xrf0) =	vadd.scan.msk.s32 $0xffff, v6;
	_ =	sdelay $0x1  }
0x42: {  	v6 =	vmpcnt.ones.xlane vm0;
	_ =	sdelay $0x2  }
0x43: {  	v7 =	vld [tilespmem:s0+$0xFFFFFFD0]  }
0x44: {  	v8 =	vld [tilespmem:s12+$0xFFFFFFD0];
	v4 =	vadd.s32 v4, v6;
	v6, _, _ =	vpop (xrf0)  }
0x45: {  	v50 =	vld [tilespmem:s2+$0xFFFFFFD0];
	v6 =	vadd.s32 v6, v4  }
0x46: {  	v6 =	vadd.s32 $0xFFFFFFFF, v6;
	_ =	sdelay $0x1  }
0x47: {  	v7 =	vmul.u32 $0x2710, v7  }
0x48: {  	v8 =	vadd.s32 $0x8000, v8  }
0x49: {  	v51 =	vshra.s32 v8, $0x10;
	v8 =	vand.u32 $0xFFFF0000, v8;
	v7 =	vadd.s32 v50, v7  }
0x4a: {  	v8 =	vor.u32 v51, v8;
	[tilespmem:v6+s20+$0x0] =	vst.idx.msk vm1, v7  }
0x4b: {  	[tilespmem:v6+s21+$0x0] =	vst.idx.msk vm1, v8  }
0x4c: {  	[tilespmem:v6+s22+$0x0] =	vst.idx.msk vm1, v5  }
0x4d: {  	v5 =	vld [tilespmem:s31+$0xFFFFFFE0];
	_ =	sdelay $0x4  }
0x4e: {  	v5 =	vsub.s32 v5, v0  }
0x4f: {  	vm10 =	vlt.u32 v5, $0x140  }
0x50: {  	v6 =	vsel vm10, $0x1, v2  }
0x51: {  	(xrf0) =	vadd.scan.msk.s32 $0xffff, v6;
	_ =	sdelay $0x1  }
0x52: {  	v6 =	vmpcnt.ones.xlane vm1;
	_ =	sdelay $0x2  }
0x53: {  	v7 =	vld [tilespmem:s0+$0xFFFFFFE0]  }
0x54: {  	v8 =	vld [tilespmem:s12+$0xFFFFFFE0];
	v4 =	vadd.s32 v4, v6;
	v6, _, _ =	vpop (xrf0)  }
0x55: {  	v52 =	vld [tilespmem:s2+$0xFFFFFFE0];
	v6 =	vadd.s32 v6, v4  }
0x56: {  	v6 =	vadd.s32 $0xFFFFFFFF, v6;
	_ =	sdelay $0x1  }
0x57: {  	v7 =	vmul.u32 $0x2710, v7  }
0x58: {  	v8 =	vadd.s32 $0x8000, v8  }
0x59: {  	v53 =	vshra.s32 v8, $0x10;
	v8 =	vand.u32 $0xFFFF0000, v8;
	v7 =	vadd.s32 v52, v7  }
0x5a: {  	v8 =	vor.u32 v53, v8;
	[tilespmem:v6+s20+$0x0] =	vst.idx.msk vm10, v7  }
0x5b: {  	[tilespmem:v6+s21+$0x0] =	vst.idx.msk vm10, v8  }
0x5c: {  	[tilespmem:v6+s22+$0x0] =	vst.idx.msk vm10, v5  }
0x5d: {  	v5 =	vld [tilespmem:s31+$0xFFFFFFF0];
	_ =	sdelay $0x4  }
0x5e: {  	v5 =	vsub.s32 v5, v0  }
0x5f: {  	vm11 =	vlt.u32 v5, $0x140  }
0x60: {  	v6 =	vsel vm11, $0x1, v2  }
0x61: {  	(xrf0) =	vadd.scan.msk.s32 $0xffff, v6;
	_ =	sdelay $0x1  }
0x62: {  	v6 =	vmpcnt.ones.xlane vm10;
	_ =	sdelay $0x2  }
0x63: {  	v7 =	vld [tilespmem:s0+$0xFFFFFFF0]  }
0x64: {  	v8 =	vld [tilespmem:s12+$0xFFFFFFF0];
	v4 =	vadd.s32 v4, v6;
	v6, _, _ =	vpop (xrf0)  }
0x65: {  	v54 =	vld [tilespmem:s2+$0xFFFFFFF0];
	v6 =	vadd.s32 v6, v4  }
0x66: {  	v6 =	vadd.s32 $0xFFFFFFFF, v6;
	_ =	sdelay $0x1  }
0x67: {  	v7 =	vmul.u32 $0x2710, v7  }
0x68: {  	v8 =	vadd.s32 $0x8000, v8  }
0x69: {  	v55 =	vshra.s32 v8, $0x10;
	v8 =	vand.u32 $0xFFFF0000, v8;
	v7 =	vadd.s32 v54, v7  }
0x6a: {  	v8 =	vor.u32 v55, v8;
	[tilespmem:v6+s20+$0x0] =	vst.idx.msk vm11, v7  }
0x6b: {  	[tilespmem:v6+s21+$0x0] =	vst.idx.msk vm11, v8  }
0x6c: {  	[tilespmem:v6+s22+$0x0] =	vst.idx.msk vm11, v5  }
0x6d: {  	v5 =	vld [tilespmem:s31+$0x0];
	_ =	sdelay $0x4  }
0x6e: {  	v5 =	vsub.s32 v5, v0  }
0x6f: {  	vm12 =	vlt.u32 v5, $0x140  }
0x70: {  	v6 =	vsel vm12, $0x1, v2  }
0x71: {  	(xrf0) =	vadd.scan.msk.s32 $0xffff, v6;
	_ =	sdelay $0x1  }
0x72: {  	v6 =	vmpcnt.ones.xlane vm11;
	_ =	sdelay $0x2  }
0x73: {  	v7 =	vld [tilespmem:s0+$0x0]  }
0x74: {  	v8 =	vld [tilespmem:s12+$0x0];
	v4 =	vadd.s32 v4, v6;
	v6, _, _ =	vpop (xrf0)  }
0x75: {  	v56 =	vld [tilespmem:s2+$0x0];
	v6 =	vadd.s32 v6, v4  }
0x76: {  	v6 =	vadd.s32 $0xFFFFFFFF, v6;
	_ =	sdelay $0x1  }
0x77: {  	v7 =	vmul.u32 $0x2710, v7  }
0x78: {  	v8 =	vadd.s32 $0x8000, v8  }
0x79: {  	v57 =	vshra.s32 v8, $0x10;
	v8 =	vand.u32 $0xFFFF0000, v8;
	v7 =	vadd.s32 v56, v7  }
0x7a: {  	v8 =	vor.u32 v57, v8;
	[tilespmem:v6+s20+$0x0] =	vst.idx.msk vm12, v7  }
0x7b: {  	[tilespmem:v6+s21+$0x0] =	vst.idx.msk vm12, v8  }
0x7c: {  	[tilespmem:v6+s22+$0x0] =	vst.idx.msk vm12, v5  }
0x7d: {  	v5 =	vld [tilespmem:s31+$0x10];
	_ =	sdelay $0x4  }
0x7e: {  	v5 =	vsub.s32 v5, v0  }
0x7f: {  	vm13 =	vlt.u32 v5, $0x140  }
0x80: {  	v6 =	vsel vm13, $0x1, v2  }
0x81: {  	(xrf0) =	vadd.scan.msk.s32 $0xffff, v6;
	_ =	sdelay $0x1  }
0x82: {  	v6 =	vmpcnt.ones.xlane vm12;
	_ =	sdelay $0x2  }
0x83: {  	v7 =	vld [tilespmem:s0+$0x10]  }
0x84: {  	v8 =	vld [tilespmem:s12+$0x10];
	v4 =	vadd.s32 v4, v6;
	v6, _, _ =	vpop (xrf0)  }
0x85: {  	v58 =	vld [tilespmem:s2+$0x10];
	v6 =	vadd.s32 v6, v4  }
0x86: {  	v6 =	vadd.s32 $0xFFFFFFFF, v6;
	_ =	sdelay $0x1  }
0x87: {  	v7 =	vmul.u32 $0x2710, v7  }
0x88: {  	v8 =	vadd.s32 $0x8000, v8  }
0x89: {  	v59 =	vshra.s32 v8, $0x10;
	v8 =	vand.u32 $0xFFFF0000, v8;
	v7 =	vadd.s32 v58, v7  }
0x8a: {  	v8 =	vor.u32 v59, v8;
	[tilespmem:v6+s20+$0x0] =	vst.idx.msk vm13, v7  }
0x8b: {  	[tilespmem:v6+s21+$0x0] =	vst.idx.msk vm13, v8  }
0x8c: {  	[tilespmem:v6+s22+$0x0] =	vst.idx.msk vm13, v5  }
0x8d: {  	v5 =	vld [tilespmem:s31+$0x20];
	_ =	sdelay $0x4  }
0x8e: {  	v5 =	vsub.s32 v5, v0  }
0x8f: {  	vm14 =	vlt.u32 v5, $0x140  }
0x90: {  	v6 =	vsel vm14, $0x1, v2  }
0x91: {  	(xrf0) =	vadd.scan.msk.s32 $0xffff, v6;
	_ =	sdelay $0x1  }
0x92: {  	v6 =	vmpcnt.ones.xlane vm13;
	_ =	sdelay $0x2  }
0x93: {  	v7 =	vld [tilespmem:s0+$0x20]  }
0x94: {  	v8 =	vld [tilespmem:s12+$0x20];
	v4 =	vadd.s32 v4, v6;
	v6, _, _ =	vpop (xrf0)  }
0x95: {  	v60 =	vld [tilespmem:s2+$0x20];
	v6 =	vadd.s32 v6, v4  }
0x96: {  	v6 =	vadd.s32 $0xFFFFFFFF, v6;
	_ =	sdelay $0x1  }
0x97: {  	v7 =	vmul.u32 $0x2710, v7  }
0x98: {  	v8 =	vadd.s32 $0x8000, v8  }
0x99: {  	v61 =	vshra.s32 v8, $0x10;
	v8 =	vand.u32 $0xFFFF0000, v8;
	v7 =	vadd.s32 v60, v7  }
0x9a: {  	v8 =	vor.u32 v61, v8;
	[tilespmem:v6+s20+$0x0] =	vst.idx.msk vm14, v7  }
0x9b: {  	[tilespmem:v6+s21+$0x0] =	vst.idx.msk vm14, v8  }
0x9c: {  	[tilespmem:v6+s22+$0x0] =	vst.idx.msk vm14, v5  }
0x9d: {  	v5 =	vld [tilespmem:s31+$0x30];
	_ =	sdelay $0x4  }
0x9e: {  	v5 =	vsub.s32 v5, v0  }
0x9f: {  	vm15 =	vlt.u32 v5, $0x140  }
0xa0: {  	v6 =	vsel vm15, $0x1, v2  }
0xa1: {  	(xrf0) =	vadd.scan.msk.s32 $0xffff, v6;
	_ =	sdelay $0x1  }
0xa2: {  	v6 =	vmpcnt.ones.xlane vm14;
	_ =	sdelay $0x2  }
0xa3: {  	v7 =	vld [tilespmem:s0+$0x30]  }
0xa4: {  	v8 =	vld [tilespmem:s12+$0x30];
	v4 =	vadd.s32 v4, v6;
	v6, _, _ =	vpop (xrf0)  }
0xa5: {  	v62 =	vld [tilespmem:s2+$0x30];
	v6 =	vadd.s32 v6, v4  }
0xa6: {  	v6 =	vadd.s32 $0xFFFFFFFF, v6  }
0xa7: {  	s30 =	sadd.s32 $0x8, s30  }
0xa8: {  	p0 =	slt.u32 s30, $0xF0;
	v7 =	vmul.u32 $0x2710, v7  }
.Ltmp0:
0xa9: {  	v8 =	vadd.s32 $0x8000, v8;
	(pc) =	sbr.rel @p0 .LBB2_3-.Ltmp0, $4  }
0xaa: {  	v63 =	vshra.s32 v8, $0x10;
	v8 =	vand.u32 $0xFFFF0000, v8;
	v7 =	vadd.s32 v62, v7  }
0xab: {  	v8 =	vor.u32 v63, v8;
	[tilespmem:v6+s20+$0x0] =	vst.idx.msk vm15, v7;
	v7 =	vmpcnt.ones.xlane vm15  }
0xac: {  	s31 =	sadd.s32 $0x80, s31;
	[tilespmem:v6+s21+$0x0] =	vst.idx.msk vm15, v8  }
0xad: {  	s0 =	sadd.s32 $0x80, s0;
	s2 =	sadd.s32 $0x80, s2;
	s12 =	sadd.s32 $0x80, s12;
	[tilespmem:v6+s22+$0x0] =	vst.idx.msk vm15, v5;
	v4 =	vadd.s32 v4, v7  }
0xae: {  	v5 =	vld [tilespmem:$0x2F80];
	_ =	sdelay $0x4  }
0xaf: {  	v5 =	vsub.s32 v5, v0  }
0xb0: {  	vm1 =	vlt.u32 v5, $0x140  }
0xb1: {  	v6 =	vsel vm1, $0x1, v2  }
0xb2: {  	(xrf0) =	vadd.scan.msk.s32 $0xffff, v6;
	_ =	sdelay $0x4  }
0xb3: {  	v6 =	vld [tilespmem:$0x1F80]  }
0xb4: {  	v8 =	vld [tilespmem:$0x3F80];
	v7, _, _ =	vpop (xrf0)  }
0xb5: {  	v9 =	vld [tilespmem:$0xF80];
	v7 =	vadd.s32 v7, v4  }
0xb6: {  	v7 =	vadd.s32 $0xFFFFFFFF, v7;
	_ =	sdelay $0x1  }
0xb7: {  	v6 =	vmul.u32 $0x2710, v6  }
0xb8: {  	v8 =	vadd.s32 $0x8000, v8  }
0xb9: {  	v61 =	vshra.s32 v8, $0x10;
	v8 =	vand.u32 $0xFFFF0000, v8;
	v6 =	vadd.s32 v9, v6  }
0xba: {  	v8 =	vor.u32 v61, v8;
	[tilespmem:v7+s20+$0x0] =	vst.idx.msk vm1, v6  }
0xbb: {  	[tilespmem:v7+s21+$0x0] =	vst.idx.msk vm1, v8  }
0xbc: {  	[tilespmem:v7+s22+$0x0] =	vst.idx.msk vm1, v5  }
0xbd: {  	v5 =	vld [tilespmem:$0x2F90];
	_ =	sdelay $0x4  }
0xbe: {  	v5 =	vsub.s32 v5, v0  }
0xbf: {  	vm0 =	vlt.u32 v5, $0x140  }
0xc0: {  	v6 =	vsel vm0, $0x1, v2  }
0xc1: {  	(xrf0) =	vadd.scan.msk.s32 $0xffff, v6;
	_ =	sdelay $0x1  }
0xc2: {  	v6 =	vmpcnt.ones.xlane vm1;
	_ =	sdelay $0x2  }
0xc3: {  	v7 =	vld [tilespmem:$0x1F90]  }
0xc4: {  	v8 =	vld [tilespmem:$0x3F90];
	v4 =	vadd.s32 v4, v6;
	v6, _, _ =	vpop (xrf0)  }
0xc5: {  	v62 =	vld [tilespmem:$0xF90];
	v6 =	vadd.s32 v6, v4  }
0xc6: {  	v6 =	vadd.s32 $0xFFFFFFFF, v6;
	_ =	sdelay $0x1  }
0xc7: {  	v7 =	vmul.u32 $0x2710, v7  }
0xc8: {  	v8 =	vadd.s32 $0x8000, v8  }
0xc9: {  	p0 =	seq.s32 s28, $0x13;
	v63 =	vshra.s32 v8, $0x10;
	v8 =	vand.u32 $0xFFFF0000, v8;
	v7 =	vadd.s32 v62, v7  }
0xca: {  	s0 =	sshrl.u32 @!p0 s29, $0x3;
	v8 =	vor.u32 v63, v8;
	[tilespmem:v6+s20+$0x0] =	vst.idx.msk vm0, v7  }
0xcb: {  	s0 =	sadd.s32 @!p0 $0x3E8, s0;
	[tilespmem:v6+s21+$0x0] =	vst.idx.msk vm0, v8  }
0xcc: {  	s12 =	simm.s32 @!p0 $0x0;
	s2 =	sadd.s32 @!p0 s5, s0;
	[tilespmem:v6+s22+$0x0] =	vst.idx.msk vm0, v5  }
0xcd: {  	[tilespmem:s12], [sflag:$0x1] =	stream.linear.gather @!p0 [hbm4b:s2+s12], $0xFA0, $0x38;
	[tilespmem:$0xE080] =	vst v63  }
0xce: {  	s29 =	simm.s32 @!p0 $0x1000;
	s2 =	sadd.s32 @!p0 s1, s0  }
0xcf: {  	[tilespmem:s29], [sflag:$0x1] =	stream.linear.gather @!p0 [hbm4b:s2+s12], $0xFA0, $0x38;
	[tilespmem:$0xE080] =	vst v63  }
0xd0: {  	s2 =	sadd.s32 @!p0 s3, s0;
	s29 =	simm.s32 @!p0 $0x2000  }
0xd1: {  	[tilespmem:s29], [sflag:$0x1] =	stream.linear.gather @!p0 [hbm4b:s2+s12], $0xFA0, $0x38;
	[tilespmem:$0xE080] =	vst v63  }
0xd2: {  	s0 =	sadd.s32 @!p0 s6, s0;
	s2 =	simm.s32 @!p0 $0x3000  }
0xd3: {  	[tilespmem:s2], [sflag:$0x1] =	stream.linear.gather @!p0 [hbm4b:s0+s12], $0xFA0, $0x38;
	[tilespmem:$0xE080] =	vst v63  }
0xd4: {  	_ =	swait.ge [sflag:s23], $0xFA0  }
0xd5: {  	[sflag:s23] =	ssyncset.done $0x0  }
0xd6: {  	[sflag:s23] =	ssyncadd.s32 $0xFFFFF060  }
0xd7: {  	_ =	swait.ge [sflag:s23], $0xFA0  }
0xd8: {  	[sflag:s23] =	ssyncset.done $0x0  }
0xd9: {  	[sflag:s23] =	ssyncadd.s32 $0xFFFFF060  }
0xda: {  	_ =	swait.ge [sflag:s23], $0xFA0  }
0xdb: {  	[sflag:s23] =	ssyncset.done $0x0  }
0xdc: {  	[sflag:s23] =	ssyncadd.s32 $0xFFFFF060  }
0xdd: {  	s30 =	simm.s32 $0x6040;
	v5 =	vmpcnt.ones.xlane vm0;
	_ =	swait.ge [sflag:s23], $0xFA0  }
0xde: {  	s29 =	simm.s32 $0xFFFFFFF8;
	s0 =	simm.s32 $0x5040;
	[sflag:s23] =	ssyncset.done $0x0  }
0xdf: {  	v4 =	vadd.s32 v4, v5;
	s2 =	simm.s32 $0x4040;
	s12 =	simm.s32 $0x7040;
	[sflag:s23] =	ssyncadd.s32 $0xFFFFF060  }
.LBB2_5:
0xe0: {  	v5 =	vld [tilespmem:s30+$0xFFFFFFC0];
	_ =	sdelay $0x4  }
0xe1: {  	v5 =	vsub.s32 v5, v0  }
0xe2: {  	vm0 =	vlt.u32 v5, $0x140  }
0xe3: {  	v6 =	vsel vm0, $0x1, v2  }
0xe4: {  	(xrf0) =	vadd.scan.msk.s32 $0xffff, v6;
	_ =	sdelay $0x4  }
0xe5: {  	v6 =	vld [tilespmem:s0+$0xFFFFFFC0]  }
0xe6: {  	v8 =	vld [tilespmem:s12+$0xFFFFFFC0];
	v7, _, _ =	vpop (xrf0)  }
0xe7: {  	v9 =	vld [tilespmem:s2+$0xFFFFFFC0];
	v7 =	vadd.s32 v7, v4  }
0xe8: {  	v7 =	vadd.s32 $0xFFFFFFFF, v7;
	_ =	sdelay $0x1  }
0xe9: {  	v6 =	vmul.u32 $0x2710, v6  }
0xea: {  	v8 =	vadd.s32 $0x8000, v8  }
0xeb: {  	v49 =	vshra.s32 v8, $0x10;
	v8 =	vand.u32 $0xFFFF0000, v8;
	v6 =	vadd.s32 v9, v6  }
0xec: {  	v8 =	vor.u32 v49, v8;
	[tilespmem:v7+s20+$0x0] =	vst.idx.msk vm0, v6  }
0xed: {  	[tilespmem:v7+s21+$0x0] =	vst.idx.msk vm0, v8  }
0xee: {  	[tilespmem:v7+s22+$0x0] =	vst.idx.msk vm0, v5  }
0xef: {  	v5 =	vld [tilespmem:s30+$0xFFFFFFD0];
	_ =	sdelay $0x4  }
0xf0: {  	v5 =	vsub.s32 v5, v0  }
0xf1: {  	vm1 =	vlt.u32 v5, $0x140  }
0xf2: {  	v6 =	vsel vm1, $0x1, v2  }
0xf3: {  	(xrf0) =	vadd.scan.msk.s32 $0xffff, v6;
	_ =	sdelay $0x1  }
0xf4: {  	v6 =	vmpcnt.ones.xlane vm0;
	_ =	sdelay $0x2  }
0xf5: {  	v7 =	vld [tilespmem:s0+$0xFFFFFFD0]  }
0xf6: {  	v8 =	vld [tilespmem:s12+$0xFFFFFFD0];
	v4 =	vadd.s32 v4, v6;
	v6, _, _ =	vpop (xrf0)  }
0xf7: {  	v50 =	vld [tilespmem:s2+$0xFFFFFFD0];
	v6 =	vadd.s32 v6, v4  }
0xf8: {  	v6 =	vadd.s32 $0xFFFFFFFF, v6;
	_ =	sdelay $0x1  }
0xf9: {  	v7 =	vmul.u32 $0x2710, v7  }
0xfa: {  	v8 =	vadd.s32 $0x8000, v8  }
0xfb: {  	v51 =	vshra.s32 v8, $0x10;
	v8 =	vand.u32 $0xFFFF0000, v8;
	v7 =	vadd.s32 v50, v7  }
0xfc: {  	v8 =	vor.u32 v51, v8;
	[tilespmem:v6+s20+$0x0] =	vst.idx.msk vm1, v7  }
0xfd: {  	[tilespmem:v6+s21+$0x0] =	vst.idx.msk vm1, v8  }
0xfe: {  	[tilespmem:v6+s22+$0x0] =	vst.idx.msk vm1, v5  }
0xff: {  	v5 =	vld [tilespmem:s30+$0xFFFFFFE0];
	_ =	sdelay $0x4  }
0x100: {  	v5 =	vsub.s32 v5, v0  }
0x101: {  	vm10 =	vlt.u32 v5, $0x140  }
0x102: {  	v6 =	vsel vm10, $0x1, v2  }
0x103: {  	(xrf0) =	vadd.scan.msk.s32 $0xffff, v6;
	_ =	sdelay $0x1  }
0x104: {  	v6 =	vmpcnt.ones.xlane vm1;
	_ =	sdelay $0x2  }
0x105: {  	v7 =	vld [tilespmem:s0+$0xFFFFFFE0]  }
0x106: {  	v8 =	vld [tilespmem:s12+$0xFFFFFFE0];
	v4 =	vadd.s32 v4, v6;
	v6, _, _ =	vpop (xrf0)  }
0x107: {  	v52 =	vld [tilespmem:s2+$0xFFFFFFE0];
	v6 =	vadd.s32 v6, v4  }
0x108: {  	v6 =	vadd.s32 $0xFFFFFFFF, v6;
	_ =	sdelay $0x1  }
0x109: {  	v7 =	vmul.u32 $0x2710, v7  }
0x10a: {  	v8 =	vadd.s32 $0x8000, v8  }
0x10b: {  	v53 =	vshra.s32 v8, $0x10;
	v8 =	vand.u32 $0xFFFF0000, v8;
	v7 =	vadd.s32 v52, v7  }
0x10c: {  	v8 =	vor.u32 v53, v8;
	[tilespmem:v6+s20+$0x0] =	vst.idx.msk vm10, v7  }
0x10d: {  	[tilespmem:v6+s21+$0x0] =	vst.idx.msk vm10, v8  }
0x10e: {  	[tilespmem:v6+s22+$0x0] =	vst.idx.msk vm10, v5  }
0x10f: {  	v5 =	vld [tilespmem:s30+$0xFFFFFFF0];
	_ =	sdelay $0x4  }
0x110: {  	v5 =	vsub.s32 v5, v0  }
0x111: {  	vm11 =	vlt.u32 v5, $0x140  }
0x112: {  	v6 =	vsel vm11, $0x1, v2  }
0x113: {  	(xrf0) =	vadd.scan.msk.s32 $0xffff, v6;
	_ =	sdelay $0x1  }
0x114: {  	v6 =	vmpcnt.ones.xlane vm10;
	_ =	sdelay $0x2  }
0x115: {  	v7 =	vld [tilespmem:s0+$0xFFFFFFF0]  }
0x116: {  	v8 =	vld [tilespmem:s12+$0xFFFFFFF0];
	v4 =	vadd.s32 v4, v6;
	v6, _, _ =	vpop (xrf0)  }
0x117: {  	v54 =	vld [tilespmem:s2+$0xFFFFFFF0];
	v6 =	vadd.s32 v6, v4  }
0x118: {  	v6 =	vadd.s32 $0xFFFFFFFF, v6;
	_ =	sdelay $0x1  }
0x119: {  	v7 =	vmul.u32 $0x2710, v7  }
0x11a: {  	v8 =	vadd.s32 $0x8000, v8  }
0x11b: {  	v55 =	vshra.s32 v8, $0x10;
	v8 =	vand.u32 $0xFFFF0000, v8;
	v7 =	vadd.s32 v54, v7  }
0x11c: {  	v8 =	vor.u32 v55, v8;
	[tilespmem:v6+s20+$0x0] =	vst.idx.msk vm11, v7  }
0x11d: {  	[tilespmem:v6+s21+$0x0] =	vst.idx.msk vm11, v8  }
0x11e: {  	[tilespmem:v6+s22+$0x0] =	vst.idx.msk vm11, v5  }
0x11f: {  	v5 =	vld [tilespmem:s30+$0x0];
	_ =	sdelay $0x4  }
0x120: {  	v5 =	vsub.s32 v5, v0  }
0x121: {  	vm12 =	vlt.u32 v5, $0x140  }
0x122: {  	v6 =	vsel vm12, $0x1, v2  }
0x123: {  	(xrf0) =	vadd.scan.msk.s32 $0xffff, v6;
	_ =	sdelay $0x1  }
0x124: {  	v6 =	vmpcnt.ones.xlane vm11;
	_ =	sdelay $0x2  }
0x125: {  	v7 =	vld [tilespmem:s0+$0x0]  }
0x126: {  	v8 =	vld [tilespmem:s12+$0x0];
	v4 =	vadd.s32 v4, v6;
	v6, _, _ =	vpop (xrf0)  }
0x127: {  	v56 =	vld [tilespmem:s2+$0x0];
	v6 =	vadd.s32 v6, v4  }
0x128: {  	v6 =	vadd.s32 $0xFFFFFFFF, v6;
	_ =	sdelay $0x1  }
0x129: {  	v7 =	vmul.u32 $0x2710, v7  }
0x12a: {  	v8 =	vadd.s32 $0x8000, v8  }
0x12b: {  	v57 =	vshra.s32 v8, $0x10;
	v8 =	vand.u32 $0xFFFF0000, v8;
	v7 =	vadd.s32 v56, v7  }
0x12c: {  	v8 =	vor.u32 v57, v8;
	[tilespmem:v6+s20+$0x0] =	vst.idx.msk vm12, v7  }
0x12d: {  	[tilespmem:v6+s21+$0x0] =	vst.idx.msk vm12, v8  }
0x12e: {  	[tilespmem:v6+s22+$0x0] =	vst.idx.msk vm12, v5  }
0x12f: {  	v5 =	vld [tilespmem:s30+$0x10];
	_ =	sdelay $0x4  }
0x130: {  	v5 =	vsub.s32 v5, v0  }
0x131: {  	vm13 =	vlt.u32 v5, $0x140  }
0x132: {  	v6 =	vsel vm13, $0x1, v2  }
0x133: {  	(xrf0) =	vadd.scan.msk.s32 $0xffff, v6;
	_ =	sdelay $0x1  }
0x134: {  	v6 =	vmpcnt.ones.xlane vm12;
	_ =	sdelay $0x2  }
0x135: {  	v7 =	vld [tilespmem:s0+$0x10]  }
0x136: {  	v8 =	vld [tilespmem:s12+$0x10];
	v4 =	vadd.s32 v4, v6;
	v6, _, _ =	vpop (xrf0)  }
0x137: {  	v58 =	vld [tilespmem:s2+$0x10];
	v6 =	vadd.s32 v6, v4  }
0x138: {  	v6 =	vadd.s32 $0xFFFFFFFF, v6;
	_ =	sdelay $0x1  }
0x139: {  	v7 =	vmul.u32 $0x2710, v7  }
0x13a: {  	v8 =	vadd.s32 $0x8000, v8  }
0x13b: {  	v59 =	vshra.s32 v8, $0x10;
	v8 =	vand.u32 $0xFFFF0000, v8;
	v7 =	vadd.s32 v58, v7  }
0x13c: {  	v8 =	vor.u32 v59, v8;
	[tilespmem:v6+s20+$0x0] =	vst.idx.msk vm13, v7  }
0x13d: {  	[tilespmem:v6+s21+$0x0] =	vst.idx.msk vm13, v8  }
0x13e: {  	[tilespmem:v6+s22+$0x0] =	vst.idx.msk vm13, v5  }
0x13f: {  	v5 =	vld [tilespmem:s30+$0x20];
	_ =	sdelay $0x4  }
0x140: {  	v5 =	vsub.s32 v5, v0  }
0x141: {  	vm14 =	vlt.u32 v5, $0x140  }
0x142: {  	v6 =	vsel vm14, $0x1, v2  }
0x143: {  	(xrf0) =	vadd.scan.msk.s32 $0xffff, v6;
	_ =	sdelay $0x1  }
0x144: {  	v6 =	vmpcnt.ones.xlane vm13;
	_ =	sdelay $0x2  }
0x145: {  	v7 =	vld [tilespmem:s0+$0x20]  }
0x146: {  	v8 =	vld [tilespmem:s12+$0x20];
	v4 =	vadd.s32 v4, v6;
	v6, _, _ =	vpop (xrf0)  }
0x147: {  	v60 =	vld [tilespmem:s2+$0x20];
	v6 =	vadd.s32 v6, v4  }
0x148: {  	v6 =	vadd.s32 $0xFFFFFFFF, v6;
	_ =	sdelay $0x1  }
0x149: {  	v7 =	vmul.u32 $0x2710, v7  }
0x14a: {  	v8 =	vadd.s32 $0x8000, v8  }
0x14b: {  	v61 =	vshra.s32 v8, $0x10;
	v8 =	vand.u32 $0xFFFF0000, v8;
	v7 =	vadd.s32 v60, v7  }
0x14c: {  	v8 =	vor.u32 v61, v8;
	[tilespmem:v6+s20+$0x0] =	vst.idx.msk vm14, v7  }
0x14d: {  	[tilespmem:v6+s21+$0x0] =	vst.idx.msk vm14, v8  }
0x14e: {  	[tilespmem:v6+s22+$0x0] =	vst.idx.msk vm14, v5  }
0x14f: {  	v5 =	vld [tilespmem:s30+$0x30];
	_ =	sdelay $0x4  }
0x150: {  	v5 =	vsub.s32 v5, v0  }
0x151: {  	vm15 =	vlt.u32 v5, $0x140  }
0x152: {  	v6 =	vsel vm15, $0x1, v2  }
0x153: {  	(xrf0) =	vadd.scan.msk.s32 $0xffff, v6;
	_ =	sdelay $0x1  }
0x154: {  	v6 =	vmpcnt.ones.xlane vm14;
	_ =	sdelay $0x2  }
0x155: {  	v7 =	vld [tilespmem:s0+$0x30]  }
0x156: {  	v8 =	vld [tilespmem:s12+$0x30];
	v4 =	vadd.s32 v4, v6;
	v6, _, _ =	vpop (xrf0)  }
0x157: {  	v62 =	vld [tilespmem:s2+$0x30];
	v6 =	vadd.s32 v6, v4  }
0x158: {  	v6 =	vadd.s32 $0xFFFFFFFF, v6  }
0x159: {  	s29 =	sadd.s32 $0x8, s29  }
0x15a: {  	p0 =	slt.u32 s29, $0xF0;
	v7 =	vmul.u32 $0x2710, v7  }
.Ltmp1:
0x15b: {  	v8 =	vadd.s32 $0x8000, v8;
	(pc) =	sbr.rel @p0 .LBB2_5-.Ltmp1, $4  }
0x15c: {  	v63 =	vshra.s32 v8, $0x10;
	v8 =	vand.u32 $0xFFFF0000, v8;
	v7 =	vadd.s32 v62, v7  }
0x15d: {  	v8 =	vor.u32 v63, v8;
	[tilespmem:v6+s20+$0x0] =	vst.idx.msk vm15, v7;
	v7 =	vmpcnt.ones.xlane vm15  }
0x15e: {  	s30 =	sadd.s32 $0x80, s30;
	[tilespmem:v6+s21+$0x0] =	vst.idx.msk vm15, v8  }
0x15f: {  	s0 =	sadd.s32 $0x80, s0;
	s2 =	sadd.s32 $0x80, s2;
	s12 =	sadd.s32 $0x80, s12;
	[tilespmem:v6+s22+$0x0] =	vst.idx.msk vm15, v5;
	v4 =	vadd.s32 v4, v7  }
0x160: {  	v5 =	vld [tilespmem:$0x6F80];
	_ =	sdelay $0x4  }
0x161: {  	v5 =	vsub.s32 v5, v0  }
0x162: {  	vm0 =	vlt.u32 v5, $0x140  }
0x163: {  	v6 =	vsel vm0, $0x1, v2  }
0x164: {  	(xrf0) =	vadd.scan.msk.s32 $0xffff, v6;
	_ =	sdelay $0x4  }
0x165: {  	v6 =	vld [tilespmem:$0x5F80]  }
0x166: {  	v8 =	vld [tilespmem:$0x7F80];
	v7, _, _ =	vpop (xrf0)  }
0x167: {  	v9 =	vld [tilespmem:$0x4F80];
	v7 =	vadd.s32 v7, v4  }
0x168: {  	v7 =	vadd.s32 $0xFFFFFFFF, v7;
	_ =	sdelay $0x1  }
0x169: {  	v6 =	vmul.u32 $0x2710, v6  }
0x16a: {  	v8 =	vadd.s32 $0x8000, v8  }
0x16b: {  	v61 =	vshra.s32 v8, $0x10;
	v8 =	vand.u32 $0xFFFF0000, v8;
	v6 =	vadd.s32 v9, v6  }
0x16c: {  	v8 =	vor.u32 v61, v8;
	[tilespmem:v7+s20+$0x0] =	vst.idx.msk vm0, v6  }
0x16d: {  	[tilespmem:v7+s21+$0x0] =	vst.idx.msk vm0, v8  }
0x16e: {  	[tilespmem:v7+s22+$0x0] =	vst.idx.msk vm0, v5  }
0x16f: {  	v5 =	vld [tilespmem:$0x6F90];
	_ =	sdelay $0x4  }
0x170: {  	v5 =	vsub.s32 v5, v0  }
0x171: {  	vm1 =	vlt.u32 v5, $0x140  }
0x172: {  	v6 =	vsel vm1, $0x1, v2  }
0x173: {  	(xrf0) =	vadd.scan.msk.s32 $0xffff, v6;
	_ =	sdelay $0x1  }
0x174: {  	v6 =	vmpcnt.ones.xlane vm0;
	_ =	sdelay $0x2  }
0x175: {  	v7 =	vld [tilespmem:$0x5F90]  }
0x176: {  	v8 =	vld [tilespmem:$0x7F90];
	v4 =	vadd.s32 v4, v6;
	v6, _, _ =	vpop (xrf0)  }
0x177: {  	v62 =	vld [tilespmem:$0x4F90];
	v6 =	vadd.s32 v6, v4  }
0x178: {  	v6 =	vadd.s32 $0xFFFFFFFF, v6  }
0x179: {  	s28 =	sadd.s32 $0x1, s28  }
0x17a: {  	p0 =	sne.s32 s28, $0x14;
	v7 =	vmul.u32 $0x2710, v7  }
.Ltmp2:
0x17b: {  	v8 =	vadd.s32 $0x8000, v8;
	(pc) =	sbr.rel @p0 .LBB2_2-.Ltmp2, $4  }
0x17c: {  	v63 =	vshra.s32 v8, $0x10;
	v8 =	vand.u32 $0xFFFF0000, v8;
	v7 =	vadd.s32 v62, v7  }
0x17d: {  	v8 =	vor.u32 v63, v8;
	[tilespmem:v6+s20+$0x0] =	vst.idx.msk vm1, v7;
	v7 =	vmpcnt.ones.xlane vm1  }
0x17e: {  	[tilespmem:v6+s21+$0x0] =	vst.idx.msk vm1, v8  }
0x17f: {  	[tilespmem:v6+s22+$0x0] =	vst.idx.msk vm1, v5;
	v4 =	vadd.s32 v4, v7  }
0x180: {  	(v2sf) =	vpush v4, $0x0;
	_ =	sdelay $0xe  }
0x181: {  	s0 =	spop (v2sf)  }
0x182: {  	[tilespmem:s0+$0x8000] =	vst v1  }
0x183: {  	[tilespmem:s0+$0xA000] =	vst v2  }
0x184: {  	[tilespmem:s0+$0xC000] =	vst v3  }
0x185: {  	[tilespmem:s0+$0x8010] =	vst v1  }
0x186: {  	[tilespmem:s0+$0xA010] =	vst v2  }
0x187: {  	[tilespmem:s0+$0xC010] =	vst v3  }
0x188: {  	[tilespmem:s0+$0x8020] =	vst v1  }
0x189: {  	[tilespmem:s0+$0xA020] =	vst v2  }
0x18a: {  	[tilespmem:s0+$0xC020] =	vst v3  }
0x18b: {  	[tilespmem:s0+$0x8030] =	vst v1  }
0x18c: {  	[tilespmem:s0+$0xA030] =	vst v2  }
0x18d: {  	[tilespmem:s0+$0xC030] =	vst v3  }
0x18e: {  	[tilespmem:s0+$0x8040] =	vst v1  }
0x18f: {  	[tilespmem:s0+$0xA040] =	vst v2  }
0x190: {  	[tilespmem:s0+$0xC040] =	vst v3  }
0x191: {  	[tilespmem:s0+$0x8050] =	vst v1;
	s2 =	sand.u32 $0x7F, s0  }
0x192: {  	[tilespmem:s0+$0xA050] =	vst v2;
	s12 =	sshra.s32 s0, $0x1F;
	p0 =	slt.s32 s0, $0x1;
	p1 =	sne.s32 s2, $0x0  }
0x193: {  	[tilespmem:s0+$0xC050] =	vst v3;
	s31 =	sshrl.u32 s12, $0x19;
	p0 =	por !p0, !p1  }
0x194: {  	[tilespmem:s0+$0x8060] =	vst v1;
	s12 =	simm.s32 $0x1;
	s2 =	sadd.s32 s31, s0;
	p0 =	por !p0, !p0  }
0x195: {  	[tilespmem:s0+$0xA060] =	vst v2;
	s2 =	sshrl.u32 s2, $0x7;
	s12 =	simm.s32 @!p0 $0x0  }
0x196: {  	[tilespmem:s0+$0xC060] =	vst v3;
	s2 =	ssub.s32 s2, s12  }
0x197: {  	[tilespmem:s0+$0x8070] =	vst v1;
	s2 =	sshll.u32 s2, $0x7  }
0x198: {  	[tilespmem:s0+$0xA070] =	vst v2;
	s2 =	sadd.s32 $0x80, s2  }
0x199: {  	[tilespmem:s0+$0xC070] =	vst v3;
	v4 =	vmov s2  }
0x19a: {  	[tilespmem:$0xE000] =	vst v4  }
0x19b: {  	[hbm4b:s7+s4] =	stream.linear.scatter [tilespmem:s24], [sflag:$0x3], $0x10, $0x38;
	[tilespmem:$0xE080] =	vst v63  }
0x19c: {  	_ =	swait.ge [sflag:s25], $0x10  }
0x19d: {  	[sflag:s25] =	ssyncset.done $0x0  }
0x19e: {  	[sflag:s25] =	ssyncadd.s32 $0xFFFFFFF0  }
0x19f: {  	[hbm4b:s8+s4] =	stream.linear.scatter [tilespmem:s20], [sflag:$0x3], $0x2000, $0x38;
	[tilespmem:$0xE080] =	vst v63  }
0x1a0: {  	_ =	swait.ge [sflag:s25], $0x2000  }
0x1a1: {  	[sflag:s25] =	ssyncset.done $0x0  }
0x1a2: {  	[sflag:s25] =	ssyncadd.s32 $0xFFFFE000  }
0x1a3: {  	[hbm4b:s9+s4] =	stream.linear.scatter [tilespmem:s21], [sflag:$0x3], $0x2000, $0x38;
	[tilespmem:$0xE080] =	vst v63  }
0x1a4: {  	s26 =	sadd.s32 $0x1, s26;
	_ =	swait.ge [sflag:s25], $0x2000  }
0x1a5: {  	p0 =	sne.s32 s26, s11;
	[sflag:s25] =	ssyncset.done $0x0  }
.Ltmp3:
0x1a6: {  	[sflag:s25] =	ssyncadd.s32 $0xFFFFE000;
	(pc) =	sbr.rel @p0 .LBB2_1-.Ltmp3, $4  }
0x1a7: {  	[hbm4b:s10+s4] =	stream.linear.scatter [tilespmem:s22], [sflag:$0x3], $0x2000, $0x38;
	[tilespmem:$0xE080] =	vst v63  }
0x1a8: {  	_ =	swait.ge [sflag:s25], $0x2000  }
0x1a9: {  	[sflag:s25] =	ssyncset.done $0x0  }
0x1aa: {  	[sflag:s25] =	ssyncadd.s32 $0xFFFFE000  }
0x1ab: {  	_ =	sfence.sel $0x180000  }
0x1ac: {  	[bflag:$0x0] =	sbarrier.arrive $0xFFFF  }
0x1ad: {  	_ =	strace $0x90000047  }
0x1ae: {  	s0 =	stileid.u32;
	[bflag:$0x2] =	sbarrier.arrive $0xFFFF  }
0x1af: {  	p0 =	sne.s32 s0, $0x0;
	s0 =	rddreg [dreg:$0x3]  }
0x1b0: {  	s0 =	sadd.s32 @!p0 $0x100000, s0  }
0x1b1: {  	[sflag:s0] =	ssyncadd.tile.s32 @!p0 $0x1;
	_ =	shalt  }
.Lfunc_end2:
_tile_overlayer_lowered:
.L_overlay_start_2:
0x1b2: {  	(tag) =	ssettag $0x2  }
0x1b3: {  	s0 =	rddreg [dreg:$0x0];
	s2 =	stileid.u32  }
0x1b4: {  	s1 =	rddreg [dreg:$0x1];
	p0 =	sne.s32 s2, $0x0  }
0x1b5: {  	s3 =	rddreg [dreg:$0x2];
	[bflag:$0x3] =	sbarrier.arrive $0xFFFF;
	s2 =	simm.s32 @!p0 $0x1C03  }
0x1b6: {  	[timem:s3], [sflag:s2] =	dma.local @!p0 [hbm:s0], s1  }
0x1b7: {  	s0 =	simm.s32 @!p0 $0x3  }
0x1b8: {  	_ =	swait.ge @!p0 [sflag:s0], s1  }
0x1b9: {  	s1 =	ssub.s32 @!p0 $0x0, s1;
	[sflag:s0] =	ssyncset.done @!p0 $0x0  }
0x1ba: {  	[sflag:s0] =	ssyncadd.s32 @!p0 s1  }
0x1bb: {  	[bflag:$0x3] =	sbarrier.arrive $0xFFFF  }
0x1bc: {  	_ =	shalt  }

// kernel: kernel.9.cloned.1.call-start
scs
__scs_entry_jumppad:
0x0: {  	(pc) =	sbr.rel $0x88, $3  }
0x1: {  	(tag) =	ssettag $0x0;
	lr =	simm.s32 $0x1  }
0x2: {  	[smem:$0x3F9B] =	sst lr;
	_ =	strace $0xD0000000  }
0x3: {  	_ = 	snop  }
0x4: {  	_ = 	snop  }
0x5: {  	_ = 	snop  }
0x6: {  	_ = 	snop  }
0x7: {  	_ = 	snop  }
__scs_overlays_trampoline_lowered:
0x8: {  	[smem:$0x3FAA] =	sst s0  }
0x9: {  	[smem:$0x3FAB] =	sst s1  }
0xa: {  	[smem:$0x3FAC] =	sst s2  }
0xb: {  	[smem:$0x3FAD] =	sst s3  }
0xc: {  	[smem:$0x3FAE] =	sst s4  }
0xd: {  	[smem:$0x3FAF] =	sst s5  }
0xe: {  	[smem:$0x3FB0] =	sst s6  }
0xf: {  	[smem:$0x3FB1] =	sst s7  }
0x10: {  	[smem:$0x3FB2] =	sst s8  }
0x11: {  	[smem:$0x3FB3] =	sst s9;
	s0 =	simm.s32 @!p0 $0x0  }
0x12: {  	s1 =	sld [smem:$0x3F99];
	s0 =	simm.s32 @p0 $0x1  }
0x13: {  	[smem:$0x3FB4] =	sst s0;
	s0 =	simm.s32 @!p1 $0x0  }
0x14: {  	s2 =	sld [smem:$0x3F98];
	s0 =	simm.s32 @p1 $0x1  }
0x15: {  	[smem:$0x3FB5] =	sst s0;
	s0 =	simm.s32 @!p2 $0x0  }
0x16: {  	s3 =	sld [smem:$0x3FDB];
	s0 =	simm.s32 @p2 $0x1  }
0x17: {  	s4 =	simm.s32 $0x1BF5;
	[smem:$0x3FB7] =	sst s0  }
0x18: {  	s0 =	sld [smem:$0x3F9A];
	_ =	swait.ge [sflag:s4], $0x0  }
0x19: {  	s7 =	sld [smem:$0x3F9B]  }
0x1a: {  	s8 =	sadd.s32 $0xFFFFE003, lr  }
0x1b: {  	s9 =	sadd.s32 $0xFFFFFEF7, lr;
	s5 =	simm.s32 $0xFFFFFFFF;
	p2 =	slt.u32 s8, $0xFFFFF086  }
0x1c: {  	p1 =	slt.u32 s9, $0xF7A;
	s5 =	simm.s32 @!p2 $0x0  }
0x1d: {  	s5 =	simm.s32 @p1 $0x1;
	p0 =	seq.s32 s7, s2  }
0x1e: {  	s7 =	smul.u32 @!p0 $0xF7A, s2;
	p2 =	seq.s32 @!p0 s5, $0x0  }
0x1f: {  	s9 =	smul.u32 $0xF7A, s1;
	s8 =	simm.s32 @!p0 $0x1BF5;
	p2 =	por !p2, p0  }
0x20: {  	[sflag:s8] =	ssyncset.s32 @!p0 $0xFFFFF086;
	s6 =	sadd.s32 @!p0 s3, s7;
	s7 =	simm.s32 @!p0 $0x108  }
0x21: {  	s3 =	sadd.s32 s3, s9;
	s6 =	sadd.s32 @!p0 $0x88, s6;
	s7 =	simm.s32 @p2 $0x1082  }
0x22: {  	[simem:s7], [sflag:s8] =	dma.local @!p0 [hbm:s6], $0xF7A  }
0x23: {  	s9 =	sor.u32 $0xD0000000, s2;
	s6 =	simm.s32 $0x108;
	_ =	swait.ge @!p0 [sflag:s8], $0x0  }
0x24: {  	s3 =	sadd.s32 $0x88, s3;
	s6 =	simm.s32 @!p1 $0x1082;
	[sflag:s4] =	ssyncset.s32 $0xFFFFF086  }
0x25: {  	[simem:s6], [sflag:s4] =	dma.local [hbm:s3], $0xF7A  }
0x26: {  	[smem:$0x3F9B] =	sst s1;
	(tag) =	ssettag s2;
	_ =	strace s9  }
0x27: {  	s1 =	sld [smem:$0x3FAB]  }
0x28: {  	s2 =	sld [smem:$0x3FAC]  }
0x29: {  	s4 =	sld [smem:$0x3FAE]  }
0x2a: {  	p0 =	seq.s32 s5, $0x0;
	s5 =	sld [smem:$0x3FAF]  }
0x2b: {  	s6 =	sld [smem:$0x3FB0]  }
0x2c: {  	s7 =	sld [smem:$0x3FB1]  }
0x2d: {  	s3 =	simm.s32 $0x108;
	s8 =	sld [smem:$0x3FB2]  }
0x2e: {  	s3 =	simm.s32 @!p0 $0x1082;
	s9 =	sld [smem:$0x3FB3]  }
0x2f: {  	lr =	sadd.s32 s0, s3;
	s0 =	sld [smem:$0x3FAA]  }
0x30: {  	s3 =	sld [smem:$0x3FAD]  }
0x31: {  	[smem:$0x3FB6] =	sst s10  }
0x32: {  	s10 =	sld [smem:$0x3FB4];
	_ =	sdelay $0x3  }
0x33: {  	p0 =	seq.s32 s10, $0x1;
	s10 =	sld [smem:$0x3FB6];
	_ =	sdelay $0x3  }
0x34: {  	[smem:$0x3FB6] =	sst s10  }
0x35: {  	s10 =	sld [smem:$0x3FB5];
	_ =	sdelay $0x3  }
0x36: {  	p1 =	seq.s32 s10, $0x1;
	s10 =	sld [smem:$0x3FB6];
	_ =	sdelay $0x3  }
0x37: {  	[smem:$0x3FB6] =	sst s10  }
0x38: {  	s10 =	sld [smem:$0x3FB7]  }
0x39: {  	_ = 	snop;
	(pc) =	sbr.ind lr, $3  }
0x3a: {  	_ = 	snop  }
0x3b: {  	_ = 	snop  }
0x3c: {  	p2 =	seq.s32 s10, $0x1;
	s10 =	sld [smem:$0x3FB6]  }
0x3d: {  	_ =	shalt  }
0x3e: {  	_ =	shalt  }
0x3f: {  	_ =	shalt  }
0x40: {  	_ =	shalt  }
0x41: {  	_ =	shalt  }
0x42: {  	_ =	shalt  }
0x43: {  	_ =	shalt  }
0x44: {  	_ =	shalt  }
0x45: {  	_ =	shalt  }
0x46: {  	_ =	shalt  }
0x47: {  	_ =	shalt  }
0x48: {  	_ =	shalt  }
0x49: {  	_ =	shalt  }
0x4a: {  	_ =	shalt  }
0x4b: {  	_ =	shalt  }
0x4c: {  	_ =	shalt  }
0x4d: {  	_ =	shalt  }
0x4e: {  	_ =	shalt  }
0x4f: {  	_ =	shalt  }
0x50: {  	_ =	shalt  }
0x51: {  	_ =	shalt  }
0x52: {  	_ =	shalt  }
0x53: {  	_ =	shalt  }
0x54: {  	_ =	shalt  }
0x55: {  	_ =	shalt  }
0x56: {  	_ =	shalt  }
0x57: {  	_ =	shalt  }
0x58: {  	_ =	shalt  }
0x59: {  	_ =	shalt  }
0x5a: {  	_ =	shalt  }
0x5b: {  	_ =	shalt  }
0x5c: {  	_ =	shalt  }
0x5d: {  	_ =	shalt  }
0x5e: {  	_ =	shalt  }
0x5f: {  	_ =	shalt  }
0x60: {  	_ =	shalt  }
0x61: {  	_ =	shalt  }
0x62: {  	_ =	shalt  }
0x63: {  	_ =	shalt  }
0x64: {  	_ =	shalt  }
0x65: {  	_ =	shalt  }
0x66: {  	_ =	shalt  }
0x67: {  	_ =	shalt  }
0x68: {  	_ =	shalt  }
0x69: {  	_ =	shalt  }
0x6a: {  	_ =	shalt  }
0x6b: {  	_ =	shalt  }
0x6c: {  	_ =	shalt  }
0x6d: {  	_ =	shalt  }
0x6e: {  	_ =	shalt  }
0x6f: {  	_ =	shalt  }
0x70: {  	_ =	shalt  }
0x71: {  	_ =	shalt  }
0x72: {  	_ =	shalt  }
0x73: {  	_ =	shalt  }
0x74: {  	_ =	shalt  }
0x75: {  	_ =	shalt  }
0x76: {  	_ =	shalt  }
0x77: {  	_ =	shalt  }
0x78: {  	_ =	shalt  }
0x79: {  	_ =	shalt  }
0x7a: {  	_ =	shalt  }
0x7b: {  	_ =	shalt  }
0x7c: {  	_ =	shalt  }
0x7d: {  	_ =	shalt  }
0x7e: {  	_ =	shalt  }
0x7f: {  	_ =	shalt  }
0x80: {  	_ =	shalt  }
0x81: {  	_ =	shalt  }
0x82: {  	_ =	shalt  }
0x83: {  	_ =	shalt  }
0x84: {  	_ =	shalt  }
0x85: {  	_ =	shalt  }
0x86: {  	_ =	shalt  }
0x87: {  	_ =	shalt  }
.Lfunc_end0:
.L_simem_size_0:
called_computation.1_lowered:
.L_overlay_start_0:
0x88: {  	s2 =	sld [smem:$0x3FD9]  }
0x89: {  	s3 =	sld [smem:$0x3FFE];
	_ =	sdelay $0x1  }
0x8a: {  	s1 =	srdreg.scid  }
0x8b: {  	s0 =	sand.u32 $0x1, s1  }
0x8c: {  	s17 =	sshll.u32 s0, $0xA;
	s2 =	sadd.s32 s3, s2  }
0x8d: {  	s2 =	sadd.s32 s2, s17  }
0x8e: {  	[smem:$0x3FC2] =	sst s2  }
0x8f: {  	_ = 	snop  }
0x90: {  	s2 =	sld [smem:$0x3FD0];
	(tm) =	ssettm $0x1  }
0x91: {  	s18 =	sld [smem:$0x3FFB];
	_ =	sdelay $0x3  }
0x92: {  	_ =	strace s18  }
0x93: {  	s3 =	sld [smem:$0x3FFC];
	_ =	sdelay $0x3  }
0x94: {  	_ =	strace s3  }
0x95: {  	s3 =	sld [smem:$0x3FFD];
	_ =	sdelay $0x3  }
0x96: {  	_ =	strace s3  }
0x97: {  	_ =	strace $0x8FFFFFFF  }
0x98: {  	s19 =	sld [smem:$0x3FDB];
	_ =	sdelay $0x1  }
0x99: {  	s4 =	simm.s32 $_scs_section_size  }
0x9a: {  	s5 =	simm.s32 $_size__tile_overlayer_lowered;
	s6 =	simm.s32 $_tile_overlayer_lowered  }
0x9b: {  	s22 =	simm.s32 $0x1BFF;
	s21 =	sshll.u32 s6, $0x1;
	s3 =	sadd.s32 s4, s19  }
0x9c: {  	s7 =	simm.s32 $0x0;
	s20 =	sshll.u32 s5, $0x1;
	s5 =	sadd.s32 s21, s3  }
0x9d: {  	[timem:s7], [sflag:s22] =	dma.local [hbm:s5], s20  }
0x9e: {  	_ =	swait.ge [sflag:s22], s20  }
0x9f: {  	s4 =	ssub.s32 $0x0, s20;
	[sflag:s22] =	ssyncset.done $0x0  }
0xa0: {  	[sflag:s22] =	ssyncadd.s32 s4;
	_ =	sdelay $0x1  }
0xa1: {  	s23 =	simm.s32 $0x1B8B  }
0xa2: {  	_ =	swait.ge [sflag:s23], $0x1  }
0xa3: {  	[sflag:s23] =	ssyncset.done $0x0  }
0xa4: {  	s25 =	simm.s32 $0x1B8E;
	s24 =	sld [smem:$0x3FFE];
	[sflag:s23] =	ssyncadd.s32 $0xFFFFFFFF  }
0xa5: {  	s26 =	simm.s32 $execute0_lowered;
	[smem:$0x3FD2] =	sst s25  }
0xa6: {  	s5 =	sshll.u32 s26, $0x1;
	_ =	strace $0x80000049;
	[dreg:$0x1] =	wrdreg $0xFFFFFFFF  }
0xa7: {  	s28 =	simm.s32 $_size_execute0_lowered;
	s3 =	sadd.s32 s3, s5;
	[dreg:$0x0] =	wrdreg $0x0  }
0xa8: {  	s5 =	sshll.u32 s28, $0x1;
	[dreg:$0x2] =	wrdreg s3  }
0xa9: {  	[dreg:$0x3] =	wrdreg s5  }
0xaa: {  	[dreg:$0x4] =	wrdreg $0xC0  }
0xab: {  	_ =	task [dreg:s7], $0x5FFFF  }
0xac: {  	[dreg:$0x1] =	wrdreg $0xFFFFFFFF  }
0xad: {  	[dreg:$0x0] =	wrdreg $0x60  }
0xae: {  	[dreg:$0x2] =	wrdreg s24  }
0xaf: {  	[dreg:$0x3] =	wrdreg s2  }
0xb0: {  	[dreg:$0x4] =	wrdreg $0x9  }
0xb1: {  	_ =	task.clear_ibuf [dreg:s7], $0x5FFFF;
	_ =	strace $0x90000049  }
0xb2: {  	s29 =	simm.s32 $0x9;
	_ =	strace $0x8000004B  }
0xb3: {  	_ =	swait.ge [sflag:s29], $0x1  }
0xb4: {  	[sflag:s29] =	ssyncadd.s32 $0xFFFFFFFF  }
0xb5: {  	_ =	strace $0x9000004B  }
0xb6: {  	_ =	sfence  }
0xb7: {  	s30 =	sld [smem:$0x0];
	_ =	sdelay $0x2  }
0xb8: {  	s31 =	sshll.u32 s1, $0xD;
	s1 =	sshrl.u32 s1, $0x2  }
0xb9: {  	s3 =	sand.u32 $0x4000, s31;
	s1 =	sadd.s32 s1, s30  }
0xba: {  	s0 =	sor.u32 s3, s0;
	s1 =	sshll.u32 s1, $0x11  }
0xbb: {  	s0 =	sor.u32 s1, s0  }
0xbc: {  	s0 =	sadd.s32 $0x8F2B, s0  }
0xbd: {  	[sflag:s0] =	ssyncadd.remote.s32 $0x1  }
0xbe: {  	_ =	sfence.sel $0xFFFF  }
0xbf: {  	[dreg:$0x0] =	wrdreg $0xFFFFFFFF;
	(pc) =	sbr.abs _section_cstart, $3  }
0xc0: {  	[dreg:$0x1] =	wrdreg $0xFFFFFFFF  }
0xc1: {  	_ =	task.clear_ibuf [dreg:s7], $0x2FFFF;
	_ =	strace $0x9FFFFFFF  }
0xc2: {  	(tm) =	ssettm $0x7FFFFFFF  }
0xc3: {  	_ =	shalt  }
tec
execute0_lowered:
.L_overlay_start_1:
0x0: {  	(tag) =	ssettag $0x1  }
0x1: {  	s0 =	rddreg [dreg:$0x0]  }
0x2: {  	s1 =	rddreg [dreg:$0x1];
	s2 =	simm.s32 $0x0;
	s3 =	srdreg.scid  }
0x3: {  	s5 =	stileid.u32;
	s12 =	simm.s32 $0x4080;
	s13 =	simm.s32 $0x18500  }
0x4: {  	s14 =	simm.s32 $0x4;
	s15 =	simm.s32 $0x1;
	s16 =	simm.s32 $0x80  }
0x5: {  	s17 =	simm.s32 $0x6100;
	s18 =	simm.s32 $0x2;
	s19 =	simm.s32 $0x3  }
0x6: {  	[smem:$0x7FF] =	sst s2;
	s4 =	sand.u32 $0x1, s3;
	s29 =	sshll.u32 s5, $0x1  }
0x7: {  	s3 =	sadd.s32 $0x22800, s0;
	s9 =	sadd.s32 $0x26C00, s1;
	s20 =	sor.u32 s4, s29  }
0x8: {  	_ =	strace $0x8000004A;
	s4 =	ssub.s32 $0x2, s4;
	s30 =	sshll.u32 s20, $0xA  }
.Ltmp0:
0x9: {  	s31 =	sshll.u32 s20, $0x1;
	s7 =	sshrl.u32 s4, $0x1;
	(pc) =	sbr.rel .LBB2_1-.Ltmp0, $4  }
0xa: {  	s8 =	smul.u32 $0x1400, s20;
	p0 =	seq.s32 s20, $0x1F;
	s20 =	simm.s32 $0x0  }
0xb: {  	s6 =	sadd.s32 s30, s0;
	s0 =	sadd.s32 s31, s0;
	s10 =	ssub.s32 s4, s7  }
0xc: {  	s4 =	sadd.s32 $0xA600, s6;
	s5 =	sadd.s32 $0x12600, s6;
	s6 =	sadd.s32 $0x1A600, s6  }
0xd: {  	v0 =	vimm.s32 $0x0;
	s7 =	sadd.s32 $0x22600, s0;
	s8 =	sadd.s32 s1, s8;
	s10 =	smax.u32 s10, $0x1  }
.LBB2_11:
0xe: {  	s0 =	simm.s32 @p0 $0x0;
	s1 =	simm.s32 @p0 $0xE100  }
0xf: {  	[hbm4b:s9+s0] =	stream.linear.scatter @p0 [tilespmem:s1], [sflag:$0x4], $0x2800, $0x38;
	[tilespmem:$0x18580] =	vst v63  }
0x10: {  	s0 =	simm.s32 @p0 $0x4  }
0x11: {  	_ =	swait.ge @p0 [sflag:s0], $0x2800  }
0x12: {  	s20 =	sadd.s32 $0x1, s20;
	s1 =	simm.s32 @!p0 $0xE100;
	[sflag:s0] =	ssyncset.done @p0 $0x0  }
0x13: {  	p1 =	sne.s32 s20, s10;
	[sflag:s0] =	ssyncadd.s32 @p0 $0xFFFFD800;
	s0 =	simm.s32 @!p0 $0x0  }
0x14: {  	[hbm4b:s8+s0] =	stream.linear.scatter @!p0 [tilespmem:s1], [sflag:$0x4], $0xA000, $0x38;
	[tilespmem:$0x18580] =	vst v63  }
.Ltmp1:
0x15: {  	_ = 	snop;
	(pc) =	sbr.rel @!p1 .LBB2_12-.Ltmp1, $4  }
0x16: {  	s0 =	simm.s32 @!p0 $0x4  }
0x17: {  	_ =	swait.ge @!p0 [sflag:s0], $0xA000  }
0x18: {  	[sflag:s0] =	ssyncset.done @!p0 $0x0  }
0x19: {  	[sflag:s0] =	ssyncadd.s32 @!p0 $0xFFFF6000  }
.LBB2_1:
0x1a: {  	[tilespmem:s2], [sflag:$0x1] =	stream.linear.gather [hbm4b:s4+s2], $0x2000, $0x38;
	[tilespmem:$0x18580] =	vst v63  }
0x1b: {  	s0 =	simm.s32 $0x2000  }
0x1c: {  	[tilespmem:s0], [sflag:$0x1] =	stream.linear.gather [hbm4b:s5+s2], $0x2000, $0x38;
	[tilespmem:$0x18580] =	vst v63  }
0x1d: {  	s1 =	simm.s32 $0x200;
	s0 =	simm.s32 $0x0  }
0x1e: {  	[tilespmem:s12], [sflag:$0x1] =	stream.linear.gather [hbm4b:s6+s2], $0x2000, $0x38;
	[tilespmem:$0x18580] =	vst v63  }
.LBB2_2:
0x1f: {  	p1 =	sne.s32 s1, $0x28000;
	[tilespmem:s0+$0xE170] =	vst v0  }
0x20: {  	[tilespmem:s0+$0xE100] =	vst v0  }
0x21: {  	[tilespmem:s0+$0xE110] =	vst v0  }
.Ltmp2:
0x22: {  	[tilespmem:s0+$0xE120] =	vst v0;
	(pc) =	sbr.rel @p1 .LBB2_2-.Ltmp2, $4  }
0x23: {  	[tilespmem:s0+$0xE130] =	vst v0  }
0x24: {  	[tilespmem:s0+$0xE140] =	vst v0  }
0x25: {  	[tilespmem:s0+$0xE150] =	vst v0  }
0x26: {  	[tilespmem:s0+$0xE160] =	vst v0;
	s0 =	sshra.s32 s1, $0x2;
	s1 =	sadd.s32 $0x200, s1  }
0x27: {  	[tilespmem:s0+$0xE170] =	vst v0  }
0x28: {  	[tilespmem:s0+$0xE100] =	vst v0  }
0x29: {  	[tilespmem:s0+$0xE110] =	vst v0  }
0x2a: {  	[tilespmem:s0+$0xE120] =	vst v0  }
0x2b: {  	[tilespmem:s0+$0xE130] =	vst v0  }
0x2c: {  	[tilespmem:s0+$0xE140] =	vst v0  }
0x2d: {  	[tilespmem:s0+$0xE150] =	vst v0  }
0x2e: {  	[tilespmem:s0+$0xE160] =	vst v0  }
0x2f: {  	[tilespmem:s13], [sflag:$0x4] =	stream.linear.gather [hbm4b:s7+s2], $0x10, $0x38;
	[tilespmem:$0x18580] =	vst v63  }
0x30: {  	_ =	swait.ge [sflag:s14], $0x10  }
0x31: {  	[sflag:s14] =	ssyncset.done $0x0  }
0x32: {  	[sflag:s14] =	ssyncadd.s32 $0xFFFFFFF0  }
0x33: {  	v1 =	vld [tilespmem:$0x18500];
	_ =	sdelay $0x4  }
0x34: {  	(v2sf) =	vpush v1, $0x0;
	_ =	sdelay $0xe  }
0x35: {  	s30 =	spop (v2sf)  }
0x36: {  	_ =	swait.ge [sflag:s15], $0x2000;
	s1 =	sand.u32 $0x7F, s30  }
0x37: {  	s31 =	sshra.s32 s30, $0x1F;
	p2 =	slt.s32 s30, $0x1;
	p1 =	sne.s32 s1, $0x0  }
0x38: {  	[sflag:s15] =	ssyncset.done $0x0;
	s1 =	sshrl.u32 s31, $0x19;
	p1 =	por !p2, !p1  }
0x39: {  	s0 =	sadd.s32 s1, s30;
	s1 =	simm.s32 $0x1;
	p1 =	por !p1, !p1  }
0x3a: {  	[sflag:s15] =	ssyncadd.s32 $0xFFFFE000;
	s0 =	sshra.s32 s0, $0x7;
	s1 =	simm.s32 @!p1 $0x0  }
0x3b: {  	_ =	swait.ge [sflag:s15], $0x2000;
	s21 =	ssub.s32 s0, s1  }
0x3c: {  	[sflag:s15] =	ssyncset.done $0x0;
	p1 =	slt.s32 s21, $0x1  }
.Ltmp3:
0x3d: {  	[sflag:s15] =	ssyncadd.s32 $0xFFFFE000;
	(pc) =	sbr.rel @p1 .LBB2_11-.Ltmp3, $4  }
0x3e: {  	_ =	swait.ge [sflag:s15], $0x2000  }
0x3f: {  	[sflag:s15] =	ssyncset.done $0x0  }
0x40: {  	[sflag:s15] =	ssyncadd.s32 $0xFFFFE000  }
0x41: {  	[tilespmem:s17], [sflag:$0x2] =	stream.indirect.gather [hbm4b:s3+s16], $0x80, s2, s16, $0xb8;
	[tilespmem:$0x18580] =	vst v63  }
.Ltmp4:
0x42: {  	(pc) =	sbr.rel .LBB2_5-.Ltmp4, $4  }
0x43: {  	_ = 	snop  }
0x44: {  	s0 =	sadd.s32 $0x1, s21  }
0x45: {  	s23 =	simm.s32 $0x0;
	s1 =	simm.s32 $0x2002;
	s26 =	simm.s32 $0x2083  }
0x46: {  	s28 =	simm.s32 $0x4103;
	s22 =	sshrl.u32 s0, $0x1;
	s0 =	simm.s32 $0x4082  }
.LBB2_10:
0x47: {  	s23 =	sadd.s32 $0x1, s23  }
0x48: {  	p1 =	sne.s32 s23, s22  }
.Ltmp5:
0x49: {  	_ = 	snop;
	(pc) =	sbr.rel @!p1 .LBB2_11-.Ltmp5, $3  }
0x4a: {  	_ =	sdelay $0x1  }
0x4b: {  	s1 =	sadd.s32 $0x100, s1  }
0x4c: {  	s0 =	sadd.s32 $0x100, s0;
	s26 =	sadd.s32 $0x100, s26;
	s28 =	sadd.s32 $0x100, s28  }
.LBB2_5:
0x4d: {  	s24 =	sshllo.u32 s23, $0x1  }
0x4e: {  	p1 =	sge.s32 s24, s21  }
0x4f: {  	s24 =	sshll.u32 @!p1 s24, $0x9  }
0x50: {  	s25 =	simm.s32 @!p1 $0x80;
	s29 =	simm.s32 @!p1 $0xA100;
	s24 =	sshra.s32 @!p1 s24, $0x2  }
0x51: {  	[tilespmem:s29], [sflag:$0x3] =	stream.indirect.gather @!p1 [hbm4b:s3+s25], $0x80, s24, s25, $0xb8;
	[tilespmem:$0x18580] =	vst v63  }
0x52: {  	s30 =	simm.s32 $0xFFFFFFFC;
	_ =	swait.ge [sflag:s18], $0x4000  }
0x53: {  	s31 =	simm.s32 $0x6200;
	s29 =	sshll.u32 s23, $0x1;
	[sflag:s18] =	ssyncset.done $0x0  }
0x54: {  	s25 =	smov.u32 s0;
	s24 =	smov.u32 s1;
	[sflag:s18] =	ssyncadd.s32 $0xFFFFC000  }
.LBB2_6:
0x55: {  	v1 =	vld [tilespmem:s25+$0xFFFFFFFE];
	_ =	sdelay $0x4  }
0x56: {  	(v2sf) =	vpush v1, $0x0;
	_ =	sdelay $0xd  }
0x57: {  	v1 =	vld [tilespmem:s24+$0xFFFFFFFE]  }
0x58: {  	s11 =	spop (v2sf)  }
0x59: {  	v2 =	vld [tilespmem:s31+$0xFFFFFF00];
	s11 =	sshll.u32 s11, $0x9  }
0x5a: {  	s11 =	sshra.s32 s11, $0x2  }
0x5b: {  	v3 =	vld [tilespmem:s11+$0xE100]  }
0x5c: {  	v1 =	vperm.xlane v1, v0;
	_ =	sdelay $0x1  }
0x5d: {  	v2 =	vmul.bf16 v1, v2;
	_ =	sdelay $0x1  }
0x5e: {  	v2 =	vadd.bf16 v2, v3;
	_ =	sdelay $0x1  }
0x5f: {  	[tilespmem:s11+$0xE100] =	vst v2  }
0x60: {  	v2 =	vld [tilespmem:s31+$0xFFFFFF10];
	_ =	sdelay $0x1  }
0x61: {  	v3 =	vld [tilespmem:s11+$0xE110];
	_ =	sdelay $0x2  }
0x62: {  	v2 =	vmul.bf16 v1, v2;
	_ =	sdelay $0x1  }
0x63: {  	v2 =	vadd.bf16 v2, v3;
	_ =	sdelay $0x1  }
0x64: {  	[tilespmem:s11+$0xE110] =	vst v2  }
0x65: {  	v2 =	vld [tilespmem:s31+$0xFFFFFF20];
	_ =	sdelay $0x1  }
0x66: {  	v3 =	vld [tilespmem:s11+$0xE120];
	_ =	sdelay $0x2  }
0x67: {  	v2 =	vmul.bf16 v1, v2;
	_ =	sdelay $0x1  }
0x68: {  	v2 =	vadd.bf16 v2, v3;
	_ =	sdelay $0x1  }
0x69: {  	[tilespmem:s11+$0xE120] =	vst v2  }
0x6a: {  	v2 =	vld [tilespmem:s31+$0xFFFFFF30];
	_ =	sdelay $0x1  }
0x6b: {  	v3 =	vld [tilespmem:s11+$0xE130];
	_ =	sdelay $0x2  }
0x6c: {  	v2 =	vmul.bf16 v1, v2;
	_ =	sdelay $0x1  }
0x6d: {  	v2 =	vadd.bf16 v2, v3;
	_ =	sdelay $0x1  }
0x6e: {  	[tilespmem:s11+$0xE130] =	vst v2  }
0x6f: {  	v2 =	vld [tilespmem:s31+$0xFFFFFF40];
	_ =	sdelay $0x1  }
0x70: {  	v3 =	vld [tilespmem:s11+$0xE140];
	_ =	sdelay $0x2  }
0x71: {  	v2 =	vmul.bf16 v1, v2;
	_ =	sdelay $0x1  }
0x72: {  	v2 =	vadd.bf16 v2, v3;
	_ =	sdelay $0x1  }
0x73: {  	[tilespmem:s11+$0xE140] =	vst v2  }
0x74: {  	v2 =	vld [tilespmem:s31+$0xFFFFFF50];
	_ =	sdelay $0x1  }
0x75: {  	v3 =	vld [tilespmem:s11+$0xE150];
	_ =	sdelay $0x2  }
0x76: {  	v2 =	vmul.bf16 v1, v2;
	_ =	sdelay $0x1  }
0x77: {  	v2 =	vadd.bf16 v2, v3;
	_ =	sdelay $0x1  }
0x78: {  	[tilespmem:s11+$0xE150] =	vst v2  }
0x79: {  	v2 =	vld [tilespmem:s31+$0xFFFFFF60];
	_ =	sdelay $0x1  }
0x7a: {  	v3 =	vld [tilespmem:s11+$0xE160];
	_ =	sdelay $0x2  }
0x7b: {  	v2 =	vmul.bf16 v1, v2;
	_ =	sdelay $0x1  }
0x7c: {  	v2 =	vadd.bf16 v2, v3;
	_ =	sdelay $0x1  }
0x7d: {  	[tilespmem:s11+$0xE160] =	vst v2  }
0x7e: {  	v2 =	vld [tilespmem:s31+$0xFFFFFF70];
	_ =	sdelay $0x1  }
0x7f: {  	v3 =	vld [tilespmem:s11+$0xE170];
	_ =	sdelay $0x2  }
0x80: {  	v1 =	vmul.bf16 v1, v2;
	_ =	sdelay $0x1  }
0x81: {  	v1 =	vadd.bf16 v1, v3;
	_ =	sdelay $0x1  }
0x82: {  	[tilespmem:s11+$0xE170] =	vst v1  }
0x83: {  	v1 =	vld [tilespmem:s25+$0xFFFFFFFF];
	_ =	sdelay $0x4  }
0x84: {  	(v2sf) =	vpush v1, $0x0;
	_ =	sdelay $0xd  }
0x85: {  	v1 =	vld [tilespmem:s24+$0xFFFFFFFF]  }
0x86: {  	s11 =	spop (v2sf)  }
0x87: {  	v2 =	vld [tilespmem:s31+$0xFFFFFF80];
	s11 =	sshll.u32 s11, $0x9  }
0x88: {  	s11 =	sshra.s32 s11, $0x2  }
0x89: {  	v3 =	vld [tilespmem:s11+$0xE100]  }
0x8a: {  	v1 =	vperm.xlane v1, v0;
	_ =	sdelay $0x1  }
0x8b: {  	v2 =	vmul.bf16 v1, v2;
	_ =	sdelay $0x1  }
0x8c: {  	v2 =	vadd.bf16 v2, v3;
	_ =	sdelay $0x1  }
0x8d: {  	[tilespmem:s11+$0xE100] =	vst v2  }
0x8e: {  	v2 =	vld [tilespmem:s31+$0xFFFFFF90];
	_ =	sdelay $0x1  }
0x8f: {  	v3 =	vld [tilespmem:s11+$0xE110];
	_ =	sdelay $0x2  }
0x90: {  	v2 =	vmul.bf16 v1, v2;
	_ =	sdelay $0x1  }
0x91: {  	v2 =	vadd.bf16 v2, v3;
	_ =	sdelay $0x1  }
0x92: {  	[tilespmem:s11+$0xE110] =	vst v2  }
0x93: {  	v2 =	vld [tilespmem:s31+$0xFFFFFFA0];
	_ =	sdelay $0x1  }
0x94: {  	v3 =	vld [tilespmem:s11+$0xE120];
	_ =	sdelay $0x2  }
0x95: {  	v2 =	vmul.bf16 v1, v2;
	_ =	sdelay $0x1  }
0x96: {  	v2 =	vadd.bf16 v2, v3;
	_ =	sdelay $0x1  }
0x97: {  	[tilespmem:s11+$0xE120] =	vst v2  }
0x98: {  	v2 =	vld [tilespmem:s31+$0xFFFFFFB0];
	_ =	sdelay $0x1  }
0x99: {  	v3 =	vld [tilespmem:s11+$0xE130];
	_ =	sdelay $0x2  }
0x9a: {  	v2 =	vmul.bf16 v1, v2;
	_ =	sdelay $0x1  }
0x9b: {  	v2 =	vadd.bf16 v2, v3;
	_ =	sdelay $0x1  }
0x9c: {  	[tilespmem:s11+$0xE130] =	vst v2  }
0x9d: {  	v2 =	vld [tilespmem:s31+$0xFFFFFFC0];
	_ =	sdelay $0x1  }
0x9e: {  	v3 =	vld [tilespmem:s11+$0xE140];
	_ =	sdelay $0x2  }
0x9f: {  	v2 =	vmul.bf16 v1, v2;
	_ =	sdelay $0x1  }
0xa0: {  	v2 =	vadd.bf16 v2, v3;
	_ =	sdelay $0x1  }
0xa1: {  	[tilespmem:s11+$0xE140] =	vst v2  }
0xa2: {  	v2 =	vld [tilespmem:s31+$0xFFFFFFD0];
	_ =	sdelay $0x1  }
0xa3: {  	v3 =	vld [tilespmem:s11+$0xE150];
	_ =	sdelay $0x2  }
0xa4: {  	v2 =	vmul.bf16 v1, v2;
	_ =	sdelay $0x1  }
0xa5: {  	v2 =	vadd.bf16 v2, v3;
	_ =	sdelay $0x1  }
0xa6: {  	[tilespmem:s11+$0xE150] =	vst v2  }
0xa7: {  	v2 =	vld [tilespmem:s31+$0xFFFFFFE0];
	_ =	sdelay $0x1  }
0xa8: {  	v3 =	vld [tilespmem:s11+$0xE160];
	_ =	sdelay $0x2  }
0xa9: {  	v2 =	vmul.bf16 v1, v2;
	_ =	sdelay $0x1  }
0xaa: {  	v2 =	vadd.bf16 v2, v3;
	_ =	sdelay $0x1  }
0xab: {  	[tilespmem:s11+$0xE160] =	vst v2  }
0xac: {  	v2 =	vld [tilespmem:s31+$0xFFFFFFF0];
	_ =	sdelay $0x1  }
0xad: {  	v3 =	vld [tilespmem:s11+$0xE170];
	_ =	sdelay $0x2  }
0xae: {  	v1 =	vmul.bf16 v1, v2;
	_ =	sdelay $0x1  }
0xaf: {  	v1 =	vadd.bf16 v1, v3;
	_ =	sdelay $0x1  }
0xb0: {  	[tilespmem:s11+$0xE170] =	vst v1  }
0xb1: {  	v1 =	vld [tilespmem:s25+$0x0];
	_ =	sdelay $0x4  }
0xb2: {  	(v2sf) =	vpush v1, $0x0;
	_ =	sdelay $0xd  }
0xb3: {  	v1 =	vld [tilespmem:s24+$0x0]  }
0xb4: {  	s11 =	spop (v2sf)  }
0xb5: {  	v2 =	vld [tilespmem:s31+$0x0];
	s11 =	sshll.u32 s11, $0x9  }
0xb6: {  	s11 =	sshra.s32 s11, $0x2  }
0xb7: {  	v3 =	vld [tilespmem:s11+$0xE100]  }
0xb8: {  	v1 =	vperm.xlane v1, v0;
	_ =	sdelay $0x1  }
0xb9: {  	v2 =	vmul.bf16 v1, v2;
	_ =	sdelay $0x1  }
0xba: {  	v2 =	vadd.bf16 v2, v3;
	_ =	sdelay $0x1  }
0xbb: {  	[tilespmem:s11+$0xE100] =	vst v2  }
0xbc: {  	v2 =	vld [tilespmem:s31+$0x10];
	_ =	sdelay $0x1  }
0xbd: {  	v3 =	vld [tilespmem:s11+$0xE110];
	_ =	sdelay $0x2  }
0xbe: {  	v2 =	vmul.bf16 v1, v2;
	_ =	sdelay $0x1  }
0xbf: {  	v2 =	vadd.bf16 v2, v3;
	_ =	sdelay $0x1  }
0xc0: {  	[tilespmem:s11+$0xE110] =	vst v2  }
0xc1: {  	v2 =	vld [tilespmem:s31+$0x20];
	_ =	sdelay $0x1  }
0xc2: {  	v3 =	vld [tilespmem:s11+$0xE120];
	_ =	sdelay $0x2  }
0xc3: {  	v2 =	vmul.bf16 v1, v2;
	_ =	sdelay $0x1  }
0xc4: {  	v2 =	vadd.bf16 v2, v3;
	_ =	sdelay $0x1  }
0xc5: {  	[tilespmem:s11+$0xE120] =	vst v2  }
0xc6: {  	v2 =	vld [tilespmem:s31+$0x30];
	_ =	sdelay $0x1  }
0xc7: {  	v3 =	vld [tilespmem:s11+$0xE130];
	_ =	sdelay $0x2  }
0xc8: {  	v2 =	vmul.bf16 v1, v2;
	_ =	sdelay $0x1  }
0xc9: {  	v2 =	vadd.bf16 v2, v3;
	_ =	sdelay $0x1  }
0xca: {  	[tilespmem:s11+$0xE130] =	vst v2  }
0xcb: {  	v2 =	vld [tilespmem:s31+$0x40];
	_ =	sdelay $0x1  }
0xcc: {  	v3 =	vld [tilespmem:s11+$0xE140];
	_ =	sdelay $0x2  }
0xcd: {  	v2 =	vmul.bf16 v1, v2;
	_ =	sdelay $0x1  }
0xce: {  	v2 =	vadd.bf16 v2, v3;
	_ =	sdelay $0x1  }
0xcf: {  	[tilespmem:s11+$0xE140] =	vst v2  }
0xd0: {  	v2 =	vld [tilespmem:s31+$0x50];
	_ =	sdelay $0x1  }
0xd1: {  	v3 =	vld [tilespmem:s11+$0xE150];
	_ =	sdelay $0x2  }
0xd2: {  	v2 =	vmul.bf16 v1, v2;
	_ =	sdelay $0x1  }
0xd3: {  	v2 =	vadd.bf16 v2, v3;
	_ =	sdelay $0x1  }
0xd4: {  	[tilespmem:s11+$0xE150] =	vst v2  }
0xd5: {  	v2 =	vld [tilespmem:s31+$0x60];
	_ =	sdelay $0x1  }
0xd6: {  	v3 =	vld [tilespmem:s11+$0xE160];
	_ =	sdelay $0x2  }
0xd7: {  	v2 =	vmul.bf16 v1, v2;
	_ =	sdelay $0x1  }
0xd8: {  	v2 =	vadd.bf16 v2, v3;
	_ =	sdelay $0x1  }
0xd9: {  	[tilespmem:s11+$0xE160] =	vst v2  }
0xda: {  	v2 =	vld [tilespmem:s31+$0x70];
	_ =	sdelay $0x1  }
0xdb: {  	v3 =	vld [tilespmem:s11+$0xE170];
	_ =	sdelay $0x2  }
0xdc: {  	v1 =	vmul.bf16 v1, v2;
	_ =	sdelay $0x1  }
0xdd: {  	v1 =	vadd.bf16 v1, v3;
	_ =	sdelay $0x1  }
0xde: {  	[tilespmem:s11+$0xE170] =	vst v1  }
0xdf: {  	v1 =	vld [tilespmem:s25+$0x1];
	_ =	sdelay $0x4  }
0xe0: {  	(v2sf) =	vpush v1, $0x0;
	_ =	sdelay $0xd  }
0xe1: {  	v1 =	vld [tilespmem:s24+$0x1]  }
0xe2: {  	s11 =	spop (v2sf)  }
0xe3: {  	v2 =	vld [tilespmem:s31+$0x80];
	s11 =	sshll.u32 s11, $0x9  }
0xe4: {  	s11 =	sshra.s32 s11, $0x2  }
0xe5: {  	v3 =	vld [tilespmem:s11+$0xE100]  }
0xe6: {  	v1 =	vperm.xlane v1, v0;
	_ =	sdelay $0x1  }
0xe7: {  	v2 =	vmul.bf16 v1, v2;
	_ =	sdelay $0x1  }
0xe8: {  	v2 =	vadd.bf16 v2, v3;
	_ =	sdelay $0x1  }
0xe9: {  	[tilespmem:s11+$0xE100] =	vst v2  }
0xea: {  	v2 =	vld [tilespmem:s31+$0x90];
	_ =	sdelay $0x1  }
0xeb: {  	v3 =	vld [tilespmem:s11+$0xE110];
	_ =	sdelay $0x2  }
0xec: {  	v2 =	vmul.bf16 v1, v2;
	_ =	sdelay $0x1  }
0xed: {  	v2 =	vadd.bf16 v2, v3;
	_ =	sdelay $0x1  }
0xee: {  	[tilespmem:s11+$0xE110] =	vst v2  }
0xef: {  	v2 =	vld [tilespmem:s31+$0xA0];
	_ =	sdelay $0x1  }
0xf0: {  	v3 =	vld [tilespmem:s11+$0xE120];
	_ =	sdelay $0x2  }
0xf1: {  	v2 =	vmul.bf16 v1, v2;
	_ =	sdelay $0x1  }
0xf2: {  	v2 =	vadd.bf16 v2, v3;
	_ =	sdelay $0x1  }
0xf3: {  	[tilespmem:s11+$0xE120] =	vst v2  }
0xf4: {  	v2 =	vld [tilespmem:s31+$0xB0];
	_ =	sdelay $0x1  }
0xf5: {  	v3 =	vld [tilespmem:s11+$0xE130];
	_ =	sdelay $0x2  }
0xf6: {  	v2 =	vmul.bf16 v1, v2;
	_ =	sdelay $0x1  }
0xf7: {  	v2 =	vadd.bf16 v2, v3;
	_ =	sdelay $0x1  }
0xf8: {  	[tilespmem:s11+$0xE130] =	vst v2  }
0xf9: {  	v2 =	vld [tilespmem:s31+$0xC0];
	_ =	sdelay $0x1  }
0xfa: {  	v3 =	vld [tilespmem:s11+$0xE140];
	_ =	sdelay $0x2  }
0xfb: {  	v2 =	vmul.bf16 v1, v2;
	_ =	sdelay $0x1  }
0xfc: {  	v2 =	vadd.bf16 v2, v3;
	_ =	sdelay $0x1  }
0xfd: {  	[tilespmem:s11+$0xE140] =	vst v2  }
0xfe: {  	v2 =	vld [tilespmem:s31+$0xD0];
	_ =	sdelay $0x1  }
0xff: {  	v3 =	vld [tilespmem:s11+$0xE150];
	_ =	sdelay $0x2  }
0x100: {  	v2 =	vmul.bf16 v1, v2;
	_ =	sdelay $0x1  }
0x101: {  	v2 =	vadd.bf16 v2, v3;
	_ =	sdelay $0x1  }
0x102: {  	[tilespmem:s11+$0xE150] =	vst v2  }
0x103: {  	v2 =	vld [tilespmem:s31+$0xE0];
	_ =	sdelay $0x1  }
0x104: {  	v3 =	vld [tilespmem:s11+$0xE160];
	_ =	sdelay $0x2  }
0x105: {  	v2 =	vmul.bf16 v1, v2;
	_ =	sdelay $0x1  }
0x106: {  	v2 =	vadd.bf16 v2, v3;
	_ =	sdelay $0x1  }
0x107: {  	[tilespmem:s11+$0xE160] =	vst v2  }
0x108: {  	v2 =	vld [tilespmem:s31+$0xF0];
	_ =	sdelay $0x1  }
0x109: {  	v3 =	vld [tilespmem:s11+$0xE170]  }
0x10a: {  	s30 =	sadd.s32 $0x4, s30  }
0x10b: {  	p2 =	slt.u32 s30, $0x7C  }
.Ltmp6:
0x10c: {  	v1 =	vmul.bf16 v1, v2;
	(pc) =	sbr.rel @p2 .LBB2_6-.Ltmp6, $3  }
0x10d: {  	_ = 	snop  }
0x10e: {  	v1 =	vadd.bf16 v1, v3;
	_ =	sdelay $0x1  }
0x10f: {  	s25 =	sadd.s32 $0x4, s25;
	s24 =	sadd.s32 $0x4, s24;
	s31 =	sadd.s32 $0x200, s31;
	[tilespmem:s11+$0xE170] =	vst v1  }
.Ltmp7:
0x110: {  	(pc) =	sbr.rel @p1 .LBB2_10-.Ltmp7, $1  }
0x111: {  	_ =	sdelay $0x3  }
0x112: {  	s11 =	sadd.s32 $0x2, s29  }
0x113: {  	p1 =	sge.s32 s11, s21  }
0x114: {  	s11 =	sshll.u32 @!p1 s11, $0x9  }
0x115: {  	s24 =	simm.s32 @!p1 $0x80;
	s25 =	simm.s32 @!p1 $0x6100;
	s11 =	sshra.s32 @!p1 s11, $0x2  }
0x116: {  	[tilespmem:s25], [sflag:$0x2] =	stream.indirect.gather @!p1 [hbm4b:s3+s24], $0x80, s11, s24, $0xb8;
	[tilespmem:$0x18580] =	vst v63  }
0x117: {  	_ =	swait.ge [sflag:s19], $0x4000  }
0x118: {  	s29 =	simm.s32 $0xFFFFFFFC;
	s30 =	simm.s32 $0xA200;
	[sflag:s19] =	ssyncset.done $0x0  }
0x119: {  	s25 =	smov.u32 s28;
	s24 =	smov.u32 s26;
	[sflag:s19] =	ssyncadd.s32 $0xFFFFC000  }
.LBB2_9:
0x11a: {  	v1 =	vld [tilespmem:s25+$0xFFFFFFFD];
	_ =	sdelay $0x4  }
0x11b: {  	(v2sf) =	vpush v1, $0x0;
	_ =	sdelay $0xd  }
0x11c: {  	v1 =	vld [tilespmem:s24+$0xFFFFFFFD]  }
0x11d: {  	s11 =	spop (v2sf)  }
0x11e: {  	v2 =	vld [tilespmem:s30+$0xFFFFFF00];
	s11 =	sshll.u32 s11, $0x9  }
0x11f: {  	s11 =	sshra.s32 s11, $0x2  }
0x120: {  	v3 =	vld [tilespmem:s11+$0xE100]  }
0x121: {  	v1 =	vperm.xlane v1, v0;
	_ =	sdelay $0x1  }
0x122: {  	v2 =	vmul.bf16 v1, v2;
	_ =	sdelay $0x1  }
0x123: {  	v2 =	vadd.bf16 v2, v3;
	_ =	sdelay $0x1  }
0x124: {  	[tilespmem:s11+$0xE100] =	vst v2  }
0x125: {  	v2 =	vld [tilespmem:s30+$0xFFFFFF10];
	_ =	sdelay $0x1  }
0x126: {  	v3 =	vld [tilespmem:s11+$0xE110];
	_ =	sdelay $0x2  }
0x127: {  	v2 =	vmul.bf16 v1, v2;
	_ =	sdelay $0x1  }
0x128: {  	v2 =	vadd.bf16 v2, v3;
	_ =	sdelay $0x1  }
0x129: {  	[tilespmem:s11+$0xE110] =	vst v2  }
0x12a: {  	v2 =	vld [tilespmem:s30+$0xFFFFFF20];
	_ =	sdelay $0x1  }
0x12b: {  	v3 =	vld [tilespmem:s11+$0xE120];
	_ =	sdelay $0x2  }
0x12c: {  	v2 =	vmul.bf16 v1, v2;
	_ =	sdelay $0x1  }
0x12d: {  	v2 =	vadd.bf16 v2, v3;
	_ =	sdelay $0x1  }
0x12e: {  	[tilespmem:s11+$0xE120] =	vst v2  }
0x12f: {  	v2 =	vld [tilespmem:s30+$0xFFFFFF30];
	_ =	sdelay $0x1  }
0x130: {  	v3 =	vld [tilespmem:s11+$0xE130];
	_ =	sdelay $0x2  }
0x131: {  	v2 =	vmul.bf16 v1, v2;
	_ =	sdelay $0x1  }
0x132: {  	v2 =	vadd.bf16 v2, v3;
	_ =	sdelay $0x1  }
0x133: {  	[tilespmem:s11+$0xE130] =	vst v2  }
0x134: {  	v2 =	vld [tilespmem:s30+$0xFFFFFF40];
	_ =	sdelay $0x1  }
0x135: {  	v3 =	vld [tilespmem:s11+$0xE140];
	_ =	sdelay $0x2  }
0x136: {  	v2 =	vmul.bf16 v1, v2;
	_ =	sdelay $0x1  }
0x137: {  	v2 =	vadd.bf16 v2, v3;
	_ =	sdelay $0x1  }
0x138: {  	[tilespmem:s11+$0xE140] =	vst v2  }
0x139: {  	v2 =	vld [tilespmem:s30+$0xFFFFFF50];
	_ =	sdelay $0x1  }
0x13a: {  	v3 =	vld [tilespmem:s11+$0xE150];
	_ =	sdelay $0x2  }
0x13b: {  	v2 =	vmul.bf16 v1, v2;
	_ =	sdelay $0x1  }
0x13c: {  	v2 =	vadd.bf16 v2, v3;
	_ =	sdelay $0x1  }
0x13d: {  	[tilespmem:s11+$0xE150] =	vst v2  }
0x13e: {  	v2 =	vld [tilespmem:s30+$0xFFFFFF60];
	_ =	sdelay $0x1  }
0x13f: {  	v3 =	vld [tilespmem:s11+$0xE160];
	_ =	sdelay $0x2  }
0x140: {  	v2 =	vmul.bf16 v1, v2;
	_ =	sdelay $0x1  }
0x141: {  	v2 =	vadd.bf16 v2, v3;
	_ =	sdelay $0x1  }
0x142: {  	[tilespmem:s11+$0xE160] =	vst v2  }
0x143: {  	v2 =	vld [tilespmem:s30+$0xFFFFFF70];
	_ =	sdelay $0x1  }
0x144: {  	v3 =	vld [tilespmem:s11+$0xE170];
	_ =	sdelay $0x2  }
0x145: {  	v1 =	vmul.bf16 v1, v2;
	_ =	sdelay $0x1  }
0x146: {  	v1 =	vadd.bf16 v1, v3;
	_ =	sdelay $0x1  }
0x147: {  	[tilespmem:s11+$0xE170] =	vst v1  }
0x148: {  	v1 =	vld [tilespmem:s25+$0xFFFFFFFE];
	_ =	sdelay $0x4  }
0x149: {  	(v2sf) =	vpush v1, $0x0;
	_ =	sdelay $0xd  }
0x14a: {  	v1 =	vld [tilespmem:s24+$0xFFFFFFFE]  }
0x14b: {  	s31 =	spop (v2sf)  }
0x14c: {  	v2 =	vld [tilespmem:s30+$0xFFFFFF80];
	s11 =	sshll.u32 s31, $0x9  }
0x14d: {  	s11 =	sshra.s32 s11, $0x2  }
0x14e: {  	v3 =	vld [tilespmem:s11+$0xE100]  }
0x14f: {  	v1 =	vperm.xlane v1, v0;
	_ =	sdelay $0x1  }
0x150: {  	v2 =	vmul.bf16 v1, v2;
	_ =	sdelay $0x1  }
0x151: {  	v2 =	vadd.bf16 v2, v3;
	_ =	sdelay $0x1  }
0x152: {  	[tilespmem:s11+$0xE100] =	vst v2  }
0x153: {  	v2 =	vld [tilespmem:s30+$0xFFFFFF90];
	_ =	sdelay $0x1  }
0x154: {  	v3 =	vld [tilespmem:s11+$0xE110];
	_ =	sdelay $0x2  }
0x155: {  	v2 =	vmul.bf16 v1, v2;
	_ =	sdelay $0x1  }
0x156: {  	v2 =	vadd.bf16 v2, v3;
	_ =	sdelay $0x1  }
0x157: {  	[tilespmem:s11+$0xE110] =	vst v2  }
0x158: {  	v2 =	vld [tilespmem:s30+$0xFFFFFFA0];
	_ =	sdelay $0x1  }
0x159: {  	v3 =	vld [tilespmem:s11+$0xE120];
	_ =	sdelay $0x2  }
0x15a: {  	v2 =	vmul.bf16 v1, v2;
	_ =	sdelay $0x1  }
0x15b: {  	v2 =	vadd.bf16 v2, v3;
	_ =	sdelay $0x1  }
0x15c: {  	[tilespmem:s11+$0xE120] =	vst v2  }
0x15d: {  	v2 =	vld [tilespmem:s30+$0xFFFFFFB0];
	_ =	sdelay $0x1  }
0x15e: {  	v3 =	vld [tilespmem:s11+$0xE130];
	_ =	sdelay $0x2  }
0x15f: {  	v2 =	vmul.bf16 v1, v2;
	_ =	sdelay $0x1  }
0x160: {  	v2 =	vadd.bf16 v2, v3;
	_ =	sdelay $0x1  }
0x161: {  	[tilespmem:s11+$0xE130] =	vst v2  }
0x162: {  	v2 =	vld [tilespmem:s30+$0xFFFFFFC0];
	_ =	sdelay $0x1  }
0x163: {  	v3 =	vld [tilespmem:s11+$0xE140];
	_ =	sdelay $0x2  }
0x164: {  	v2 =	vmul.bf16 v1, v2;
	_ =	sdelay $0x1  }
0x165: {  	v2 =	vadd.bf16 v2, v3;
	_ =	sdelay $0x1  }
0x166: {  	[tilespmem:s11+$0xE140] =	vst v2  }
0x167: {  	v2 =	vld [tilespmem:s30+$0xFFFFFFD0];
	_ =	sdelay $0x1  }
0x168: {  	v3 =	vld [tilespmem:s11+$0xE150];
	_ =	sdelay $0x2  }
0x169: {  	v2 =	vmul.bf16 v1, v2;
	_ =	sdelay $0x1  }
0x16a: {  	v2 =	vadd.bf16 v2, v3;
	_ =	sdelay $0x1  }
0x16b: {  	[tilespmem:s11+$0xE150] =	vst v2  }
0x16c: {  	v2 =	vld [tilespmem:s30+$0xFFFFFFE0];
	_ =	sdelay $0x1  }
0x16d: {  	v3 =	vld [tilespmem:s11+$0xE160];
	_ =	sdelay $0x2  }
0x16e: {  	v2 =	vmul.bf16 v1, v2;
	_ =	sdelay $0x1  }
0x16f: {  	v2 =	vadd.bf16 v2, v3;
	_ =	sdelay $0x1  }
0x170: {  	[tilespmem:s11+$0xE160] =	vst v2  }
0x171: {  	v2 =	vld [tilespmem:s30+$0xFFFFFFF0];
	_ =	sdelay $0x1  }
0x172: {  	v3 =	vld [tilespmem:s11+$0xE170];
	_ =	sdelay $0x2  }
0x173: {  	v1 =	vmul.bf16 v1, v2;
	_ =	sdelay $0x1  }
0x174: {  	v1 =	vadd.bf16 v1, v3;
	_ =	sdelay $0x1  }
0x175: {  	[tilespmem:s11+$0xE170] =	vst v1  }
0x176: {  	v1 =	vld [tilespmem:s25+$0xFFFFFFFF];
	_ =	sdelay $0x4  }
0x177: {  	(v2sf) =	vpush v1, $0x0;
	_ =	sdelay $0xd  }
0x178: {  	v1 =	vld [tilespmem:s24+$0xFFFFFFFF]  }
0x179: {  	s31 =	spop (v2sf)  }
0x17a: {  	v2 =	vld [tilespmem:s30+$0x0];
	s11 =	sshll.u32 s31, $0x9  }
0x17b: {  	s11 =	sshra.s32 s11, $0x2  }
0x17c: {  	v3 =	vld [tilespmem:s11+$0xE100]  }
0x17d: {  	v1 =	vperm.xlane v1, v0;
	_ =	sdelay $0x1  }
0x17e: {  	v2 =	vmul.bf16 v1, v2;
	_ =	sdelay $0x1  }
0x17f: {  	v2 =	vadd.bf16 v2, v3;
	_ =	sdelay $0x1  }
0x180: {  	[tilespmem:s11+$0xE100] =	vst v2  }
0x181: {  	v2 =	vld [tilespmem:s30+$0x10];
	_ =	sdelay $0x1  }
0x182: {  	v3 =	vld [tilespmem:s11+$0xE110];
	_ =	sdelay $0x2  }
0x183: {  	v2 =	vmul.bf16 v1, v2;
	_ =	sdelay $0x1  }
0x184: {  	v2 =	vadd.bf16 v2, v3;
	_ =	sdelay $0x1  }
0x185: {  	[tilespmem:s11+$0xE110] =	vst v2  }
0x186: {  	v2 =	vld [tilespmem:s30+$0x20];
	_ =	sdelay $0x1  }
0x187: {  	v3 =	vld [tilespmem:s11+$0xE120];
	_ =	sdelay $0x2  }
0x188: {  	v2 =	vmul.bf16 v1, v2;
	_ =	sdelay $0x1  }
0x189: {  	v2 =	vadd.bf16 v2, v3;
	_ =	sdelay $0x1  }
0x18a: {  	[tilespmem:s11+$0xE120] =	vst v2  }
0x18b: {  	v2 =	vld [tilespmem:s30+$0x30];
	_ =	sdelay $0x1  }
0x18c: {  	v3 =	vld [tilespmem:s11+$0xE130];
	_ =	sdelay $0x2  }
0x18d: {  	v2 =	vmul.bf16 v1, v2;
	_ =	sdelay $0x1  }
0x18e: {  	v2 =	vadd.bf16 v2, v3;
	_ =	sdelay $0x1  }
0x18f: {  	[tilespmem:s11+$0xE130] =	vst v2  }
0x190: {  	v2 =	vld [tilespmem:s30+$0x40];
	_ =	sdelay $0x1  }
0x191: {  	v3 =	vld [tilespmem:s11+$0xE140];
	_ =	sdelay $0x2  }
0x192: {  	v2 =	vmul.bf16 v1, v2;
	_ =	sdelay $0x1  }
0x193: {  	v2 =	vadd.bf16 v2, v3;
	_ =	sdelay $0x1  }
0x194: {  	[tilespmem:s11+$0xE140] =	vst v2  }
0x195: {  	v2 =	vld [tilespmem:s30+$0x50];
	_ =	sdelay $0x1  }
0x196: {  	v3 =	vld [tilespmem:s11+$0xE150];
	_ =	sdelay $0x2  }
0x197: {  	v2 =	vmul.bf16 v1, v2;
	_ =	sdelay $0x1  }
0x198: {  	v2 =	vadd.bf16 v2, v3;
	_ =	sdelay $0x1  }
0x199: {  	[tilespmem:s11+$0xE150] =	vst v2  }
0x19a: {  	v2 =	vld [tilespmem:s30+$0x60];
	_ =	sdelay $0x1  }
0x19b: {  	v3 =	vld [tilespmem:s11+$0xE160];
	_ =	sdelay $0x2  }
0x19c: {  	v2 =	vmul.bf16 v1, v2;
	_ =	sdelay $0x1  }
0x19d: {  	v2 =	vadd.bf16 v2, v3;
	_ =	sdelay $0x1  }
0x19e: {  	[tilespmem:s11+$0xE160] =	vst v2  }
0x19f: {  	v2 =	vld [tilespmem:s30+$0x70];
	_ =	sdelay $0x1  }
0x1a0: {  	v3 =	vld [tilespmem:s11+$0xE170];
	_ =	sdelay $0x2  }
0x1a1: {  	v1 =	vmul.bf16 v1, v2;
	_ =	sdelay $0x1  }
0x1a2: {  	v1 =	vadd.bf16 v1, v3;
	_ =	sdelay $0x1  }
0x1a3: {  	[tilespmem:s11+$0xE170] =	vst v1  }
0x1a4: {  	v1 =	vld [tilespmem:s25+$0x0];
	_ =	sdelay $0x4  }
0x1a5: {  	(v2sf) =	vpush v1, $0x0;
	_ =	sdelay $0xd  }
0x1a6: {  	v1 =	vld [tilespmem:s24+$0x0]  }
0x1a7: {  	s31 =	spop (v2sf)  }
0x1a8: {  	v2 =	vld [tilespmem:s30+$0x80];
	s11 =	sshll.u32 s31, $0x9  }
0x1a9: {  	s11 =	sshra.s32 s11, $0x2  }
0x1aa: {  	v3 =	vld [tilespmem:s11+$0xE100]  }
0x1ab: {  	v1 =	vperm.xlane v1, v0;
	_ =	sdelay $0x1  }
0x1ac: {  	v2 =	vmul.bf16 v1, v2;
	_ =	sdelay $0x1  }
0x1ad: {  	v2 =	vadd.bf16 v2, v3;
	_ =	sdelay $0x1  }
0x1ae: {  	[tilespmem:s11+$0xE100] =	vst v2  }
0x1af: {  	v2 =	vld [tilespmem:s30+$0x90];
	_ =	sdelay $0x1  }
0x1b0: {  	v3 =	vld [tilespmem:s11+$0xE110];
	_ =	sdelay $0x2  }
0x1b1: {  	v2 =	vmul.bf16 v1, v2;
	_ =	sdelay $0x1  }
0x1b2: {  	v2 =	vadd.bf16 v2, v3;
	_ =	sdelay $0x1  }
0x1b3: {  	[tilespmem:s11+$0xE110] =	vst v2  }
0x1b4: {  	v2 =	vld [tilespmem:s30+$0xA0];
	_ =	sdelay $0x1  }
0x1b5: {  	v3 =	vld [tilespmem:s11+$0xE120];
	_ =	sdelay $0x2  }
0x1b6: {  	v2 =	vmul.bf16 v1, v2;
	_ =	sdelay $0x1  }
0x1b7: {  	v2 =	vadd.bf16 v2, v3;
	_ =	sdelay $0x1  }
0x1b8: {  	[tilespmem:s11+$0xE120] =	vst v2  }
0x1b9: {  	v2 =	vld [tilespmem:s30+$0xB0];
	_ =	sdelay $0x1  }
0x1ba: {  	v3 =	vld [tilespmem:s11+$0xE130];
	_ =	sdelay $0x2  }
0x1bb: {  	v2 =	vmul.bf16 v1, v2;
	_ =	sdelay $0x1  }
0x1bc: {  	v2 =	vadd.bf16 v2, v3;
	_ =	sdelay $0x1  }
0x1bd: {  	[tilespmem:s11+$0xE130] =	vst v2  }
0x1be: {  	v2 =	vld [tilespmem:s30+$0xC0];
	_ =	sdelay $0x1  }
0x1bf: {  	v3 =	vld [tilespmem:s11+$0xE140];
	_ =	sdelay $0x2  }
0x1c0: {  	v2 =	vmul.bf16 v1, v2;
	_ =	sdelay $0x1  }
0x1c1: {  	v2 =	vadd.bf16 v2, v3;
	_ =	sdelay $0x1  }
0x1c2: {  	[tilespmem:s11+$0xE140] =	vst v2  }
0x1c3: {  	v2 =	vld [tilespmem:s30+$0xD0];
	_ =	sdelay $0x1  }
0x1c4: {  	v3 =	vld [tilespmem:s11+$0xE150];
	_ =	sdelay $0x2  }
0x1c5: {  	v2 =	vmul.bf16 v1, v2;
	_ =	sdelay $0x1  }
0x1c6: {  	v2 =	vadd.bf16 v2, v3;
	_ =	sdelay $0x1  }
0x1c7: {  	[tilespmem:s11+$0xE150] =	vst v2  }
0x1c8: {  	v2 =	vld [tilespmem:s30+$0xE0];
	_ =	sdelay $0x1  }
0x1c9: {  	v3 =	vld [tilespmem:s11+$0xE160];
	_ =	sdelay $0x2  }
0x1ca: {  	v2 =	vmul.bf16 v1, v2;
	_ =	sdelay $0x1  }
0x1cb: {  	v2 =	vadd.bf16 v2, v3;
	_ =	sdelay $0x1  }
0x1cc: {  	[tilespmem:s11+$0xE160] =	vst v2  }
0x1cd: {  	v2 =	vld [tilespmem:s30+$0xF0];
	_ =	sdelay $0x1  }
0x1ce: {  	v3 =	vld [tilespmem:s11+$0xE170]  }
0x1cf: {  	s29 =	sadd.s32 $0x4, s29  }
0x1d0: {  	p1 =	slt.u32 s29, $0x7C  }
.Ltmp8:
0x1d1: {  	v1 =	vmul.bf16 v1, v2;
	(pc) =	sbr.rel @p1 .LBB2_9-.Ltmp8, $3  }
0x1d2: {  	_ = 	snop  }
0x1d3: {  	v1 =	vadd.bf16 v1, v3;
	_ =	sdelay $0x1  }
0x1d4: {  	s25 =	sadd.s32 $0x4, s25;
	s24 =	sadd.s32 $0x4, s24;
	s30 =	sadd.s32 $0x200, s30;
	[tilespmem:s11+$0xE170] =	vst v1  }
.Ltmp9:
0x1d5: {  	_ = 	snop;
	(pc) =	sbr.rel .LBB2_10-.Ltmp9, $1  }
0x1d6: {  	_ =	sdelay $0x3  }
.LBB2_12:
0x1d7: {  	_ =	sfence.sel $0x180000  }
0x1d8: {  	[bflag:$0x0] =	sbarrier.arrive $0xFFFF  }
0x1d9: {  	_ =	strace $0x9000004A  }
0x1da: {  	s0 =	stileid.u32;
	[bflag:$0x2] =	sbarrier.arrive $0xFFFF  }
0x1db: {  	p0 =	sne.s32 s0, $0x0;
	s0 =	rddreg [dreg:$0x2]  }
0x1dc: {  	s0 =	sadd.s32 @!p0 $0x100000, s0  }
0x1dd: {  	[sflag:s0] =	ssyncadd.tile.s32 @!p0 $0x1;
	_ =	shalt  }
.Lfunc_end2:
_tile_overlayer_lowered:
.L_overlay_start_2:
0x1de: {  	(tag) =	ssettag $0x2  }
0x1df: {  	s0 =	rddreg [dreg:$0x0];
	s2 =	stileid.u32  }
0x1e0: {  	s1 =	rddreg [dreg:$0x1];
	p0 =	sne.s32 s2, $0x0  }
0x1e1: {  	s3 =	rddreg [dreg:$0x2];
	[bflag:$0x3] =	sbarrier.arrive $0xFFFF;
	s2 =	simm.s32 @!p0 $0x1C04  }
0x1e2: {  	[timem:s3], [sflag:s2] =	dma.local @!p0 [hbm:s0], s1  }
0x1e3: {  	s0 =	simm.s32 @!p0 $0x4  }
0x1e4: {  	_ =	swait.ge @!p0 [sflag:s0], s1  }
0x1e5: {  	s1 =	ssub.s32 @!p0 $0x0, s1;
	[sflag:s0] =	ssyncset.done @!p0 $0x0  }
0x1e6: {  	[sflag:s0] =	ssyncadd.s32 @!p0 s1  }
0x1e7: {  	[bflag:$0x3] =	sbarrier.arrive $0xFFFF  }
0x1e8: {  	_ =	shalt  }

</sc_bundles>
